<compile_context>
chip_gen: v7x
topology: tpu7x:2x2x1
jax: 0.10.2.dev20260603
libtpu: 0.0.44.dev20260713+nightly
codegen_flags: <defaults>
</compile_context>

<pallas_src>
import functools

import numpy as np
import jax
import jax.numpy as jnp
from jax import lax
from jax.experimental import pallas as pl
from jax.experimental.pallas import tpu as pltpu
from jax.experimental.pallas import tpu_sc as plsc

_EPS = np.float32(1e-06)
_PAD = np.float32(-1.0)
_NEG_INF = np.float32(-np.inf)
_LN2 = np.float32(0.6931471805599453)
_C3 = np.float32(1.0 / 3.0)
_C5 = np.float32(1.0 / 5.0)
_C7 = np.float32(1.0 / 7.0)
_C9 = np.float32(1.0 / 9.0)

_NC, _NS, _LANES = 2, 16, 16
_NW = _NC * _NS
_NV = 16

_PAD_KEY = np.float32(np.inf)
_PADBITS = np.int32(np.int64(0xBF800000) - (1 << 32))
_INFBITS = np.int32(0x7F800000)
_HI24 = np.int32(np.int64(0xFFFFFF00) - (1 << 32))
_LO8 = np.int32(0xFF)


def _swlog(x):
    bits = plsc.bitcast(x, jnp.int32)
    e = ((bits >> 23) & 0xFF) - 127
    mant = plsc.bitcast((bits & 0x007FFFFF) | 0x3F800000, jnp.float32)
    z = (mant - np.float32(1.0)) / (mant + np.float32(1.0))
    w = z * z
    poly = (np.float32(2.0) * z *
            (np.float32(1.0) + w * (_C3 + w * (_C5 + w * (_C7 + w * _C9)))))
    return e.astype(jnp.float32) * _LN2 + poly


_TBASE = int(np.float32(1e-6).view(np.int32)) >> 15
_TLEN = 7168


def _log_tables():
    idx = np.arange(_TLEN, dtype=np.int64)
    bits0 = (idx + _TBASE) << 15
    x0 = bits0.astype(np.int64).astype(np.int32).view(np.float32).astype(np.float64)
    x1 = (bits0 + 32768).astype(np.int64).astype(np.int32).view(np.float32).astype(np.float64)
    t = np.log(x0)
    d = (np.log(x1) - t) / 32768.0
    return t.astype(np.float32), d.astype(np.float32)


class _Vr:
    __slots__ = ("k", "ispad", "dirty")

    def __init__(self, k, ispad=False, dirty=True):
        self.k, self.ispad, self.dirty = k, ispad, dirty


def _vsort(x):
    if x.ispad or not x.dirty:
        return x
    return _Vr(jnp.sort(x.k), dirty=False)


def _vrev(x):
    if x.ispad:
        return x
    return _Vr(lax.rev(x.k, (0,)), dirty=True)


def _vce(a, b):
    if b.ispad:
        return a, b
    if a.ispad:
        return b, a
    return (_Vr(jnp.minimum(a.k, b.k)), _Vr(jnp.maximum(a.k, b.k)))


def _bitonic_merge(xs):
    n = len(xs)
    a = n // 2
    xs = xs[:a] + [_vrev(xs[n - 1 - i]) for i in range(a)]
    d = a
    while d >= 1:
        for i in range(n):
            if (i // d) % 2 == 0:
                xs[i], xs[i + d] = _vce(xs[i], xs[i + d])
        d //= 2
    return [_vsort(x) for x in xs]


def _sort_row(xs):
    nv = len(xs)
    xs = [_vsort(x) for x in xs]
    run = 1
    while run < nv:
        nxs = []
        for s in range(0, nv, 2 * run):
            nxs += _bitonic_merge(xs[s:s + 2 * run])
        xs = nxs
        run *= 2
    return xs


def _make_sc_call(B, L, chunk):
    rows_per_w = B // _NW
    n_chunks = rows_per_w // chunk
    nfull = L // _LANES
    tail = L - nfull * _LANES
    nreal = nfull + (1 if tail else 0)
    ebuf_sz = 256
    mesh = plsc.VectorSubcoreMesh(
        core_axis_name="c", subcore_axis_name="s",
        num_cores=_NC, num_subcores=_NS)

    @functools.partial(
        pl.kernel,
        out_type=jax.ShapeDtypeStruct((_NW * _LANES,), jnp.float32),
        mesh=mesh,
        compiler_params=pltpu.CompilerParams(
            needs_layout_passes=False, use_tc_tiling_on_sc=True),
        scratch_types=[
            pltpu.VMEM((chunk, L), jnp.float32),
            pltpu.VMEM((chunk, L), jnp.float32),
            pltpu.VMEM((ebuf_sz,), jnp.float32),
            pltpu.VMEM((_TLEN,), jnp.float32),
            pltpu.VMEM((_TLEN,), jnp.float32),
            pltpu.VMEM((_LANES,), jnp.float32),
        ],
    )
    def sc_kernel(yp_hbm, yt_hbm, logt_hbm, logd_hbm, out_hbm,
                  pbuf, tbuf, ebuf, logt, logd, outv):
        wid = lax.axis_index("s") * _NC + lax.axis_index("c")
        base = wid * rows_per_w
        lane = lax.iota(jnp.int32, 16)
        dup = lane < (_LANES - tail)
        pltpu.sync_copy(logt_hbm, logt)
        pltpu.sync_copy(logd_hbm, logd)
        for off in range(nfull * _LANES, ebuf_sz, _LANES):
            ebuf[pl.ds(off, _LANES)] = jnp.zeros((_LANES,), jnp.float32)

        def chunk_body(ci, acc):
            row0 = base + ci * chunk
            pltpu.sync_copy(yt_hbm.at[pl.ds(row0, chunk)], tbuf)
            pltpu.sync_copy(yp_hbm.at[pl.ds(row0, chunk)], pbuf)

            def row_body(r, acc2):
                ts, pms = [], []
                for i in range(nreal):
                    off = i * _LANES if i < nfull else L - _LANES
                    t = tbuf[r, pl.ds(off, _LANES)]
                    p = pbuf[r, pl.ds(off, _LANES)]
                    pm = jnp.where(t == _PAD, _NEG_INF, p)
                    if i == nfull:
                        pm = jnp.where(dup, _NEG_INF, pm)
                    ts.append(t)
                    pms.append(pm)
                mv = pms[0]
                for i in range(1, nreal):
                    mv = jnp.maximum(mv, pms[i])
                m = jnp.max(mv)
                lin = None
                evs = []
                for i in range(nreal):
                    gone = pms[i] == _NEG_INF
                    evs.append(jnp.where(gone, np.float32(0.0),
                                         jnp.exp(pms[i] - m)))
                    term = jnp.where(gone, np.float32(0.0), pms[i] - m)
                    lin = term if lin is None else lin + term
                order = ([nfull] if tail else []) + list(range(nfull))
                for i in order:
                    off = i * _LANES if i < nfull else L - _LANES
                    ebuf[pl.ds(off, _LANES)] = evs[i]
                xs = []
                for i in range(nreal):
                    off = i * _LANES if i < nfull else L - _LANES
                    kb = (plsc.bitcast(ts[i], jnp.int32) & _HI24) \
                        | (lane + np.int32(off))
                    key = plsc.bitcast(kb, jnp.float32)
                    if i == nfull:
                        key = jnp.where(dup, _PAD_KEY, key)
                    xs.append(_Vr(key))
                pad_k = jnp.full((_LANES,), _PAD_KEY, jnp.float32)
                xs += [_Vr(pad_k, ispad=True, dirty=False)
                       for _ in range(_NV - nreal)]
                xs = _sort_row(xs)
                carry = jnp.full((_LANES,), _EPS, jnp.float32)
                lane15 = jnp.full((_LANES,), 15, jnp.int32)
                logsum = jnp.zeros((_LANES,), jnp.float32)
                nlast = nreal - 1
                for pos, x in enumerate(xs):
                    if x.ispad:
                        continue
                    kb = plsc.bitcast(x.k, jnp.int32)
                    es = plsc.load_gather(ebuf, [kb & _LO8])
                    h = kb & _HI24
                    if pos == nlast:
                        isinf = h == _INFBITS
                        es = jnp.where(isinf, np.float32(0.0), es)
                        valid = (h != _PADBITS) & (~isinf)
                    else:
                        valid = h != _PADBITS
                    cs = plsc.cumsum(es) + carry
                    if pos != nlast:
                        carry = cs.at[lane15].get(mode="promise_in_bounds")
                    lbits = plsc.bitcast(cs, jnp.int32)
                    ti = (lbits >> 15) - np.int32(_TBASE)
                    fl = (lbits & np.int32(0x7FFF)).astype(jnp.float32)
                    lg = (plsc.load_gather(logt, [ti])
                          + fl * plsc.load_gather(logd, [ti]))
                    logsum = logsum + jnp.where(valid, lg, np.float32(0.0))
                return acc2 + (logsum - lin)

            return lax.fori_loop(0, chunk, row_body, acc, unroll=2)

        acc = lax.fori_loop(0, n_chunks, chunk_body,
                            jnp.zeros((_LANES,), jnp.float32))
        outv[...] = acc
        pltpu.sync_copy(outv, out_hbm.at[pl.ds(wid * _LANES, _LANES)])

    return sc_kernel


def kernel(y_pred, y_true):
    B, L = y_pred.shape
    sc_call = _make_sc_call(B, L, chunk=64)
    logt, logd = _log_tables()
    partials = sc_call(y_pred, y_true, jnp.asarray(logt), jnp.asarray(logd))
    return jnp.sum(partials) / np.float32(B)

# --- scband reference (transcript-rebuilt; emitter-appended) ---
"""Pipeline reference for scband-list-mleloss-42013370090034 (READ-ONLY COPY).

The authoritative reference and input builder live on the scoring server;
editing this copy changes nothing except your own understanding.
"""

import jax, jax.numpy as jnp
import numpy as np

EPS = 1e-06
PAD = -1.0


def setup_inputs(seed: int = 0) -> dict:
    key = jax.random.key(seed)
    k1, k2 = jax.random.split(key)
    B, L = 16384, 200
    y_pred = jax.random.normal(k1, (B, L), dtype=jnp.float32)
    y_true = jax.random.normal(k2, (B, L), dtype=jnp.float32)
    return {"y_pred": y_pred, "y_true": y_true}


def reference(y_pred, y_true):
    L = y_pred.shape[-1]
    # torch.randperm analogue with a fixed key for determinism
    perm = jax.random.permutation(jax.random.key(42), L)
    y_pred_shuffled = y_pred[:, perm]
    y_true_shuffled = y_true[:, perm]
    # sort descending by y_true (indices), gather preds accordingly
    indices = jnp.argsort(-y_true_shuffled, axis=-1)
    y_true_sorted = jnp.take_along_axis(y_true_shuffled, indices, axis=1)
    mask = y_true_sorted == PAD
    preds_sorted_by_true = jnp.take_along_axis(y_pred_shuffled, indices, axis=1)
    preds_sorted_by_true = jnp.where(mask, -jnp.inf, preds_sorted_by_true)
    max_pred_values = jnp.max(preds_sorted_by_true, axis=1, keepdims=True)
    preds_sorted_by_true_minus_max = preds_sorted_by_true - max_pred_values
    cumsums = jnp.flip(jnp.cumsum(jnp.flip(jnp.exp(preds_sorted_by_true_minus_max), axis=1), axis=1), axis=1)
    observation_loss = jnp.log(cumsums + EPS) - preds_sorted_by_true_minus_max
    observation_loss = jnp.where(mask, 0.0, observation_loss)
    return jnp.mean(jnp.sum(observation_loss, axis=1))

if __name__ == "__main__":
    import jax
    _d = setup_inputs()
    print(jax.jit(kernel)(*tuple(_d.values())))

</pallas_src>

<mosaic_0001>
#map = affine_map<(d0, d1) -> (0, 0)>
#map1 = affine_map<(d0, d1) -> (0)>
module attributes {stable_mosaic.version = 14 : i64} {
  func.func @sc_kernel(%arg0: i32, %arg1: i32, %arg2: memref<16384x200xf32, #tpu.memory_space<hbm>>, %arg3: memref<16384x200xf32, #tpu.memory_space<hbm>>, %arg4: memref<7168xf32, #tpu.memory_space<hbm>>, %arg5: memref<7168xf32, #tpu.memory_space<hbm>>, %arg6: memref<512xf32, #tpu.memory_space<hbm>>, %arg7: memref<64x200xf32, #tpu.memory_space<vmem>>, %arg8: memref<64x200xf32, #tpu.memory_space<vmem>>, %arg9: memref<256xf32, #tpu.memory_space<vmem>>, %arg10: memref<7168xf32, #tpu.memory_space<vmem>>, %arg11: memref<7168xf32, #tpu.memory_space<vmem>>, %arg12: memref<16xf32, #tpu.memory_space<vmem>>) attributes {dimension_semantics = [#tpu.dimension_semantics<core_parallel>, #tpu.dimension_semantics<subcore_parallel>], iteration_bounds = array<i64: 2, 16>, scalar_prefetch = 0 : i64, scratch_operands = 6 : i64, tpu.core_type = #tpu.core_type<sc_vector_subcore>, window_params = [{transform_indices = #map}, {transform_indices = #map}, {transform_indices = #map1}, {transform_indices = #map1}, {transform_indices = #map1}]} {
    %mul3A = arith.constant 2 : i32
    %mul3A_0 = arith.muli %arg1, %mul3A : i32
    %add3A = arith.addi %mul3A_0, %arg0 : i32
    %mul3A_1 = arith.constant 512 : i32
    %mul3A_2 = arith.muli %add3A, %mul3A_1 : i32
    %iota3A = tpu.iota {dimensions = array<i32: 0>} : vector<16xi32>
    %lt3A = arith.constant 8 : i32
    %lt3A_3 = vector.broadcast %lt3A : i32 to vector<16xi32>
    %lt3A_4 = arith.cmpi slt, %iota3A, %lt3A_3 : vector<16xi32>
    "tpu.region"() ({
      %run_scoped3A = tpu.sem_alloc : memref<!tpu.dma_semaphore, #tpu.memory_space<semaphore_mem>>
      tpu.enqueue_dma source(%arg4 : memref<7168xf32, #tpu.memory_space<hbm>>) target(%arg10 : memref<7168xf32, #tpu.memory_space<vmem>>) target_semaphore(%run_scoped3A : memref<!tpu.dma_semaphore, #tpu.memory_space<semaphore_mem>>)
      tpu.wait_dma2 semaphore(%run_scoped3A : memref<!tpu.dma_semaphore, #tpu.memory_space<semaphore_mem>>) src(%arg4 : memref<7168xf32, #tpu.memory_space<hbm>>) dst(%arg10 : memref<7168xf32, #tpu.memory_space<vmem>>)
      tpu.yield
    }) : () -> ()
    "tpu.region"() ({
      %run_scoped3A = tpu.sem_alloc : memref<!tpu.dma_semaphore, #tpu.memory_space<semaphore_mem>>
      tpu.enqueue_dma source(%arg5 : memref<7168xf32, #tpu.memory_space<hbm>>) target(%arg11 : memref<7168xf32, #tpu.memory_space<vmem>>) target_semaphore(%run_scoped3A : memref<!tpu.dma_semaphore, #tpu.memory_space<semaphore_mem>>)
      tpu.wait_dma2 semaphore(%run_scoped3A : memref<!tpu.dma_semaphore, #tpu.memory_space<semaphore_mem>>) src(%arg5 : memref<7168xf32, #tpu.memory_space<hbm>>) dst(%arg11 : memref<7168xf32, #tpu.memory_space<vmem>>)
      tpu.yield
    }) : () -> ()
    %broadcast_in_dim3A = arith.constant 0.000000e+00 : f32
    %broadcast_in_dim3A_5 = vector.broadcast %broadcast_in_dim3A : f32 to vector<16xf32>
    %swap3A = arith.constant 192 : index
    %swap3A_6 = tpu.vector_load %arg9[%swap3A] {strides = array<i32>} : memref<256xf32, #tpu.memory_space<vmem>>, vector<16xf32>,
    tpu.vector_store %arg9[%swap3A], %broadcast_in_dim3A_5 {strides = array<i32>} : memref<256xf32, #tpu.memory_space<vmem>>, vector<16xf32>,
    %broadcast_in_dim3A_7 = arith.constant 0.000000e+00 : f32
    %broadcast_in_dim3A_8 = vector.broadcast %broadcast_in_dim3A_7 : f32 to vector<16xf32>
    %swap3A_9 = arith.constant 208 : index
    %swap3A_10 = tpu.vector_load %arg9[%swap3A_9] {strides = array<i32>} : memref<256xf32, #tpu.memory_space<vmem>>, vector<16xf32>,
    tpu.vector_store %arg9[%swap3A_9], %broadcast_in_dim3A_8 {strides = array<i32>} : memref<256xf32, #tpu.memory_space<vmem>>, vector<16xf32>,
    %broadcast_in_dim3A_11 = arith.constant 0.000000e+00 : f32
    %broadcast_in_dim3A_12 = vector.broadcast %broadcast_in_dim3A_11 : f32 to vector<16xf32>
    %swap3A_13 = arith.constant 224 : index
    %swap3A_14 = tpu.vector_load %arg9[%swap3A_13] {strides = array<i32>} : memref<256xf32, #tpu.memory_space<vmem>>, vector<16xf32>,
    tpu.vector_store %arg9[%swap3A_13], %broadcast_in_dim3A_12 {strides = array<i32>} : memref<256xf32, #tpu.memory_space<vmem>>, vector<16xf32>,
    %broadcast_in_dim3A_15 = arith.constant 0.000000e+00 : f32
    %broadcast_in_dim3A_16 = vector.broadcast %broadcast_in_dim3A_15 : f32 to vector<16xf32>
    %swap3A_17 = arith.constant 240 : index
    %swap3A_18 = tpu.vector_load %arg9[%swap3A_17] {strides = array<i32>} : memref<256xf32, #tpu.memory_space<vmem>>, vector<16xf32>,
    tpu.vector_store %arg9[%swap3A_17], %broadcast_in_dim3A_16 {strides = array<i32>} : memref<256xf32, #tpu.memory_space<vmem>>, vector<16xf32>,
    %broadcast_in_dim3A_19 = arith.constant 0.000000e+00 : f32
    %broadcast_in_dim3A_20 = vector.broadcast %broadcast_in_dim3A_19 : f32 to vector<16xf32>
    %scan3A = arith.constant 0 : i32
    %scan3A_21 = arith.constant 8 : i32
    %scan3A_22 = arith.addi %scan3A, %scan3A_21 : i32
    %scan3A_23 = arith.constant 1 : i32
    %scan3A_24 = scf.for %scan3A_30 = %scan3A to %scan3A_22 step %scan3A_23 iter_args(%scan3A_31 = %broadcast_in_dim3A_20) -> (vector<16xf32>)  : i32 {
      %mul3A_32 = arith.constant 64 : i32
      %mul3A_33 = arith.muli %scan3A_30, %mul3A_32 : i32
      %add3A_34 = arith.addi %mul3A_2, %mul3A_33 : i32
      "tpu.region"() ({
        %run_scoped3A = tpu.sem_alloc : memref<!tpu.dma_semaphore, #tpu.memory_space<semaphore_mem>>
        %dma_start3A = arith.constant 0 : i32
        %dma_start3A_41 = tpu.memref_slice %arg3[%add3A_34, %dma_start3A] : memref<16384x200xf32, #tpu.memory_space<hbm>> -> memref<64x200xf32, #tpu.memory_space<hbm>>
        %dma_start3A_42 = arith.constant 0 : i32
        %dma_start3A_43 = tpu.memref_slice %arg3[%add3A_34, %dma_start3A_42] : memref<16384x200xf32, #tpu.memory_space<hbm>> -> memref<64x200xf32, #tpu.memory_space<hbm>>
        tpu.enqueue_dma source(%dma_start3A_43 : memref<64x200xf32, #tpu.memory_space<hbm>>) target(%arg8 : memref<64x200xf32, #tpu.memory_space<vmem>>) target_semaphore(%run_scoped3A : memref<!tpu.dma_semaphore, #tpu.memory_space<semaphore_mem>>)
        %dma_wait3A = arith.constant 0 : i32
        %dma_wait3A_44 = tpu.memref_slice %arg3[%add3A_34, %dma_wait3A] : memref<16384x200xf32, #tpu.memory_space<hbm>> -> memref<64x200xf32, #tpu.memory_space<hbm>>
        %dma_wait3A_45 = arith.constant 0 : i32
        %dma_wait3A_46 = tpu.memref_slice %arg3[%add3A_34, %dma_wait3A_45] : memref<16384x200xf32, #tpu.memory_space<hbm>> -> memref<64x200xf32, #tpu.memory_space<hbm>>
        tpu.wait_dma2 semaphore(%run_scoped3A : memref<!tpu.dma_semaphore, #tpu.memory_space<semaphore_mem>>) src(%dma_wait3A_46 : memref<64x200xf32, #tpu.memory_space<hbm>>) dst(%arg8 : memref<64x200xf32, #tpu.memory_space<vmem>>)
        tpu.yield
      }) : () -> ()
      "tpu.region"() ({
        %run_scoped3A = tpu.sem_alloc : memref<!tpu.dma_semaphore, #tpu.memory_space<semaphore_mem>>
        %dma_start3A = arith.constant 0 : i32
        %dma_start3A_41 = tpu.memref_slice %arg2[%add3A_34, %dma_start3A] : memref<16384x200xf32, #tpu.memory_space<hbm>> -> memref<64x200xf32, #tpu.memory_space<hbm>>
        %dma_start3A_42 = arith.constant 0 : i32
        %dma_start3A_43 = tpu.memref_slice %arg2[%add3A_34, %dma_start3A_42] : memref<16384x200xf32, #tpu.memory_space<hbm>> -> memref<64x200xf32, #tpu.memory_space<hbm>>
        tpu.enqueue_dma source(%dma_start3A_43 : memref<64x200xf32, #tpu.memory_space<hbm>>) target(%arg7 : memref<64x200xf32, #tpu.memory_space<vmem>>) target_semaphore(%run_scoped3A : memref<!tpu.dma_semaphore, #tpu.memory_space<semaphore_mem>>)
        %dma_wait3A = arith.constant 0 : i32
        %dma_wait3A_44 = tpu.memref_slice %arg2[%add3A_34, %dma_wait3A] : memref<16384x200xf32, #tpu.memory_space<hbm>> -> memref<64x200xf32, #tpu.memory_space<hbm>>
        %dma_wait3A_45 = arith.constant 0 : i32
        %dma_wait3A_46 = tpu.memref_slice %arg2[%add3A_34, %dma_wait3A_45] : memref<16384x200xf32, #tpu.memory_space<hbm>> -> memref<64x200xf32, #tpu.memory_space<hbm>>
        tpu.wait_dma2 semaphore(%run_scoped3A : memref<!tpu.dma_semaphore, #tpu.memory_space<semaphore_mem>>) src(%dma_wait3A_46 : memref<64x200xf32, #tpu.memory_space<hbm>>) dst(%arg7 : memref<64x200xf32, #tpu.memory_space<vmem>>)
        tpu.yield
      }) : () -> ()
      %scan3A_35 = arith.constant 0 : i32
      %scan3A_36 = arith.constant 64 : i32
      %scan3A_37 = arith.addi %scan3A_35, %scan3A_36 : i32
      %scan3A_38 = arith.constant 2 : i32
      %scan3A_39 = scf.for %scan3A_41 = %scan3A_35 to %scan3A_37 step %scan3A_38 iter_args(%scan3A_42 = %scan3A_31) -> (vector<16xf32>)  : i32 {
        %get3A = arith.index_cast %scan3A_41 : i32 to index
        %get3A_43 = arith.constant 0 : index
        %get3A_44 = tpu.vector_load %arg8[%get3A, %get3A_43] {strides = array<i32>} : memref<64x200xf32, #tpu.memory_space<vmem>>, vector<16xf32>,
        %get3A_45 = arith.index_cast %scan3A_41 : i32 to index
        %get3A_46 = arith.constant 0 : index
        %get3A_47 = tpu.vector_load %arg7[%get3A_45, %get3A_46] {strides = array<i32>} : memref<64x200xf32, #tpu.memory_space<vmem>>, vector<16xf32>,
        %eq3A = arith.constant -1.000000e+00 : f32
        %eq3A_48 = vector.broadcast %eq3A : f32 to vector<16xf32>
        %eq3A_49 = arith.cmpf oeq, %get3A_44, %eq3A_48 : vector<16xf32>
        %jit3A = arith.constant 0xFF800000 : f32
        %broadcast_in_dim3A_50 = vector.broadcast %jit3A : f32 to vector<16xf32>
        %select_n3A = arith.select %eq3A_49, %broadcast_in_dim3A_50, %get3A_47 : vector<16xi1>, vector<16xf32>
        %get3A_51 = arith.index_cast %scan3A_41 : i32 to index
        %get3A_52 = arith.constant 16 : index
        %get3A_53 = tpu.vector_load %arg8[%get3A_51, %get3A_52] {strides = array<i32>} : memref<64x200xf32, #tpu.memory_space<vmem>>, vector<16xf32>,
        %get3A_54 = arith.index_cast %scan3A_41 : i32 to index
        %get3A_55 = arith.constant 16 : index
        %get3A_56 = tpu.vector_load %arg7[%get3A_54, %get3A_55] {strides = array<i32>} : memref<64x200xf32, #tpu.memory_space<vmem>>, vector<16xf32>,
        %eq3A_57 = arith.constant -1.000000e+00 : f32
        %eq3A_58 = vector.broadcast %eq3A_57 : f32 to vector<16xf32>
        %eq3A_59 = arith.cmpf oeq, %get3A_53, %eq3A_58 : vector<16xf32>
        %jit3A_60 = arith.constant 0xFF800000 : f32
        %broadcast_in_dim3A_61 = vector.broadcast %jit3A_60 : f32 to vector<16xf32>
        %select_n3A_62 = arith.select %eq3A_59, %broadcast_in_dim3A_61, %get3A_56 : vector<16xi1>, vector<16xf32>
        %get3A_63 = arith.index_cast %scan3A_41 : i32 to index
        %get3A_64 = arith.constant 32 : index
        %get3A_65 = tpu.vector_load %arg8[%get3A_63, %get3A_64] {strides = array<i32>} : memref<64x200xf32, #tpu.memory_space<vmem>>, vector<16xf32>,
        %get3A_66 = arith.index_cast %scan3A_41 : i32 to index
        %get3A_67 = arith.constant 32 : index
        %get3A_68 = tpu.vector_load %arg7[%get3A_66, %get3A_67] {strides = array<i32>} : memref<64x200xf32, #tpu.memory_space<vmem>>, vector<16xf32>,
        %eq3A_69 = arith.constant -1.000000e+00 : f32
        %eq3A_70 = vector.broadcast %eq3A_69 : f32 to vector<16xf32>
        %eq3A_71 = arith.cmpf oeq, %get3A_65, %eq3A_70 : vector<16xf32>
        %jit3A_72 = arith.constant 0xFF800000 : f32
        %broadcast_in_dim3A_73 = vector.broadcast %jit3A_72 : f32 to vector<16xf32>
        %select_n3A_74 = arith.select %eq3A_71, %broadcast_in_dim3A_73, %get3A_68 : vector<16xi1>, vector<16xf32>
        %get3A_75 = arith.index_cast %scan3A_41 : i32 to index
        %get3A_76 = arith.constant 48 : index
        %get3A_77 = tpu.vector_load %arg8[%get3A_75, %get3A_76] {strides = array<i32>} : memref<64x200xf32, #tpu.memory_space<vmem>>, vector<16xf32>,
        %get3A_78 = arith.index_cast %scan3A_41 : i32 to index
        %get3A_79 = arith.constant 48 : index
        %get3A_80 = tpu.vector_load %arg7[%get3A_78, %get3A_79] {strides = array<i32>} : memref<64x200xf32, #tpu.memory_space<vmem>>, vector<16xf32>,
        %eq3A_81 = arith.constant -1.000000e+00 : f32
        %eq3A_82 = vector.broadcast %eq3A_81 : f32 to vector<16xf32>
        %eq3A_83 = arith.cmpf oeq, %get3A_77, %eq3A_82 : vector<16xf32>
        %jit3A_84 = arith.constant 0xFF800000 : f32
        %broadcast_in_dim3A_85 = vector.broadcast %jit3A_84 : f32 to vector<16xf32>
        %select_n3A_86 = arith.select %eq3A_83, %broadcast_in_dim3A_85, %get3A_80 : vector<16xi1>, vector<16xf32>
        %get3A_87 = arith.index_cast %scan3A_41 : i32 to index
        %get3A_88 = arith.constant 64 : index
        %get3A_89 = tpu.vector_load %arg8[%get3A_87, %get3A_88] {strides = array<i32>} : memref<64x200xf32, #tpu.memory_space<vmem>>, vector<16xf32>,
        %get3A_90 = arith.index_cast %scan3A_41 : i32 to index
        %get3A_91 = arith.constant 64 : index
        %get3A_92 = tpu.vector_load %arg7[%get3A_90, %get3A_91] {strides = array<i32>} : memref<64x200xf32, #tpu.memory_space<vmem>>, vector<16xf32>,
        %eq3A_93 = arith.constant -1.000000e+00 : f32
        %eq3A_94 = vector.broadcast %eq3A_93 : f32 to vector<16xf32>
        %eq3A_95 = arith.cmpf oeq, %get3A_89, %eq3A_94 : vector<16xf32>
        %jit3A_96 = arith.constant 0xFF800000 : f32
        %broadcast_in_dim3A_97 = vector.broadcast %jit3A_96 : f32 to vector<16xf32>
        %select_n3A_98 = arith.select %eq3A_95, %broadcast_in_dim3A_97, %get3A_92 : vector<16xi1>, vector<16xf32>
        %get3A_99 = arith.index_cast %scan3A_41 : i32 to index
        %get3A_100 = arith.constant 80 : index
        %get3A_101 = tpu.vector_load %arg8[%get3A_99, %get3A_100] {strides = array<i32>} : memref<64x200xf32, #tpu.memory_space<vmem>>, vector<16xf32>,
        %get3A_102 = arith.index_cast %scan3A_41 : i32 to index
        %get3A_103 = arith.constant 80 : index
        %get3A_104 = tpu.vector_load %arg7[%get3A_102, %get3A_103] {strides = array<i32>} : memref<64x200xf32, #tpu.memory_space<vmem>>, vector<16xf32>,
        %eq3A_105 = arith.constant -1.000000e+00 : f32
        %eq3A_106 = vector.broadcast %eq3A_105 : f32 to vector<16xf32>
        %eq3A_107 = arith.cmpf oeq, %get3A_101, %eq3A_106 : vector<16xf32>
        %jit3A_108 = arith.constant 0xFF800000 : f32
        %broadcast_in_dim3A_109 = vector.broadcast %jit3A_108 : f32 to vector<16xf32>
        %select_n3A_110 = arith.select %eq3A_107, %broadcast_in_dim3A_109, %get3A_104 : vector<16xi1>, vector<16xf32>
        %get3A_111 = arith.index_cast %scan3A_41 : i32 to index
        %get3A_112 = arith.constant 96 : index
        %get3A_113 = tpu.vector_load %arg8[%get3A_111, %get3A_112] {strides = array<i32>} : memref<64x200xf32, #tpu.memory_space<vmem>>, vector<16xf32>,
        %get3A_114 = arith.index_cast %scan3A_41 : i32 to index
        %get3A_115 = arith.constant 96 : index
        %get3A_116 = tpu.vector_load %arg7[%get3A_114, %get3A_115] {strides = array<i32>} : memref<64x200xf32, #tpu.memory_space<vmem>>, vector<16xf32>,
        %eq3A_117 = arith.constant -1.000000e+00 : f32
        %eq3A_118 = vector.broadcast %eq3A_117 : f32 to vector<16xf32>
        %eq3A_119 = arith.cmpf oeq, %get3A_113, %eq3A_118 : vector<16xf32>
        %jit3A_120 = arith.constant 0xFF800000 : f32
        %broadcast_in_dim3A_121 = vector.broadcast %jit3A_120 : f32 to vector<16xf32>
        %select_n3A_122 = arith.select %eq3A_119, %broadcast_in_dim3A_121, %get3A_116 : vector<16xi1>, vector<16xf32>
        %get3A_123 = arith.index_cast %scan3A_41 : i32 to index
        %get3A_124 = arith.constant 112 : index
        %get3A_125 = tpu.vector_load %arg8[%get3A_123, %get3A_124] {strides = array<i32>} : memref<64x200xf32, #tpu.memory_space<vmem>>, vector<16xf32>,
        %get3A_126 = arith.index_cast %scan3A_41 : i32 to index
        %get3A_127 = arith.constant 112 : index
        %get3A_128 = tpu.vector_load %arg7[%get3A_126, %get3A_127] {strides = array<i32>} : memref<64x200xf32, #tpu.memory_space<vmem>>, vector<16xf32>,
        %eq3A_129 = arith.constant -1.000000e+00 : f32
        %eq3A_130 = vector.broadcast %eq3A_129 : f32 to vector<16xf32>
        %eq3A_131 = arith.cmpf oeq, %get3A_125, %eq3A_130 : vector<16xf32>
        %jit3A_132 = arith.constant 0xFF800000 : f32
        %broadcast_in_dim3A_133 = vector.broadcast %jit3A_132 : f32 to vector<16xf32>
        %select_n3A_134 = arith.select %eq3A_131, %broadcast_in_dim3A_133, %get3A_128 : vector<16xi1>, vector<16xf32>
        %get3A_135 = arith.index_cast %scan3A_41 : i32 to index
        %get3A_136 = arith.constant 128 : index
        %get3A_137 = tpu.vector_load %arg8[%get3A_135, %get3A_136] {strides = array<i32>} : memref<64x200xf32, #tpu.memory_space<vmem>>, vector<16xf32>,
        %get3A_138 = arith.index_cast %scan3A_41 : i32 to index
        %get3A_139 = arith.constant 128 : index
        %get3A_140 = tpu.vector_load %arg7[%get3A_138, %get3A_139] {strides = array<i32>} : memref<64x200xf32, #tpu.memory_space<vmem>>, vector<16xf32>,
        %eq3A_141 = arith.constant -1.000000e+00 : f32
        %eq3A_142 = vector.broadcast %eq3A_141 : f32 to vector<16xf32>
        %eq3A_143 = arith.cmpf oeq, %get3A_137, %eq3A_142 : vector<16xf32>
        %jit3A_144 = arith.constant 0xFF800000 : f32
        %broadcast_in_dim3A_145 = vector.broadcast %jit3A_144 : f32 to vector<16xf32>
        %select_n3A_146 = arith.select %eq3A_143, %broadcast_in_dim3A_145, %get3A_140 : vector<16xi1>, vector<16xf32>
        %get3A_147 = arith.index_cast %scan3A_41 : i32 to index
        %get3A_148 = arith.constant 144 : index
        %get3A_149 = tpu.vector_load %arg8[%get3A_147, %get3A_148] {strides = array<i32>} : memref<64x200xf32, #tpu.memory_space<vmem>>, vector<16xf32>,
        %get3A_150 = arith.index_cast %scan3A_41 : i32 to index
        %get3A_151 = arith.constant 144 : index
        %get3A_152 = tpu.vector_load %arg7[%get3A_150, %get3A_151] {strides = array<i32>} : memref<64x200xf32, #tpu.memory_space<vmem>>, vector<16xf32>,
        %eq3A_153 = arith.constant -1.000000e+00 : f32
        %eq3A_154 = vector.broadcast %eq3A_153 : f32 to vector<16xf32>
        %eq3A_155 = arith.cmpf oeq, %get3A_149, %eq3A_154 : vector<16xf32>
        %jit3A_156 = arith.constant 0xFF800000 : f32
        %broadcast_in_dim3A_157 = vector.broadcast %jit3A_156 : f32 to vector<16xf32>
        %select_n3A_158 = arith.select %eq3A_155, %broadcast_in_dim3A_157, %get3A_152 : vector<16xi1>, vector<16xf32>
        %get3A_159 = arith.index_cast %scan3A_41 : i32 to index
        %get3A_160 = arith.constant 160 : index
        %get3A_161 = tpu.vector_load %arg8[%get3A_159, %get3A_160] {strides = array<i32>} : memref<64x200xf32, #tpu.memory_space<vmem>>, vector<16xf32>,
        %get3A_162 = arith.index_cast %scan3A_41 : i32 to index
        %get3A_163 = arith.constant 160 : index
        %get3A_164 = tpu.vector_load %arg7[%get3A_162, %get3A_163] {strides = array<i32>} : memref<64x200xf32, #tpu.memory_space<vmem>>, vector<16xf32>,
        %eq3A_165 = arith.constant -1.000000e+00 : f32
        %eq3A_166 = vector.broadcast %eq3A_165 : f32 to vector<16xf32>
        %eq3A_167 = arith.cmpf oeq, %get3A_161, %eq3A_166 : vector<16xf32>
        %jit3A_168 = arith.constant 0xFF800000 : f32
        %broadcast_in_dim3A_169 = vector.broadcast %jit3A_168 : f32 to vector<16xf32>
        %select_n3A_170 = arith.select %eq3A_167, %broadcast_in_dim3A_169, %get3A_164 : vector<16xi1>, vector<16xf32>
        %get3A_171 = arith.index_cast %scan3A_41 : i32 to index
        %get3A_172 = arith.constant 176 : index
        %get3A_173 = tpu.vector_load %arg8[%get3A_171, %get3A_172] {strides = array<i32>} : memref<64x200xf32, #tpu.memory_space<vmem>>, vector<16xf32>,
        %get3A_174 = arith.index_cast %scan3A_41 : i32 to index
        %get3A_175 = arith.constant 176 : index
        %get3A_176 = tpu.vector_load %arg7[%get3A_174, %get3A_175] {strides = array<i32>} : memref<64x200xf32, #tpu.memory_space<vmem>>, vector<16xf32>,
        %eq3A_177 = arith.constant -1.000000e+00 : f32
        %eq3A_178 = vector.broadcast %eq3A_177 : f32 to vector<16xf32>
        %eq3A_179 = arith.cmpf oeq, %get3A_173, %eq3A_178 : vector<16xf32>
        %jit3A_180 = arith.constant 0xFF800000 : f32
        %broadcast_in_dim3A_181 = vector.broadcast %jit3A_180 : f32 to vector<16xf32>
        %select_n3A_182 = arith.select %eq3A_179, %broadcast_in_dim3A_181, %get3A_176 : vector<16xi1>, vector<16xf32>
        %get3A_183 = arith.index_cast %scan3A_41 : i32 to index
        %get3A_184 = arith.constant 184 : index
        %get3A_185 = tpu.vector_load %arg8[%get3A_183, %get3A_184] {strides = array<i32>} : memref<64x200xf32, #tpu.memory_space<vmem>>, vector<16xf32>,
        %get3A_186 = arith.index_cast %scan3A_41 : i32 to index
        %get3A_187 = arith.constant 184 : index
        %get3A_188 = tpu.vector_load %arg7[%get3A_186, %get3A_187] {strides = array<i32>} : memref<64x200xf32, #tpu.memory_space<vmem>>, vector<16xf32>,
        %eq3A_189 = arith.constant -1.000000e+00 : f32
        %eq3A_190 = vector.broadcast %eq3A_189 : f32 to vector<16xf32>
        %eq3A_191 = arith.cmpf oeq, %get3A_185, %eq3A_190 : vector<16xf32>
        %jit3A_192 = arith.constant 0xFF800000 : f32
        %broadcast_in_dim3A_193 = vector.broadcast %jit3A_192 : f32 to vector<16xf32>
        %select_n3A_194 = arith.select %eq3A_191, %broadcast_in_dim3A_193, %get3A_188 : vector<16xi1>, vector<16xf32>
        %jit3A_195 = arith.constant 0xFF800000 : f32
        %broadcast_in_dim3A_196 = vector.broadcast %jit3A_195 : f32 to vector<16xf32>
        %select_n3A_197 = arith.select %lt3A_4, %broadcast_in_dim3A_196, %select_n3A_194 : vector<16xi1>, vector<16xf32>
        %max3A = arith.maximumf %select_n3A, %select_n3A_62 : vector<16xf32>
        %max3A_198 = arith.maximumf %max3A, %select_n3A_74 : vector<16xf32>
        %max3A_199 = arith.maximumf %max3A_198, %select_n3A_86 : vector<16xf32>
        %max3A_200 = arith.maximumf %max3A_199, %select_n3A_98 : vector<16xf32>
        %max3A_201 = arith.maximumf %max3A_200, %select_n3A_110 : vector<16xf32>
        %max3A_202 = arith.maximumf %max3A_201, %select_n3A_122 : vector<16xf32>
        %max3A_203 = arith.maximumf %max3A_202, %select_n3A_134 : vector<16xf32>
        %max3A_204 = arith.maximumf %max3A_203, %select_n3A_146 : vector<16xf32>
        %max3A_205 = arith.maximumf %max3A_204, %select_n3A_158 : vector<16xf32>
        %max3A_206 = arith.maximumf %max3A_205, %select_n3A_170 : vector<16xf32>
        %max3A_207 = arith.maximumf %max3A_206, %select_n3A_182 : vector<16xf32>
        %max3A_208 = arith.maximumf %max3A_207, %select_n3A_197 : vector<16xf32>
        %reduce_max3A = arith.constant true
        %reduce_max3A_209 = vector.broadcast %reduce_max3A : i1 to vector<16xi1>
        %reduce_max3A_210 = tpu.scan <max>, %max3A_208 masked %reduce_max3A_209 : vector<16xf32>, vector<16xi1> -> vector<16xf32>
        %reduce_max3A_211 = vector.extract %reduce_max3A_210[15] : f32 from vector<16xf32>
        %eq3A_212 = arith.constant 0xFF800000 : f32
        %eq3A_213 = vector.broadcast %eq3A_212 : f32 to vector<16xf32>
        %eq3A_214 = arith.cmpf oeq, %select_n3A, %eq3A_213 : vector<16xf32>
        %sub3A = vector.broadcast %reduce_max3A_211 : f32 to vector<16xf32>
        %sub3A_215 = arith.subf %select_n3A, %sub3A : vector<16xf32>
        %exp3A = math.exp %sub3A_215 : vector<16xf32>
        %jit3A_216 = arith.constant 0.000000e+00 : f32
        %broadcast_in_dim3A_217 = vector.broadcast %jit3A_216 : f32 to vector<16xf32>
        %select_n3A_218 = arith.select %eq3A_214, %broadcast_in_dim3A_217, %exp3A : vector<16xi1>, vector<16xf32>
        %sub3A_219 = vector.broadcast %reduce_max3A_211 : f32 to vector<16xf32>
        %sub3A_220 = arith.subf %select_n3A, %sub3A_219 : vector<16xf32>
        %jit3A_221 = arith.constant 0.000000e+00 : f32
        %broadcast_in_dim3A_222 = vector.broadcast %jit3A_221 : f32 to vector<16xf32>
        %select_n3A_223 = arith.select %eq3A_214, %broadcast_in_dim3A_222, %sub3A_220 : vector<16xi1>, vector<16xf32>
        %eq3A_224 = arith.constant 0xFF800000 : f32
        %eq3A_225 = vector.broadcast %eq3A_224 : f32 to vector<16xf32>
        %eq3A_226 = arith.cmpf oeq, %select_n3A_62, %eq3A_225 : vector<16xf32>
        %sub3A_227 = vector.broadcast %reduce_max3A_211 : f32 to vector<16xf32>
        %sub3A_228 = arith.subf %select_n3A_62, %sub3A_227 : vector<16xf32>
        %exp3A_229 = math.exp %sub3A_228 : vector<16xf32>
        %jit3A_230 = arith.constant 0.000000e+00 : f32
        %broadcast_in_dim3A_231 = vector.broadcast %jit3A_230 : f32 to vector<16xf32>
        %select_n3A_232 = arith.select %eq3A_226, %broadcast_in_dim3A_231, %exp3A_229 : vector<16xi1>, vector<16xf32>
        %sub3A_233 = vector.broadcast %reduce_max3A_211 : f32 to vector<16xf32>
        %sub3A_234 = arith.subf %select_n3A_62, %sub3A_233 : vector<16xf32>
        %jit3A_235 = arith.constant 0.000000e+00 : f32
        %broadcast_in_dim3A_236 = vector.broadcast %jit3A_235 : f32 to vector<16xf32>
        %select_n3A_237 = arith.select %eq3A_226, %broadcast_in_dim3A_236, %sub3A_234 : vector<16xi1>, vector<16xf32>
        %add3A_238 = arith.addf %select_n3A_223, %select_n3A_237 : vector<16xf32>
        %eq3A_239 = arith.constant 0xFF800000 : f32
        %eq3A_240 = vector.broadcast %eq3A_239 : f32 to vector<16xf32>
        %eq3A_241 = arith.cmpf oeq, %select_n3A_74, %eq3A_240 : vector<16xf32>
        %sub3A_242 = vector.broadcast %reduce_max3A_211 : f32 to vector<16xf32>
        %sub3A_243 = arith.subf %select_n3A_74, %sub3A_242 : vector<16xf32>
        %exp3A_244 = math.exp %sub3A_243 : vector<16xf32>
        %jit3A_245 = arith.constant 0.000000e+00 : f32
        %broadcast_in_dim3A_246 = vector.broadcast %jit3A_245 : f32 to vector<16xf32>
        %select_n3A_247 = arith.select %eq3A_241, %broadcast_in_dim3A_246, %exp3A_244 : vector<16xi1>, vector<16xf32>
        %sub3A_248 = vector.broadcast %reduce_max3A_211 : f32 to vector<16xf32>
        %sub3A_249 = arith.subf %select_n3A_74, %sub3A_248 : vector<16xf32>
        %jit3A_250 = arith.constant 0.000000e+00 : f32
        %broadcast_in_dim3A_251 = vector.broadcast %jit3A_250 : f32 to vector<16xf32>
        %select_n3A_252 = arith.select %eq3A_241, %broadcast_in_dim3A_251, %sub3A_249 : vector<16xi1>, vector<16xf32>
        %add3A_253 = arith.addf %add3A_238, %select_n3A_252 : vector<16xf32>
        %eq3A_254 = arith.constant 0xFF800000 : f32
        %eq3A_255 = vector.broadcast %eq3A_254 : f32 to vector<16xf32>
        %eq3A_256 = arith.cmpf oeq, %select_n3A_86, %eq3A_255 : vector<16xf32>
        %sub3A_257 = vector.broadcast %reduce_max3A_211 : f32 to vector<16xf32>
        %sub3A_258 = arith.subf %select_n3A_86, %sub3A_257 : vector<16xf32>
        %exp3A_259 = math.exp %sub3A_258 : vector<16xf32>
        %jit3A_260 = arith.constant 0.000000e+00 : f32
        %broadcast_in_dim3A_261 = vector.broadcast %jit3A_260 : f32 to vector<16xf32>
        %select_n3A_262 = arith.select %eq3A_256, %broadcast_in_dim3A_261, %exp3A_259 : vector<16xi1>, vector<16xf32>
        %sub3A_263 = vector.broadcast %reduce_max3A_211 : f32 to vector<16xf32>
        %sub3A_264 = arith.subf %select_n3A_86, %sub3A_263 : vector<16xf32>
        %jit3A_265 = arith.constant 0.000000e+00 : f32
        %broadcast_in_dim3A_266 = vector.broadcast %jit3A_265 : f32 to vector<16xf32>
        %select_n3A_267 = arith.select %eq3A_256, %broadcast_in_dim3A_266, %sub3A_264 : vector<16xi1>, vector<16xf32>
        %add3A_268 = arith.addf %add3A_253, %select_n3A_267 : vector<16xf32>
        %eq3A_269 = arith.constant 0xFF800000 : f32
        %eq3A_270 = vector.broadcast %eq3A_269 : f32 to vector<16xf32>
        %eq3A_271 = arith.cmpf oeq, %select_n3A_98, %eq3A_270 : vector<16xf32>
        %sub3A_272 = vector.broadcast %reduce_max3A_211 : f32 to vector<16xf32>
        %sub3A_273 = arith.subf %select_n3A_98, %sub3A_272 : vector<16xf32>
        %exp3A_274 = math.exp %sub3A_273 : vector<16xf32>
        %jit3A_275 = arith.constant 0.000000e+00 : f32
        %broadcast_in_dim3A_276 = vector.broadcast %jit3A_275 : f32 to vector<16xf32>
        %select_n3A_277 = arith.select %eq3A_271, %broadcast_in_dim3A_276, %exp3A_274 : vector<16xi1>, vector<16xf32>
        %sub3A_278 = vector.broadcast %reduce_max3A_211 : f32 to vector<16xf32>
        %sub3A_279 = arith.subf %select_n3A_98, %sub3A_278 : vector<16xf32>
        %jit3A_280 = arith.constant 0.000000e+00 : f32
        %broadcast_in_dim3A_281 = vector.broadcast %jit3A_280 : f32 to vector<16xf32>
        %select_n3A_282 = arith.select %eq3A_271, %broadcast_in_dim3A_281, %sub3A_279 : vector<16xi1>, vector<16xf32>
        %add3A_283 = arith.addf %add3A_268, %select_n3A_282 : vector<16xf32>
        %eq3A_284 = arith.constant 0xFF800000 : f32
        %eq3A_285 = vector.broadcast %eq3A_284 : f32 to vector<16xf32>
        %eq3A_286 = arith.cmpf oeq, %select_n3A_110, %eq3A_285 : vector<16xf32>
        %sub3A_287 = vector.broadcast %reduce_max3A_211 : f32 to vector<16xf32>
        %sub3A_288 = arith.subf %select_n3A_110, %sub3A_287 : vector<16xf32>
        %exp3A_289 = math.exp %sub3A_288 : vector<16xf32>
        %jit3A_290 = arith.constant 0.000000e+00 : f32
        %broadcast_in_dim3A_291 = vector.broadcast %jit3A_290 : f32 to vector<16xf32>
        %select_n3A_292 = arith.select %eq3A_286, %broadcast_in_dim3A_291, %exp3A_289 : vector<16xi1>, vector<16xf32>
        %sub3A_293 = vector.broadcast %reduce_max3A_211 : f32 to vector<16xf32>
        %sub3A_294 = arith.subf %select_n3A_110, %sub3A_293 : vector<16xf32>
        %jit3A_295 = arith.constant 0.000000e+00 : f32
        %broadcast_in_dim3A_296 = vector.broadcast %jit3A_295 : f32 to vector<16xf32>
        %select_n3A_297 = arith.select %eq3A_286, %broadcast_in_dim3A_296, %sub3A_294 : vector<16xi1>, vector<16xf32>
        %add3A_298 = arith.addf %add3A_283, %select_n3A_297 : vector<16xf32>
        %eq3A_299 = arith.constant 0xFF800000 : f32
        %eq3A_300 = vector.broadcast %eq3A_299 : f32 to vector<16xf32>
        %eq3A_301 = arith.cmpf oeq, %select_n3A_122, %eq3A_300 : vector<16xf32>
        %sub3A_302 = vector.broadcast %reduce_max3A_211 : f32 to vector<16xf32>
        %sub3A_303 = arith.subf %select_n3A_122, %sub3A_302 : vector<16xf32>
        %exp3A_304 = math.exp %sub3A_303 : vector<16xf32>
        %jit3A_305 = arith.constant 0.000000e+00 : f32
        %broadcast_in_dim3A_306 = vector.broadcast %jit3A_305 : f32 to vector<16xf32>
        %select_n3A_307 = arith.select %eq3A_301, %broadcast_in_dim3A_306, %exp3A_304 : vector<16xi1>, vector<16xf32>
        %sub3A_308 = vector.broadcast %reduce_max3A_211 : f32 to vector<16xf32>
        %sub3A_309 = arith.subf %select_n3A_122, %sub3A_308 : vector<16xf32>
        %jit3A_310 = arith.constant 0.000000e+00 : f32
        %broadcast_in_dim3A_311 = vector.broadcast %jit3A_310 : f32 to vector<16xf32>
        %select_n3A_312 = arith.select %eq3A_301, %broadcast_in_dim3A_311, %sub3A_309 : vector<16xi1>, vector<16xf32>
        %add3A_313 = arith.addf %add3A_298, %select_n3A_312 : vector<16xf32>
        %eq3A_314 = arith.constant 0xFF800000 : f32
        %eq3A_315 = vector.broadcast %eq3A_314 : f32 to vector<16xf32>
        %eq3A_316 = arith.cmpf oeq, %select_n3A_134, %eq3A_315 : vector<16xf32>
        %sub3A_317 = vector.broadcast %reduce_max3A_211 : f32 to vector<16xf32>
        %sub3A_318 = arith.subf %select_n3A_134, %sub3A_317 : vector<16xf32>
        %exp3A_319 = math.exp %sub3A_318 : vector<16xf32>
        %jit3A_320 = arith.constant 0.000000e+00 : f32
        %broadcast_in_dim3A_321 = vector.broadcast %jit3A_320 : f32 to vector<16xf32>
        %select_n3A_322 = arith.select %eq3A_316, %broadcast_in_dim3A_321, %exp3A_319 : vector<16xi1>, vector<16xf32>
        %sub3A_323 = vector.broadcast %reduce_max3A_211 : f32 to vector<16xf32>
        %sub3A_324 = arith.subf %select_n3A_134, %sub3A_323 : vector<16xf32>
        %jit3A_325 = arith.constant 0.000000e+00 : f32
        %broadcast_in_dim3A_326 = vector.broadcast %jit3A_325 : f32 to vector<16xf32>
        %select_n3A_327 = arith.select %eq3A_316, %broadcast_in_dim3A_326, %sub3A_324 : vector<16xi1>, vector<16xf32>
        %add3A_328 = arith.addf %add3A_313, %select_n3A_327 : vector<16xf32>
        %eq3A_329 = arith.constant 0xFF800000 : f32
        %eq3A_330 = vector.broadcast %eq3A_329 : f32 to vector<16xf32>
        %eq3A_331 = arith.cmpf oeq, %select_n3A_146, %eq3A_330 : vector<16xf32>
        %sub3A_332 = vector.broadcast %reduce_max3A_211 : f32 to vector<16xf32>
        %sub3A_333 = arith.subf %select_n3A_146, %sub3A_332 : vector<16xf32>
        %exp3A_334 = math.exp %sub3A_333 : vector<16xf32>
        %jit3A_335 = arith.constant 0.000000e+00 : f32
        %broadcast_in_dim3A_336 = vector.broadcast %jit3A_335 : f32 to vector<16xf32>
        %select_n3A_337 = arith.select %eq3A_331, %broadcast_in_dim3A_336, %exp3A_334 : vector<16xi1>, vector<16xf32>
        %sub3A_338 = vector.broadcast %reduce_max3A_211 : f32 to vector<16xf32>
        %sub3A_339 = arith.subf %select_n3A_146, %sub3A_338 : vector<16xf32>
        %jit3A_340 = arith.constant 0.000000e+00 : f32
        %broadcast_in_dim3A_341 = vector.broadcast %jit3A_340 : f32 to vector<16xf32>
        %select_n3A_342 = arith.select %eq3A_331, %broadcast_in_dim3A_341, %sub3A_339 : vector<16xi1>, vector<16xf32>
        %add3A_343 = arith.addf %add3A_328, %select_n3A_342 : vector<16xf32>
        %eq3A_344 = arith.constant 0xFF800000 : f32
        %eq3A_345 = vector.broadcast %eq3A_344 : f32 to vector<16xf32>
        %eq3A_346 = arith.cmpf oeq, %select_n3A_158, %eq3A_345 : vector<16xf32>
        %sub3A_347 = vector.broadcast %reduce_max3A_211 : f32 to vector<16xf32>
        %sub3A_348 = arith.subf %select_n3A_158, %sub3A_347 : vector<16xf32>
        %exp3A_349 = math.exp %sub3A_348 : vector<16xf32>
        %jit3A_350 = arith.constant 0.000000e+00 : f32
        %broadcast_in_dim3A_351 = vector.broadcast %jit3A_350 : f32 to vector<16xf32>
        %select_n3A_352 = arith.select %eq3A_346, %broadcast_in_dim3A_351, %exp3A_349 : vector<16xi1>, vector<16xf32>
        %sub3A_353 = vector.broadcast %reduce_max3A_211 : f32 to vector<16xf32>
        %sub3A_354 = arith.subf %select_n3A_158, %sub3A_353 : vector<16xf32>
        %jit3A_355 = arith.constant 0.000000e+00 : f32
        %broadcast_in_dim3A_356 = vector.broadcast %jit3A_355 : f32 to vector<16xf32>
        %select_n3A_357 = arith.select %eq3A_346, %broadcast_in_dim3A_356, %sub3A_354 : vector<16xi1>, vector<16xf32>
        %add3A_358 = arith.addf %add3A_343, %select_n3A_357 : vector<16xf32>
        %eq3A_359 = arith.constant 0xFF800000 : f32
        %eq3A_360 = vector.broadcast %eq3A_359 : f32 to vector<16xf32>
        %eq3A_361 = arith.cmpf oeq, %select_n3A_170, %eq3A_360 : vector<16xf32>
        %sub3A_362 = vector.broadcast %reduce_max3A_211 : f32 to vector<16xf32>
        %sub3A_363 = arith.subf %select_n3A_170, %sub3A_362 : vector<16xf32>
        %exp3A_364 = math.exp %sub3A_363 : vector<16xf32>
        %jit3A_365 = arith.constant 0.000000e+00 : f32
        %broadcast_in_dim3A_366 = vector.broadcast %jit3A_365 : f32 to vector<16xf32>
        %select_n3A_367 = arith.select %eq3A_361, %broadcast_in_dim3A_366, %exp3A_364 : vector<16xi1>, vector<16xf32>
        %sub3A_368 = vector.broadcast %reduce_max3A_211 : f32 to vector<16xf32>
        %sub3A_369 = arith.subf %select_n3A_170, %sub3A_368 : vector<16xf32>
        %jit3A_370 = arith.constant 0.000000e+00 : f32
        %broadcast_in_dim3A_371 = vector.broadcast %jit3A_370 : f32 to vector<16xf32>
        %select_n3A_372 = arith.select %eq3A_361, %broadcast_in_dim3A_371, %sub3A_369 : vector<16xi1>, vector<16xf32>
        %add3A_373 = arith.addf %add3A_358, %select_n3A_372 : vector<16xf32>
        %eq3A_374 = arith.constant 0xFF800000 : f32
        %eq3A_375 = vector.broadcast %eq3A_374 : f32 to vector<16xf32>
        %eq3A_376 = arith.cmpf oeq, %select_n3A_182, %eq3A_375 : vector<16xf32>
        %sub3A_377 = vector.broadcast %reduce_max3A_211 : f32 to vector<16xf32>
        %sub3A_378 = arith.subf %select_n3A_182, %sub3A_377 : vector<16xf32>
        %exp3A_379 = math.exp %sub3A_378 : vector<16xf32>
        %jit3A_380 = arith.constant 0.000000e+00 : f32
        %broadcast_in_dim3A_381 = vector.broadcast %jit3A_380 : f32 to vector<16xf32>
        %select_n3A_382 = arith.select %eq3A_376, %broadcast_in_dim3A_381, %exp3A_379 : vector<16xi1>, vector<16xf32>
        %sub3A_383 = vector.broadcast %reduce_max3A_211 : f32 to vector<16xf32>
        %sub3A_384 = arith.subf %select_n3A_182, %sub3A_383 : vector<16xf32>
        %jit3A_385 = arith.constant 0.000000e+00 : f32
        %broadcast_in_dim3A_386 = vector.broadcast %jit3A_385 : f32 to vector<16xf32>
        %select_n3A_387 = arith.select %eq3A_376, %broadcast_in_dim3A_386, %sub3A_384 : vector<16xi1>, vector<16xf32>
        %add3A_388 = arith.addf %add3A_373, %select_n3A_387 : vector<16xf32>
        %eq3A_389 = arith.constant 0xFF800000 : f32
        %eq3A_390 = vector.broadcast %eq3A_389 : f32 to vector<16xf32>
        %eq3A_391 = arith.cmpf oeq, %select_n3A_197, %eq3A_390 : vector<16xf32>
        %sub3A_392 = vector.broadcast %reduce_max3A_211 : f32 to vector<16xf32>
        %sub3A_393 = arith.subf %select_n3A_197, %sub3A_392 : vector<16xf32>
        %exp3A_394 = math.exp %sub3A_393 : vector<16xf32>
        %jit3A_395 = arith.constant 0.000000e+00 : f32
        %broadcast_in_dim3A_396 = vector.broadcast %jit3A_395 : f32 to vector<16xf32>
        %select_n3A_397 = arith.select %eq3A_391, %broadcast_in_dim3A_396, %exp3A_394 : vector<16xi1>, vector<16xf32>
        %sub3A_398 = vector.broadcast %reduce_max3A_211 : f32 to vector<16xf32>
        %sub3A_399 = arith.subf %select_n3A_197, %sub3A_398 : vector<16xf32>
        %jit3A_400 = arith.constant 0.000000e+00 : f32
        %broadcast_in_dim3A_401 = vector.broadcast %jit3A_400 : f32 to vector<16xf32>
        %select_n3A_402 = arith.select %eq3A_391, %broadcast_in_dim3A_401, %sub3A_399 : vector<16xi1>, vector<16xf32>
        %add3A_403 = arith.addf %add3A_388, %select_n3A_402 : vector<16xf32>
        %swap3A_404 = arith.constant 184 : index
        %swap3A_405 = tpu.vector_load %arg9[%swap3A_404] {strides = array<i32>} : memref<256xf32, #tpu.memory_space<vmem>>, vector<16xf32>,
        tpu.vector_store %arg9[%swap3A_404], %select_n3A_397 {strides = array<i32>} : memref<256xf32, #tpu.memory_space<vmem>>, vector<16xf32>,
        %swap3A_406 = arith.constant 0 : index
        %swap3A_407 = tpu.vector_load %arg9[%swap3A_406] {strides = array<i32>} : memref<256xf32, #tpu.memory_space<vmem>>, vector<16xf32>,
        tpu.vector_store %arg9[%swap3A_406], %select_n3A_218 {strides = array<i32>} : memref<256xf32, #tpu.memory_space<vmem>>, vector<16xf32>,
        %swap3A_408 = arith.constant 16 : index
        %swap3A_409 = tpu.vector_load %arg9[%swap3A_408] {strides = array<i32>} : memref<256xf32, #tpu.memory_space<vmem>>, vector<16xf32>,
        tpu.vector_store %arg9[%swap3A_408], %select_n3A_232 {strides = array<i32>} : memref<256xf32, #tpu.memory_space<vmem>>, vector<16xf32>,
        %swap3A_410 = arith.constant 32 : index
        %swap3A_411 = tpu.vector_load %arg9[%swap3A_410] {strides = array<i32>} : memref<256xf32, #tpu.memory_space<vmem>>, vector<16xf32>,
        tpu.vector_store %arg9[%swap3A_410], %select_n3A_247 {strides = array<i32>} : memref<256xf32, #tpu.memory_space<vmem>>, vector<16xf32>,
        %swap3A_412 = arith.constant 48 : index
        %swap3A_413 = tpu.vector_load %arg9[%swap3A_412] {strides = array<i32>} : memref<256xf32, #tpu.memory_space<vmem>>, vector<16xf32>,
        tpu.vector_store %arg9[%swap3A_412], %select_n3A_262 {strides = array<i32>} : memref<256xf32, #tpu.memory_space<vmem>>, vector<16xf32>,
        %swap3A_414 = arith.constant 64 : index
        %swap3A_415 = tpu.vector_load %arg9[%swap3A_414] {strides = array<i32>} : memref<256xf32, #tpu.memory_space<vmem>>, vector<16xf32>,
        tpu.vector_store %arg9[%swap3A_414], %select_n3A_277 {strides = array<i32>} : memref<256xf32, #tpu.memory_space<vmem>>, vector<16xf32>,
        %swap3A_416 = arith.constant 80 : index
        %swap3A_417 = tpu.vector_load %arg9[%swap3A_416] {strides = array<i32>} : memref<256xf32, #tpu.memory_space<vmem>>, vector<16xf32>,
        tpu.vector_store %arg9[%swap3A_416], %select_n3A_292 {strides = array<i32>} : memref<256xf32, #tpu.memory_space<vmem>>, vector<16xf32>,
        %swap3A_418 = arith.constant 96 : index
        %swap3A_419 = tpu.vector_load %arg9[%swap3A_418] {strides = array<i32>} : memref<256xf32, #tpu.memory_space<vmem>>, vector<16xf32>,
        tpu.vector_store %arg9[%swap3A_418], %select_n3A_307 {strides = array<i32>} : memref<256xf32, #tpu.memory_space<vmem>>, vector<16xf32>,
        %swap3A_420 = arith.constant 112 : index
        %swap3A_421 = tpu.vector_load %arg9[%swap3A_420] {strides = array<i32>} : memref<256xf32, #tpu.memory_space<vmem>>, vector<16xf32>,
        tpu.vector_store %arg9[%swap3A_420], %select_n3A_322 {strides = array<i32>} : memref<256xf32, #tpu.memory_space<vmem>>, vector<16xf32>,
        %swap3A_422 = arith.constant 128 : index
        %swap3A_423 = tpu.vector_load %arg9[%swap3A_422] {strides = array<i32>} : memref<256xf32, #tpu.memory_space<vmem>>, vector<16xf32>,
        tpu.vector_store %arg9[%swap3A_422], %select_n3A_337 {strides = array<i32>} : memref<256xf32, #tpu.memory_space<vmem>>, vector<16xf32>,
        %swap3A_424 = arith.constant 144 : index
        %swap3A_425 = tpu.vector_load %arg9[%swap3A_424] {strides = array<i32>} : memref<256xf32, #tpu.memory_space<vmem>>, vector<16xf32>,
        tpu.vector_store %arg9[%swap3A_424], %select_n3A_352 {strides = array<i32>} : memref<256xf32, #tpu.memory_space<vmem>>, vector<16xf32>,
        %swap3A_426 = arith.constant 160 : index
        %swap3A_427 = tpu.vector_load %arg9[%swap3A_426] {strides = array<i32>} : memref<256xf32, #tpu.memory_space<vmem>>, vector<16xf32>,
        tpu.vector_store %arg9[%swap3A_426], %select_n3A_367 {strides = array<i32>} : memref<256xf32, #tpu.memory_space<vmem>>, vector<16xf32>,
        %swap3A_428 = arith.constant 176 : index
        %swap3A_429 = tpu.vector_load %arg9[%swap3A_428] {strides = array<i32>} : memref<256xf32, #tpu.memory_space<vmem>>, vector<16xf32>,
        tpu.vector_store %arg9[%swap3A_428], %select_n3A_382 {strides = array<i32>} : memref<256xf32, #tpu.memory_space<vmem>>, vector<16xf32>,
        %bitcast3A = vector.bitcast %get3A_44 : vector<16xf32> to vector<16xi32>
        %and3A = arith.constant -256 : i32
        %and3A_430 = vector.broadcast %and3A : i32 to vector<16xi32>
        %and3A_431 = arith.andi %bitcast3A, %and3A_430 : vector<16xi32>
        %add3A_432 = arith.constant 0 : i32
        %add3A_433 = vector.broadcast %add3A_432 : i32 to vector<16xi32>
        %add3A_434 = arith.addi %iota3A, %add3A_433 : vector<16xi32>
        %or3A = arith.ori %and3A_431, %add3A_434 : vector<16xi32>
        %bitcast3A_435 = vector.bitcast %or3A : vector<16xi32> to vector<16xf32>
        %bitcast3A_436 = vector.bitcast %get3A_53 : vector<16xf32> to vector<16xi32>
        %and3A_437 = arith.constant -256 : i32
        %and3A_438 = vector.broadcast %and3A_437 : i32 to vector<16xi32>
        %and3A_439 = arith.andi %bitcast3A_436, %and3A_438 : vector<16xi32>
        %add3A_440 = arith.constant 16 : i32
        %add3A_441 = vector.broadcast %add3A_440 : i32 to vector<16xi32>
        %add3A_442 = arith.addi %iota3A, %add3A_441 : vector<16xi32>
        %or3A_443 = arith.ori %and3A_439, %add3A_442 : vector<16xi32>
        %bitcast3A_444 = vector.bitcast %or3A_443 : vector<16xi32> to vector<16xf32>
        %bitcast3A_445 = vector.bitcast %get3A_65 : vector<16xf32> to vector<16xi32>
        %and3A_446 = arith.constant -256 : i32
        %and3A_447 = vector.broadcast %and3A_446 : i32 to vector<16xi32>
        %and3A_448 = arith.andi %bitcast3A_445, %and3A_447 : vector<16xi32>
        %add3A_449 = arith.constant 32 : i32
        %add3A_450 = vector.broadcast %add3A_449 : i32 to vector<16xi32>
        %add3A_451 = arith.addi %iota3A, %add3A_450 : vector<16xi32>
        %or3A_452 = arith.ori %and3A_448, %add3A_451 : vector<16xi32>
        %bitcast3A_453 = vector.bitcast %or3A_452 : vector<16xi32> to vector<16xf32>
        %bitcast3A_454 = vector.bitcast %get3A_77 : vector<16xf32> to vector<16xi32>
        %and3A_455 = arith.constant -256 : i32
        %and3A_456 = vector.broadcast %and3A_455 : i32 to vector<16xi32>
        %and3A_457 = arith.andi %bitcast3A_454, %and3A_456 : vector<16xi32>
        %add3A_458 = arith.constant 48 : i32
        %add3A_459 = vector.broadcast %add3A_458 : i32 to vector<16xi32>
        %add3A_460 = arith.addi %iota3A, %add3A_459 : vector<16xi32>
        %or3A_461 = arith.ori %and3A_457, %add3A_460 : vector<16xi32>
        %bitcast3A_462 = vector.bitcast %or3A_461 : vector<16xi32> to vector<16xf32>
        %bitcast3A_463 = vector.bitcast %get3A_89 : vector<16xf32> to vector<16xi32>
        %and3A_464 = arith.constant -256 : i32
        %and3A_465 = vector.broadcast %and3A_464 : i32 to vector<16xi32>
        %and3A_466 = arith.andi %bitcast3A_463, %and3A_465 : vector<16xi32>
        %add3A_467 = arith.constant 64 : i32
        %add3A_468 = vector.broadcast %add3A_467 : i32 to vector<16xi32>
        %add3A_469 = arith.addi %iota3A, %add3A_468 : vector<16xi32>
        %or3A_470 = arith.ori %and3A_466, %add3A_469 : vector<16xi32>
        %bitcast3A_471 = vector.bitcast %or3A_470 : vector<16xi32> to vector<16xf32>
        %bitcast3A_472 = vector.bitcast %get3A_101 : vector<16xf32> to vector<16xi32>
        %and3A_473 = arith.constant -256 : i32
        %and3A_474 = vector.broadcast %and3A_473 : i32 to vector<16xi32>
        %and3A_475 = arith.andi %bitcast3A_472, %and3A_474 : vector<16xi32>
        %add3A_476 = arith.constant 80 : i32
        %add3A_477 = vector.broadcast %add3A_476 : i32 to vector<16xi32>
        %add3A_478 = arith.addi %iota3A, %add3A_477 : vector<16xi32>
        %or3A_479 = arith.ori %and3A_475, %add3A_478 : vector<16xi32>
        %bitcast3A_480 = vector.bitcast %or3A_479 : vector<16xi32> to vector<16xf32>
        %bitcast3A_481 = vector.bitcast %get3A_113 : vector<16xf32> to vector<16xi32>
        %and3A_482 = arith.constant -256 : i32
        %and3A_483 = vector.broadcast %and3A_482 : i32 to vector<16xi32>
        %and3A_484 = arith.andi %bitcast3A_481, %and3A_483 : vector<16xi32>
        %add3A_485 = arith.constant 96 : i32
        %add3A_486 = vector.broadcast %add3A_485 : i32 to vector<16xi32>
        %add3A_487 = arith.addi %iota3A, %add3A_486 : vector<16xi32>
        %or3A_488 = arith.ori %and3A_484, %add3A_487 : vector<16xi32>
        %bitcast3A_489 = vector.bitcast %or3A_488 : vector<16xi32> to vector<16xf32>
        %bitcast3A_490 = vector.bitcast %get3A_125 : vector<16xf32> to vector<16xi32>
        %and3A_491 = arith.constant -256 : i32
        %and3A_492 = vector.broadcast %and3A_491 : i32 to vector<16xi32>
        %and3A_493 = arith.andi %bitcast3A_490, %and3A_492 : vector<16xi32>
        %add3A_494 = arith.constant 112 : i32
        %add3A_495 = vector.broadcast %add3A_494 : i32 to vector<16xi32>
        %add3A_496 = arith.addi %iota3A, %add3A_495 : vector<16xi32>
        %or3A_497 = arith.ori %and3A_493, %add3A_496 : vector<16xi32>
        %bitcast3A_498 = vector.bitcast %or3A_497 : vector<16xi32> to vector<16xf32>
        %bitcast3A_499 = vector.bitcast %get3A_137 : vector<16xf32> to vector<16xi32>
        %and3A_500 = arith.constant -256 : i32
        %and3A_501 = vector.broadcast %and3A_500 : i32 to vector<16xi32>
        %and3A_502 = arith.andi %bitcast3A_499, %and3A_501 : vector<16xi32>
        %add3A_503 = arith.constant 128 : i32
        %add3A_504 = vector.broadcast %add3A_503 : i32 to vector<16xi32>
        %add3A_505 = arith.addi %iota3A, %add3A_504 : vector<16xi32>
        %or3A_506 = arith.ori %and3A_502, %add3A_505 : vector<16xi32>
        %bitcast3A_507 = vector.bitcast %or3A_506 : vector<16xi32> to vector<16xf32>
        %bitcast3A_508 = vector.bitcast %get3A_149 : vector<16xf32> to vector<16xi32>
        %and3A_509 = arith.constant -256 : i32
        %and3A_510 = vector.broadcast %and3A_509 : i32 to vector<16xi32>
        %and3A_511 = arith.andi %bitcast3A_508, %and3A_510 : vector<16xi32>
        %add3A_512 = arith.constant 144 : i32
        %add3A_513 = vector.broadcast %add3A_512 : i32 to vector<16xi32>
        %add3A_514 = arith.addi %iota3A, %add3A_513 : vector<16xi32>
        %or3A_515 = arith.ori %and3A_511, %add3A_514 : vector<16xi32>
        %bitcast3A_516 = vector.bitcast %or3A_515 : vector<16xi32> to vector<16xf32>
        %bitcast3A_517 = vector.bitcast %get3A_161 : vector<16xf32> to vector<16xi32>
        %and3A_518 = arith.constant -256 : i32
        %and3A_519 = vector.broadcast %and3A_518 : i32 to vector<16xi32>
        %and3A_520 = arith.andi %bitcast3A_517, %and3A_519 : vector<16xi32>
        %add3A_521 = arith.constant 160 : i32
        %add3A_522 = vector.broadcast %add3A_521 : i32 to vector<16xi32>
        %add3A_523 = arith.addi %iota3A, %add3A_522 : vector<16xi32>
        %or3A_524 = arith.ori %and3A_520, %add3A_523 : vector<16xi32>
        %bitcast3A_525 = vector.bitcast %or3A_524 : vector<16xi32> to vector<16xf32>
        %bitcast3A_526 = vector.bitcast %get3A_173 : vector<16xf32> to vector<16xi32>
        %and3A_527 = arith.constant -256 : i32
        %and3A_528 = vector.broadcast %and3A_527 : i32 to vector<16xi32>
        %and3A_529 = arith.andi %bitcast3A_526, %and3A_528 : vector<16xi32>
        %add3A_530 = arith.constant 176 : i32
        %add3A_531 = vector.broadcast %add3A_530 : i32 to vector<16xi32>
        %add3A_532 = arith.addi %iota3A, %add3A_531 : vector<16xi32>
        %or3A_533 = arith.ori %and3A_529, %add3A_532 : vector<16xi32>
        %bitcast3A_534 = vector.bitcast %or3A_533 : vector<16xi32> to vector<16xf32>
        %bitcast3A_535 = vector.bitcast %get3A_185 : vector<16xf32> to vector<16xi32>
        %and3A_536 = arith.constant -256 : i32
        %and3A_537 = vector.broadcast %and3A_536 : i32 to vector<16xi32>
        %and3A_538 = arith.andi %bitcast3A_535, %and3A_537 : vector<16xi32>
        %add3A_539 = arith.constant 184 : i32
        %add3A_540 = vector.broadcast %add3A_539 : i32 to vector<16xi32>
        %add3A_541 = arith.addi %iota3A, %add3A_540 : vector<16xi32>
        %or3A_542 = arith.ori %and3A_538, %add3A_541 : vector<16xi32>
        %bitcast3A_543 = vector.bitcast %or3A_542 : vector<16xi32> to vector<16xf32>
        %jit3A_544 = arith.constant 0x7F800000 : f32
        %broadcast_in_dim3A_545 = vector.broadcast %jit3A_544 : f32 to vector<16xf32>
        %select_n3A_546 = arith.select %lt3A_4, %broadcast_in_dim3A_545, %bitcast3A_543 : vector<16xi1>, vector<16xf32>
        %broadcast_in_dim3A_547 = arith.constant 0x7F800000 : f32
        %broadcast_in_dim3A_548 = vector.broadcast %broadcast_in_dim3A_547 : f32 to vector<16xf32>
        %sort3A = arith.constant dense<true> : vector<16xi1>
        %sort3A_549, %sort3A_550, %sort3A_551 = tpu.sort %bitcast3A_435, %bitcast3A_435 masked %sort3A : (vector<16xf32>, vector<16xf32>, vector<16xi1>) -> (vector<16xi1>, vector<16xf32>, vector<16xf32>)
        %sort3A_552 = arith.constant dense<true> : vector<16xi1>
        %sort3A_553, %sort3A_554, %sort3A_555 = tpu.sort %bitcast3A_444, %bitcast3A_444 masked %sort3A_552 : (vector<16xf32>, vector<16xf32>, vector<16xi1>) -> (vector<16xi1>, vector<16xf32>, vector<16xf32>)
        %sort3A_556 = arith.constant dense<true> : vector<16xi1>
        %sort3A_557, %sort3A_558, %sort3A_559 = tpu.sort %bitcast3A_453, %bitcast3A_453 masked %sort3A_556 : (vector<16xf32>, vector<16xf32>, vector<16xi1>) -> (vector<16xi1>, vector<16xf32>, vector<16xf32>)
        %sort3A_560 = arith.constant dense<true> : vector<16xi1>
        %sort3A_561, %sort3A_562, %sort3A_563 = tpu.sort %bitcast3A_462, %bitcast3A_462 masked %sort3A_560 : (vector<16xf32>, vector<16xf32>, vector<16xi1>) -> (vector<16xi1>, vector<16xf32>, vector<16xf32>)
        %sort3A_564 = arith.constant dense<true> : vector<16xi1>
        %sort3A_565, %sort3A_566, %sort3A_567 = tpu.sort %bitcast3A_471, %bitcast3A_471 masked %sort3A_564 : (vector<16xf32>, vector<16xf32>, vector<16xi1>) -> (vector<16xi1>, vector<16xf32>, vector<16xf32>)
        %sort3A_568 = arith.constant dense<true> : vector<16xi1>
        %sort3A_569, %sort3A_570, %sort3A_571 = tpu.sort %bitcast3A_480, %bitcast3A_480 masked %sort3A_568 : (vector<16xf32>, vector<16xf32>, vector<16xi1>) -> (vector<16xi1>, vector<16xf32>, vector<16xf32>)
        %sort3A_572 = arith.constant dense<true> : vector<16xi1>
        %sort3A_573, %sort3A_574, %sort3A_575 = tpu.sort %bitcast3A_489, %bitcast3A_489 masked %sort3A_572 : (vector<16xf32>, vector<16xf32>, vector<16xi1>) -> (vector<16xi1>, vector<16xf32>, vector<16xf32>)
        %sort3A_576 = arith.constant dense<true> : vector<16xi1>
        %sort3A_577, %sort3A_578, %sort3A_579 = tpu.sort %bitcast3A_498, %bitcast3A_498 masked %sort3A_576 : (vector<16xf32>, vector<16xf32>, vector<16xi1>) -> (vector<16xi1>, vector<16xf32>, vector<16xf32>)
        %sort3A_580 = arith.constant dense<true> : vector<16xi1>
        %sort3A_581, %sort3A_582, %sort3A_583 = tpu.sort %bitcast3A_507, %bitcast3A_507 masked %sort3A_580 : (vector<16xf32>, vector<16xf32>, vector<16xi1>) -> (vector<16xi1>, vector<16xf32>, vector<16xf32>)
        %sort3A_584 = arith.constant dense<true> : vector<16xi1>
        %sort3A_585, %sort3A_586, %sort3A_587 = tpu.sort %bitcast3A_516, %bitcast3A_516 masked %sort3A_584 : (vector<16xf32>, vector<16xf32>, vector<16xi1>) -> (vector<16xi1>, vector<16xf32>, vector<16xf32>)
        %sort3A_588 = arith.constant dense<true> : vector<16xi1>
        %sort3A_589, %sort3A_590, %sort3A_591 = tpu.sort %bitcast3A_525, %bitcast3A_525 masked %sort3A_588 : (vector<16xf32>, vector<16xf32>, vector<16xi1>) -> (vector<16xi1>, vector<16xf32>, vector<16xf32>)
        %sort3A_592 = arith.constant dense<true> : vector<16xi1>
        %sort3A_593, %sort3A_594, %sort3A_595 = tpu.sort %bitcast3A_534, %bitcast3A_534 masked %sort3A_592 : (vector<16xf32>, vector<16xf32>, vector<16xi1>) -> (vector<16xi1>, vector<16xf32>, vector<16xf32>)
        %sort3A_596 = arith.constant dense<true> : vector<16xi1>
        %sort3A_597, %sort3A_598, %sort3A_599 = tpu.sort %select_n3A_546, %select_n3A_546 masked %sort3A_596 : (vector<16xf32>, vector<16xf32>, vector<16xi1>) -> (vector<16xi1>, vector<16xf32>, vector<16xf32>)
        %rev3A = arith.constant 15 : i32
        %rev3A_600 = vector.broadcast %rev3A : i32 to vector<16xi32>
        %rev3A_601 = tpu.iota {dimensions = array<i32: 0>} : vector<16xi32>
        %rev3A_602 = arith.subi %rev3A_600, %rev3A_601 : vector<16xi32>
        %rev3A_603 = tpu.dynamic_gather %sort3A_554[%rev3A_602] in [0] : vector<16xf32>, vector<16xi32> -> vector<16xf32>
        %min3A = arith.minimumf %sort3A_550, %rev3A_603 : vector<16xf32>
        %max3A_604 = arith.maximumf %sort3A_550, %rev3A_603 : vector<16xf32>
        %sort3A_605 = arith.constant dense<true> : vector<16xi1>
        %sort3A_606, %sort3A_607, %sort3A_608 = tpu.sort %min3A, %min3A masked %sort3A_605 : (vector<16xf32>, vector<16xf32>, vector<16xi1>) -> (vector<16xi1>, vector<16xf32>, vector<16xf32>)
        %sort3A_609 = arith.constant dense<true> : vector<16xi1>
        %sort3A_610, %sort3A_611, %sort3A_612 = tpu.sort %max3A_604, %max3A_604 masked %sort3A_609 : (vector<16xf32>, vector<16xf32>, vector<16xi1>) -> (vector<16xi1>, vector<16xf32>, vector<16xf32>)
        %rev3A_613 = arith.constant 15 : i32
        %rev3A_614 = vector.broadcast %rev3A_613 : i32 to vector<16xi32>
        %rev3A_615 = tpu.iota {dimensions = array<i32: 0>} : vector<16xi32>
        %rev3A_616 = arith.subi %rev3A_614, %rev3A_615 : vector<16xi32>
        %rev3A_617 = tpu.dynamic_gather %sort3A_562[%rev3A_616] in [0] : vector<16xf32>, vector<16xi32> -> vector<16xf32>
        %min3A_618 = arith.minimumf %sort3A_558, %rev3A_617 : vector<16xf32>
        %max3A_619 = arith.maximumf %sort3A_558, %rev3A_617 : vector<16xf32>
        %sort3A_620 = arith.constant dense<true> : vector<16xi1>
        %sort3A_621, %sort3A_622, %sort3A_623 = tpu.sort %min3A_618, %min3A_618 masked %sort3A_620 : (vector<16xf32>, vector<16xf32>, vector<16xi1>) -> (vector<16xi1>, vector<16xf32>, vector<16xf32>)
        %sort3A_624 = arith.constant dense<true> : vector<16xi1>
        %sort3A_625, %sort3A_626, %sort3A_627 = tpu.sort %max3A_619, %max3A_619 masked %sort3A_624 : (vector<16xf32>, vector<16xf32>, vector<16xi1>) -> (vector<16xi1>, vector<16xf32>, vector<16xf32>)
        %rev3A_628 = arith.constant 15 : i32
        %rev3A_629 = vector.broadcast %rev3A_628 : i32 to vector<16xi32>
        %rev3A_630 = tpu.iota {dimensions = array<i32: 0>} : vector<16xi32>
        %rev3A_631 = arith.subi %rev3A_629, %rev3A_630 : vector<16xi32>
        %rev3A_632 = tpu.dynamic_gather %sort3A_570[%rev3A_631] in [0] : vector<16xf32>, vector<16xi32> -> vector<16xf32>
        %min3A_633 = arith.minimumf %sort3A_566, %rev3A_632 : vector<16xf32>
        %max3A_634 = arith.maximumf %sort3A_566, %rev3A_632 : vector<16xf32>
        %sort3A_635 = arith.constant dense<true> : vector<16xi1>
        %sort3A_636, %sort3A_637, %sort3A_638 = tpu.sort %min3A_633, %min3A_633 masked %sort3A_635 : (vector<16xf32>, vector<16xf32>, vector<16xi1>) -> (vector<16xi1>, vector<16xf32>, vector<16xf32>)
        %sort3A_639 = arith.constant dense<true> : vector<16xi1>
        %sort3A_640, %sort3A_641, %sort3A_642 = tpu.sort %max3A_634, %max3A_634 masked %sort3A_639 : (vector<16xf32>, vector<16xf32>, vector<16xi1>) -> (vector<16xi1>, vector<16xf32>, vector<16xf32>)
        %rev3A_643 = arith.constant 15 : i32
        %rev3A_644 = vector.broadcast %rev3A_643 : i32 to vector<16xi32>
        %rev3A_645 = tpu.iota {dimensions = array<i32: 0>} : vector<16xi32>
        %rev3A_646 = arith.subi %rev3A_644, %rev3A_645 : vector<16xi32>
        %rev3A_647 = tpu.dynamic_gather %sort3A_578[%rev3A_646] in [0] : vector<16xf32>, vector<16xi32> -> vector<16xf32>
        %min3A_648 = arith.minimumf %sort3A_574, %rev3A_647 : vector<16xf32>
        %max3A_649 = arith.maximumf %sort3A_574, %rev3A_647 : vector<16xf32>
        %sort3A_650 = arith.constant dense<true> : vector<16xi1>
        %sort3A_651, %sort3A_652, %sort3A_653 = tpu.sort %min3A_648, %min3A_648 masked %sort3A_650 : (vector<16xf32>, vector<16xf32>, vector<16xi1>) -> (vector<16xi1>, vector<16xf32>, vector<16xf32>)
        %sort3A_654 = arith.constant dense<true> : vector<16xi1>
        %sort3A_655, %sort3A_656, %sort3A_657 = tpu.sort %max3A_649, %max3A_649 masked %sort3A_654 : (vector<16xf32>, vector<16xf32>, vector<16xi1>) -> (vector<16xi1>, vector<16xf32>, vector<16xf32>)
        %rev3A_658 = arith.constant 15 : i32
        %rev3A_659 = vector.broadcast %rev3A_658 : i32 to vector<16xi32>
        %rev3A_660 = tpu.iota {dimensions = array<i32: 0>} : vector<16xi32>
        %rev3A_661 = arith.subi %rev3A_659, %rev3A_660 : vector<16xi32>
        %rev3A_662 = tpu.dynamic_gather %sort3A_586[%rev3A_661] in [0] : vector<16xf32>, vector<16xi32> -> vector<16xf32>
        %min3A_663 = arith.minimumf %sort3A_582, %rev3A_662 : vector<16xf32>
        %max3A_664 = arith.maximumf %sort3A_582, %rev3A_662 : vector<16xf32>
        %sort3A_665 = arith.constant dense<true> : vector<16xi1>
        %sort3A_666, %sort3A_667, %sort3A_668 = tpu.sort %min3A_663, %min3A_663 masked %sort3A_665 : (vector<16xf32>, vector<16xf32>, vector<16xi1>) -> (vector<16xi1>, vector<16xf32>, vector<16xf32>)
        %sort3A_669 = arith.constant dense<true> : vector<16xi1>
        %sort3A_670, %sort3A_671, %sort3A_672 = tpu.sort %max3A_664, %max3A_664 masked %sort3A_669 : (vector<16xf32>, vector<16xf32>, vector<16xi1>) -> (vector<16xi1>, vector<16xf32>, vector<16xf32>)
        %rev3A_673 = arith.constant 15 : i32
        %rev3A_674 = vector.broadcast %rev3A_673 : i32 to vector<16xi32>
        %rev3A_675 = tpu.iota {dimensions = array<i32: 0>} : vector<16xi32>
        %rev3A_676 = arith.subi %rev3A_674, %rev3A_675 : vector<16xi32>
        %rev3A_677 = tpu.dynamic_gather %sort3A_594[%rev3A_676] in [0] : vector<16xf32>, vector<16xi32> -> vector<16xf32>
        %min3A_678 = arith.minimumf %sort3A_590, %rev3A_677 : vector<16xf32>
        %max3A_679 = arith.maximumf %sort3A_590, %rev3A_677 : vector<16xf32>
        %sort3A_680 = arith.constant dense<true> : vector<16xi1>
        %sort3A_681, %sort3A_682, %sort3A_683 = tpu.sort %min3A_678, %min3A_678 masked %sort3A_680 : (vector<16xf32>, vector<16xf32>, vector<16xi1>) -> (vector<16xi1>, vector<16xf32>, vector<16xf32>)
        %sort3A_684 = arith.constant dense<true> : vector<16xi1>
        %sort3A_685, %sort3A_686, %sort3A_687 = tpu.sort %max3A_679, %max3A_679 masked %sort3A_684 : (vector<16xf32>, vector<16xf32>, vector<16xi1>) -> (vector<16xi1>, vector<16xf32>, vector<16xf32>)
        %rev3A_688 = arith.constant 15 : i32
        %rev3A_689 = vector.broadcast %rev3A_688 : i32 to vector<16xi32>
        %rev3A_690 = tpu.iota {dimensions = array<i32: 0>} : vector<16xi32>
        %rev3A_691 = arith.subi %rev3A_689, %rev3A_690 : vector<16xi32>
        %rev3A_692 = tpu.dynamic_gather %sort3A_626[%rev3A_691] in [0] : vector<16xf32>, vector<16xi32> -> vector<16xf32>
        %rev3A_693 = arith.constant 15 : i32
        %rev3A_694 = vector.broadcast %rev3A_693 : i32 to vector<16xi32>
        %rev3A_695 = tpu.iota {dimensions = array<i32: 0>} : vector<16xi32>
        %rev3A_696 = arith.subi %rev3A_694, %rev3A_695 : vector<16xi32>
        %rev3A_697 = tpu.dynamic_gather %sort3A_622[%rev3A_696] in [0] : vector<16xf32>, vector<16xi32> -> vector<16xf32>
        %min3A_698 = arith.minimumf %sort3A_607, %rev3A_692 : vector<16xf32>
        %max3A_699 = arith.maximumf %sort3A_607, %rev3A_692 : vector<16xf32>
        %min3A_700 = arith.minimumf %sort3A_611, %rev3A_697 : vector<16xf32>
        %max3A_701 = arith.maximumf %sort3A_611, %rev3A_697 : vector<16xf32>
        %min3A_702 = arith.minimumf %min3A_698, %min3A_700 : vector<16xf32>
        %max3A_703 = arith.maximumf %min3A_698, %min3A_700 : vector<16xf32>
        %min3A_704 = arith.minimumf %max3A_699, %max3A_701 : vector<16xf32>
        %max3A_705 = arith.maximumf %max3A_699, %max3A_701 : vector<16xf32>
        %sort3A_706 = arith.constant dense<true> : vector<16xi1>
        %sort3A_707, %sort3A_708, %sort3A_709 = tpu.sort %min3A_702, %min3A_702 masked %sort3A_706 : (vector<16xf32>, vector<16xf32>, vector<16xi1>) -> (vector<16xi1>, vector<16xf32>, vector<16xf32>)
        %sort3A_710 = arith.constant dense<true> : vector<16xi1>
        %sort3A_711, %sort3A_712, %sort3A_713 = tpu.sort %max3A_703, %max3A_703 masked %sort3A_710 : (vector<16xf32>, vector<16xf32>, vector<16xi1>) -> (vector<16xi1>, vector<16xf32>, vector<16xf32>)
        %sort3A_714 = arith.constant dense<true> : vector<16xi1>
        %sort3A_715, %sort3A_716, %sort3A_717 = tpu.sort %min3A_704, %min3A_704 masked %sort3A_714 : (vector<16xf32>, vector<16xf32>, vector<16xi1>) -> (vector<16xi1>, vector<16xf32>, vector<16xf32>)
        %sort3A_718 = arith.constant dense<true> : vector<16xi1>
        %sort3A_719, %sort3A_720, %sort3A_721 = tpu.sort %max3A_705, %max3A_705 masked %sort3A_718 : (vector<16xf32>, vector<16xf32>, vector<16xi1>) -> (vector<16xi1>, vector<16xf32>, vector<16xf32>)
        %rev3A_722 = arith.constant 15 : i32
        %rev3A_723 = vector.broadcast %rev3A_722 : i32 to vector<16xi32>
        %rev3A_724 = tpu.iota {dimensions = array<i32: 0>} : vector<16xi32>
        %rev3A_725 = arith.subi %rev3A_723, %rev3A_724 : vector<16xi32>
        %rev3A_726 = tpu.dynamic_gather %sort3A_656[%rev3A_725] in [0] : vector<16xf32>, vector<16xi32> -> vector<16xf32>
        %rev3A_727 = arith.constant 15 : i32
        %rev3A_728 = vector.broadcast %rev3A_727 : i32 to vector<16xi32>
        %rev3A_729 = tpu.iota {dimensions = array<i32: 0>} : vector<16xi32>
        %rev3A_730 = arith.subi %rev3A_728, %rev3A_729 : vector<16xi32>
        %rev3A_731 = tpu.dynamic_gather %sort3A_652[%rev3A_730] in [0] : vector<16xf32>, vector<16xi32> -> vector<16xf32>
        %min3A_732 = arith.minimumf %sort3A_637, %rev3A_726 : vector<16xf32>
        %max3A_733 = arith.maximumf %sort3A_637, %rev3A_726 : vector<16xf32>
        %min3A_734 = arith.minimumf %sort3A_641, %rev3A_731 : vector<16xf32>
        %max3A_735 = arith.maximumf %sort3A_641, %rev3A_731 : vector<16xf32>
        %min3A_736 = arith.minimumf %min3A_732, %min3A_734 : vector<16xf32>
        %max3A_737 = arith.maximumf %min3A_732, %min3A_734 : vector<16xf32>
        %min3A_738 = arith.minimumf %max3A_733, %max3A_735 : vector<16xf32>
        %max3A_739 = arith.maximumf %max3A_733, %max3A_735 : vector<16xf32>
        %sort3A_740 = arith.constant dense<true> : vector<16xi1>
        %sort3A_741, %sort3A_742, %sort3A_743 = tpu.sort %min3A_736, %min3A_736 masked %sort3A_740 : (vector<16xf32>, vector<16xf32>, vector<16xi1>) -> (vector<16xi1>, vector<16xf32>, vector<16xf32>)
        %sort3A_744 = arith.constant dense<true> : vector<16xi1>
        %sort3A_745, %sort3A_746, %sort3A_747 = tpu.sort %max3A_737, %max3A_737 masked %sort3A_744 : (vector<16xf32>, vector<16xf32>, vector<16xi1>) -> (vector<16xi1>, vector<16xf32>, vector<16xf32>)
        %sort3A_748 = arith.constant dense<true> : vector<16xi1>
        %sort3A_749, %sort3A_750, %sort3A_751 = tpu.sort %min3A_738, %min3A_738 masked %sort3A_748 : (vector<16xf32>, vector<16xf32>, vector<16xi1>) -> (vector<16xi1>, vector<16xf32>, vector<16xf32>)
        %sort3A_752 = arith.constant dense<true> : vector<16xi1>
        %sort3A_753, %sort3A_754, %sort3A_755 = tpu.sort %max3A_739, %max3A_739 masked %sort3A_752 : (vector<16xf32>, vector<16xf32>, vector<16xi1>) -> (vector<16xi1>, vector<16xf32>, vector<16xf32>)
        %rev3A_756 = arith.constant 15 : i32
        %rev3A_757 = vector.broadcast %rev3A_756 : i32 to vector<16xi32>
        %rev3A_758 = tpu.iota {dimensions = array<i32: 0>} : vector<16xi32>
        %rev3A_759 = arith.subi %rev3A_757, %rev3A_758 : vector<16xi32>
        %rev3A_760 = tpu.dynamic_gather %sort3A_686[%rev3A_759] in [0] : vector<16xf32>, vector<16xi32> -> vector<16xf32>
        %rev3A_761 = arith.constant 15 : i32
        %rev3A_762 = vector.broadcast %rev3A_761 : i32 to vector<16xi32>
        %rev3A_763 = tpu.iota {dimensions = array<i32: 0>} : vector<16xi32>
        %rev3A_764 = arith.subi %rev3A_762, %rev3A_763 : vector<16xi32>
        %rev3A_765 = tpu.dynamic_gather %sort3A_682[%rev3A_764] in [0] : vector<16xf32>, vector<16xi32> -> vector<16xf32>
        %min3A_766 = arith.minimumf %sort3A_667, %rev3A_760 : vector<16xf32>
        %max3A_767 = arith.maximumf %sort3A_667, %rev3A_760 : vector<16xf32>
        %min3A_768 = arith.minimumf %sort3A_671, %rev3A_765 : vector<16xf32>
        %max3A_769 = arith.maximumf %sort3A_671, %rev3A_765 : vector<16xf32>
        %min3A_770 = arith.minimumf %min3A_766, %min3A_768 : vector<16xf32>
        %max3A_771 = arith.maximumf %min3A_766, %min3A_768 : vector<16xf32>
        %min3A_772 = arith.minimumf %max3A_767, %max3A_769 : vector<16xf32>
        %max3A_773 = arith.maximumf %max3A_767, %max3A_769 : vector<16xf32>
        %sort3A_774 = arith.constant dense<true> : vector<16xi1>
        %sort3A_775, %sort3A_776, %sort3A_777 = tpu.sort %min3A_770, %min3A_770 masked %sort3A_774 : (vector<16xf32>, vector<16xf32>, vector<16xi1>) -> (vector<16xi1>, vector<16xf32>, vector<16xf32>)
        %sort3A_778 = arith.constant dense<true> : vector<16xi1>
        %sort3A_779, %sort3A_780, %sort3A_781 = tpu.sort %max3A_771, %max3A_771 masked %sort3A_778 : (vector<16xf32>, vector<16xf32>, vector<16xi1>) -> (vector<16xi1>, vector<16xf32>, vector<16xf32>)
        %sort3A_782 = arith.constant dense<true> : vector<16xi1>
        %sort3A_783, %sort3A_784, %sort3A_785 = tpu.sort %min3A_772, %min3A_772 masked %sort3A_782 : (vector<16xf32>, vector<16xf32>, vector<16xi1>) -> (vector<16xi1>, vector<16xf32>, vector<16xf32>)
        %sort3A_786 = arith.constant dense<true> : vector<16xi1>
        %sort3A_787, %sort3A_788, %sort3A_789 = tpu.sort %max3A_773, %max3A_773 masked %sort3A_786 : (vector<16xf32>, vector<16xf32>, vector<16xi1>) -> (vector<16xi1>, vector<16xf32>, vector<16xf32>)
        %rev3A_790 = arith.constant 15 : i32
        %rev3A_791 = vector.broadcast %rev3A_790 : i32 to vector<16xi32>
        %rev3A_792 = tpu.iota {dimensions = array<i32: 0>} : vector<16xi32>
        %rev3A_793 = arith.subi %rev3A_791, %rev3A_792 : vector<16xi32>
        %rev3A_794 = tpu.dynamic_gather %sort3A_754[%rev3A_793] in [0] : vector<16xf32>, vector<16xi32> -> vector<16xf32>
        %rev3A_795 = arith.constant 15 : i32
        %rev3A_796 = vector.broadcast %rev3A_795 : i32 to vector<16xi32>
        %rev3A_797 = tpu.iota {dimensions = array<i32: 0>} : vector<16xi32>
        %rev3A_798 = arith.subi %rev3A_796, %rev3A_797 : vector<16xi32>
        %rev3A_799 = tpu.dynamic_gather %sort3A_750[%rev3A_798] in [0] : vector<16xf32>, vector<16xi32> -> vector<16xf32>
        %rev3A_800 = arith.constant 15 : i32
        %rev3A_801 = vector.broadcast %rev3A_800 : i32 to vector<16xi32>
        %rev3A_802 = tpu.iota {dimensions = array<i32: 0>} : vector<16xi32>
        %rev3A_803 = arith.subi %rev3A_801, %rev3A_802 : vector<16xi32>
        %rev3A_804 = tpu.dynamic_gather %sort3A_746[%rev3A_803] in [0] : vector<16xf32>, vector<16xi32> -> vector<16xf32>
        %rev3A_805 = arith.constant 15 : i32
        %rev3A_806 = vector.broadcast %rev3A_805 : i32 to vector<16xi32>
        %rev3A_807 = tpu.iota {dimensions = array<i32: 0>} : vector<16xi32>
        %rev3A_808 = arith.subi %rev3A_806, %rev3A_807 : vector<16xi32>
        %rev3A_809 = tpu.dynamic_gather %sort3A_742[%rev3A_808] in [0] : vector<16xf32>, vector<16xi32> -> vector<16xf32>
        %min3A_810 = arith.minimumf %sort3A_708, %rev3A_794 : vector<16xf32>
        %max3A_811 = arith.maximumf %sort3A_708, %rev3A_794 : vector<16xf32>
        %min3A_812 = arith.minimumf %sort3A_712, %rev3A_799 : vector<16xf32>
        %max3A_813 = arith.maximumf %sort3A_712, %rev3A_799 : vector<16xf32>
        %min3A_814 = arith.minimumf %sort3A_716, %rev3A_804 : vector<16xf32>
        %max3A_815 = arith.maximumf %sort3A_716, %rev3A_804 : vector<16xf32>
        %min3A_816 = arith.minimumf %sort3A_720, %rev3A_809 : vector<16xf32>
        %max3A_817 = arith.maximumf %sort3A_720, %rev3A_809 : vector<16xf32>
        %min3A_818 = arith.minimumf %min3A_810, %min3A_814 : vector<16xf32>
        %max3A_819 = arith.maximumf %min3A_810, %min3A_814 : vector<16xf32>
        %min3A_820 = arith.minimumf %min3A_812, %min3A_816 : vector<16xf32>
        %max3A_821 = arith.maximumf %min3A_812, %min3A_816 : vector<16xf32>
        %min3A_822 = arith.minimumf %max3A_811, %max3A_815 : vector<16xf32>
        %max3A_823 = arith.maximumf %max3A_811, %max3A_815 : vector<16xf32>
        %min3A_824 = arith.minimumf %max3A_813, %max3A_817 : vector<16xf32>
        %max3A_825 = arith.maximumf %max3A_813, %max3A_817 : vector<16xf32>
        %min3A_826 = arith.minimumf %min3A_818, %min3A_820 : vector<16xf32>
        %max3A_827 = arith.maximumf %min3A_818, %min3A_820 : vector<16xf32>
        %min3A_828 = arith.minimumf %max3A_819, %max3A_821 : vector<16xf32>
        %max3A_829 = arith.maximumf %max3A_819, %max3A_821 : vector<16xf32>
        %min3A_830 = arith.minimumf %min3A_822, %min3A_824 : vector<16xf32>
        %max3A_831 = arith.maximumf %min3A_822, %min3A_824 : vector<16xf32>
        %min3A_832 = arith.minimumf %max3A_823, %max3A_825 : vector<16xf32>
        %max3A_833 = arith.maximumf %max3A_823, %max3A_825 : vector<16xf32>
        %sort3A_834 = arith.constant dense<true> : vector<16xi1>
        %sort3A_835, %sort3A_836, %sort3A_837 = tpu.sort %min3A_826, %min3A_826 masked %sort3A_834 : (vector<16xf32>, vector<16xf32>, vector<16xi1>) -> (vector<16xi1>, vector<16xf32>, vector<16xf32>)
        %sort3A_838 = arith.constant dense<true> : vector<16xi1>
        %sort3A_839, %sort3A_840, %sort3A_841 = tpu.sort %max3A_827, %max3A_827 masked %sort3A_838 : (vector<16xf32>, vector<16xf32>, vector<16xi1>) -> (vector<16xi1>, vector<16xf32>, vector<16xf32>)
        %sort3A_842 = arith.constant dense<true> : vector<16xi1>
        %sort3A_843, %sort3A_844, %sort3A_845 = tpu.sort %min3A_828, %min3A_828 masked %sort3A_842 : (vector<16xf32>, vector<16xf32>, vector<16xi1>) -> (vector<16xi1>, vector<16xf32>, vector<16xf32>)
        %sort3A_846 = arith.constant dense<true> : vector<16xi1>
        %sort3A_847, %sort3A_848, %sort3A_849 = tpu.sort %max3A_829, %max3A_829 masked %sort3A_846 : (vector<16xf32>, vector<16xf32>, vector<16xi1>) -> (vector<16xi1>, vector<16xf32>, vector<16xf32>)
        %sort3A_850 = arith.constant dense<true> : vector<16xi1>
        %sort3A_851, %sort3A_852, %sort3A_853 = tpu.sort %min3A_830, %min3A_830 masked %sort3A_850 : (vector<16xf32>, vector<16xf32>, vector<16xi1>) -> (vector<16xi1>, vector<16xf32>, vector<16xf32>)
        %sort3A_854 = arith.constant dense<true> : vector<16xi1>
        %sort3A_855, %sort3A_856, %sort3A_857 = tpu.sort %max3A_831, %max3A_831 masked %sort3A_854 : (vector<16xf32>, vector<16xf32>, vector<16xi1>) -> (vector<16xi1>, vector<16xf32>, vector<16xf32>)
        %sort3A_858 = arith.constant dense<true> : vector<16xi1>
        %sort3A_859, %sort3A_860, %sort3A_861 = tpu.sort %min3A_832, %min3A_832 masked %sort3A_858 : (vector<16xf32>, vector<16xf32>, vector<16xi1>) -> (vector<16xi1>, vector<16xf32>, vector<16xf32>)
        %sort3A_862 = arith.constant dense<true> : vector<16xi1>
        %sort3A_863, %sort3A_864, %sort3A_865 = tpu.sort %max3A_833, %max3A_833 masked %sort3A_862 : (vector<16xf32>, vector<16xf32>, vector<16xi1>) -> (vector<16xi1>, vector<16xf32>, vector<16xf32>)
        %rev3A_866 = arith.constant 15 : i32
        %rev3A_867 = vector.broadcast %rev3A_866 : i32 to vector<16xi32>
        %rev3A_868 = tpu.iota {dimensions = array<i32: 0>} : vector<16xi32>
        %rev3A_869 = arith.subi %rev3A_867, %rev3A_868 : vector<16xi32>
        %rev3A_870 = tpu.dynamic_gather %sort3A_598[%rev3A_869] in [0] : vector<16xf32>, vector<16xi32> -> vector<16xf32>
        %min3A_871 = arith.minimumf %sort3A_788, %rev3A_870 : vector<16xf32>
        %max3A_872 = arith.maximumf %sort3A_788, %rev3A_870 : vector<16xf32>
        %min3A_873 = arith.minimumf %sort3A_776, %sort3A_784 : vector<16xf32>
        %max3A_874 = arith.maximumf %sort3A_776, %sort3A_784 : vector<16xf32>
        %min3A_875 = arith.minimumf %sort3A_780, %min3A_871 : vector<16xf32>
        %max3A_876 = arith.maximumf %sort3A_780, %min3A_871 : vector<16xf32>
        %min3A_877 = arith.minimumf %min3A_873, %min3A_875 : vector<16xf32>
        %max3A_878 = arith.maximumf %min3A_873, %min3A_875 : vector<16xf32>
        %min3A_879 = arith.minimumf %max3A_874, %max3A_876 : vector<16xf32>
        %max3A_880 = arith.maximumf %max3A_874, %max3A_876 : vector<16xf32>
        %sort3A_881 = arith.constant dense<true> : vector<16xi1>
        %sort3A_882, %sort3A_883, %sort3A_884 = tpu.sort %min3A_877, %min3A_877 masked %sort3A_881 : (vector<16xf32>, vector<16xf32>, vector<16xi1>) -> (vector<16xi1>, vector<16xf32>, vector<16xf32>)
        %sort3A_885 = arith.constant dense<true> : vector<16xi1>
        %sort3A_886, %sort3A_887, %sort3A_888 = tpu.sort %max3A_878, %max3A_878 masked %sort3A_885 : (vector<16xf32>, vector<16xf32>, vector<16xi1>) -> (vector<16xi1>, vector<16xf32>, vector<16xf32>)
        %sort3A_889 = arith.constant dense<true> : vector<16xi1>
        %sort3A_890, %sort3A_891, %sort3A_892 = tpu.sort %min3A_879, %min3A_879 masked %sort3A_889 : (vector<16xf32>, vector<16xf32>, vector<16xi1>) -> (vector<16xi1>, vector<16xf32>, vector<16xf32>)
        %sort3A_893 = arith.constant dense<true> : vector<16xi1>
        %sort3A_894, %sort3A_895, %sort3A_896 = tpu.sort %max3A_880, %max3A_880 masked %sort3A_893 : (vector<16xf32>, vector<16xf32>, vector<16xi1>) -> (vector<16xi1>, vector<16xf32>, vector<16xf32>)
        %sort3A_897 = arith.constant dense<true> : vector<16xi1>
        %sort3A_898, %sort3A_899, %sort3A_900 = tpu.sort %max3A_872, %max3A_872 masked %sort3A_897 : (vector<16xf32>, vector<16xf32>, vector<16xi1>) -> (vector<16xi1>, vector<16xf32>, vector<16xf32>)
        %rev3A_901 = arith.constant 15 : i32
        %rev3A_902 = vector.broadcast %rev3A_901 : i32 to vector<16xi32>
        %rev3A_903 = tpu.iota {dimensions = array<i32: 0>} : vector<16xi32>
        %rev3A_904 = arith.subi %rev3A_902, %rev3A_903 : vector<16xi32>
        %rev3A_905 = tpu.dynamic_gather %sort3A_899[%rev3A_904] in [0] : vector<16xf32>, vector<16xi32> -> vector<16xf32>
        %rev3A_906 = arith.constant 15 : i32
        %rev3A_907 = vector.broadcast %rev3A_906 : i32 to vector<16xi32>
        %rev3A_908 = tpu.iota {dimensions = array<i32: 0>} : vector<16xi32>
        %rev3A_909 = arith.subi %rev3A_907, %rev3A_908 : vector<16xi32>
        %rev3A_910 = tpu.dynamic_gather %sort3A_895[%rev3A_909] in [0] : vector<16xf32>, vector<16xi32> -> vector<16xf32>
        %rev3A_911 = arith.constant 15 : i32
        %rev3A_912 = vector.broadcast %rev3A_911 : i32 to vector<16xi32>
        %rev3A_913 = tpu.iota {dimensions = array<i32: 0>} : vector<16xi32>
        %rev3A_914 = arith.subi %rev3A_912, %rev3A_913 : vector<16xi32>
        %rev3A_915 = tpu.dynamic_gather %sort3A_891[%rev3A_914] in [0] : vector<16xf32>, vector<16xi32> -> vector<16xf32>
        %rev3A_916 = arith.constant 15 : i32
        %rev3A_917 = vector.broadcast %rev3A_916 : i32 to vector<16xi32>
        %rev3A_918 = tpu.iota {dimensions = array<i32: 0>} : vector<16xi32>
        %rev3A_919 = arith.subi %rev3A_917, %rev3A_918 : vector<16xi32>
        %rev3A_920 = tpu.dynamic_gather %sort3A_887[%rev3A_919] in [0] : vector<16xf32>, vector<16xi32> -> vector<16xf32>
        %rev3A_921 = arith.constant 15 : i32
        %rev3A_922 = vector.broadcast %rev3A_921 : i32 to vector<16xi32>
        %rev3A_923 = tpu.iota {dimensions = array<i32: 0>} : vector<16xi32>
        %rev3A_924 = arith.subi %rev3A_922, %rev3A_923 : vector<16xi32>
        %rev3A_925 = tpu.dynamic_gather %sort3A_883[%rev3A_924] in [0] : vector<16xf32>, vector<16xi32> -> vector<16xf32>
        %min3A_926 = arith.minimumf %sort3A_848, %rev3A_905 : vector<16xf32>
        %max3A_927 = arith.maximumf %sort3A_848, %rev3A_905 : vector<16xf32>
        %min3A_928 = arith.minimumf %sort3A_852, %rev3A_910 : vector<16xf32>
        %max3A_929 = arith.maximumf %sort3A_852, %rev3A_910 : vector<16xf32>
        %min3A_930 = arith.minimumf %sort3A_856, %rev3A_915 : vector<16xf32>
        %max3A_931 = arith.maximumf %sort3A_856, %rev3A_915 : vector<16xf32>
        %min3A_932 = arith.minimumf %sort3A_860, %rev3A_920 : vector<16xf32>
        %max3A_933 = arith.maximumf %sort3A_860, %rev3A_920 : vector<16xf32>
        %min3A_934 = arith.minimumf %sort3A_864, %rev3A_925 : vector<16xf32>
        %max3A_935 = arith.maximumf %sort3A_864, %rev3A_925 : vector<16xf32>
        %min3A_936 = arith.minimumf %sort3A_836, %min3A_928 : vector<16xf32>
        %max3A_937 = arith.maximumf %sort3A_836, %min3A_928 : vector<16xf32>
        %min3A_938 = arith.minimumf %sort3A_840, %min3A_930 : vector<16xf32>
        %max3A_939 = arith.maximumf %sort3A_840, %min3A_930 : vector<16xf32>
        %min3A_940 = arith.minimumf %sort3A_844, %min3A_932 : vector<16xf32>
        %max3A_941 = arith.maximumf %sort3A_844, %min3A_932 : vector<16xf32>
        %min3A_942 = arith.minimumf %min3A_926, %min3A_934 : vector<16xf32>
        %max3A_943 = arith.maximumf %min3A_926, %min3A_934 : vector<16xf32>
        %min3A_944 = arith.minimumf %max3A_927, %max3A_935 : vector<16xf32>
        %max3A_945 = arith.maximumf %max3A_927, %max3A_935 : vector<16xf32>
        %min3A_946 = arith.minimumf %min3A_936, %min3A_940 : vector<16xf32>
        %max3A_947 = arith.maximumf %min3A_936, %min3A_940 : vector<16xf32>
        %min3A_948 = arith.minimumf %min3A_938, %min3A_942 : vector<16xf32>
        %max3A_949 = arith.maximumf %min3A_938, %min3A_942 : vector<16xf32>
        %min3A_950 = arith.minimumf %max3A_937, %max3A_941 : vector<16xf32>
        %max3A_951 = arith.maximumf %max3A_937, %max3A_941 : vector<16xf32>
        %min3A_952 = arith.minimumf %max3A_939, %max3A_943 : vector<16xf32>
        %max3A_953 = arith.maximumf %max3A_939, %max3A_943 : vector<16xf32>
        %min3A_954 = arith.minimumf %max3A_929, %max3A_933 : vector<16xf32>
        %max3A_955 = arith.maximumf %max3A_929, %max3A_933 : vector<16xf32>
        %min3A_956 = arith.minimumf %max3A_931, %min3A_944 : vector<16xf32>
        %max3A_957 = arith.maximumf %max3A_931, %min3A_944 : vector<16xf32>
        %min3A_958 = arith.minimumf %min3A_946, %min3A_948 : vector<16xf32>
        %max3A_959 = arith.maximumf %min3A_946, %min3A_948 : vector<16xf32>
        %min3A_960 = arith.minimumf %max3A_947, %max3A_949 : vector<16xf32>
        %max3A_961 = arith.maximumf %max3A_947, %max3A_949 : vector<16xf32>
        %min3A_962 = arith.minimumf %min3A_950, %min3A_952 : vector<16xf32>
        %max3A_963 = arith.maximumf %min3A_950, %min3A_952 : vector<16xf32>
        %min3A_964 = arith.minimumf %max3A_951, %max3A_953 : vector<16xf32>
        %max3A_965 = arith.maximumf %max3A_951, %max3A_953 : vector<16xf32>
        %min3A_966 = arith.minimumf %min3A_954, %min3A_956 : vector<16xf32>
        %max3A_967 = arith.maximumf %min3A_954, %min3A_956 : vector<16xf32>
        %min3A_968 = arith.minimumf %max3A_955, %max3A_957 : vector<16xf32>
        %max3A_969 = arith.maximumf %max3A_955, %max3A_957 : vector<16xf32>
        %sort3A_970 = arith.constant dense<true> : vector<16xi1>
        %sort3A_971, %sort3A_972, %sort3A_973 = tpu.sort %min3A_958, %min3A_958 masked %sort3A_970 : (vector<16xf32>, vector<16xf32>, vector<16xi1>) -> (vector<16xi1>, vector<16xf32>, vector<16xf32>)
        %sort3A_974 = arith.constant dense<true> : vector<16xi1>
        %sort3A_975, %sort3A_976, %sort3A_977 = tpu.sort %max3A_959, %max3A_959 masked %sort3A_974 : (vector<16xf32>, vector<16xf32>, vector<16xi1>) -> (vector<16xi1>, vector<16xf32>, vector<16xf32>)
        %sort3A_978 = arith.constant dense<true> : vector<16xi1>
        %sort3A_979, %sort3A_980, %sort3A_981 = tpu.sort %min3A_960, %min3A_960 masked %sort3A_978 : (vector<16xf32>, vector<16xf32>, vector<16xi1>) -> (vector<16xi1>, vector<16xf32>, vector<16xf32>)
        %sort3A_982 = arith.constant dense<true> : vector<16xi1>
        %sort3A_983, %sort3A_984, %sort3A_985 = tpu.sort %max3A_961, %max3A_961 masked %sort3A_982 : (vector<16xf32>, vector<16xf32>, vector<16xi1>) -> (vector<16xi1>, vector<16xf32>, vector<16xf32>)
        %sort3A_986 = arith.constant dense<true> : vector<16xi1>
        %sort3A_987, %sort3A_988, %sort3A_989 = tpu.sort %min3A_962, %min3A_962 masked %sort3A_986 : (vector<16xf32>, vector<16xf32>, vector<16xi1>) -> (vector<16xi1>, vector<16xf32>, vector<16xf32>)
        %sort3A_990 = arith.constant dense<true> : vector<16xi1>
        %sort3A_991, %sort3A_992, %sort3A_993 = tpu.sort %max3A_963, %max3A_963 masked %sort3A_990 : (vector<16xf32>, vector<16xf32>, vector<16xi1>) -> (vector<16xi1>, vector<16xf32>, vector<16xf32>)
        %sort3A_994 = arith.constant dense<true> : vector<16xi1>
        %sort3A_995, %sort3A_996, %sort3A_997 = tpu.sort %min3A_964, %min3A_964 masked %sort3A_994 : (vector<16xf32>, vector<16xf32>, vector<16xi1>) -> (vector<16xi1>, vector<16xf32>, vector<16xf32>)
        %sort3A_998 = arith.constant dense<true> : vector<16xi1>
        %sort3A_999, %sort3A_1000, %sort3A_1001 = tpu.sort %max3A_965, %max3A_965 masked %sort3A_998 : (vector<16xf32>, vector<16xf32>, vector<16xi1>) -> (vector<16xi1>, vector<16xf32>, vector<16xf32>)
        %sort3A_1002 = arith.constant dense<true> : vector<16xi1>
        %sort3A_1003, %sort3A_1004, %sort3A_1005 = tpu.sort %min3A_966, %min3A_966 masked %sort3A_1002 : (vector<16xf32>, vector<16xf32>, vector<16xi1>) -> (vector<16xi1>, vector<16xf32>, vector<16xf32>)
        %sort3A_1006 = arith.constant dense<true> : vector<16xi1>
        %sort3A_1007, %sort3A_1008, %sort3A_1009 = tpu.sort %max3A_967, %max3A_967 masked %sort3A_1006 : (vector<16xf32>, vector<16xf32>, vector<16xi1>) -> (vector<16xi1>, vector<16xf32>, vector<16xf32>)
        %sort3A_1010 = arith.constant dense<true> : vector<16xi1>
        %sort3A_1011, %sort3A_1012, %sort3A_1013 = tpu.sort %min3A_968, %min3A_968 masked %sort3A_1010 : (vector<16xf32>, vector<16xf32>, vector<16xi1>) -> (vector<16xi1>, vector<16xf32>, vector<16xf32>)
        %sort3A_1014 = arith.constant dense<true> : vector<16xi1>
        %sort3A_1015, %sort3A_1016, %sort3A_1017 = tpu.sort %max3A_969, %max3A_969 masked %sort3A_1014 : (vector<16xf32>, vector<16xf32>, vector<16xi1>) -> (vector<16xi1>, vector<16xf32>, vector<16xf32>)
        %sort3A_1018 = arith.constant dense<true> : vector<16xi1>
        %sort3A_1019, %sort3A_1020, %sort3A_1021 = tpu.sort %max3A_945, %max3A_945 masked %sort3A_1018 : (vector<16xf32>, vector<16xf32>, vector<16xi1>) -> (vector<16xi1>, vector<16xf32>, vector<16xf32>)
        %broadcast_in_dim3A_1022 = arith.constant 9.99999997E-7 : f32
        %broadcast_in_dim3A_1023 = vector.broadcast %broadcast_in_dim3A_1022 : f32 to vector<16xf32>
        %broadcast_in_dim3A_1024 = arith.constant 15 : i32
        %broadcast_in_dim3A_1025 = vector.broadcast %broadcast_in_dim3A_1024 : i32 to vector<16xi32>
        %broadcast_in_dim3A_1026 = arith.constant 0.000000e+00 : f32
        %broadcast_in_dim3A_1027 = vector.broadcast %broadcast_in_dim3A_1026 : f32 to vector<16xf32>
        %bitcast3A_1028 = vector.bitcast %sort3A_972 : vector<16xf32> to vector<16xi32>
        %and3A_1029 = arith.constant 255 : i32
        %and3A_1030 = vector.broadcast %and3A_1029 : i32 to vector<16xi32>
        %and3A_1031 = arith.andi %bitcast3A_1028, %and3A_1030 : vector<16xi32>
        %gather3A = tpu.vector_load_idx %arg9[%and3A_1031] : memref<256xf32, #tpu.memory_space<vmem>>[vector<16xi32>], vector<16xf32>,
        %and3A_1032 = arith.constant -256 : i32
        %and3A_1033 = vector.broadcast %and3A_1032 : i32 to vector<16xi32>
        %and3A_1034 = arith.andi %bitcast3A_1028, %and3A_1033 : vector<16xi32>
        %ne3A = arith.constant -1082130432 : i32
        %ne3A_1035 = vector.broadcast %ne3A : i32 to vector<16xi32>
        %ne3A_1036 = arith.cmpi ne, %and3A_1034, %ne3A_1035 : vector<16xi32>
        %broadcast_in_dim3A_1037 = arith.constant true
        %broadcast_in_dim3A_1038 = vector.broadcast %broadcast_in_dim3A_1037 : i1 to vector<16xi1>
        %masked_cumsum3A = tpu.scan <sum>, %gather3A masked %broadcast_in_dim3A_1038 : vector<16xf32>, vector<16xi1> -> vector<16xf32>
        %add3A_1039 = arith.addf %masked_cumsum3A, %broadcast_in_dim3A_1023 : vector<16xf32>
        %lt3A_1040 = arith.constant 0 : i32
        %lt3A_1041 = vector.broadcast %lt3A_1040 : i32 to vector<16xi32>
        %lt3A_1042 = arith.cmpi slt, %broadcast_in_dim3A_1025, %lt3A_1041 : vector<16xi32>
        %add3A_1043 = arith.constant 16 : i32
        %add3A_1044 = vector.broadcast %add3A_1043 : i32 to vector<16xi32>
        %add3A_1045 = arith.addi %broadcast_in_dim3A_1025, %add3A_1044 : vector<16xi32>
        %select_n3A_1046 = arith.select %lt3A_1042, %add3A_1045, %broadcast_in_dim3A_1025 : vector<16xi1>, vector<16xi32>
        %broadcast_in_dim3A_1047 = vector.shape_cast %select_n3A_1046 : vector<16xi32> to vector<16x1xi32>
        %gather3A_1048 = vector.shape_cast %broadcast_in_dim3A_1047 : vector<16x1xi32> to vector<16xi32>
        %gather3A_1049 = tpu.dynamic_gather %add3A_1039[%gather3A_1048] in [0] : vector<16xf32>, vector<16xi32> -> vector<16xf32>
        %bitcast3A_1050 = vector.bitcast %add3A_1039 : vector<16xf32> to vector<16xi32>
        %shift_right_arithmetic3A = arith.constant 15 : i32
        %shift_right_arithmetic3A_1051 = vector.broadcast %shift_right_arithmetic3A : i32 to vector<16xi32>
        %shift_right_arithmetic3A_1052 = arith.shrsi %bitcast3A_1050, %shift_right_arithmetic3A_1051 : vector<16xi32>
        %sub3A_1053 = arith.constant 27404 : i32
        %sub3A_1054 = vector.broadcast %sub3A_1053 : i32 to vector<16xi32>
        %sub3A_1055 = arith.subi %shift_right_arithmetic3A_1052, %sub3A_1054 : vector<16xi32>
        %and3A_1056 = arith.constant 32767 : i32
        %and3A_1057 = vector.broadcast %and3A_1056 : i32 to vector<16xi32>
        %and3A_1058 = arith.andi %bitcast3A_1050, %and3A_1057 : vector<16xi32>
        %convert_element_type3A = arith.sitofp %and3A_1058 : vector<16xi32> to vector<16xf32>
        %gather3A_1059 = tpu.vector_load_idx %arg10[%sub3A_1055] : memref<7168xf32, #tpu.memory_space<vmem>>[vector<16xi32>], vector<16xf32>,
        %gather3A_1060 = tpu.vector_load_idx %arg11[%sub3A_1055] : memref<7168xf32, #tpu.memory_space<vmem>>[vector<16xi32>], vector<16xf32>,
        %mul3A_1061 = arith.mulf %convert_element_type3A, %gather3A_1060 : vector<16xf32>
        %add3A_1062 = arith.addf %gather3A_1059, %mul3A_1061 : vector<16xf32>
        %jit3A_1063 = arith.constant 0.000000e+00 : f32
        %broadcast_in_dim3A_1064 = vector.broadcast %jit3A_1063 : f32 to vector<16xf32>
        %select_n3A_1065 = arith.select %ne3A_1036, %add3A_1062, %broadcast_in_dim3A_1064 : vector<16xi1>, vector<16xf32>
        %add3A_1066 = arith.addf %broadcast_in_dim3A_1027, %select_n3A_1065 : vector<16xf32>
        %bitcast3A_1067 = vector.bitcast %sort3A_976 : vector<16xf32> to vector<16xi32>
        %and3A_1068 = arith.constant 255 : i32
        %and3A_1069 = vector.broadcast %and3A_1068 : i32 to vector<16xi32>
        %and3A_1070 = arith.andi %bitcast3A_1067, %and3A_1069 : vector<16xi32>
        %gather3A_1071 = tpu.vector_load_idx %arg9[%and3A_1070] : memref<256xf32, #tpu.memory_space<vmem>>[vector<16xi32>], vector<16xf32>,
        %and3A_1072 = arith.constant -256 : i32
        %and3A_1073 = vector.broadcast %and3A_1072 : i32 to vector<16xi32>
        %and3A_1074 = arith.andi %bitcast3A_1067, %and3A_1073 : vector<16xi32>
        %ne3A_1075 = arith.constant -1082130432 : i32
        %ne3A_1076 = vector.broadcast %ne3A_1075 : i32 to vector<16xi32>
        %ne3A_1077 = arith.cmpi ne, %and3A_1074, %ne3A_1076 : vector<16xi32>
        %broadcast_in_dim3A_1078 = arith.constant true
        %broadcast_in_dim3A_1079 = vector.broadcast %broadcast_in_dim3A_1078 : i1 to vector<16xi1>
        %masked_cumsum3A_1080 = tpu.scan <sum>, %gather3A_1071 masked %broadcast_in_dim3A_1079 : vector<16xf32>, vector<16xi1> -> vector<16xf32>
        %add3A_1081 = arith.addf %masked_cumsum3A_1080, %gather3A_1049 : vector<16xf32>
        %lt3A_1082 = arith.constant 0 : i32
        %lt3A_1083 = vector.broadcast %lt3A_1082 : i32 to vector<16xi32>
        %lt3A_1084 = arith.cmpi slt, %broadcast_in_dim3A_1025, %lt3A_1083 : vector<16xi32>
        %add3A_1085 = arith.constant 16 : i32
        %add3A_1086 = vector.broadcast %add3A_1085 : i32 to vector<16xi32>
        %add3A_1087 = arith.addi %broadcast_in_dim3A_1025, %add3A_1086 : vector<16xi32>
        %select_n3A_1088 = arith.select %lt3A_1084, %add3A_1087, %broadcast_in_dim3A_1025 : vector<16xi1>, vector<16xi32>
        %broadcast_in_dim3A_1089 = vector.shape_cast %select_n3A_1088 : vector<16xi32> to vector<16x1xi32>
        %gather3A_1090 = vector.shape_cast %broadcast_in_dim3A_1089 : vector<16x1xi32> to vector<16xi32>
        %gather3A_1091 = tpu.dynamic_gather %add3A_1081[%gather3A_1090] in [0] : vector<16xf32>, vector<16xi32> -> vector<16xf32>
        %bitcast3A_1092 = vector.bitcast %add3A_1081 : vector<16xf32> to vector<16xi32>
        %shift_right_arithmetic3A_1093 = arith.constant 15 : i32
        %shift_right_arithmetic3A_1094 = vector.broadcast %shift_right_arithmetic3A_1093 : i32 to vector<16xi32>
        %shift_right_arithmetic3A_1095 = arith.shrsi %bitcast3A_1092, %shift_right_arithmetic3A_1094 : vector<16xi32>
        %sub3A_1096 = arith.constant 27404 : i32
        %sub3A_1097 = vector.broadcast %sub3A_1096 : i32 to vector<16xi32>
        %sub3A_1098 = arith.subi %shift_right_arithmetic3A_1095, %sub3A_1097 : vector<16xi32>
        %and3A_1099 = arith.constant 32767 : i32
        %and3A_1100 = vector.broadcast %and3A_1099 : i32 to vector<16xi32>
        %and3A_1101 = arith.andi %bitcast3A_1092, %and3A_1100 : vector<16xi32>
        %convert_element_type3A_1102 = arith.sitofp %and3A_1101 : vector<16xi32> to vector<16xf32>
        %gather3A_1103 = tpu.vector_load_idx %arg10[%sub3A_1098] : memref<7168xf32, #tpu.memory_space<vmem>>[vector<16xi32>], vector<16xf32>,
        %gather3A_1104 = tpu.vector_load_idx %arg11[%sub3A_1098] : memref<7168xf32, #tpu.memory_space<vmem>>[vector<16xi32>], vector<16xf32>,
        %mul3A_1105 = arith.mulf %convert_element_type3A_1102, %gather3A_1104 : vector<16xf32>
        %add3A_1106 = arith.addf %gather3A_1103, %mul3A_1105 : vector<16xf32>
        %jit3A_1107 = arith.constant 0.000000e+00 : f32
        %broadcast_in_dim3A_1108 = vector.broadcast %jit3A_1107 : f32 to vector<16xf32>
        %select_n3A_1109 = arith.select %ne3A_1077, %add3A_1106, %broadcast_in_dim3A_1108 : vector<16xi1>, vector<16xf32>
        %add3A_1110 = arith.addf %add3A_1066, %select_n3A_1109 : vector<16xf32>
        %bitcast3A_1111 = vector.bitcast %sort3A_980 : vector<16xf32> to vector<16xi32>
        %and3A_1112 = arith.constant 255 : i32
        %and3A_1113 = vector.broadcast %and3A_1112 : i32 to vector<16xi32>
        %and3A_1114 = arith.andi %bitcast3A_1111, %and3A_1113 : vector<16xi32>
        %gather3A_1115 = tpu.vector_load_idx %arg9[%and3A_1114] : memref<256xf32, #tpu.memory_space<vmem>>[vector<16xi32>], vector<16xf32>,
        %and3A_1116 = arith.constant -256 : i32
        %and3A_1117 = vector.broadcast %and3A_1116 : i32 to vector<16xi32>
        %and3A_1118 = arith.andi %bitcast3A_1111, %and3A_1117 : vector<16xi32>
        %ne3A_1119 = arith.constant -1082130432 : i32
        %ne3A_1120 = vector.broadcast %ne3A_1119 : i32 to vector<16xi32>
        %ne3A_1121 = arith.cmpi ne, %and3A_1118, %ne3A_1120 : vector<16xi32>
        %broadcast_in_dim3A_1122 = arith.constant true
        %broadcast_in_dim3A_1123 = vector.broadcast %broadcast_in_dim3A_1122 : i1 to vector<16xi1>
        %masked_cumsum3A_1124 = tpu.scan <sum>, %gather3A_1115 masked %broadcast_in_dim3A_1123 : vector<16xf32>, vector<16xi1> -> vector<16xf32>
        %add3A_1125 = arith.addf %masked_cumsum3A_1124, %gather3A_1091 : vector<16xf32>
        %lt3A_1126 = arith.constant 0 : i32
        %lt3A_1127 = vector.broadcast %lt3A_1126 : i32 to vector<16xi32>
        %lt3A_1128 = arith.cmpi slt, %broadcast_in_dim3A_1025, %lt3A_1127 : vector<16xi32>
        %add3A_1129 = arith.constant 16 : i32
        %add3A_1130 = vector.broadcast %add3A_1129 : i32 to vector<16xi32>
        %add3A_1131 = arith.addi %broadcast_in_dim3A_1025, %add3A_1130 : vector<16xi32>
        %select_n3A_1132 = arith.select %lt3A_1128, %add3A_1131, %broadcast_in_dim3A_1025 : vector<16xi1>, vector<16xi32>
        %broadcast_in_dim3A_1133 = vector.shape_cast %select_n3A_1132 : vector<16xi32> to vector<16x1xi32>
        %gather3A_1134 = vector.shape_cast %broadcast_in_dim3A_1133 : vector<16x1xi32> to vector<16xi32>
        %gather3A_1135 = tpu.dynamic_gather %add3A_1125[%gather3A_1134] in [0] : vector<16xf32>, vector<16xi32> -> vector<16xf32>
        %bitcast3A_1136 = vector.bitcast %add3A_1125 : vector<16xf32> to vector<16xi32>
        %shift_right_arithmetic3A_1137 = arith.constant 15 : i32
        %shift_right_arithmetic3A_1138 = vector.broadcast %shift_right_arithmetic3A_1137 : i32 to vector<16xi32>
        %shift_right_arithmetic3A_1139 = arith.shrsi %bitcast3A_1136, %shift_right_arithmetic3A_1138 : vector<16xi32>
        %sub3A_1140 = arith.constant 27404 : i32
        %sub3A_1141 = vector.broadcast %sub3A_1140 : i32 to vector<16xi32>
        %sub3A_1142 = arith.subi %shift_right_arithmetic3A_1139, %sub3A_1141 : vector<16xi32>
        %and3A_1143 = arith.constant 32767 : i32
        %and3A_1144 = vector.broadcast %and3A_1143 : i32 to vector<16xi32>
        %and3A_1145 = arith.andi %bitcast3A_1136, %and3A_1144 : vector<16xi32>
        %convert_element_type3A_1146 = arith.sitofp %and3A_1145 : vector<16xi32> to vector<16xf32>
        %gather3A_1147 = tpu.vector_load_idx %arg10[%sub3A_1142] : memref<7168xf32, #tpu.memory_space<vmem>>[vector<16xi32>], vector<16xf32>,
        %gather3A_1148 = tpu.vector_load_idx %arg11[%sub3A_1142] : memref<7168xf32, #tpu.memory_space<vmem>>[vector<16xi32>], vector<16xf32>,
        %mul3A_1149 = arith.mulf %convert_element_type3A_1146, %gather3A_1148 : vector<16xf32>
        %add3A_1150 = arith.addf %gather3A_1147, %mul3A_1149 : vector<16xf32>
        %jit3A_1151 = arith.constant 0.000000e+00 : f32
        %broadcast_in_dim3A_1152 = vector.broadcast %jit3A_1151 : f32 to vector<16xf32>
        %select_n3A_1153 = arith.select %ne3A_1121, %add3A_1150, %broadcast_in_dim3A_1152 : vector<16xi1>, vector<16xf32>
        %add3A_1154 = arith.addf %add3A_1110, %select_n3A_1153 : vector<16xf32>
        %bitcast3A_1155 = vector.bitcast %sort3A_984 : vector<16xf32> to vector<16xi32>
        %and3A_1156 = arith.constant 255 : i32
        %and3A_1157 = vector.broadcast %and3A_1156 : i32 to vector<16xi32>
        %and3A_1158 = arith.andi %bitcast3A_1155, %and3A_1157 : vector<16xi32>
        %gather3A_1159 = tpu.vector_load_idx %arg9[%and3A_1158] : memref<256xf32, #tpu.memory_space<vmem>>[vector<16xi32>], vector<16xf32>,
        %and3A_1160 = arith.constant -256 : i32
        %and3A_1161 = vector.broadcast %and3A_1160 : i32 to vector<16xi32>
        %and3A_1162 = arith.andi %bitcast3A_1155, %and3A_1161 : vector<16xi32>
        %ne3A_1163 = arith.constant -1082130432 : i32
        %ne3A_1164 = vector.broadcast %ne3A_1163 : i32 to vector<16xi32>
        %ne3A_1165 = arith.cmpi ne, %and3A_1162, %ne3A_1164 : vector<16xi32>
        %broadcast_in_dim3A_1166 = arith.constant true
        %broadcast_in_dim3A_1167 = vector.broadcast %broadcast_in_dim3A_1166 : i1 to vector<16xi1>
        %masked_cumsum3A_1168 = tpu.scan <sum>, %gather3A_1159 masked %broadcast_in_dim3A_1167 : vector<16xf32>, vector<16xi1> -> vector<16xf32>
        %add3A_1169 = arith.addf %masked_cumsum3A_1168, %gather3A_1135 : vector<16xf32>
        %lt3A_1170 = arith.constant 0 : i32
        %lt3A_1171 = vector.broadcast %lt3A_1170 : i32 to vector<16xi32>
        %lt3A_1172 = arith.cmpi slt, %broadcast_in_dim3A_1025, %lt3A_1171 : vector<16xi32>
        %add3A_1173 = arith.constant 16 : i32
        %add3A_1174 = vector.broadcast %add3A_1173 : i32 to vector<16xi32>
        %add3A_1175 = arith.addi %broadcast_in_dim3A_1025, %add3A_1174 : vector<16xi32>
        %select_n3A_1176 = arith.select %lt3A_1172, %add3A_1175, %broadcast_in_dim3A_1025 : vector<16xi1>, vector<16xi32>
        %broadcast_in_dim3A_1177 = vector.shape_cast %select_n3A_1176 : vector<16xi32> to vector<16x1xi32>
        %gather3A_1178 = vector.shape_cast %broadcast_in_dim3A_1177 : vector<16x1xi32> to vector<16xi32>
        %gather3A_1179 = tpu.dynamic_gather %add3A_1169[%gather3A_1178] in [0] : vector<16xf32>, vector<16xi32> -> vector<16xf32>
        %bitcast3A_1180 = vector.bitcast %add3A_1169 : vector<16xf32> to vector<16xi32>
        %shift_right_arithmetic3A_1181 = arith.constant 15 : i32
        %shift_right_arithmetic3A_1182 = vector.broadcast %shift_right_arithmetic3A_1181 : i32 to vector<16xi32>
        %shift_right_arithmetic3A_1183 = arith.shrsi %bitcast3A_1180, %shift_right_arithmetic3A_1182 : vector<16xi32>
        %sub3A_1184 = arith.constant 27404 : i32
        %sub3A_1185 = vector.broadcast %sub3A_1184 : i32 to vector<16xi32>
        %sub3A_1186 = arith.subi %shift_right_arithmetic3A_1183, %sub3A_1185 : vector<16xi32>
        %and3A_1187 = arith.constant 32767 : i32
        %and3A_1188 = vector.broadcast %and3A_1187 : i32 to vector<16xi32>
        %and3A_1189 = arith.andi %bitcast3A_1180, %and3A_1188 : vector<16xi32>
        %convert_element_type3A_1190 = arith.sitofp %and3A_1189 : vector<16xi32> to vector<16xf32>
        %gather3A_1191 = tpu.vector_load_idx %arg10[%sub3A_1186] : memref<7168xf32, #tpu.memory_space<vmem>>[vector<16xi32>], vector<16xf32>,
        %gather3A_1192 = tpu.vector_load_idx %arg11[%sub3A_1186] : memref<7168xf32, #tpu.memory_space<vmem>>[vector<16xi32>], vector<16xf32>,
        %mul3A_1193 = arith.mulf %convert_element_type3A_1190, %gather3A_1192 : vector<16xf32>
        %add3A_1194 = arith.addf %gather3A_1191, %mul3A_1193 : vector<16xf32>
        %jit3A_1195 = arith.constant 0.000000e+00 : f32
        %broadcast_in_dim3A_1196 = vector.broadcast %jit3A_1195 : f32 to vector<16xf32>
        %select_n3A_1197 = arith.select %ne3A_1165, %add3A_1194, %broadcast_in_dim3A_1196 : vector<16xi1>, vector<16xf32>
        %add3A_1198 = arith.addf %add3A_1154, %select_n3A_1197 : vector<16xf32>
        %bitcast3A_1199 = vector.bitcast %sort3A_988 : vector<16xf32> to vector<16xi32>
        %and3A_1200 = arith.constant 255 : i32
        %and3A_1201 = vector.broadcast %and3A_1200 : i32 to vector<16xi32>
        %and3A_1202 = arith.andi %bitcast3A_1199, %and3A_1201 : vector<16xi32>
        %gather3A_1203 = tpu.vector_load_idx %arg9[%and3A_1202] : memref<256xf32, #tpu.memory_space<vmem>>[vector<16xi32>], vector<16xf32>,
        %and3A_1204 = arith.constant -256 : i32
        %and3A_1205 = vector.broadcast %and3A_1204 : i32 to vector<16xi32>
        %and3A_1206 = arith.andi %bitcast3A_1199, %and3A_1205 : vector<16xi32>
        %ne3A_1207 = arith.constant -1082130432 : i32
        %ne3A_1208 = vector.broadcast %ne3A_1207 : i32 to vector<16xi32>
        %ne3A_1209 = arith.cmpi ne, %and3A_1206, %ne3A_1208 : vector<16xi32>
        %broadcast_in_dim3A_1210 = arith.constant true
        %broadcast_in_dim3A_1211 = vector.broadcast %broadcast_in_dim3A_1210 : i1 to vector<16xi1>
        %masked_cumsum3A_1212 = tpu.scan <sum>, %gather3A_1203 masked %broadcast_in_dim3A_1211 : vector<16xf32>, vector<16xi1> -> vector<16xf32>
        %add3A_1213 = arith.addf %masked_cumsum3A_1212, %gather3A_1179 : vector<16xf32>
        %lt3A_1214 = arith.constant 0 : i32
        %lt3A_1215 = vector.broadcast %lt3A_1214 : i32 to vector<16xi32>
        %lt3A_1216 = arith.cmpi slt, %broadcast_in_dim3A_1025, %lt3A_1215 : vector<16xi32>
        %add3A_1217 = arith.constant 16 : i32
        %add3A_1218 = vector.broadcast %add3A_1217 : i32 to vector<16xi32>
        %add3A_1219 = arith.addi %broadcast_in_dim3A_1025, %add3A_1218 : vector<16xi32>
        %select_n3A_1220 = arith.select %lt3A_1216, %add3A_1219, %broadcast_in_dim3A_1025 : vector<16xi1>, vector<16xi32>
        %broadcast_in_dim3A_1221 = vector.shape_cast %select_n3A_1220 : vector<16xi32> to vector<16x1xi32>
        %gather3A_1222 = vector.shape_cast %broadcast_in_dim3A_1221 : vector<16x1xi32> to vector<16xi32>
        %gather3A_1223 = tpu.dynamic_gather %add3A_1213[%gather3A_1222] in [0] : vector<16xf32>, vector<16xi32> -> vector<16xf32>
        %bitcast3A_1224 = vector.bitcast %add3A_1213 : vector<16xf32> to vector<16xi32>
        %shift_right_arithmetic3A_1225 = arith.constant 15 : i32
        %shift_right_arithmetic3A_1226 = vector.broadcast %shift_right_arithmetic3A_1225 : i32 to vector<16xi32>
        %shift_right_arithmetic3A_1227 = arith.shrsi %bitcast3A_1224, %shift_right_arithmetic3A_1226 : vector<16xi32>
        %sub3A_1228 = arith.constant 27404 : i32
        %sub3A_1229 = vector.broadcast %sub3A_1228 : i32 to vector<16xi32>
        %sub3A_1230 = arith.subi %shift_right_arithmetic3A_1227, %sub3A_1229 : vector<16xi32>
        %and3A_1231 = arith.constant 32767 : i32
        %and3A_1232 = vector.broadcast %and3A_1231 : i32 to vector<16xi32>
        %and3A_1233 = arith.andi %bitcast3A_1224, %and3A_1232 : vector<16xi32>
        %convert_element_type3A_1234 = arith.sitofp %and3A_1233 : vector<16xi32> to vector<16xf32>
        %gather3A_1235 = tpu.vector_load_idx %arg10[%sub3A_1230] : memref<7168xf32, #tpu.memory_space<vmem>>[vector<16xi32>], vector<16xf32>,
        %gather3A_1236 = tpu.vector_load_idx %arg11[%sub3A_1230] : memref<7168xf32, #tpu.memory_space<vmem>>[vector<16xi32>], vector<16xf32>,
        %mul3A_1237 = arith.mulf %convert_element_type3A_1234, %gather3A_1236 : vector<16xf32>
        %add3A_1238 = arith.addf %gather3A_1235, %mul3A_1237 : vector<16xf32>
        %jit3A_1239 = arith.constant 0.000000e+00 : f32
        %broadcast_in_dim3A_1240 = vector.broadcast %jit3A_1239 : f32 to vector<16xf32>
        %select_n3A_1241 = arith.select %ne3A_1209, %add3A_1238, %broadcast_in_dim3A_1240 : vector<16xi1>, vector<16xf32>
        %add3A_1242 = arith.addf %add3A_1198, %select_n3A_1241 : vector<16xf32>
        %bitcast3A_1243 = vector.bitcast %sort3A_992 : vector<16xf32> to vector<16xi32>
        %and3A_1244 = arith.constant 255 : i32
        %and3A_1245 = vector.broadcast %and3A_1244 : i32 to vector<16xi32>
        %and3A_1246 = arith.andi %bitcast3A_1243, %and3A_1245 : vector<16xi32>
        %gather3A_1247 = tpu.vector_load_idx %arg9[%and3A_1246] : memref<256xf32, #tpu.memory_space<vmem>>[vector<16xi32>], vector<16xf32>,
        %and3A_1248 = arith.constant -256 : i32
        %and3A_1249 = vector.broadcast %and3A_1248 : i32 to vector<16xi32>
        %and3A_1250 = arith.andi %bitcast3A_1243, %and3A_1249 : vector<16xi32>
        %ne3A_1251 = arith.constant -1082130432 : i32
        %ne3A_1252 = vector.broadcast %ne3A_1251 : i32 to vector<16xi32>
        %ne3A_1253 = arith.cmpi ne, %and3A_1250, %ne3A_1252 : vector<16xi32>
        %broadcast_in_dim3A_1254 = arith.constant true
        %broadcast_in_dim3A_1255 = vector.broadcast %broadcast_in_dim3A_1254 : i1 to vector<16xi1>
        %masked_cumsum3A_1256 = tpu.scan <sum>, %gather3A_1247 masked %broadcast_in_dim3A_1255 : vector<16xf32>, vector<16xi1> -> vector<16xf32>
        %add3A_1257 = arith.addf %masked_cumsum3A_1256, %gather3A_1223 : vector<16xf32>
        %lt3A_1258 = arith.constant 0 : i32
        %lt3A_1259 = vector.broadcast %lt3A_1258 : i32 to vector<16xi32>
        %lt3A_1260 = arith.cmpi slt, %broadcast_in_dim3A_1025, %lt3A_1259 : vector<16xi32>
        %add3A_1261 = arith.constant 16 : i32
        %add3A_1262 = vector.broadcast %add3A_1261 : i32 to vector<16xi32>
        %add3A_1263 = arith.addi %broadcast_in_dim3A_1025, %add3A_1262 : vector<16xi32>
        %select_n3A_1264 = arith.select %lt3A_1260, %add3A_1263, %broadcast_in_dim3A_1025 : vector<16xi1>, vector<16xi32>
        %broadcast_in_dim3A_1265 = vector.shape_cast %select_n3A_1264 : vector<16xi32> to vector<16x1xi32>
        %gather3A_1266 = vector.shape_cast %broadcast_in_dim3A_1265 : vector<16x1xi32> to vector<16xi32>
        %gather3A_1267 = tpu.dynamic_gather %add3A_1257[%gather3A_1266] in [0] : vector<16xf32>, vector<16xi32> -> vector<16xf32>
        %bitcast3A_1268 = vector.bitcast %add3A_1257 : vector<16xf32> to vector<16xi32>
        %shift_right_arithmetic3A_1269 = arith.constant 15 : i32
        %shift_right_arithmetic3A_1270 = vector.broadcast %shift_right_arithmetic3A_1269 : i32 to vector<16xi32>
        %shift_right_arithmetic3A_1271 = arith.shrsi %bitcast3A_1268, %shift_right_arithmetic3A_1270 : vector<16xi32>
        %sub3A_1272 = arith.constant 27404 : i32
        %sub3A_1273 = vector.broadcast %sub3A_1272 : i32 to vector<16xi32>
        %sub3A_1274 = arith.subi %shift_right_arithmetic3A_1271, %sub3A_1273 : vector<16xi32>
        %and3A_1275 = arith.constant 32767 : i32
        %and3A_1276 = vector.broadcast %and3A_1275 : i32 to vector<16xi32>
        %and3A_1277 = arith.andi %bitcast3A_1268, %and3A_1276 : vector<16xi32>
        %convert_element_type3A_1278 = arith.sitofp %and3A_1277 : vector<16xi32> to vector<16xf32>
        %gather3A_1279 = tpu.vector_load_idx %arg10[%sub3A_1274] : memref<7168xf32, #tpu.memory_space<vmem>>[vector<16xi32>], vector<16xf32>,
        %gather3A_1280 = tpu.vector_load_idx %arg11[%sub3A_1274] : memref<7168xf32, #tpu.memory_space<vmem>>[vector<16xi32>], vector<16xf32>,
        %mul3A_1281 = arith.mulf %convert_element_type3A_1278, %gather3A_1280 : vector<16xf32>
        %add3A_1282 = arith.addf %gather3A_1279, %mul3A_1281 : vector<16xf32>
        %jit3A_1283 = arith.constant 0.000000e+00 : f32
        %broadcast_in_dim3A_1284 = vector.broadcast %jit3A_1283 : f32 to vector<16xf32>
        %select_n3A_1285 = arith.select %ne3A_1253, %add3A_1282, %broadcast_in_dim3A_1284 : vector<16xi1>, vector<16xf32>
        %add3A_1286 = arith.addf %add3A_1242, %select_n3A_1285 : vector<16xf32>
        %bitcast3A_1287 = vector.bitcast %sort3A_996 : vector<16xf32> to vector<16xi32>
        %and3A_1288 = arith.constant 255 : i32
        %and3A_1289 = vector.broadcast %and3A_1288 : i32 to vector<16xi32>
        %and3A_1290 = arith.andi %bitcast3A_1287, %and3A_1289 : vector<16xi32>
        %gather3A_1291 = tpu.vector_load_idx %arg9[%and3A_1290] : memref<256xf32, #tpu.memory_space<vmem>>[vector<16xi32>], vector<16xf32>,
        %and3A_1292 = arith.constant -256 : i32
        %and3A_1293 = vector.broadcast %and3A_1292 : i32 to vector<16xi32>
        %and3A_1294 = arith.andi %bitcast3A_1287, %and3A_1293 : vector<16xi32>
        %ne3A_1295 = arith.constant -1082130432 : i32
        %ne3A_1296 = vector.broadcast %ne3A_1295 : i32 to vector<16xi32>
        %ne3A_1297 = arith.cmpi ne, %and3A_1294, %ne3A_1296 : vector<16xi32>
        %broadcast_in_dim3A_1298 = arith.constant true
        %broadcast_in_dim3A_1299 = vector.broadcast %broadcast_in_dim3A_1298 : i1 to vector<16xi1>
        %masked_cumsum3A_1300 = tpu.scan <sum>, %gather3A_1291 masked %broadcast_in_dim3A_1299 : vector<16xf32>, vector<16xi1> -> vector<16xf32>
        %add3A_1301 = arith.addf %masked_cumsum3A_1300, %gather3A_1267 : vector<16xf32>
        %lt3A_1302 = arith.constant 0 : i32
        %lt3A_1303 = vector.broadcast %lt3A_1302 : i32 to vector<16xi32>
        %lt3A_1304 = arith.cmpi slt, %broadcast_in_dim3A_1025, %lt3A_1303 : vector<16xi32>
        %add3A_1305 = arith.constant 16 : i32
        %add3A_1306 = vector.broadcast %add3A_1305 : i32 to vector<16xi32>
        %add3A_1307 = arith.addi %broadcast_in_dim3A_1025, %add3A_1306 : vector<16xi32>
        %select_n3A_1308 = arith.select %lt3A_1304, %add3A_1307, %broadcast_in_dim3A_1025 : vector<16xi1>, vector<16xi32>
        %broadcast_in_dim3A_1309 = vector.shape_cast %select_n3A_1308 : vector<16xi32> to vector<16x1xi32>
        %gather3A_1310 = vector.shape_cast %broadcast_in_dim3A_1309 : vector<16x1xi32> to vector<16xi32>
        %gather3A_1311 = tpu.dynamic_gather %add3A_1301[%gather3A_1310] in [0] : vector<16xf32>, vector<16xi32> -> vector<16xf32>
        %bitcast3A_1312 = vector.bitcast %add3A_1301 : vector<16xf32> to vector<16xi32>
        %shift_right_arithmetic3A_1313 = arith.constant 15 : i32
        %shift_right_arithmetic3A_1314 = vector.broadcast %shift_right_arithmetic3A_1313 : i32 to vector<16xi32>
        %shift_right_arithmetic3A_1315 = arith.shrsi %bitcast3A_1312, %shift_right_arithmetic3A_1314 : vector<16xi32>
        %sub3A_1316 = arith.constant 27404 : i32
        %sub3A_1317 = vector.broadcast %sub3A_1316 : i32 to vector<16xi32>
        %sub3A_1318 = arith.subi %shift_right_arithmetic3A_1315, %sub3A_1317 : vector<16xi32>
        %and3A_1319 = arith.constant 32767 : i32
        %and3A_1320 = vector.broadcast %and3A_1319 : i32 to vector<16xi32>
        %and3A_1321 = arith.andi %bitcast3A_1312, %and3A_1320 : vector<16xi32>
        %convert_element_type3A_1322 = arith.sitofp %and3A_1321 : vector<16xi32> to vector<16xf32>
        %gather3A_1323 = tpu.vector_load_idx %arg10[%sub3A_1318] : memref<7168xf32, #tpu.memory_space<vmem>>[vector<16xi32>], vector<16xf32>,
        %gather3A_1324 = tpu.vector_load_idx %arg11[%sub3A_1318] : memref<7168xf32, #tpu.memory_space<vmem>>[vector<16xi32>], vector<16xf32>,
        %mul3A_1325 = arith.mulf %convert_element_type3A_1322, %gather3A_1324 : vector<16xf32>
        %add3A_1326 = arith.addf %gather3A_1323, %mul3A_1325 : vector<16xf32>
        %jit3A_1327 = arith.constant 0.000000e+00 : f32
        %broadcast_in_dim3A_1328 = vector.broadcast %jit3A_1327 : f32 to vector<16xf32>
        %select_n3A_1329 = arith.select %ne3A_1297, %add3A_1326, %broadcast_in_dim3A_1328 : vector<16xi1>, vector<16xf32>
        %add3A_1330 = arith.addf %add3A_1286, %select_n3A_1329 : vector<16xf32>
        %bitcast3A_1331 = vector.bitcast %sort3A_1000 : vector<16xf32> to vector<16xi32>
        %and3A_1332 = arith.constant 255 : i32
        %and3A_1333 = vector.broadcast %and3A_1332 : i32 to vector<16xi32>
        %and3A_1334 = arith.andi %bitcast3A_1331, %and3A_1333 : vector<16xi32>
        %gather3A_1335 = tpu.vector_load_idx %arg9[%and3A_1334] : memref<256xf32, #tpu.memory_space<vmem>>[vector<16xi32>], vector<16xf32>,
        %and3A_1336 = arith.constant -256 : i32
        %and3A_1337 = vector.broadcast %and3A_1336 : i32 to vector<16xi32>
        %and3A_1338 = arith.andi %bitcast3A_1331, %and3A_1337 : vector<16xi32>
        %ne3A_1339 = arith.constant -1082130432 : i32
        %ne3A_1340 = vector.broadcast %ne3A_1339 : i32 to vector<16xi32>
        %ne3A_1341 = arith.cmpi ne, %and3A_1338, %ne3A_1340 : vector<16xi32>
        %broadcast_in_dim3A_1342 = arith.constant true
        %broadcast_in_dim3A_1343 = vector.broadcast %broadcast_in_dim3A_1342 : i1 to vector<16xi1>
        %masked_cumsum3A_1344 = tpu.scan <sum>, %gather3A_1335 masked %broadcast_in_dim3A_1343 : vector<16xf32>, vector<16xi1> -> vector<16xf32>
        %add3A_1345 = arith.addf %masked_cumsum3A_1344, %gather3A_1311 : vector<16xf32>
        %lt3A_1346 = arith.constant 0 : i32
        %lt3A_1347 = vector.broadcast %lt3A_1346 : i32 to vector<16xi32>
        %lt3A_1348 = arith.cmpi slt, %broadcast_in_dim3A_1025, %lt3A_1347 : vector<16xi32>
        %add3A_1349 = arith.constant 16 : i32
        %add3A_1350 = vector.broadcast %add3A_1349 : i32 to vector<16xi32>
        %add3A_1351 = arith.addi %broadcast_in_dim3A_1025, %add3A_1350 : vector<16xi32>
        %select_n3A_1352 = arith.select %lt3A_1348, %add3A_1351, %broadcast_in_dim3A_1025 : vector<16xi1>, vector<16xi32>
        %broadcast_in_dim3A_1353 = vector.shape_cast %select_n3A_1352 : vector<16xi32> to vector<16x1xi32>
        %gather3A_1354 = vector.shape_cast %broadcast_in_dim3A_1353 : vector<16x1xi32> to vector<16xi32>
        %gather3A_1355 = tpu.dynamic_gather %add3A_1345[%gather3A_1354] in [0] : vector<16xf32>, vector<16xi32> -> vector<16xf32>
        %bitcast3A_1356 = vector.bitcast %add3A_1345 : vector<16xf32> to vector<16xi32>
        %shift_right_arithmetic3A_1357 = arith.constant 15 : i32
        %shift_right_arithmetic3A_1358 = vector.broadcast %shift_right_arithmetic3A_1357 : i32 to vector<16xi32>
        %shift_right_arithmetic3A_1359 = arith.shrsi %bitcast3A_1356, %shift_right_arithmetic3A_1358 : vector<16xi32>
        %sub3A_1360 = arith.constant 27404 : i32
        %sub3A_1361 = vector.broadcast %sub3A_1360 : i32 to vector<16xi32>
        %sub3A_1362 = arith.subi %shift_right_arithmetic3A_1359, %sub3A_1361 : vector<16xi32>
        %and3A_1363 = arith.constant 32767 : i32
        %and3A_1364 = vector.broadcast %and3A_1363 : i32 to vector<16xi32>
        %and3A_1365 = arith.andi %bitcast3A_1356, %and3A_1364 : vector<16xi32>
        %convert_element_type3A_1366 = arith.sitofp %and3A_1365 : vector<16xi32> to vector<16xf32>
        %gather3A_1367 = tpu.vector_load_idx %arg10[%sub3A_1362] : memref<7168xf32, #tpu.memory_space<vmem>>[vector<16xi32>], vector<16xf32>,
        %gather3A_1368 = tpu.vector_load_idx %arg11[%sub3A_1362] : memref<7168xf32, #tpu.memory_space<vmem>>[vector<16xi32>], vector<16xf32>,
        %mul3A_1369 = arith.mulf %convert_element_type3A_1366, %gather3A_1368 : vector<16xf32>
        %add3A_1370 = arith.addf %gather3A_1367, %mul3A_1369 : vector<16xf32>
        %jit3A_1371 = arith.constant 0.000000e+00 : f32
        %broadcast_in_dim3A_1372 = vector.broadcast %jit3A_1371 : f32 to vector<16xf32>
        %select_n3A_1373 = arith.select %ne3A_1341, %add3A_1370, %broadcast_in_dim3A_1372 : vector<16xi1>, vector<16xf32>
        %add3A_1374 = arith.addf %add3A_1330, %select_n3A_1373 : vector<16xf32>
        %bitcast3A_1375 = vector.bitcast %sort3A_1004 : vector<16xf32> to vector<16xi32>
        %and3A_1376 = arith.constant 255 : i32
        %and3A_1377 = vector.broadcast %and3A_1376 : i32 to vector<16xi32>
        %and3A_1378 = arith.andi %bitcast3A_1375, %and3A_1377 : vector<16xi32>
        %gather3A_1379 = tpu.vector_load_idx %arg9[%and3A_1378] : memref<256xf32, #tpu.memory_space<vmem>>[vector<16xi32>], vector<16xf32>,
        %and3A_1380 = arith.constant -256 : i32
        %and3A_1381 = vector.broadcast %and3A_1380 : i32 to vector<16xi32>
        %and3A_1382 = arith.andi %bitcast3A_1375, %and3A_1381 : vector<16xi32>
        %ne3A_1383 = arith.constant -1082130432 : i32
        %ne3A_1384 = vector.broadcast %ne3A_1383 : i32 to vector<16xi32>
        %ne3A_1385 = arith.cmpi ne, %and3A_1382, %ne3A_1384 : vector<16xi32>
        %broadcast_in_dim3A_1386 = arith.constant true
        %broadcast_in_dim3A_1387 = vector.broadcast %broadcast_in_dim3A_1386 : i1 to vector<16xi1>
        %masked_cumsum3A_1388 = tpu.scan <sum>, %gather3A_1379 masked %broadcast_in_dim3A_1387 : vector<16xf32>, vector<16xi1> -> vector<16xf32>
        %add3A_1389 = arith.addf %masked_cumsum3A_1388, %gather3A_1355 : vector<16xf32>
        %lt3A_1390 = arith.constant 0 : i32
        %lt3A_1391 = vector.broadcast %lt3A_1390 : i32 to vector<16xi32>
        %lt3A_1392 = arith.cmpi slt, %broadcast_in_dim3A_1025, %lt3A_1391 : vector<16xi32>
        %add3A_1393 = arith.constant 16 : i32
        %add3A_1394 = vector.broadcast %add3A_1393 : i32 to vector<16xi32>
        %add3A_1395 = arith.addi %broadcast_in_dim3A_1025, %add3A_1394 : vector<16xi32>
        %select_n3A_1396 = arith.select %lt3A_1392, %add3A_1395, %broadcast_in_dim3A_1025 : vector<16xi1>, vector<16xi32>
        %broadcast_in_dim3A_1397 = vector.shape_cast %select_n3A_1396 : vector<16xi32> to vector<16x1xi32>
        %gather3A_1398 = vector.shape_cast %broadcast_in_dim3A_1397 : vector<16x1xi32> to vector<16xi32>
        %gather3A_1399 = tpu.dynamic_gather %add3A_1389[%gather3A_1398] in [0] : vector<16xf32>, vector<16xi32> -> vector<16xf32>
        %bitcast3A_1400 = vector.bitcast %add3A_1389 : vector<16xf32> to vector<16xi32>
        %shift_right_arithmetic3A_1401 = arith.constant 15 : i32
        %shift_right_arithmetic3A_1402 = vector.broadcast %shift_right_arithmetic3A_1401 : i32 to vector<16xi32>
        %shift_right_arithmetic3A_1403 = arith.shrsi %bitcast3A_1400, %shift_right_arithmetic3A_1402 : vector<16xi32>
        %sub3A_1404 = arith.constant 27404 : i32
        %sub3A_1405 = vector.broadcast %sub3A_1404 : i32 to vector<16xi32>
        %sub3A_1406 = arith.subi %shift_right_arithmetic3A_1403, %sub3A_1405 : vector<16xi32>
        %and3A_1407 = arith.constant 32767 : i32
        %and3A_1408 = vector.broadcast %and3A_1407 : i32 to vector<16xi32>
        %and3A_1409 = arith.andi %bitcast3A_1400, %and3A_1408 : vector<16xi32>
        %convert_element_type3A_1410 = arith.sitofp %and3A_1409 : vector<16xi32> to vector<16xf32>
        %gather3A_1411 = tpu.vector_load_idx %arg10[%sub3A_1406] : memref<7168xf32, #tpu.memory_space<vmem>>[vector<16xi32>], vector<16xf32>,
        %gather3A_1412 = tpu.vector_load_idx %arg11[%sub3A_1406] : memref<7168xf32, #tpu.memory_space<vmem>>[vector<16xi32>], vector<16xf32>,
        %mul3A_1413 = arith.mulf %convert_element_type3A_1410, %gather3A_1412 : vector<16xf32>
        %add3A_1414 = arith.addf %gather3A_1411, %mul3A_1413 : vector<16xf32>
        %jit3A_1415 = arith.constant 0.000000e+00 : f32
        %broadcast_in_dim3A_1416 = vector.broadcast %jit3A_1415 : f32 to vector<16xf32>
        %select_n3A_1417 = arith.select %ne3A_1385, %add3A_1414, %broadcast_in_dim3A_1416 : vector<16xi1>, vector<16xf32>
        %add3A_1418 = arith.addf %add3A_1374, %select_n3A_1417 : vector<16xf32>
        %bitcast3A_1419 = vector.bitcast %sort3A_1008 : vector<16xf32> to vector<16xi32>
        %and3A_1420 = arith.constant 255 : i32
        %and3A_1421 = vector.broadcast %and3A_1420 : i32 to vector<16xi32>
        %and3A_1422 = arith.andi %bitcast3A_1419, %and3A_1421 : vector<16xi32>
        %gather3A_1423 = tpu.vector_load_idx %arg9[%and3A_1422] : memref<256xf32, #tpu.memory_space<vmem>>[vector<16xi32>], vector<16xf32>,
        %and3A_1424 = arith.constant -256 : i32
        %and3A_1425 = vector.broadcast %and3A_1424 : i32 to vector<16xi32>
        %and3A_1426 = arith.andi %bitcast3A_1419, %and3A_1425 : vector<16xi32>
        %ne3A_1427 = arith.constant -1082130432 : i32
        %ne3A_1428 = vector.broadcast %ne3A_1427 : i32 to vector<16xi32>
        %ne3A_1429 = arith.cmpi ne, %and3A_1426, %ne3A_1428 : vector<16xi32>
        %broadcast_in_dim3A_1430 = arith.constant true
        %broadcast_in_dim3A_1431 = vector.broadcast %broadcast_in_dim3A_1430 : i1 to vector<16xi1>
        %masked_cumsum3A_1432 = tpu.scan <sum>, %gather3A_1423 masked %broadcast_in_dim3A_1431 : vector<16xf32>, vector<16xi1> -> vector<16xf32>
        %add3A_1433 = arith.addf %masked_cumsum3A_1432, %gather3A_1399 : vector<16xf32>
        %lt3A_1434 = arith.constant 0 : i32
        %lt3A_1435 = vector.broadcast %lt3A_1434 : i32 to vector<16xi32>
        %lt3A_1436 = arith.cmpi slt, %broadcast_in_dim3A_1025, %lt3A_1435 : vector<16xi32>
        %add3A_1437 = arith.constant 16 : i32
        %add3A_1438 = vector.broadcast %add3A_1437 : i32 to vector<16xi32>
        %add3A_1439 = arith.addi %broadcast_in_dim3A_1025, %add3A_1438 : vector<16xi32>
        %select_n3A_1440 = arith.select %lt3A_1436, %add3A_1439, %broadcast_in_dim3A_1025 : vector<16xi1>, vector<16xi32>
        %broadcast_in_dim3A_1441 = vector.shape_cast %select_n3A_1440 : vector<16xi32> to vector<16x1xi32>
        %gather3A_1442 = vector.shape_cast %broadcast_in_dim3A_1441 : vector<16x1xi32> to vector<16xi32>
        %gather3A_1443 = tpu.dynamic_gather %add3A_1433[%gather3A_1442] in [0] : vector<16xf32>, vector<16xi32> -> vector<16xf32>
        %bitcast3A_1444 = vector.bitcast %add3A_1433 : vector<16xf32> to vector<16xi32>
        %shift_right_arithmetic3A_1445 = arith.constant 15 : i32
        %shift_right_arithmetic3A_1446 = vector.broadcast %shift_right_arithmetic3A_1445 : i32 to vector<16xi32>
        %shift_right_arithmetic3A_1447 = arith.shrsi %bitcast3A_1444, %shift_right_arithmetic3A_1446 : vector<16xi32>
        %sub3A_1448 = arith.constant 27404 : i32
        %sub3A_1449 = vector.broadcast %sub3A_1448 : i32 to vector<16xi32>
        %sub3A_1450 = arith.subi %shift_right_arithmetic3A_1447, %sub3A_1449 : vector<16xi32>
        %and3A_1451 = arith.constant 32767 : i32
        %and3A_1452 = vector.broadcast %and3A_1451 : i32 to vector<16xi32>
        %and3A_1453 = arith.andi %bitcast3A_1444, %and3A_1452 : vector<16xi32>
        %convert_element_type3A_1454 = arith.sitofp %and3A_1453 : vector<16xi32> to vector<16xf32>
        %gather3A_1455 = tpu.vector_load_idx %arg10[%sub3A_1450] : memref<7168xf32, #tpu.memory_space<vmem>>[vector<16xi32>], vector<16xf32>,
        %gather3A_1456 = tpu.vector_load_idx %arg11[%sub3A_1450] : memref<7168xf32, #tpu.memory_space<vmem>>[vector<16xi32>], vector<16xf32>,
        %mul3A_1457 = arith.mulf %convert_element_type3A_1454, %gather3A_1456 : vector<16xf32>
        %add3A_1458 = arith.addf %gather3A_1455, %mul3A_1457 : vector<16xf32>
        %jit3A_1459 = arith.constant 0.000000e+00 : f32
        %broadcast_in_dim3A_1460 = vector.broadcast %jit3A_1459 : f32 to vector<16xf32>
        %select_n3A_1461 = arith.select %ne3A_1429, %add3A_1458, %broadcast_in_dim3A_1460 : vector<16xi1>, vector<16xf32>
        %add3A_1462 = arith.addf %add3A_1418, %select_n3A_1461 : vector<16xf32>
        %bitcast3A_1463 = vector.bitcast %sort3A_1012 : vector<16xf32> to vector<16xi32>
        %and3A_1464 = arith.constant 255 : i32
        %and3A_1465 = vector.broadcast %and3A_1464 : i32 to vector<16xi32>
        %and3A_1466 = arith.andi %bitcast3A_1463, %and3A_1465 : vector<16xi32>
        %gather3A_1467 = tpu.vector_load_idx %arg9[%and3A_1466] : memref<256xf32, #tpu.memory_space<vmem>>[vector<16xi32>], vector<16xf32>,
        %and3A_1468 = arith.constant -256 : i32
        %and3A_1469 = vector.broadcast %and3A_1468 : i32 to vector<16xi32>
        %and3A_1470 = arith.andi %bitcast3A_1463, %and3A_1469 : vector<16xi32>
        %ne3A_1471 = arith.constant -1082130432 : i32
        %ne3A_1472 = vector.broadcast %ne3A_1471 : i32 to vector<16xi32>
        %ne3A_1473 = arith.cmpi ne, %and3A_1470, %ne3A_1472 : vector<16xi32>
        %broadcast_in_dim3A_1474 = arith.constant true
        %broadcast_in_dim3A_1475 = vector.broadcast %broadcast_in_dim3A_1474 : i1 to vector<16xi1>
        %masked_cumsum3A_1476 = tpu.scan <sum>, %gather3A_1467 masked %broadcast_in_dim3A_1475 : vector<16xf32>, vector<16xi1> -> vector<16xf32>
        %add3A_1477 = arith.addf %masked_cumsum3A_1476, %gather3A_1443 : vector<16xf32>
        %lt3A_1478 = arith.constant 0 : i32
        %lt3A_1479 = vector.broadcast %lt3A_1478 : i32 to vector<16xi32>
        %lt3A_1480 = arith.cmpi slt, %broadcast_in_dim3A_1025, %lt3A_1479 : vector<16xi32>
        %add3A_1481 = arith.constant 16 : i32
        %add3A_1482 = vector.broadcast %add3A_1481 : i32 to vector<16xi32>
        %add3A_1483 = arith.addi %broadcast_in_dim3A_1025, %add3A_1482 : vector<16xi32>
        %select_n3A_1484 = arith.select %lt3A_1480, %add3A_1483, %broadcast_in_dim3A_1025 : vector<16xi1>, vector<16xi32>
        %broadcast_in_dim3A_1485 = vector.shape_cast %select_n3A_1484 : vector<16xi32> to vector<16x1xi32>
        %gather3A_1486 = vector.shape_cast %broadcast_in_dim3A_1485 : vector<16x1xi32> to vector<16xi32>
        %gather3A_1487 = tpu.dynamic_gather %add3A_1477[%gather3A_1486] in [0] : vector<16xf32>, vector<16xi32> -> vector<16xf32>
        %bitcast3A_1488 = vector.bitcast %add3A_1477 : vector<16xf32> to vector<16xi32>
        %shift_right_arithmetic3A_1489 = arith.constant 15 : i32
        %shift_right_arithmetic3A_1490 = vector.broadcast %shift_right_arithmetic3A_1489 : i32 to vector<16xi32>
        %shift_right_arithmetic3A_1491 = arith.shrsi %bitcast3A_1488, %shift_right_arithmetic3A_1490 : vector<16xi32>
        %sub3A_1492 = arith.constant 27404 : i32
        %sub3A_1493 = vector.broadcast %sub3A_1492 : i32 to vector<16xi32>
        %sub3A_1494 = arith.subi %shift_right_arithmetic3A_1491, %sub3A_1493 : vector<16xi32>
        %and3A_1495 = arith.constant 32767 : i32
        %and3A_1496 = vector.broadcast %and3A_1495 : i32 to vector<16xi32>
        %and3A_1497 = arith.andi %bitcast3A_1488, %and3A_1496 : vector<16xi32>
        %convert_element_type3A_1498 = arith.sitofp %and3A_1497 : vector<16xi32> to vector<16xf32>
        %gather3A_1499 = tpu.vector_load_idx %arg10[%sub3A_1494] : memref<7168xf32, #tpu.memory_space<vmem>>[vector<16xi32>], vector<16xf32>,
        %gather3A_1500 = tpu.vector_load_idx %arg11[%sub3A_1494] : memref<7168xf32, #tpu.memory_space<vmem>>[vector<16xi32>], vector<16xf32>,
        %mul3A_1501 = arith.mulf %convert_element_type3A_1498, %gather3A_1500 : vector<16xf32>
        %add3A_1502 = arith.addf %gather3A_1499, %mul3A_1501 : vector<16xf32>
        %jit3A_1503 = arith.constant 0.000000e+00 : f32
        %broadcast_in_dim3A_1504 = vector.broadcast %jit3A_1503 : f32 to vector<16xf32>
        %select_n3A_1505 = arith.select %ne3A_1473, %add3A_1502, %broadcast_in_dim3A_1504 : vector<16xi1>, vector<16xf32>
        %add3A_1506 = arith.addf %add3A_1462, %select_n3A_1505 : vector<16xf32>
        %bitcast3A_1507 = vector.bitcast %sort3A_1016 : vector<16xf32> to vector<16xi32>
        %and3A_1508 = arith.constant 255 : i32
        %and3A_1509 = vector.broadcast %and3A_1508 : i32 to vector<16xi32>
        %and3A_1510 = arith.andi %bitcast3A_1507, %and3A_1509 : vector<16xi32>
        %gather3A_1511 = tpu.vector_load_idx %arg9[%and3A_1510] : memref<256xf32, #tpu.memory_space<vmem>>[vector<16xi32>], vector<16xf32>,
        %and3A_1512 = arith.constant -256 : i32
        %and3A_1513 = vector.broadcast %and3A_1512 : i32 to vector<16xi32>
        %and3A_1514 = arith.andi %bitcast3A_1507, %and3A_1513 : vector<16xi32>
        %ne3A_1515 = arith.constant -1082130432 : i32
        %ne3A_1516 = vector.broadcast %ne3A_1515 : i32 to vector<16xi32>
        %ne3A_1517 = arith.cmpi ne, %and3A_1514, %ne3A_1516 : vector<16xi32>
        %broadcast_in_dim3A_1518 = arith.constant true
        %broadcast_in_dim3A_1519 = vector.broadcast %broadcast_in_dim3A_1518 : i1 to vector<16xi1>
        %masked_cumsum3A_1520 = tpu.scan <sum>, %gather3A_1511 masked %broadcast_in_dim3A_1519 : vector<16xf32>, vector<16xi1> -> vector<16xf32>
        %add3A_1521 = arith.addf %masked_cumsum3A_1520, %gather3A_1487 : vector<16xf32>
        %lt3A_1522 = arith.constant 0 : i32
        %lt3A_1523 = vector.broadcast %lt3A_1522 : i32 to vector<16xi32>
        %lt3A_1524 = arith.cmpi slt, %broadcast_in_dim3A_1025, %lt3A_1523 : vector<16xi32>
        %add3A_1525 = arith.constant 16 : i32
        %add3A_1526 = vector.broadcast %add3A_1525 : i32 to vector<16xi32>
        %add3A_1527 = arith.addi %broadcast_in_dim3A_1025, %add3A_1526 : vector<16xi32>
        %select_n3A_1528 = arith.select %lt3A_1524, %add3A_1527, %broadcast_in_dim3A_1025 : vector<16xi1>, vector<16xi32>
        %broadcast_in_dim3A_1529 = vector.shape_cast %select_n3A_1528 : vector<16xi32> to vector<16x1xi32>
        %gather3A_1530 = vector.shape_cast %broadcast_in_dim3A_1529 : vector<16x1xi32> to vector<16xi32>
        %gather3A_1531 = tpu.dynamic_gather %add3A_1521[%gather3A_1530] in [0] : vector<16xf32>, vector<16xi32> -> vector<16xf32>
        %bitcast3A_1532 = vector.bitcast %add3A_1521 : vector<16xf32> to vector<16xi32>
        %shift_right_arithmetic3A_1533 = arith.constant 15 : i32
        %shift_right_arithmetic3A_1534 = vector.broadcast %shift_right_arithmetic3A_1533 : i32 to vector<16xi32>
        %shift_right_arithmetic3A_1535 = arith.shrsi %bitcast3A_1532, %shift_right_arithmetic3A_1534 : vector<16xi32>
        %sub3A_1536 = arith.constant 27404 : i32
        %sub3A_1537 = vector.broadcast %sub3A_1536 : i32 to vector<16xi32>
        %sub3A_1538 = arith.subi %shift_right_arithmetic3A_1535, %sub3A_1537 : vector<16xi32>
        %and3A_1539 = arith.constant 32767 : i32
        %and3A_1540 = vector.broadcast %and3A_1539 : i32 to vector<16xi32>
        %and3A_1541 = arith.andi %bitcast3A_1532, %and3A_1540 : vector<16xi32>
        %convert_element_type3A_1542 = arith.sitofp %and3A_1541 : vector<16xi32> to vector<16xf32>
        %gather3A_1543 = tpu.vector_load_idx %arg10[%sub3A_1538] : memref<7168xf32, #tpu.memory_space<vmem>>[vector<16xi32>], vector<16xf32>,
        %gather3A_1544 = tpu.vector_load_idx %arg11[%sub3A_1538] : memref<7168xf32, #tpu.memory_space<vmem>>[vector<16xi32>], vector<16xf32>,
        %mul3A_1545 = arith.mulf %convert_element_type3A_1542, %gather3A_1544 : vector<16xf32>
        %add3A_1546 = arith.addf %gather3A_1543, %mul3A_1545 : vector<16xf32>
        %jit3A_1547 = arith.constant 0.000000e+00 : f32
        %broadcast_in_dim3A_1548 = vector.broadcast %jit3A_1547 : f32 to vector<16xf32>
        %select_n3A_1549 = arith.select %ne3A_1517, %add3A_1546, %broadcast_in_dim3A_1548 : vector<16xi1>, vector<16xf32>
        %add3A_1550 = arith.addf %add3A_1506, %select_n3A_1549 : vector<16xf32>
        %bitcast3A_1551 = vector.bitcast %sort3A_1020 : vector<16xf32> to vector<16xi32>
        %and3A_1552 = arith.constant 255 : i32
        %and3A_1553 = vector.broadcast %and3A_1552 : i32 to vector<16xi32>
        %and3A_1554 = arith.andi %bitcast3A_1551, %and3A_1553 : vector<16xi32>
        %gather3A_1555 = tpu.vector_load_idx %arg9[%and3A_1554] : memref<256xf32, #tpu.memory_space<vmem>>[vector<16xi32>], vector<16xf32>,
        %and3A_1556 = arith.constant -256 : i32
        %and3A_1557 = vector.broadcast %and3A_1556 : i32 to vector<16xi32>
        %and3A_1558 = arith.andi %bitcast3A_1551, %and3A_1557 : vector<16xi32>
        %eq3A_1559 = arith.constant 2139095040 : i32
        %eq3A_1560 = vector.broadcast %eq3A_1559 : i32 to vector<16xi32>
        %eq3A_1561 = arith.cmpi eq, %and3A_1558, %eq3A_1560 : vector<16xi32>
        %jit3A_1562 = arith.constant 0.000000e+00 : f32
        %broadcast_in_dim3A_1563 = vector.broadcast %jit3A_1562 : f32 to vector<16xf32>
        %select_n3A_1564 = arith.select %eq3A_1561, %broadcast_in_dim3A_1563, %gather3A_1555 : vector<16xi1>, vector<16xf32>
        %ne3A_1565 = arith.constant -1082130432 : i32
        %ne3A_1566 = vector.broadcast %ne3A_1565 : i32 to vector<16xi32>
        %ne3A_1567 = arith.cmpi ne, %and3A_1558, %ne3A_1566 : vector<16xi32>
        %not3A = arith.constant dense<true> : vector<16xi1>
        %not3A_1568 = arith.xori %eq3A_1561, %not3A : vector<16xi1>
        %and3A_1569 = arith.andi %ne3A_1567, %not3A_1568 : vector<16xi1>
        %broadcast_in_dim3A_1570 = arith.constant true
        %broadcast_in_dim3A_1571 = vector.broadcast %broadcast_in_dim3A_1570 : i1 to vector<16xi1>
        %masked_cumsum3A_1572 = tpu.scan <sum>, %select_n3A_1564 masked %broadcast_in_dim3A_1571 : vector<16xf32>, vector<16xi1> -> vector<16xf32>
        %add3A_1573 = arith.addf %masked_cumsum3A_1572, %gather3A_1531 : vector<16xf32>
        %bitcast3A_1574 = vector.bitcast %add3A_1573 : vector<16xf32> to vector<16xi32>
        %shift_right_arithmetic3A_1575 = arith.constant 15 : i32
        %shift_right_arithmetic3A_1576 = vector.broadcast %shift_right_arithmetic3A_1575 : i32 to vector<16xi32>
        %shift_right_arithmetic3A_1577 = arith.shrsi %bitcast3A_1574, %shift_right_arithmetic3A_1576 : vector<16xi32>
        %sub3A_1578 = arith.constant 27404 : i32
        %sub3A_1579 = vector.broadcast %sub3A_1578 : i32 to vector<16xi32>
        %sub3A_1580 = arith.subi %shift_right_arithmetic3A_1577, %sub3A_1579 : vector<16xi32>
        %and3A_1581 = arith.constant 32767 : i32
        %and3A_1582 = vector.broadcast %and3A_1581 : i32 to vector<16xi32>
        %and3A_1583 = arith.andi %bitcast3A_1574, %and3A_1582 : vector<16xi32>
        %convert_element_type3A_1584 = arith.sitofp %and3A_1583 : vector<16xi32> to vector<16xf32>
        %gather3A_1585 = tpu.vector_load_idx %arg10[%sub3A_1580] : memref<7168xf32, #tpu.memory_space<vmem>>[vector<16xi32>], vector<16xf32>,
        %gather3A_1586 = tpu.vector_load_idx %arg11[%sub3A_1580] : memref<7168xf32, #tpu.memory_space<vmem>>[vector<16xi32>], vector<16xf32>,
        %mul3A_1587 = arith.mulf %convert_element_type3A_1584, %gather3A_1586 : vector<16xf32>
        %add3A_1588 = arith.addf %gather3A_1585, %mul3A_1587 : vector<16xf32>
        %jit3A_1589 = arith.constant 0.000000e+00 : f32
        %broadcast_in_dim3A_1590 = vector.broadcast %jit3A_1589 : f32 to vector<16xf32>
        %select_n3A_1591 = arith.select %and3A_1569, %add3A_1588, %broadcast_in_dim3A_1590 : vector<16xi1>, vector<16xf32>
        %add3A_1592 = arith.addf %add3A_1550, %select_n3A_1591 : vector<16xf32>
        %sub3A_1593 = arith.subf %add3A_1592, %add3A_403 : vector<16xf32>
        %add3A_1594 = arith.addf %scan3A_42, %sub3A_1593 : vector<16xf32>
        %scan3A_1595 = arith.constant 1 : i32
        %scan3A_1596 = arith.addi %scan3A_41, %scan3A_1595 : i32
        %get3A_1597 = arith.index_cast %scan3A_1596 : i32 to index
        %get3A_1598 = arith.constant 0 : index
        %get3A_1599 = tpu.vector_load %arg8[%get3A_1597, %get3A_1598] {strides = array<i32>} : memref<64x200xf32, #tpu.memory_space<vmem>>, vector<16xf32>,
        %get3A_1600 = arith.index_cast %scan3A_1596 : i32 to index
        %get3A_1601 = arith.constant 0 : index
        %get3A_1602 = tpu.vector_load %arg7[%get3A_1600, %get3A_1601] {strides = array<i32>} : memref<64x200xf32, #tpu.memory_space<vmem>>, vector<16xf32>,
        %eq3A_1603 = arith.constant -1.000000e+00 : f32
        %eq3A_1604 = vector.broadcast %eq3A_1603 : f32 to vector<16xf32>
        %eq3A_1605 = arith.cmpf oeq, %get3A_1599, %eq3A_1604 : vector<16xf32>
        %jit3A_1606 = arith.constant 0xFF800000 : f32
        %broadcast_in_dim3A_1607 = vector.broadcast %jit3A_1606 : f32 to vector<16xf32>
        %select_n3A_1608 = arith.select %eq3A_1605, %broadcast_in_dim3A_1607, %get3A_1602 : vector<16xi1>, vector<16xf32>
        %get3A_1609 = arith.index_cast %scan3A_1596 : i32 to index
        %get3A_1610 = arith.constant 16 : index
        %get3A_1611 = tpu.vector_load %arg8[%get3A_1609, %get3A_1610] {strides = array<i32>} : memref<64x200xf32, #tpu.memory_space<vmem>>, vector<16xf32>,
        %get3A_1612 = arith.index_cast %scan3A_1596 : i32 to index
        %get3A_1613 = arith.constant 16 : index
        %get3A_1614 = tpu.vector_load %arg7[%get3A_1612, %get3A_1613] {strides = array<i32>} : memref<64x200xf32, #tpu.memory_space<vmem>>, vector<16xf32>,
        %eq3A_1615 = arith.constant -1.000000e+00 : f32
        %eq3A_1616 = vector.broadcast %eq3A_1615 : f32 to vector<16xf32>
        %eq3A_1617 = arith.cmpf oeq, %get3A_1611, %eq3A_1616 : vector<16xf32>
        %jit3A_1618 = arith.constant 0xFF800000 : f32
        %broadcast_in_dim3A_1619 = vector.broadcast %jit3A_1618 : f32 to vector<16xf32>
        %select_n3A_1620 = arith.select %eq3A_1617, %broadcast_in_dim3A_1619, %get3A_1614 : vector<16xi1>, vector<16xf32>
        %get3A_1621 = arith.index_cast %scan3A_1596 : i32 to index
        %get3A_1622 = arith.constant 32 : index
        %get3A_1623 = tpu.vector_load %arg8[%get3A_1621, %get3A_1622] {strides = array<i32>} : memref<64x200xf32, #tpu.memory_space<vmem>>, vector<16xf32>,
        %get3A_1624 = arith.index_cast %scan3A_1596 : i32 to index
        %get3A_1625 = arith.constant 32 : index
        %get3A_1626 = tpu.vector_load %arg7[%get3A_1624, %get3A_1625] {strides = array<i32>} : memref<64x200xf32, #tpu.memory_space<vmem>>, vector<16xf32>,
        %eq3A_1627 = arith.constant -1.000000e+00 : f32
        %eq3A_1628 = vector.broadcast %eq3A_1627 : f32 to vector<16xf32>
        %eq3A_1629 = arith.cmpf oeq, %get3A_1623, %eq3A_1628 : vector<16xf32>
        %jit3A_1630 = arith.constant 0xFF800000 : f32
        %broadcast_in_dim3A_1631 = vector.broadcast %jit3A_1630 : f32 to vector<16xf32>
        %select_n3A_1632 = arith.select %eq3A_1629, %broadcast_in_dim3A_1631, %get3A_1626 : vector<16xi1>, vector<16xf32>
        %get3A_1633 = arith.index_cast %scan3A_1596 : i32 to index
        %get3A_1634 = arith.constant 48 : index
        %get3A_1635 = tpu.vector_load %arg8[%get3A_1633, %get3A_1634] {strides = array<i32>} : memref<64x200xf32, #tpu.memory_space<vmem>>, vector<16xf32>,
        %get3A_1636 = arith.index_cast %scan3A_1596 : i32 to index
        %get3A_1637 = arith.constant 48 : index
        %get3A_1638 = tpu.vector_load %arg7[%get3A_1636, %get3A_1637] {strides = array<i32>} : memref<64x200xf32, #tpu.memory_space<vmem>>, vector<16xf32>,
        %eq3A_1639 = arith.constant -1.000000e+00 : f32
        %eq3A_1640 = vector.broadcast %eq3A_1639 : f32 to vector<16xf32>
        %eq3A_1641 = arith.cmpf oeq, %get3A_1635, %eq3A_1640 : vector<16xf32>
        %jit3A_1642 = arith.constant 0xFF800000 : f32
        %broadcast_in_dim3A_1643 = vector.broadcast %jit3A_1642 : f32 to vector<16xf32>
        %select_n3A_1644 = arith.select %eq3A_1641, %broadcast_in_dim3A_1643, %get3A_1638 : vector<16xi1>, vector<16xf32>
        %get3A_1645 = arith.index_cast %scan3A_1596 : i32 to index
        %get3A_1646 = arith.constant 64 : index
        %get3A_1647 = tpu.vector_load %arg8[%get3A_1645, %get3A_1646] {strides = array<i32>} : memref<64x200xf32, #tpu.memory_space<vmem>>, vector<16xf32>,
        %get3A_1648 = arith.index_cast %scan3A_1596 : i32 to index
        %get3A_1649 = arith.constant 64 : index
        %get3A_1650 = tpu.vector_load %arg7[%get3A_1648, %get3A_1649] {strides = array<i32>} : memref<64x200xf32, #tpu.memory_space<vmem>>, vector<16xf32>,
        %eq3A_1651 = arith.constant -1.000000e+00 : f32
        %eq3A_1652 = vector.broadcast %eq3A_1651 : f32 to vector<16xf32>
        %eq3A_1653 = arith.cmpf oeq, %get3A_1647, %eq3A_1652 : vector<16xf32>
        %jit3A_1654 = arith.constant 0xFF800000 : f32
        %broadcast_in_dim3A_1655 = vector.broadcast %jit3A_1654 : f32 to vector<16xf32>
        %select_n3A_1656 = arith.select %eq3A_1653, %broadcast_in_dim3A_1655, %get3A_1650 : vector<16xi1>, vector<16xf32>
        %get3A_1657 = arith.index_cast %scan3A_1596 : i32 to index
        %get3A_1658 = arith.constant 80 : index
        %get3A_1659 = tpu.vector_load %arg8[%get3A_1657, %get3A_1658] {strides = array<i32>} : memref<64x200xf32, #tpu.memory_space<vmem>>, vector<16xf32>,
        %get3A_1660 = arith.index_cast %scan3A_1596 : i32 to index
        %get3A_1661 = arith.constant 80 : index
        %get3A_1662 = tpu.vector_load %arg7[%get3A_1660, %get3A_1661] {strides = array<i32>} : memref<64x200xf32, #tpu.memory_space<vmem>>, vector<16xf32>,
        %eq3A_1663 = arith.constant -1.000000e+00 : f32
        %eq3A_1664 = vector.broadcast %eq3A_1663 : f32 to vector<16xf32>
        %eq3A_1665 = arith.cmpf oeq, %get3A_1659, %eq3A_1664 : vector<16xf32>
        %jit3A_1666 = arith.constant 0xFF800000 : f32
        %broadcast_in_dim3A_1667 = vector.broadcast %jit3A_1666 : f32 to vector<16xf32>
        %select_n3A_1668 = arith.select %eq3A_1665, %broadcast_in_dim3A_1667, %get3A_1662 : vector<16xi1>, vector<16xf32>
        %get3A_1669 = arith.index_cast %scan3A_1596 : i32 to index
        %get3A_1670 = arith.constant 96 : index
        %get3A_1671 = tpu.vector_load %arg8[%get3A_1669, %get3A_1670] {strides = array<i32>} : memref<64x200xf32, #tpu.memory_space<vmem>>, vector<16xf32>,
        %get3A_1672 = arith.index_cast %scan3A_1596 : i32 to index
        %get3A_1673 = arith.constant 96 : index
        %get3A_1674 = tpu.vector_load %arg7[%get3A_1672, %get3A_1673] {strides = array<i32>} : memref<64x200xf32, #tpu.memory_space<vmem>>, vector<16xf32>,
        %eq3A_1675 = arith.constant -1.000000e+00 : f32
        %eq3A_1676 = vector.broadcast %eq3A_1675 : f32 to vector<16xf32>
        %eq3A_1677 = arith.cmpf oeq, %get3A_1671, %eq3A_1676 : vector<16xf32>
        %jit3A_1678 = arith.constant 0xFF800000 : f32
        %broadcast_in_dim3A_1679 = vector.broadcast %jit3A_1678 : f32 to vector<16xf32>
        %select_n3A_1680 = arith.select %eq3A_1677, %broadcast_in_dim3A_1679, %get3A_1674 : vector<16xi1>, vector<16xf32>
        %get3A_1681 = arith.index_cast %scan3A_1596 : i32 to index
        %get3A_1682 = arith.constant 112 : index
        %get3A_1683 = tpu.vector_load %arg8[%get3A_1681, %get3A_1682] {strides = array<i32>} : memref<64x200xf32, #tpu.memory_space<vmem>>, vector<16xf32>,
        %get3A_1684 = arith.index_cast %scan3A_1596 : i32 to index
        %get3A_1685 = arith.constant 112 : index
        %get3A_1686 = tpu.vector_load %arg7[%get3A_1684, %get3A_1685] {strides = array<i32>} : memref<64x200xf32, #tpu.memory_space<vmem>>, vector<16xf32>,
        %eq3A_1687 = arith.constant -1.000000e+00 : f32
        %eq3A_1688 = vector.broadcast %eq3A_1687 : f32 to vector<16xf32>
        %eq3A_1689 = arith.cmpf oeq, %get3A_1683, %eq3A_1688 : vector<16xf32>
        %jit3A_1690 = arith.constant 0xFF800000 : f32
        %broadcast_in_dim3A_1691 = vector.broadcast %jit3A_1690 : f32 to vector<16xf32>
        %select_n3A_1692 = arith.select %eq3A_1689, %broadcast_in_dim3A_1691, %get3A_1686 : vector<16xi1>, vector<16xf32>
        %get3A_1693 = arith.index_cast %scan3A_1596 : i32 to index
        %get3A_1694 = arith.constant 128 : index
        %get3A_1695 = tpu.vector_load %arg8[%get3A_1693, %get3A_1694] {strides = array<i32>} : memref<64x200xf32, #tpu.memory_space<vmem>>, vector<16xf32>,
        %get3A_1696 = arith.index_cast %scan3A_1596 : i32 to index
        %get3A_1697 = arith.constant 128 : index
        %get3A_1698 = tpu.vector_load %arg7[%get3A_1696, %get3A_1697] {strides = array<i32>} : memref<64x200xf32, #tpu.memory_space<vmem>>, vector<16xf32>,
        %eq3A_1699 = arith.constant -1.000000e+00 : f32
        %eq3A_1700 = vector.broadcast %eq3A_1699 : f32 to vector<16xf32>
        %eq3A_1701 = arith.cmpf oeq, %get3A_1695, %eq3A_1700 : vector<16xf32>
        %jit3A_1702 = arith.constant 0xFF800000 : f32
        %broadcast_in_dim3A_1703 = vector.broadcast %jit3A_1702 : f32 to vector<16xf32>
        %select_n3A_1704 = arith.select %eq3A_1701, %broadcast_in_dim3A_1703, %get3A_1698 : vector<16xi1>, vector<16xf32>
        %get3A_1705 = arith.index_cast %scan3A_1596 : i32 to index
        %get3A_1706 = arith.constant 144 : index
        %get3A_1707 = tpu.vector_load %arg8[%get3A_1705, %get3A_1706] {strides = array<i32>} : memref<64x200xf32, #tpu.memory_space<vmem>>, vector<16xf32>,
        %get3A_1708 = arith.index_cast %scan3A_1596 : i32 to index
        %get3A_1709 = arith.constant 144 : index
        %get3A_1710 = tpu.vector_load %arg7[%get3A_1708, %get3A_1709] {strides = array<i32>} : memref<64x200xf32, #tpu.memory_space<vmem>>, vector<16xf32>,
        %eq3A_1711 = arith.constant -1.000000e+00 : f32
        %eq3A_1712 = vector.broadcast %eq3A_1711 : f32 to vector<16xf32>
        %eq3A_1713 = arith.cmpf oeq, %get3A_1707, %eq3A_1712 : vector<16xf32>
        %jit3A_1714 = arith.constant 0xFF800000 : f32
        %broadcast_in_dim3A_1715 = vector.broadcast %jit3A_1714 : f32 to vector<16xf32>
        %select_n3A_1716 = arith.select %eq3A_1713, %broadcast_in_dim3A_1715, %get3A_1710 : vector<16xi1>, vector<16xf32>
        %get3A_1717 = arith.index_cast %scan3A_1596 : i32 to index
        %get3A_1718 = arith.constant 160 : index
        %get3A_1719 = tpu.vector_load %arg8[%get3A_1717, %get3A_1718] {strides = array<i32>} : memref<64x200xf32, #tpu.memory_space<vmem>>, vector<16xf32>,
        %get3A_1720 = arith.index_cast %scan3A_1596 : i32 to index
        %get3A_1721 = arith.constant 160 : index
        %get3A_1722 = tpu.vector_load %arg7[%get3A_1720, %get3A_1721] {strides = array<i32>} : memref<64x200xf32, #tpu.memory_space<vmem>>, vector<16xf32>,
        %eq3A_1723 = arith.constant -1.000000e+00 : f32
        %eq3A_1724 = vector.broadcast %eq3A_1723 : f32 to vector<16xf32>
        %eq3A_1725 = arith.cmpf oeq, %get3A_1719, %eq3A_1724 : vector<16xf32>
        %jit3A_1726 = arith.constant 0xFF800000 : f32
        %broadcast_in_dim3A_1727 = vector.broadcast %jit3A_1726 : f32 to vector<16xf32>
        %select_n3A_1728 = arith.select %eq3A_1725, %broadcast_in_dim3A_1727, %get3A_1722 : vector<16xi1>, vector<16xf32>
        %get3A_1729 = arith.index_cast %scan3A_1596 : i32 to index
        %get3A_1730 = arith.constant 176 : index
        %get3A_1731 = tpu.vector_load %arg8[%get3A_1729, %get3A_1730] {strides = array<i32>} : memref<64x200xf32, #tpu.memory_space<vmem>>, vector<16xf32>,
        %get3A_1732 = arith.index_cast %scan3A_1596 : i32 to index
        %get3A_1733 = arith.constant 176 : index
        %get3A_1734 = tpu.vector_load %arg7[%get3A_1732, %get3A_1733] {strides = array<i32>} : memref<64x200xf32, #tpu.memory_space<vmem>>, vector<16xf32>,
        %eq3A_1735 = arith.constant -1.000000e+00 : f32
        %eq3A_1736 = vector.broadcast %eq3A_1735 : f32 to vector<16xf32>
        %eq3A_1737 = arith.cmpf oeq, %get3A_1731, %eq3A_1736 : vector<16xf32>
        %jit3A_1738 = arith.constant 0xFF800000 : f32
        %broadcast_in_dim3A_1739 = vector.broadcast %jit3A_1738 : f32 to vector<16xf32>
        %select_n3A_1740 = arith.select %eq3A_1737, %broadcast_in_dim3A_1739, %get3A_1734 : vector<16xi1>, vector<16xf32>
        %get3A_1741 = arith.index_cast %scan3A_1596 : i32 to index
        %get3A_1742 = arith.constant 184 : index
        %get3A_1743 = tpu.vector_load %arg8[%get3A_1741, %get3A_1742] {strides = array<i32>} : memref<64x200xf32, #tpu.memory_space<vmem>>, vector<16xf32>,
        %get3A_1744 = arith.index_cast %scan3A_1596 : i32 to index
        %get3A_1745 = arith.constant 184 : index
        %get3A_1746 = tpu.vector_load %arg7[%get3A_1744, %get3A_1745] {strides = array<i32>} : memref<64x200xf32, #tpu.memory_space<vmem>>, vector<16xf32>,
        %eq3A_1747 = arith.constant -1.000000e+00 : f32
        %eq3A_1748 = vector.broadcast %eq3A_1747 : f32 to vector<16xf32>
        %eq3A_1749 = arith.cmpf oeq, %get3A_1743, %eq3A_1748 : vector<16xf32>
        %jit3A_1750 = arith.constant 0xFF800000 : f32
        %broadcast_in_dim3A_1751 = vector.broadcast %jit3A_1750 : f32 to vector<16xf32>
        %select_n3A_1752 = arith.select %eq3A_1749, %broadcast_in_dim3A_1751, %get3A_1746 : vector<16xi1>, vector<16xf32>
        %jit3A_1753 = arith.constant 0xFF800000 : f32
        %broadcast_in_dim3A_1754 = vector.broadcast %jit3A_1753 : f32 to vector<16xf32>
        %select_n3A_1755 = arith.select %lt3A_4, %broadcast_in_dim3A_1754, %select_n3A_1752 : vector<16xi1>, vector<16xf32>
        %max3A_1756 = arith.maximumf %select_n3A_1608, %select_n3A_1620 : vector<16xf32>
        %max3A_1757 = arith.maximumf %max3A_1756, %select_n3A_1632 : vector<16xf32>
        %max3A_1758 = arith.maximumf %max3A_1757, %select_n3A_1644 : vector<16xf32>
        %max3A_1759 = arith.maximumf %max3A_1758, %select_n3A_1656 : vector<16xf32>
        %max3A_1760 = arith.maximumf %max3A_1759, %select_n3A_1668 : vector<16xf32>
        %max3A_1761 = arith.maximumf %max3A_1760, %select_n3A_1680 : vector<16xf32>
        %max3A_1762 = arith.maximumf %max3A_1761, %select_n3A_1692 : vector<16xf32>
        %max3A_1763 = arith.maximumf %max3A_1762, %select_n3A_1704 : vector<16xf32>
        %max3A_1764 = arith.maximumf %max3A_1763, %select_n3A_1716 : vector<16xf32>
        %max3A_1765 = arith.maximumf %max3A_1764, %select_n3A_1728 : vector<16xf32>
        %max3A_1766 = arith.maximumf %max3A_1765, %select_n3A_1740 : vector<16xf32>
        %max3A_1767 = arith.maximumf %max3A_1766, %select_n3A_1755 : vector<16xf32>
        %reduce_max3A_1768 = arith.constant true
        %reduce_max3A_1769 = vector.broadcast %reduce_max3A_1768 : i1 to vector<16xi1>
        %reduce_max3A_1770 = tpu.scan <max>, %max3A_1767 masked %reduce_max3A_1769 : vector<16xf32>, vector<16xi1> -> vector<16xf32>
        %reduce_max3A_1771 = vector.extract %reduce_max3A_1770[15] : f32 from vector<16xf32>
        %eq3A_1772 = arith.constant 0xFF800000 : f32
        %eq3A_1773 = vector.broadcast %eq3A_1772 : f32 to vector<16xf32>
        %eq3A_1774 = arith.cmpf oeq, %select_n3A_1608, %eq3A_1773 : vector<16xf32>
        %sub3A_1775 = vector.broadcast %reduce_max3A_1771 : f32 to vector<16xf32>
        %sub3A_1776 = arith.subf %select_n3A_1608, %sub3A_1775 : vector<16xf32>
        %exp3A_1777 = math.exp %sub3A_1776 : vector<16xf32>
        %jit3A_1778 = arith.constant 0.000000e+00 : f32
        %broadcast_in_dim3A_1779 = vector.broadcast %jit3A_1778 : f32 to vector<16xf32>
        %select_n3A_1780 = arith.select %eq3A_1774, %broadcast_in_dim3A_1779, %exp3A_1777 : vector<16xi1>, vector<16xf32>
        %sub3A_1781 = vector.broadcast %reduce_max3A_1771 : f32 to vector<16xf32>
        %sub3A_1782 = arith.subf %select_n3A_1608, %sub3A_1781 : vector<16xf32>
        %jit3A_1783 = arith.constant 0.000000e+00 : f32
        %broadcast_in_dim3A_1784 = vector.broadcast %jit3A_1783 : f32 to vector<16xf32>
        %select_n3A_1785 = arith.select %eq3A_1774, %broadcast_in_dim3A_1784, %sub3A_1782 : vector<16xi1>, vector<16xf32>
        %eq3A_1786 = arith.constant 0xFF800000 : f32
        %eq3A_1787 = vector.broadcast %eq3A_1786 : f32 to vector<16xf32>
        %eq3A_1788 = arith.cmpf oeq, %select_n3A_1620, %eq3A_1787 : vector<16xf32>
        %sub3A_1789 = vector.broadcast %reduce_max3A_1771 : f32 to vector<16xf32>
        %sub3A_1790 = arith.subf %select_n3A_1620, %sub3A_1789 : vector<16xf32>
        %exp3A_1791 = math.exp %sub3A_1790 : vector<16xf32>
        %jit3A_1792 = arith.constant 0.000000e+00 : f32
        %broadcast_in_dim3A_1793 = vector.broadcast %jit3A_1792 : f32 to vector<16xf32>
        %select_n3A_1794 = arith.select %eq3A_1788, %broadcast_in_dim3A_1793, %exp3A_1791 : vector<16xi1>, vector<16xf32>
        %sub3A_1795 = vector.broadcast %reduce_max3A_1771 : f32 to vector<16xf32>
        %sub3A_1796 = arith.subf %select_n3A_1620, %sub3A_1795 : vector<16xf32>
        %jit3A_1797 = arith.constant 0.000000e+00 : f32
        %broadcast_in_dim3A_1798 = vector.broadcast %jit3A_1797 : f32 to vector<16xf32>
        %select_n3A_1799 = arith.select %eq3A_1788, %broadcast_in_dim3A_1798, %sub3A_1796 : vector<16xi1>, vector<16xf32>
        %add3A_1800 = arith.addf %select_n3A_1785, %select_n3A_1799 : vector<16xf32>
        %eq3A_1801 = arith.constant 0xFF800000 : f32
        %eq3A_1802 = vector.broadcast %eq3A_1801 : f32 to vector<16xf32>
        %eq3A_1803 = arith.cmpf oeq, %select_n3A_1632, %eq3A_1802 : vector<16xf32>
        %sub3A_1804 = vector.broadcast %reduce_max3A_1771 : f32 to vector<16xf32>
        %sub3A_1805 = arith.subf %select_n3A_1632, %sub3A_1804 : vector<16xf32>
        %exp3A_1806 = math.exp %sub3A_1805 : vector<16xf32>
        %jit3A_1807 = arith.constant 0.000000e+00 : f32
        %broadcast_in_dim3A_1808 = vector.broadcast %jit3A_1807 : f32 to vector<16xf32>
        %select_n3A_1809 = arith.select %eq3A_1803, %broadcast_in_dim3A_1808, %exp3A_1806 : vector<16xi1>, vector<16xf32>
        %sub3A_1810 = vector.broadcast %reduce_max3A_1771 : f32 to vector<16xf32>
        %sub3A_1811 = arith.subf %select_n3A_1632, %sub3A_1810 : vector<16xf32>
        %jit3A_1812 = arith.constant 0.000000e+00 : f32
        %broadcast_in_dim3A_1813 = vector.broadcast %jit3A_1812 : f32 to vector<16xf32>
        %select_n3A_1814 = arith.select %eq3A_1803, %broadcast_in_dim3A_1813, %sub3A_1811 : vector<16xi1>, vector<16xf32>
        %add3A_1815 = arith.addf %add3A_1800, %select_n3A_1814 : vector<16xf32>
        %eq3A_1816 = arith.constant 0xFF800000 : f32
        %eq3A_1817 = vector.broadcast %eq3A_1816 : f32 to vector<16xf32>
        %eq3A_1818 = arith.cmpf oeq, %select_n3A_1644, %eq3A_1817 : vector<16xf32>
        %sub3A_1819 = vector.broadcast %reduce_max3A_1771 : f32 to vector<16xf32>
        %sub3A_1820 = arith.subf %select_n3A_1644, %sub3A_1819 : vector<16xf32>
        %exp3A_1821 = math.exp %sub3A_1820 : vector<16xf32>
        %jit3A_1822 = arith.constant 0.000000e+00 : f32
        %broadcast_in_dim3A_1823 = vector.broadcast %jit3A_1822 : f32 to vector<16xf32>
        %select_n3A_1824 = arith.select %eq3A_1818, %broadcast_in_dim3A_1823, %exp3A_1821 : vector<16xi1>, vector<16xf32>
        %sub3A_1825 = vector.broadcast %reduce_max3A_1771 : f32 to vector<16xf32>
        %sub3A_1826 = arith.subf %select_n3A_1644, %sub3A_1825 : vector<16xf32>
        %jit3A_1827 = arith.constant 0.000000e+00 : f32
        %broadcast_in_dim3A_1828 = vector.broadcast %jit3A_1827 : f32 to vector<16xf32>
        %select_n3A_1829 = arith.select %eq3A_1818, %broadcast_in_dim3A_1828, %sub3A_1826 : vector<16xi1>, vector<16xf32>
        %add3A_1830 = arith.addf %add3A_1815, %select_n3A_1829 : vector<16xf32>
        %eq3A_1831 = arith.constant 0xFF800000 : f32
        %eq3A_1832 = vector.broadcast %eq3A_1831 : f32 to vector<16xf32>
        %eq3A_1833 = arith.cmpf oeq, %select_n3A_1656, %eq3A_1832 : vector<16xf32>
        %sub3A_1834 = vector.broadcast %reduce_max3A_1771 : f32 to vector<16xf32>
        %sub3A_1835 = arith.subf %select_n3A_1656, %sub3A_1834 : vector<16xf32>
        %exp3A_1836 = math.exp %sub3A_1835 : vector<16xf32>
        %jit3A_1837 = arith.constant 0.000000e+00 : f32
        %broadcast_in_dim3A_1838 = vector.broadcast %jit3A_1837 : f32 to vector<16xf32>
        %select_n3A_1839 = arith.select %eq3A_1833, %broadcast_in_dim3A_1838, %exp3A_1836 : vector<16xi1>, vector<16xf32>
        %sub3A_1840 = vector.broadcast %reduce_max3A_1771 : f32 to vector<16xf32>
        %sub3A_1841 = arith.subf %select_n3A_1656, %sub3A_1840 : vector<16xf32>
        %jit3A_1842 = arith.constant 0.000000e+00 : f32
        %broadcast_in_dim3A_1843 = vector.broadcast %jit3A_1842 : f32 to vector<16xf32>
        %select_n3A_1844 = arith.select %eq3A_1833, %broadcast_in_dim3A_1843, %sub3A_1841 : vector<16xi1>, vector<16xf32>
        %add3A_1845 = arith.addf %add3A_1830, %select_n3A_1844 : vector<16xf32>
        %eq3A_1846 = arith.constant 0xFF800000 : f32
        %eq3A_1847 = vector.broadcast %eq3A_1846 : f32 to vector<16xf32>
        %eq3A_1848 = arith.cmpf oeq, %select_n3A_1668, %eq3A_1847 : vector<16xf32>
        %sub3A_1849 = vector.broadcast %reduce_max3A_1771 : f32 to vector<16xf32>
        %sub3A_1850 = arith.subf %select_n3A_1668, %sub3A_1849 : vector<16xf32>
        %exp3A_1851 = math.exp %sub3A_1850 : vector<16xf32>
        %jit3A_1852 = arith.constant 0.000000e+00 : f32
        %broadcast_in_dim3A_1853 = vector.broadcast %jit3A_1852 : f32 to vector<16xf32>
        %select_n3A_1854 = arith.select %eq3A_1848, %broadcast_in_dim3A_1853, %exp3A_1851 : vector<16xi1>, vector<16xf32>
        %sub3A_1855 = vector.broadcast %reduce_max3A_1771 : f32 to vector<16xf32>
        %sub3A_1856 = arith.subf %select_n3A_1668, %sub3A_1855 : vector<16xf32>
        %jit3A_1857 = arith.constant 0.000000e+00 : f32
        %broadcast_in_dim3A_1858 = vector.broadcast %jit3A_1857 : f32 to vector<16xf32>
        %select_n3A_1859 = arith.select %eq3A_1848, %broadcast_in_dim3A_1858, %sub3A_1856 : vector<16xi1>, vector<16xf32>
        %add3A_1860 = arith.addf %add3A_1845, %select_n3A_1859 : vector<16xf32>
        %eq3A_1861 = arith.constant 0xFF800000 : f32
        %eq3A_1862 = vector.broadcast %eq3A_1861 : f32 to vector<16xf32>
        %eq3A_1863 = arith.cmpf oeq, %select_n3A_1680, %eq3A_1862 : vector<16xf32>
        %sub3A_1864 = vector.broadcast %reduce_max3A_1771 : f32 to vector<16xf32>
        %sub3A_1865 = arith.subf %select_n3A_1680, %sub3A_1864 : vector<16xf32>
        %exp3A_1866 = math.exp %sub3A_1865 : vector<16xf32>
        %jit3A_1867 = arith.constant 0.000000e+00 : f32
        %broadcast_in_dim3A_1868 = vector.broadcast %jit3A_1867 : f32 to vector<16xf32>
        %select_n3A_1869 = arith.select %eq3A_1863, %broadcast_in_dim3A_1868, %exp3A_1866 : vector<16xi1>, vector<16xf32>
        %sub3A_1870 = vector.broadcast %reduce_max3A_1771 : f32 to vector<16xf32>
        %sub3A_1871 = arith.subf %select_n3A_1680, %sub3A_1870 : vector<16xf32>
        %jit3A_1872 = arith.constant 0.000000e+00 : f32
        %broadcast_in_dim3A_1873 = vector.broadcast %jit3A_1872 : f32 to vector<16xf32>
        %select_n3A_1874 = arith.select %eq3A_1863, %broadcast_in_dim3A_1873, %sub3A_1871 : vector<16xi1>, vector<16xf32>
        %add3A_1875 = arith.addf %add3A_1860, %select_n3A_1874 : vector<16xf32>
        %eq3A_1876 = arith.constant 0xFF800000 : f32
        %eq3A_1877 = vector.broadcast %eq3A_1876 : f32 to vector<16xf32>
        %eq3A_1878 = arith.cmpf oeq, %select_n3A_1692, %eq3A_1877 : vector<16xf32>
        %sub3A_1879 = vector.broadcast %reduce_max3A_1771 : f32 to vector<16xf32>
        %sub3A_1880 = arith.subf %select_n3A_1692, %sub3A_1879 : vector<16xf32>
        %exp3A_1881 = math.exp %sub3A_1880 : vector<16xf32>
        %jit3A_1882 = arith.constant 0.000000e+00 : f32
        %broadcast_in_dim3A_1883 = vector.broadcast %jit3A_1882 : f32 to vector<16xf32>
        %select_n3A_1884 = arith.select %eq3A_1878, %broadcast_in_dim3A_1883, %exp3A_1881 : vector<16xi1>, vector<16xf32>
        %sub3A_1885 = vector.broadcast %reduce_max3A_1771 : f32 to vector<16xf32>
        %sub3A_1886 = arith.subf %select_n3A_1692, %sub3A_1885 : vector<16xf32>
        %jit3A_1887 = arith.constant 0.000000e+00 : f32
        %broadcast_in_dim3A_1888 = vector.broadcast %jit3A_1887 : f32 to vector<16xf32>
        %select_n3A_1889 = arith.select %eq3A_1878, %broadcast_in_dim3A_1888, %sub3A_1886 : vector<16xi1>, vector<16xf32>
        %add3A_1890 = arith.addf %add3A_1875, %select_n3A_1889 : vector<16xf32>
        %eq3A_1891 = arith.constant 0xFF800000 : f32
        %eq3A_1892 = vector.broadcast %eq3A_1891 : f32 to vector<16xf32>
        %eq3A_1893 = arith.cmpf oeq, %select_n3A_1704, %eq3A_1892 : vector<16xf32>
        %sub3A_1894 = vector.broadcast %reduce_max3A_1771 : f32 to vector<16xf32>
        %sub3A_1895 = arith.subf %select_n3A_1704, %sub3A_1894 : vector<16xf32>
        %exp3A_1896 = math.exp %sub3A_1895 : vector<16xf32>
        %jit3A_1897 = arith.constant 0.000000e+00 : f32
        %broadcast_in_dim3A_1898 = vector.broadcast %jit3A_1897 : f32 to vector<16xf32>
        %select_n3A_1899 = arith.select %eq3A_1893, %broadcast_in_dim3A_1898, %exp3A_1896 : vector<16xi1>, vector<16xf32>
        %sub3A_1900 = vector.broadcast %reduce_max3A_1771 : f32 to vector<16xf32>
        %sub3A_1901 = arith.subf %select_n3A_1704, %sub3A_1900 : vector<16xf32>
        %jit3A_1902 = arith.constant 0.000000e+00 : f32
        %broadcast_in_dim3A_1903 = vector.broadcast %jit3A_1902 : f32 to vector<16xf32>
        %select_n3A_1904 = arith.select %eq3A_1893, %broadcast_in_dim3A_1903, %sub3A_1901 : vector<16xi1>, vector<16xf32>
        %add3A_1905 = arith.addf %add3A_1890, %select_n3A_1904 : vector<16xf32>
        %eq3A_1906 = arith.constant 0xFF800000 : f32
        %eq3A_1907 = vector.broadcast %eq3A_1906 : f32 to vector<16xf32>
        %eq3A_1908 = arith.cmpf oeq, %select_n3A_1716, %eq3A_1907 : vector<16xf32>
        %sub3A_1909 = vector.broadcast %reduce_max3A_1771 : f32 to vector<16xf32>
        %sub3A_1910 = arith.subf %select_n3A_1716, %sub3A_1909 : vector<16xf32>
        %exp3A_1911 = math.exp %sub3A_1910 : vector<16xf32>
        %jit3A_1912 = arith.constant 0.000000e+00 : f32
        %broadcast_in_dim3A_1913 = vector.broadcast %jit3A_1912 : f32 to vector<16xf32>
        %select_n3A_1914 = arith.select %eq3A_1908, %broadcast_in_dim3A_1913, %exp3A_1911 : vector<16xi1>, vector<16xf32>
        %sub3A_1915 = vector.broadcast %reduce_max3A_1771 : f32 to vector<16xf32>
        %sub3A_1916 = arith.subf %select_n3A_1716, %sub3A_1915 : vector<16xf32>
        %jit3A_1917 = arith.constant 0.000000e+00 : f32
        %broadcast_in_dim3A_1918 = vector.broadcast %jit3A_1917 : f32 to vector<16xf32>
        %select_n3A_1919 = arith.select %eq3A_1908, %broadcast_in_dim3A_1918, %sub3A_1916 : vector<16xi1>, vector<16xf32>
        %add3A_1920 = arith.addf %add3A_1905, %select_n3A_1919 : vector<16xf32>
        %eq3A_1921 = arith.constant 0xFF800000 : f32
        %eq3A_1922 = vector.broadcast %eq3A_1921 : f32 to vector<16xf32>
        %eq3A_1923 = arith.cmpf oeq, %select_n3A_1728, %eq3A_1922 : vector<16xf32>
        %sub3A_1924 = vector.broadcast %reduce_max3A_1771 : f32 to vector<16xf32>
        %sub3A_1925 = arith.subf %select_n3A_1728, %sub3A_1924 : vector<16xf32>
        %exp3A_1926 = math.exp %sub3A_1925 : vector<16xf32>
        %jit3A_1927 = arith.constant 0.000000e+00 : f32
        %broadcast_in_dim3A_1928 = vector.broadcast %jit3A_1927 : f32 to vector<16xf32>
        %select_n3A_1929 = arith.select %eq3A_1923, %broadcast_in_dim3A_1928, %exp3A_1926 : vector<16xi1>, vector<16xf32>
        %sub3A_1930 = vector.broadcast %reduce_max3A_1771 : f32 to vector<16xf32>
        %sub3A_1931 = arith.subf %select_n3A_1728, %sub3A_1930 : vector<16xf32>
        %jit3A_1932 = arith.constant 0.000000e+00 : f32
        %broadcast_in_dim3A_1933 = vector.broadcast %jit3A_1932 : f32 to vector<16xf32>
        %select_n3A_1934 = arith.select %eq3A_1923, %broadcast_in_dim3A_1933, %sub3A_1931 : vector<16xi1>, vector<16xf32>
        %add3A_1935 = arith.addf %add3A_1920, %select_n3A_1934 : vector<16xf32>
        %eq3A_1936 = arith.constant 0xFF800000 : f32
        %eq3A_1937 = vector.broadcast %eq3A_1936 : f32 to vector<16xf32>
        %eq3A_1938 = arith.cmpf oeq, %select_n3A_1740, %eq3A_1937 : vector<16xf32>
        %sub3A_1939 = vector.broadcast %reduce_max3A_1771 : f32 to vector<16xf32>
        %sub3A_1940 = arith.subf %select_n3A_1740, %sub3A_1939 : vector<16xf32>
        %exp3A_1941 = math.exp %sub3A_1940 : vector<16xf32>
        %jit3A_1942 = arith.constant 0.000000e+00 : f32
        %broadcast_in_dim3A_1943 = vector.broadcast %jit3A_1942 : f32 to vector<16xf32>
        %select_n3A_1944 = arith.select %eq3A_1938, %broadcast_in_dim3A_1943, %exp3A_1941 : vector<16xi1>, vector<16xf32>
        %sub3A_1945 = vector.broadcast %reduce_max3A_1771 : f32 to vector<16xf32>
        %sub3A_1946 = arith.subf %select_n3A_1740, %sub3A_1945 : vector<16xf32>
        %jit3A_1947 = arith.constant 0.000000e+00 : f32
        %broadcast_in_dim3A_1948 = vector.broadcast %jit3A_1947 : f32 to vector<16xf32>
        %select_n3A_1949 = arith.select %eq3A_1938, %broadcast_in_dim3A_1948, %sub3A_1946 : vector<16xi1>, vector<16xf32>
        %add3A_1950 = arith.addf %add3A_1935, %select_n3A_1949 : vector<16xf32>
        %eq3A_1951 = arith.constant 0xFF800000 : f32
        %eq3A_1952 = vector.broadcast %eq3A_1951 : f32 to vector<16xf32>
        %eq3A_1953 = arith.cmpf oeq, %select_n3A_1755, %eq3A_1952 : vector<16xf32>
        %sub3A_1954 = vector.broadcast %reduce_max3A_1771 : f32 to vector<16xf32>
        %sub3A_1955 = arith.subf %select_n3A_1755, %sub3A_1954 : vector<16xf32>
        %exp3A_1956 = math.exp %sub3A_1955 : vector<16xf32>
        %jit3A_1957 = arith.constant 0.000000e+00 : f32
        %broadcast_in_dim3A_1958 = vector.broadcast %jit3A_1957 : f32 to vector<16xf32>
        %select_n3A_1959 = arith.select %eq3A_1953, %broadcast_in_dim3A_1958, %exp3A_1956 : vector<16xi1>, vector<16xf32>
        %sub3A_1960 = vector.broadcast %reduce_max3A_1771 : f32 to vector<16xf32>
        %sub3A_1961 = arith.subf %select_n3A_1755, %sub3A_1960 : vector<16xf32>
        %jit3A_1962 = arith.constant 0.000000e+00 : f32
        %broadcast_in_dim3A_1963 = vector.broadcast %jit3A_1962 : f32 to vector<16xf32>
        %select_n3A_1964 = arith.select %eq3A_1953, %broadcast_in_dim3A_1963, %sub3A_1961 : vector<16xi1>, vector<16xf32>
        %add3A_1965 = arith.addf %add3A_1950, %select_n3A_1964 : vector<16xf32>
        %swap3A_1966 = arith.constant 184 : index
        %swap3A_1967 = tpu.vector_load %arg9[%swap3A_1966] {strides = array<i32>} : memref<256xf32, #tpu.memory_space<vmem>>, vector<16xf32>,
        tpu.vector_store %arg9[%swap3A_1966], %select_n3A_1959 {strides = array<i32>} : memref<256xf32, #tpu.memory_space<vmem>>, vector<16xf32>,
        %swap3A_1968 = arith.constant 0 : index
        %swap3A_1969 = tpu.vector_load %arg9[%swap3A_1968] {strides = array<i32>} : memref<256xf32, #tpu.memory_space<vmem>>, vector<16xf32>,
        tpu.vector_store %arg9[%swap3A_1968], %select_n3A_1780 {strides = array<i32>} : memref<256xf32, #tpu.memory_space<vmem>>, vector<16xf32>,
        %swap3A_1970 = arith.constant 16 : index
        %swap3A_1971 = tpu.vector_load %arg9[%swap3A_1970] {strides = array<i32>} : memref<256xf32, #tpu.memory_space<vmem>>, vector<16xf32>,
        tpu.vector_store %arg9[%swap3A_1970], %select_n3A_1794 {strides = array<i32>} : memref<256xf32, #tpu.memory_space<vmem>>, vector<16xf32>,
        %swap3A_1972 = arith.constant 32 : index
        %swap3A_1973 = tpu.vector_load %arg9[%swap3A_1972] {strides = array<i32>} : memref<256xf32, #tpu.memory_space<vmem>>, vector<16xf32>,
        tpu.vector_store %arg9[%swap3A_1972], %select_n3A_1809 {strides = array<i32>} : memref<256xf32, #tpu.memory_space<vmem>>, vector<16xf32>,
        %swap3A_1974 = arith.constant 48 : index
        %swap3A_1975 = tpu.vector_load %arg9[%swap3A_1974] {strides = array<i32>} : memref<256xf32, #tpu.memory_space<vmem>>, vector<16xf32>,
        tpu.vector_store %arg9[%swap3A_1974], %select_n3A_1824 {strides = array<i32>} : memref<256xf32, #tpu.memory_space<vmem>>, vector<16xf32>,
        %swap3A_1976 = arith.constant 64 : index
        %swap3A_1977 = tpu.vector_load %arg9[%swap3A_1976] {strides = array<i32>} : memref<256xf32, #tpu.memory_space<vmem>>, vector<16xf32>,
        tpu.vector_store %arg9[%swap3A_1976], %select_n3A_1839 {strides = array<i32>} : memref<256xf32, #tpu.memory_space<vmem>>, vector<16xf32>,
        %swap3A_1978 = arith.constant 80 : index
        %swap3A_1979 = tpu.vector_load %arg9[%swap3A_1978] {strides = array<i32>} : memref<256xf32, #tpu.memory_space<vmem>>, vector<16xf32>,
        tpu.vector_store %arg9[%swap3A_1978], %select_n3A_1854 {strides = array<i32>} : memref<256xf32, #tpu.memory_space<vmem>>, vector<16xf32>,
        %swap3A_1980 = arith.constant 96 : index
        %swap3A_1981 = tpu.vector_load %arg9[%swap3A_1980] {strides = array<i32>} : memref<256xf32, #tpu.memory_space<vmem>>, vector<16xf32>,
        tpu.vector_store %arg9[%swap3A_1980], %select_n3A_1869 {strides = array<i32>} : memref<256xf32, #tpu.memory_space<vmem>>, vector<16xf32>,
        %swap3A_1982 = arith.constant 112 : index
        %swap3A_1983 = tpu.vector_load %arg9[%swap3A_1982] {strides = array<i32>} : memref<256xf32, #tpu.memory_space<vmem>>, vector<16xf32>,
        tpu.vector_store %arg9[%swap3A_1982], %select_n3A_1884 {strides = array<i32>} : memref<256xf32, #tpu.memory_space<vmem>>, vector<16xf32>,
        %swap3A_1984 = arith.constant 128 : index
        %swap3A_1985 = tpu.vector_load %arg9[%swap3A_1984] {strides = array<i32>} : memref<256xf32, #tpu.memory_space<vmem>>, vector<16xf32>,
        tpu.vector_store %arg9[%swap3A_1984], %select_n3A_1899 {strides = array<i32>} : memref<256xf32, #tpu.memory_space<vmem>>, vector<16xf32>,
        %swap3A_1986 = arith.constant 144 : index
        %swap3A_1987 = tpu.vector_load %arg9[%swap3A_1986] {strides = array<i32>} : memref<256xf32, #tpu.memory_space<vmem>>, vector<16xf32>,
        tpu.vector_store %arg9[%swap3A_1986], %select_n3A_1914 {strides = array<i32>} : memref<256xf32, #tpu.memory_space<vmem>>, vector<16xf32>,
        %swap3A_1988 = arith.constant 160 : index
        %swap3A_1989 = tpu.vector_load %arg9[%swap3A_1988] {strides = array<i32>} : memref<256xf32, #tpu.memory_space<vmem>>, vector<16xf32>,
        tpu.vector_store %arg9[%swap3A_1988], %select_n3A_1929 {strides = array<i32>} : memref<256xf32, #tpu.memory_space<vmem>>, vector<16xf32>,
        %swap3A_1990 = arith.constant 176 : index
        %swap3A_1991 = tpu.vector_load %arg9[%swap3A_1990] {strides = array<i32>} : memref<256xf32, #tpu.memory_space<vmem>>, vector<16xf32>,
        tpu.vector_store %arg9[%swap3A_1990], %select_n3A_1944 {strides = array<i32>} : memref<256xf32, #tpu.memory_space<vmem>>, vector<16xf32>,
        %bitcast3A_1992 = vector.bitcast %get3A_1599 : vector<16xf32> to vector<16xi32>
        %and3A_1993 = arith.constant -256 : i32
        %and3A_1994 = vector.broadcast %and3A_1993 : i32 to vector<16xi32>
        %and3A_1995 = arith.andi %bitcast3A_1992, %and3A_1994 : vector<16xi32>
        %add3A_1996 = arith.constant 0 : i32
        %add3A_1997 = vector.broadcast %add3A_1996 : i32 to vector<16xi32>
        %add3A_1998 = arith.addi %iota3A, %add3A_1997 : vector<16xi32>
        %or3A_1999 = arith.ori %and3A_1995, %add3A_1998 : vector<16xi32>
        %bitcast3A_2000 = vector.bitcast %or3A_1999 : vector<16xi32> to vector<16xf32>
        %bitcast3A_2001 = vector.bitcast %get3A_1611 : vector<16xf32> to vector<16xi32>
        %and3A_2002 = arith.constant -256 : i32
        %and3A_2003 = vector.broadcast %and3A_2002 : i32 to vector<16xi32>
        %and3A_2004 = arith.andi %bitcast3A_2001, %and3A_2003 : vector<16xi32>
        %add3A_2005 = arith.constant 16 : i32
        %add3A_2006 = vector.broadcast %add3A_2005 : i32 to vector<16xi32>
        %add3A_2007 = arith.addi %iota3A, %add3A_2006 : vector<16xi32>
        %or3A_2008 = arith.ori %and3A_2004, %add3A_2007 : vector<16xi32>
        %bitcast3A_2009 = vector.bitcast %or3A_2008 : vector<16xi32> to vector<16xf32>
        %bitcast3A_2010 = vector.bitcast %get3A_1623 : vector<16xf32> to vector<16xi32>
        %and3A_2011 = arith.constant -256 : i32
        %and3A_2012 = vector.broadcast %and3A_2011 : i32 to vector<16xi32>
        %and3A_2013 = arith.andi %bitcast3A_2010, %and3A_2012 : vector<16xi32>
        %add3A_2014 = arith.constant 32 : i32
        %add3A_2015 = vector.broadcast %add3A_2014 : i32 to vector<16xi32>
        %add3A_2016 = arith.addi %iota3A, %add3A_2015 : vector<16xi32>
        %or3A_2017 = arith.ori %and3A_2013, %add3A_2016 : vector<16xi32>
        %bitcast3A_2018 = vector.bitcast %or3A_2017 : vector<16xi32> to vector<16xf32>
        %bitcast3A_2019 = vector.bitcast %get3A_1635 : vector<16xf32> to vector<16xi32>
        %and3A_2020 = arith.constant -256 : i32
        %and3A_2021 = vector.broadcast %and3A_2020 : i32 to vector<16xi32>
        %and3A_2022 = arith.andi %bitcast3A_2019, %and3A_2021 : vector<16xi32>
        %add3A_2023 = arith.constant 48 : i32
        %add3A_2024 = vector.broadcast %add3A_2023 : i32 to vector<16xi32>
        %add3A_2025 = arith.addi %iota3A, %add3A_2024 : vector<16xi32>
        %or3A_2026 = arith.ori %and3A_2022, %add3A_2025 : vector<16xi32>
        %bitcast3A_2027 = vector.bitcast %or3A_2026 : vector<16xi32> to vector<16xf32>
        %bitcast3A_2028 = vector.bitcast %get3A_1647 : vector<16xf32> to vector<16xi32>
        %and3A_2029 = arith.constant -256 : i32
        %and3A_2030 = vector.broadcast %and3A_2029 : i32 to vector<16xi32>
        %and3A_2031 = arith.andi %bitcast3A_2028, %and3A_2030 : vector<16xi32>
        %add3A_2032 = arith.constant 64 : i32
        %add3A_2033 = vector.broadcast %add3A_2032 : i32 to vector<16xi32>
        %add3A_2034 = arith.addi %iota3A, %add3A_2033 : vector<16xi32>
        %or3A_2035 = arith.ori %and3A_2031, %add3A_2034 : vector<16xi32>
        %bitcast3A_2036 = vector.bitcast %or3A_2035 : vector<16xi32> to vector<16xf32>
        %bitcast3A_2037 = vector.bitcast %get3A_1659 : vector<16xf32> to vector<16xi32>
        %and3A_2038 = arith.constant -256 : i32
        %and3A_2039 = vector.broadcast %and3A_2038 : i32 to vector<16xi32>
        %and3A_2040 = arith.andi %bitcast3A_2037, %and3A_2039 : vector<16xi32>
        %add3A_2041 = arith.constant 80 : i32
        %add3A_2042 = vector.broadcast %add3A_2041 : i32 to vector<16xi32>
        %add3A_2043 = arith.addi %iota3A, %add3A_2042 : vector<16xi32>
        %or3A_2044 = arith.ori %and3A_2040, %add3A_2043 : vector<16xi32>
        %bitcast3A_2045 = vector.bitcast %or3A_2044 : vector<16xi32> to vector<16xf32>
        %bitcast3A_2046 = vector.bitcast %get3A_1671 : vector<16xf32> to vector<16xi32>
        %and3A_2047 = arith.constant -256 : i32
        %and3A_2048 = vector.broadcast %and3A_2047 : i32 to vector<16xi32>
        %and3A_2049 = arith.andi %bitcast3A_2046, %and3A_2048 : vector<16xi32>
        %add3A_2050 = arith.constant 96 : i32
        %add3A_2051 = vector.broadcast %add3A_2050 : i32 to vector<16xi32>
        %add3A_2052 = arith.addi %iota3A, %add3A_2051 : vector<16xi32>
        %or3A_2053 = arith.ori %and3A_2049, %add3A_2052 : vector<16xi32>
        %bitcast3A_2054 = vector.bitcast %or3A_2053 : vector<16xi32> to vector<16xf32>
        %bitcast3A_2055 = vector.bitcast %get3A_1683 : vector<16xf32> to vector<16xi32>
        %and3A_2056 = arith.constant -256 : i32
        %and3A_2057 = vector.broadcast %and3A_2056 : i32 to vector<16xi32>
        %and3A_2058 = arith.andi %bitcast3A_2055, %and3A_2057 : vector<16xi32>
        %add3A_2059 = arith.constant 112 : i32
        %add3A_2060 = vector.broadcast %add3A_2059 : i32 to vector<16xi32>
        %add3A_2061 = arith.addi %iota3A, %add3A_2060 : vector<16xi32>
        %or3A_2062 = arith.ori %and3A_2058, %add3A_2061 : vector<16xi32>
        %bitcast3A_2063 = vector.bitcast %or3A_2062 : vector<16xi32> to vector<16xf32>
        %bitcast3A_2064 = vector.bitcast %get3A_1695 : vector<16xf32> to vector<16xi32>
        %and3A_2065 = arith.constant -256 : i32
        %and3A_2066 = vector.broadcast %and3A_2065 : i32 to vector<16xi32>
        %and3A_2067 = arith.andi %bitcast3A_2064, %and3A_2066 : vector<16xi32>
        %add3A_2068 = arith.constant 128 : i32
        %add3A_2069 = vector.broadcast %add3A_2068 : i32 to vector<16xi32>
        %add3A_2070 = arith.addi %iota3A, %add3A_2069 : vector<16xi32>
        %or3A_2071 = arith.ori %and3A_2067, %add3A_2070 : vector<16xi32>
        %bitcast3A_2072 = vector.bitcast %or3A_2071 : vector<16xi32> to vector<16xf32>
        %bitcast3A_2073 = vector.bitcast %get3A_1707 : vector<16xf32> to vector<16xi32>
        %and3A_2074 = arith.constant -256 : i32
        %and3A_2075 = vector.broadcast %and3A_2074 : i32 to vector<16xi32>
        %and3A_2076 = arith.andi %bitcast3A_2073, %and3A_2075 : vector<16xi32>
        %add3A_2077 = arith.constant 144 : i32
        %add3A_2078 = vector.broadcast %add3A_2077 : i32 to vector<16xi32>
        %add3A_2079 = arith.addi %iota3A, %add3A_2078 : vector<16xi32>
        %or3A_2080 = arith.ori %and3A_2076, %add3A_2079 : vector<16xi32>
        %bitcast3A_2081 = vector.bitcast %or3A_2080 : vector<16xi32> to vector<16xf32>
        %bitcast3A_2082 = vector.bitcast %get3A_1719 : vector<16xf32> to vector<16xi32>
        %and3A_2083 = arith.constant -256 : i32
        %and3A_2084 = vector.broadcast %and3A_2083 : i32 to vector<16xi32>
        %and3A_2085 = arith.andi %bitcast3A_2082, %and3A_2084 : vector<16xi32>
        %add3A_2086 = arith.constant 160 : i32
        %add3A_2087 = vector.broadcast %add3A_2086 : i32 to vector<16xi32>
        %add3A_2088 = arith.addi %iota3A, %add3A_2087 : vector<16xi32>
        %or3A_2089 = arith.ori %and3A_2085, %add3A_2088 : vector<16xi32>
        %bitcast3A_2090 = vector.bitcast %or3A_2089 : vector<16xi32> to vector<16xf32>
        %bitcast3A_2091 = vector.bitcast %get3A_1731 : vector<16xf32> to vector<16xi32>
        %and3A_2092 = arith.constant -256 : i32
        %and3A_2093 = vector.broadcast %and3A_2092 : i32 to vector<16xi32>
        %and3A_2094 = arith.andi %bitcast3A_2091, %and3A_2093 : vector<16xi32>
        %add3A_2095 = arith.constant 176 : i32
        %add3A_2096 = vector.broadcast %add3A_2095 : i32 to vector<16xi32>
        %add3A_2097 = arith.addi %iota3A, %add3A_2096 : vector<16xi32>
        %or3A_2098 = arith.ori %and3A_2094, %add3A_2097 : vector<16xi32>
        %bitcast3A_2099 = vector.bitcast %or3A_2098 : vector<16xi32> to vector<16xf32>
        %bitcast3A_2100 = vector.bitcast %get3A_1743 : vector<16xf32> to vector<16xi32>
        %and3A_2101 = arith.constant -256 : i32
        %and3A_2102 = vector.broadcast %and3A_2101 : i32 to vector<16xi32>
        %and3A_2103 = arith.andi %bitcast3A_2100, %and3A_2102 : vector<16xi32>
        %add3A_2104 = arith.constant 184 : i32
        %add3A_2105 = vector.broadcast %add3A_2104 : i32 to vector<16xi32>
        %add3A_2106 = arith.addi %iota3A, %add3A_2105 : vector<16xi32>
        %or3A_2107 = arith.ori %and3A_2103, %add3A_2106 : vector<16xi32>
        %bitcast3A_2108 = vector.bitcast %or3A_2107 : vector<16xi32> to vector<16xf32>
        %jit3A_2109 = arith.constant 0x7F800000 : f32
        %broadcast_in_dim3A_2110 = vector.broadcast %jit3A_2109 : f32 to vector<16xf32>
        %select_n3A_2111 = arith.select %lt3A_4, %broadcast_in_dim3A_2110, %bitcast3A_2108 : vector<16xi1>, vector<16xf32>
        %broadcast_in_dim3A_2112 = arith.constant 0x7F800000 : f32
        %broadcast_in_dim3A_2113 = vector.broadcast %broadcast_in_dim3A_2112 : f32 to vector<16xf32>
        %sort3A_2114 = arith.constant dense<true> : vector<16xi1>
        %sort3A_2115, %sort3A_2116, %sort3A_2117 = tpu.sort %bitcast3A_2000, %bitcast3A_2000 masked %sort3A_2114 : (vector<16xf32>, vector<16xf32>, vector<16xi1>) -> (vector<16xi1>, vector<16xf32>, vector<16xf32>)
        %sort3A_2118 = arith.constant dense<true> : vector<16xi1>
        %sort3A_2119, %sort3A_2120, %sort3A_2121 = tpu.sort %bitcast3A_2009, %bitcast3A_2009 masked %sort3A_2118 : (vector<16xf32>, vector<16xf32>, vector<16xi1>) -> (vector<16xi1>, vector<16xf32>, vector<16xf32>)
        %sort3A_2122 = arith.constant dense<true> : vector<16xi1>
        %sort3A_2123, %sort3A_2124, %sort3A_2125 = tpu.sort %bitcast3A_2018, %bitcast3A_2018 masked %sort3A_2122 : (vector<16xf32>, vector<16xf32>, vector<16xi1>) -> (vector<16xi1>, vector<16xf32>, vector<16xf32>)
        %sort3A_2126 = arith.constant dense<true> : vector<16xi1>
        %sort3A_2127, %sort3A_2128, %sort3A_2129 = tpu.sort %bitcast3A_2027, %bitcast3A_2027 masked %sort3A_2126 : (vector<16xf32>, vector<16xf32>, vector<16xi1>) -> (vector<16xi1>, vector<16xf32>, vector<16xf32>)
        %sort3A_2130 = arith.constant dense<true> : vector<16xi1>
        %sort3A_2131, %sort3A_2132, %sort3A_2133 = tpu.sort %bitcast3A_2036, %bitcast3A_2036 masked %sort3A_2130 : (vector<16xf32>, vector<16xf32>, vector<16xi1>) -> (vector<16xi1>, vector<16xf32>, vector<16xf32>)
        %sort3A_2134 = arith.constant dense<true> : vector<16xi1>
        %sort3A_2135, %sort3A_2136, %sort3A_2137 = tpu.sort %bitcast3A_2045, %bitcast3A_2045 masked %sort3A_2134 : (vector<16xf32>, vector<16xf32>, vector<16xi1>) -> (vector<16xi1>, vector<16xf32>, vector<16xf32>)
        %sort3A_2138 = arith.constant dense<true> : vector<16xi1>
        %sort3A_2139, %sort3A_2140, %sort3A_2141 = tpu.sort %bitcast3A_2054, %bitcast3A_2054 masked %sort3A_2138 : (vector<16xf32>, vector<16xf32>, vector<16xi1>) -> (vector<16xi1>, vector<16xf32>, vector<16xf32>)
        %sort3A_2142 = arith.constant dense<true> : vector<16xi1>
        %sort3A_2143, %sort3A_2144, %sort3A_2145 = tpu.sort %bitcast3A_2063, %bitcast3A_2063 masked %sort3A_2142 : (vector<16xf32>, vector<16xf32>, vector<16xi1>) -> (vector<16xi1>, vector<16xf32>, vector<16xf32>)
        %sort3A_2146 = arith.constant dense<true> : vector<16xi1>
        %sort3A_2147, %sort3A_2148, %sort3A_2149 = tpu.sort %bitcast3A_2072, %bitcast3A_2072 masked %sort3A_2146 : (vector<16xf32>, vector<16xf32>, vector<16xi1>) -> (vector<16xi1>, vector<16xf32>, vector<16xf32>)
        %sort3A_2150 = arith.constant dense<true> : vector<16xi1>
        %sort3A_2151, %sort3A_2152, %sort3A_2153 = tpu.sort %bitcast3A_2081, %bitcast3A_2081 masked %sort3A_2150 : (vector<16xf32>, vector<16xf32>, vector<16xi1>) -> (vector<16xi1>, vector<16xf32>, vector<16xf32>)
        %sort3A_2154 = arith.constant dense<true> : vector<16xi1>
        %sort3A_2155, %sort3A_2156, %sort3A_2157 = tpu.sort %bitcast3A_2090, %bitcast3A_2090 masked %sort3A_2154 : (vector<16xf32>, vector<16xf32>, vector<16xi1>) -> (vector<16xi1>, vector<16xf32>, vector<16xf32>)
        %sort3A_2158 = arith.constant dense<true> : vector<16xi1>
        %sort3A_2159, %sort3A_2160, %sort3A_2161 = tpu.sort %bitcast3A_2099, %bitcast3A_2099 masked %sort3A_2158 : (vector<16xf32>, vector<16xf32>, vector<16xi1>) -> (vector<16xi1>, vector<16xf32>, vector<16xf32>)
        %sort3A_2162 = arith.constant dense<true> : vector<16xi1>
        %sort3A_2163, %sort3A_2164, %sort3A_2165 = tpu.sort %select_n3A_2111, %select_n3A_2111 masked %sort3A_2162 : (vector<16xf32>, vector<16xf32>, vector<16xi1>) -> (vector<16xi1>, vector<16xf32>, vector<16xf32>)
        %rev3A_2166 = arith.constant 15 : i32
        %rev3A_2167 = vector.broadcast %rev3A_2166 : i32 to vector<16xi32>
        %rev3A_2168 = tpu.iota {dimensions = array<i32: 0>} : vector<16xi32>
        %rev3A_2169 = arith.subi %rev3A_2167, %rev3A_2168 : vector<16xi32>
        %rev3A_2170 = tpu.dynamic_gather %sort3A_2120[%rev3A_2169] in [0] : vector<16xf32>, vector<16xi32> -> vector<16xf32>
        %min3A_2171 = arith.minimumf %sort3A_2116, %rev3A_2170 : vector<16xf32>
        %max3A_2172 = arith.maximumf %sort3A_2116, %rev3A_2170 : vector<16xf32>
        %sort3A_2173 = arith.constant dense<true> : vector<16xi1>
        %sort3A_2174, %sort3A_2175, %sort3A_2176 = tpu.sort %min3A_2171, %min3A_2171 masked %sort3A_2173 : (vector<16xf32>, vector<16xf32>, vector<16xi1>) -> (vector<16xi1>, vector<16xf32>, vector<16xf32>)
        %sort3A_2177 = arith.constant dense<true> : vector<16xi1>
        %sort3A_2178, %sort3A_2179, %sort3A_2180 = tpu.sort %max3A_2172, %max3A_2172 masked %sort3A_2177 : (vector<16xf32>, vector<16xf32>, vector<16xi1>) -> (vector<16xi1>, vector<16xf32>, vector<16xf32>)
        %rev3A_2181 = arith.constant 15 : i32
        %rev3A_2182 = vector.broadcast %rev3A_2181 : i32 to vector<16xi32>
        %rev3A_2183 = tpu.iota {dimensions = array<i32: 0>} : vector<16xi32>
        %rev3A_2184 = arith.subi %rev3A_2182, %rev3A_2183 : vector<16xi32>
        %rev3A_2185 = tpu.dynamic_gather %sort3A_2128[%rev3A_2184] in [0] : vector<16xf32>, vector<16xi32> -> vector<16xf32>
        %min3A_2186 = arith.minimumf %sort3A_2124, %rev3A_2185 : vector<16xf32>
        %max3A_2187 = arith.maximumf %sort3A_2124, %rev3A_2185 : vector<16xf32>
        %sort3A_2188 = arith.constant dense<true> : vector<16xi1>
        %sort3A_2189, %sort3A_2190, %sort3A_2191 = tpu.sort %min3A_2186, %min3A_2186 masked %sort3A_2188 : (vector<16xf32>, vector<16xf32>, vector<16xi1>) -> (vector<16xi1>, vector<16xf32>, vector<16xf32>)
        %sort3A_2192 = arith.constant dense<true> : vector<16xi1>
        %sort3A_2193, %sort3A_2194, %sort3A_2195 = tpu.sort %max3A_2187, %max3A_2187 masked %sort3A_2192 : (vector<16xf32>, vector<16xf32>, vector<16xi1>) -> (vector<16xi1>, vector<16xf32>, vector<16xf32>)
        %rev3A_2196 = arith.constant 15 : i32
        %rev3A_2197 = vector.broadcast %rev3A_2196 : i32 to vector<16xi32>
        %rev3A_2198 = tpu.iota {dimensions = array<i32: 0>} : vector<16xi32>
        %rev3A_2199 = arith.subi %rev3A_2197, %rev3A_2198 : vector<16xi32>
        %rev3A_2200 = tpu.dynamic_gather %sort3A_2136[%rev3A_2199] in [0] : vector<16xf32>, vector<16xi32> -> vector<16xf32>
        %min3A_2201 = arith.minimumf %sort3A_2132, %rev3A_2200 : vector<16xf32>
        %max3A_2202 = arith.maximumf %sort3A_2132, %rev3A_2200 : vector<16xf32>
        %sort3A_2203 = arith.constant dense<true> : vector<16xi1>
        %sort3A_2204, %sort3A_2205, %sort3A_2206 = tpu.sort %min3A_2201, %min3A_2201 masked %sort3A_2203 : (vector<16xf32>, vector<16xf32>, vector<16xi1>) -> (vector<16xi1>, vector<16xf32>, vector<16xf32>)
        %sort3A_2207 = arith.constant dense<true> : vector<16xi1>
        %sort3A_2208, %sort3A_2209, %sort3A_2210 = tpu.sort %max3A_2202, %max3A_2202 masked %sort3A_2207 : (vector<16xf32>, vector<16xf32>, vector<16xi1>) -> (vector<16xi1>, vector<16xf32>, vector<16xf32>)
        %rev3A_2211 = arith.constant 15 : i32
        %rev3A_2212 = vector.broadcast %rev3A_2211 : i32 to vector<16xi32>
        %rev3A_2213 = tpu.iota {dimensions = array<i32: 0>} : vector<16xi32>
        %rev3A_2214 = arith.subi %rev3A_2212, %rev3A_2213 : vector<16xi32>
        %rev3A_2215 = tpu.dynamic_gather %sort3A_2144[%rev3A_2214] in [0] : vector<16xf32>, vector<16xi32> -> vector<16xf32>
        %min3A_2216 = arith.minimumf %sort3A_2140, %rev3A_2215 : vector<16xf32>
        %max3A_2217 = arith.maximumf %sort3A_2140, %rev3A_2215 : vector<16xf32>
        %sort3A_2218 = arith.constant dense<true> : vector<16xi1>
        %sort3A_2219, %sort3A_2220, %sort3A_2221 = tpu.sort %min3A_2216, %min3A_2216 masked %sort3A_2218 : (vector<16xf32>, vector<16xf32>, vector<16xi1>) -> (vector<16xi1>, vector<16xf32>, vector<16xf32>)
        %sort3A_2222 = arith.constant dense<true> : vector<16xi1>
        %sort3A_2223, %sort3A_2224, %sort3A_2225 = tpu.sort %max3A_2217, %max3A_2217 masked %sort3A_2222 : (vector<16xf32>, vector<16xf32>, vector<16xi1>) -> (vector<16xi1>, vector<16xf32>, vector<16xf32>)
        %rev3A_2226 = arith.constant 15 : i32
        %rev3A_2227 = vector.broadcast %rev3A_2226 : i32 to vector<16xi32>
        %rev3A_2228 = tpu.iota {dimensions = array<i32: 0>} : vector<16xi32>
        %rev3A_2229 = arith.subi %rev3A_2227, %rev3A_2228 : vector<16xi32>
        %rev3A_2230 = tpu.dynamic_gather %sort3A_2152[%rev3A_2229] in [0] : vector<16xf32>, vector<16xi32> -> vector<16xf32>
        %min3A_2231 = arith.minimumf %sort3A_2148, %rev3A_2230 : vector<16xf32>
        %max3A_2232 = arith.maximumf %sort3A_2148, %rev3A_2230 : vector<16xf32>
        %sort3A_2233 = arith.constant dense<true> : vector<16xi1>
        %sort3A_2234, %sort3A_2235, %sort3A_2236 = tpu.sort %min3A_2231, %min3A_2231 masked %sort3A_2233 : (vector<16xf32>, vector<16xf32>, vector<16xi1>) -> (vector<16xi1>, vector<16xf32>, vector<16xf32>)
        %sort3A_2237 = arith.constant dense<true> : vector<16xi1>
        %sort3A_2238, %sort3A_2239, %sort3A_2240 = tpu.sort %max3A_2232, %max3A_2232 masked %sort3A_2237 : (vector<16xf32>, vector<16xf32>, vector<16xi1>) -> (vector<16xi1>, vector<16xf32>, vector<16xf32>)
        %rev3A_2241 = arith.constant 15 : i32
        %rev3A_2242 = vector.broadcast %rev3A_2241 : i32 to vector<16xi32>
        %rev3A_2243 = tpu.iota {dimensions = array<i32: 0>} : vector<16xi32>
        %rev3A_2244 = arith.subi %rev3A_2242, %rev3A_2243 : vector<16xi32>
        %rev3A_2245 = tpu.dynamic_gather %sort3A_2160[%rev3A_2244] in [0] : vector<16xf32>, vector<16xi32> -> vector<16xf32>
        %min3A_2246 = arith.minimumf %sort3A_2156, %rev3A_2245 : vector<16xf32>
        %max3A_2247 = arith.maximumf %sort3A_2156, %rev3A_2245 : vector<16xf32>
        %sort3A_2248 = arith.constant dense<true> : vector<16xi1>
        %sort3A_2249, %sort3A_2250, %sort3A_2251 = tpu.sort %min3A_2246, %min3A_2246 masked %sort3A_2248 : (vector<16xf32>, vector<16xf32>, vector<16xi1>) -> (vector<16xi1>, vector<16xf32>, vector<16xf32>)
        %sort3A_2252 = arith.constant dense<true> : vector<16xi1>
        %sort3A_2253, %sort3A_2254, %sort3A_2255 = tpu.sort %max3A_2247, %max3A_2247 masked %sort3A_2252 : (vector<16xf32>, vector<16xf32>, vector<16xi1>) -> (vector<16xi1>, vector<16xf32>, vector<16xf32>)
        %rev3A_2256 = arith.constant 15 : i32
        %rev3A_2257 = vector.broadcast %rev3A_2256 : i32 to vector<16xi32>
        %rev3A_2258 = tpu.iota {dimensions = array<i32: 0>} : vector<16xi32>
        %rev3A_2259 = arith.subi %rev3A_2257, %rev3A_2258 : vector<16xi32>
        %rev3A_2260 = tpu.dynamic_gather %sort3A_2194[%rev3A_2259] in [0] : vector<16xf32>, vector<16xi32> -> vector<16xf32>
        %rev3A_2261 = arith.constant 15 : i32
        %rev3A_2262 = vector.broadcast %rev3A_2261 : i32 to vector<16xi32>
        %rev3A_2263 = tpu.iota {dimensions = array<i32: 0>} : vector<16xi32>
        %rev3A_2264 = arith.subi %rev3A_2262, %rev3A_2263 : vector<16xi32>
        %rev3A_2265 = tpu.dynamic_gather %sort3A_2190[%rev3A_2264] in [0] : vector<16xf32>, vector<16xi32> -> vector<16xf32>
        %min3A_2266 = arith.minimumf %sort3A_2175, %rev3A_2260 : vector<16xf32>
        %max3A_2267 = arith.maximumf %sort3A_2175, %rev3A_2260 : vector<16xf32>
        %min3A_2268 = arith.minimumf %sort3A_2179, %rev3A_2265 : vector<16xf32>
        %max3A_2269 = arith.maximumf %sort3A_2179, %rev3A_2265 : vector<16xf32>
        %min3A_2270 = arith.minimumf %min3A_2266, %min3A_2268 : vector<16xf32>
        %max3A_2271 = arith.maximumf %min3A_2266, %min3A_2268 : vector<16xf32>
        %min3A_2272 = arith.minimumf %max3A_2267, %max3A_2269 : vector<16xf32>
        %max3A_2273 = arith.maximumf %max3A_2267, %max3A_2269 : vector<16xf32>
        %sort3A_2274 = arith.constant dense<true> : vector<16xi1>
        %sort3A_2275, %sort3A_2276, %sort3A_2277 = tpu.sort %min3A_2270, %min3A_2270 masked %sort3A_2274 : (vector<16xf32>, vector<16xf32>, vector<16xi1>) -> (vector<16xi1>, vector<16xf32>, vector<16xf32>)
        %sort3A_2278 = arith.constant dense<true> : vector<16xi1>
        %sort3A_2279, %sort3A_2280, %sort3A_2281 = tpu.sort %max3A_2271, %max3A_2271 masked %sort3A_2278 : (vector<16xf32>, vector<16xf32>, vector<16xi1>) -> (vector<16xi1>, vector<16xf32>, vector<16xf32>)
        %sort3A_2282 = arith.constant dense<true> : vector<16xi1>
        %sort3A_2283, %sort3A_2284, %sort3A_2285 = tpu.sort %min3A_2272, %min3A_2272 masked %sort3A_2282 : (vector<16xf32>, vector<16xf32>, vector<16xi1>) -> (vector<16xi1>, vector<16xf32>, vector<16xf32>)
        %sort3A_2286 = arith.constant dense<true> : vector<16xi1>
        %sort3A_2287, %sort3A_2288, %sort3A_2289 = tpu.sort %max3A_2273, %max3A_2273 masked %sort3A_2286 : (vector<16xf32>, vector<16xf32>, vector<16xi1>) -> (vector<16xi1>, vector<16xf32>, vector<16xf32>)
        %rev3A_2290 = arith.constant 15 : i32
        %rev3A_2291 = vector.broadcast %rev3A_2290 : i32 to vector<16xi32>
        %rev3A_2292 = tpu.iota {dimensions = array<i32: 0>} : vector<16xi32>
        %rev3A_2293 = arith.subi %rev3A_2291, %rev3A_2292 : vector<16xi32>
        %rev3A_2294 = tpu.dynamic_gather %sort3A_2224[%rev3A_2293] in [0] : vector<16xf32>, vector<16xi32> -> vector<16xf32>
        %rev3A_2295 = arith.constant 15 : i32
        %rev3A_2296 = vector.broadcast %rev3A_2295 : i32 to vector<16xi32>
        %rev3A_2297 = tpu.iota {dimensions = array<i32: 0>} : vector<16xi32>
        %rev3A_2298 = arith.subi %rev3A_2296, %rev3A_2297 : vector<16xi32>
        %rev3A_2299 = tpu.dynamic_gather %sort3A_2220[%rev3A_2298] in [0] : vector<16xf32>, vector<16xi32> -> vector<16xf32>
        %min3A_2300 = arith.minimumf %sort3A_2205, %rev3A_2294 : vector<16xf32>
        %max3A_2301 = arith.maximumf %sort3A_2205, %rev3A_2294 : vector<16xf32>
        %min3A_2302 = arith.minimumf %sort3A_2209, %rev3A_2299 : vector<16xf32>
        %max3A_2303 = arith.maximumf %sort3A_2209, %rev3A_2299 : vector<16xf32>
        %min3A_2304 = arith.minimumf %min3A_2300, %min3A_2302 : vector<16xf32>
        %max3A_2305 = arith.maximumf %min3A_2300, %min3A_2302 : vector<16xf32>
        %min3A_2306 = arith.minimumf %max3A_2301, %max3A_2303 : vector<16xf32>
        %max3A_2307 = arith.maximumf %max3A_2301, %max3A_2303 : vector<16xf32>
        %sort3A_2308 = arith.constant dense<true> : vector<16xi1>
        %sort3A_2309, %sort3A_2310, %sort3A_2311 = tpu.sort %min3A_2304, %min3A_2304 masked %sort3A_2308 : (vector<16xf32>, vector<16xf32>, vector<16xi1>) -> (vector<16xi1>, vector<16xf32>, vector<16xf32>)
        %sort3A_2312 = arith.constant dense<true> : vector<16xi1>
        %sort3A_2313, %sort3A_2314, %sort3A_2315 = tpu.sort %max3A_2305, %max3A_2305 masked %sort3A_2312 : (vector<16xf32>, vector<16xf32>, vector<16xi1>) -> (vector<16xi1>, vector<16xf32>, vector<16xf32>)
        %sort3A_2316 = arith.constant dense<true> : vector<16xi1>
        %sort3A_2317, %sort3A_2318, %sort3A_2319 = tpu.sort %min3A_2306, %min3A_2306 masked %sort3A_2316 : (vector<16xf32>, vector<16xf32>, vector<16xi1>) -> (vector<16xi1>, vector<16xf32>, vector<16xf32>)
        %sort3A_2320 = arith.constant dense<true> : vector<16xi1>
        %sort3A_2321, %sort3A_2322, %sort3A_2323 = tpu.sort %max3A_2307, %max3A_2307 masked %sort3A_2320 : (vector<16xf32>, vector<16xf32>, vector<16xi1>) -> (vector<16xi1>, vector<16xf32>, vector<16xf32>)
        %rev3A_2324 = arith.constant 15 : i32
        %rev3A_2325 = vector.broadcast %rev3A_2324 : i32 to vector<16xi32>
        %rev3A_2326 = tpu.iota {dimensions = array<i32: 0>} : vector<16xi32>
        %rev3A_2327 = arith.subi %rev3A_2325, %rev3A_2326 : vector<16xi32>
        %rev3A_2328 = tpu.dynamic_gather %sort3A_2254[%rev3A_2327] in [0] : vector<16xf32>, vector<16xi32> -> vector<16xf32>
        %rev3A_2329 = arith.constant 15 : i32
        %rev3A_2330 = vector.broadcast %rev3A_2329 : i32 to vector<16xi32>
        %rev3A_2331 = tpu.iota {dimensions = array<i32: 0>} : vector<16xi32>
        %rev3A_2332 = arith.subi %rev3A_2330, %rev3A_2331 : vector<16xi32>
        %rev3A_2333 = tpu.dynamic_gather %sort3A_2250[%rev3A_2332] in [0] : vector<16xf32>, vector<16xi32> -> vector<16xf32>
        %min3A_2334 = arith.minimumf %sort3A_2235, %rev3A_2328 : vector<16xf32>
        %max3A_2335 = arith.maximumf %sort3A_2235, %rev3A_2328 : vector<16xf32>
        %min3A_2336 = arith.minimumf %sort3A_2239, %rev3A_2333 : vector<16xf32>
        %max3A_2337 = arith.maximumf %sort3A_2239, %rev3A_2333 : vector<16xf32>
        %min3A_2338 = arith.minimumf %min3A_2334, %min3A_2336 : vector<16xf32>
        %max3A_2339 = arith.maximumf %min3A_2334, %min3A_2336 : vector<16xf32>
        %min3A_2340 = arith.minimumf %max3A_2335, %max3A_2337 : vector<16xf32>
        %max3A_2341 = arith.maximumf %max3A_2335, %max3A_2337 : vector<16xf32>
        %sort3A_2342 = arith.constant dense<true> : vector<16xi1>
        %sort3A_2343, %sort3A_2344, %sort3A_2345 = tpu.sort %min3A_2338, %min3A_2338 masked %sort3A_2342 : (vector<16xf32>, vector<16xf32>, vector<16xi1>) -> (vector<16xi1>, vector<16xf32>, vector<16xf32>)
        %sort3A_2346 = arith.constant dense<true> : vector<16xi1>
        %sort3A_2347, %sort3A_2348, %sort3A_2349 = tpu.sort %max3A_2339, %max3A_2339 masked %sort3A_2346 : (vector<16xf32>, vector<16xf32>, vector<16xi1>) -> (vector<16xi1>, vector<16xf32>, vector<16xf32>)
        %sort3A_2350 = arith.constant dense<true> : vector<16xi1>
        %sort3A_2351, %sort3A_2352, %sort3A_2353 = tpu.sort %min3A_2340, %min3A_2340 masked %sort3A_2350 : (vector<16xf32>, vector<16xf32>, vector<16xi1>) -> (vector<16xi1>, vector<16xf32>, vector<16xf32>)
        %sort3A_2354 = arith.constant dense<true> : vector<16xi1>
        %sort3A_2355, %sort3A_2356, %sort3A_2357 = tpu.sort %max3A_2341, %max3A_2341 masked %sort3A_2354 : (vector<16xf32>, vector<16xf32>, vector<16xi1>) -> (vector<16xi1>, vector<16xf32>, vector<16xf32>)
        %rev3A_2358 = arith.constant 15 : i32
        %rev3A_2359 = vector.broadcast %rev3A_2358 : i32 to vector<16xi32>
        %rev3A_2360 = tpu.iota {dimensions = array<i32: 0>} : vector<16xi32>
        %rev3A_2361 = arith.subi %rev3A_2359, %rev3A_2360 : vector<16xi32>
        %rev3A_2362 = tpu.dynamic_gather %sort3A_2322[%rev3A_2361] in [0] : vector<16xf32>, vector<16xi32> -> vector<16xf32>
        %rev3A_2363 = arith.constant 15 : i32
        %rev3A_2364 = vector.broadcast %rev3A_2363 : i32 to vector<16xi32>
        %rev3A_2365 = tpu.iota {dimensions = array<i32: 0>} : vector<16xi32>
        %rev3A_2366 = arith.subi %rev3A_2364, %rev3A_2365 : vector<16xi32>
        %rev3A_2367 = tpu.dynamic_gather %sort3A_2318[%rev3A_2366] in [0] : vector<16xf32>, vector<16xi32> -> vector<16xf32>
        %rev3A_2368 = arith.constant 15 : i32
        %rev3A_2369 = vector.broadcast %rev3A_2368 : i32 to vector<16xi32>
        %rev3A_2370 = tpu.iota {dimensions = array<i32: 0>} : vector<16xi32>
        %rev3A_2371 = arith.subi %rev3A_2369, %rev3A_2370 : vector<16xi32>
        %rev3A_2372 = tpu.dynamic_gather %sort3A_2314[%rev3A_2371] in [0] : vector<16xf32>, vector<16xi32> -> vector<16xf32>
        %rev3A_2373 = arith.constant 15 : i32
        %rev3A_2374 = vector.broadcast %rev3A_2373 : i32 to vector<16xi32>
        %rev3A_2375 = tpu.iota {dimensions = array<i32: 0>} : vector<16xi32>
        %rev3A_2376 = arith.subi %rev3A_2374, %rev3A_2375 : vector<16xi32>
        %rev3A_2377 = tpu.dynamic_gather %sort3A_2310[%rev3A_2376] in [0] : vector<16xf32>, vector<16xi32> -> vector<16xf32>
        %min3A_2378 = arith.minimumf %sort3A_2276, %rev3A_2362 : vector<16xf32>
        %max3A_2379 = arith.maximumf %sort3A_2276, %rev3A_2362 : vector<16xf32>
        %min3A_2380 = arith.minimumf %sort3A_2280, %rev3A_2367 : vector<16xf32>
        %max3A_2381 = arith.maximumf %sort3A_2280, %rev3A_2367 : vector<16xf32>
        %min3A_2382 = arith.minimumf %sort3A_2284, %rev3A_2372 : vector<16xf32>
        %max3A_2383 = arith.maximumf %sort3A_2284, %rev3A_2372 : vector<16xf32>
        %min3A_2384 = arith.minimumf %sort3A_2288, %rev3A_2377 : vector<16xf32>
        %max3A_2385 = arith.maximumf %sort3A_2288, %rev3A_2377 : vector<16xf32>
        %min3A_2386 = arith.minimumf %min3A_2378, %min3A_2382 : vector<16xf32>
        %max3A_2387 = arith.maximumf %min3A_2378, %min3A_2382 : vector<16xf32>
        %min3A_2388 = arith.minimumf %min3A_2380, %min3A_2384 : vector<16xf32>
        %max3A_2389 = arith.maximumf %min3A_2380, %min3A_2384 : vector<16xf32>
        %min3A_2390 = arith.minimumf %max3A_2379, %max3A_2383 : vector<16xf32>
        %max3A_2391 = arith.maximumf %max3A_2379, %max3A_2383 : vector<16xf32>
        %min3A_2392 = arith.minimumf %max3A_2381, %max3A_2385 : vector<16xf32>
        %max3A_2393 = arith.maximumf %max3A_2381, %max3A_2385 : vector<16xf32>
        %min3A_2394 = arith.minimumf %min3A_2386, %min3A_2388 : vector<16xf32>
        %max3A_2395 = arith.maximumf %min3A_2386, %min3A_2388 : vector<16xf32>
        %min3A_2396 = arith.minimumf %max3A_2387, %max3A_2389 : vector<16xf32>
        %max3A_2397 = arith.maximumf %max3A_2387, %max3A_2389 : vector<16xf32>
        %min3A_2398 = arith.minimumf %min3A_2390, %min3A_2392 : vector<16xf32>
        %max3A_2399 = arith.maximumf %min3A_2390, %min3A_2392 : vector<16xf32>
        %min3A_2400 = arith.minimumf %max3A_2391, %max3A_2393 : vector<16xf32>
        %max3A_2401 = arith.maximumf %max3A_2391, %max3A_2393 : vector<16xf32>
        %sort3A_2402 = arith.constant dense<true> : vector<16xi1>
        %sort3A_2403, %sort3A_2404, %sort3A_2405 = tpu.sort %min3A_2394, %min3A_2394 masked %sort3A_2402 : (vector<16xf32>, vector<16xf32>, vector<16xi1>) -> (vector<16xi1>, vector<16xf32>, vector<16xf32>)
        %sort3A_2406 = arith.constant dense<true> : vector<16xi1>
        %sort3A_2407, %sort3A_2408, %sort3A_2409 = tpu.sort %max3A_2395, %max3A_2395 masked %sort3A_2406 : (vector<16xf32>, vector<16xf32>, vector<16xi1>) -> (vector<16xi1>, vector<16xf32>, vector<16xf32>)
        %sort3A_2410 = arith.constant dense<true> : vector<16xi1>
        %sort3A_2411, %sort3A_2412, %sort3A_2413 = tpu.sort %min3A_2396, %min3A_2396 masked %sort3A_2410 : (vector<16xf32>, vector<16xf32>, vector<16xi1>) -> (vector<16xi1>, vector<16xf32>, vector<16xf32>)
        %sort3A_2414 = arith.constant dense<true> : vector<16xi1>
        %sort3A_2415, %sort3A_2416, %sort3A_2417 = tpu.sort %max3A_2397, %max3A_2397 masked %sort3A_2414 : (vector<16xf32>, vector<16xf32>, vector<16xi1>) -> (vector<16xi1>, vector<16xf32>, vector<16xf32>)
        %sort3A_2418 = arith.constant dense<true> : vector<16xi1>
        %sort3A_2419, %sort3A_2420, %sort3A_2421 = tpu.sort %min3A_2398, %min3A_2398 masked %sort3A_2418 : (vector<16xf32>, vector<16xf32>, vector<16xi1>) -> (vector<16xi1>, vector<16xf32>, vector<16xf32>)
        %sort3A_2422 = arith.constant dense<true> : vector<16xi1>
        %sort3A_2423, %sort3A_2424, %sort3A_2425 = tpu.sort %max3A_2399, %max3A_2399 masked %sort3A_2422 : (vector<16xf32>, vector<16xf32>, vector<16xi1>) -> (vector<16xi1>, vector<16xf32>, vector<16xf32>)
        %sort3A_2426 = arith.constant dense<true> : vector<16xi1>
        %sort3A_2427, %sort3A_2428, %sort3A_2429 = tpu.sort %min3A_2400, %min3A_2400 masked %sort3A_2426 : (vector<16xf32>, vector<16xf32>, vector<16xi1>) -> (vector<16xi1>, vector<16xf32>, vector<16xf32>)
        %sort3A_2430 = arith.constant dense<true> : vector<16xi1>
        %sort3A_2431, %sort3A_2432, %sort3A_2433 = tpu.sort %max3A_2401, %max3A_2401 masked %sort3A_2430 : (vector<16xf32>, vector<16xf32>, vector<16xi1>) -> (vector<16xi1>, vector<16xf32>, vector<16xf32>)
        %rev3A_2434 = arith.constant 15 : i32
        %rev3A_2435 = vector.broadcast %rev3A_2434 : i32 to vector<16xi32>
        %rev3A_2436 = tpu.iota {dimensions = array<i32: 0>} : vector<16xi32>
        %rev3A_2437 = arith.subi %rev3A_2435, %rev3A_2436 : vector<16xi32>
        %rev3A_2438 = tpu.dynamic_gather %sort3A_2164[%rev3A_2437] in [0] : vector<16xf32>, vector<16xi32> -> vector<16xf32>
        %min3A_2439 = arith.minimumf %sort3A_2356, %rev3A_2438 : vector<16xf32>
        %max3A_2440 = arith.maximumf %sort3A_2356, %rev3A_2438 : vector<16xf32>
        %min3A_2441 = arith.minimumf %sort3A_2344, %sort3A_2352 : vector<16xf32>
        %max3A_2442 = arith.maximumf %sort3A_2344, %sort3A_2352 : vector<16xf32>
        %min3A_2443 = arith.minimumf %sort3A_2348, %min3A_2439 : vector<16xf32>
        %max3A_2444 = arith.maximumf %sort3A_2348, %min3A_2439 : vector<16xf32>
        %min3A_2445 = arith.minimumf %min3A_2441, %min3A_2443 : vector<16xf32>
        %max3A_2446 = arith.maximumf %min3A_2441, %min3A_2443 : vector<16xf32>
        %min3A_2447 = arith.minimumf %max3A_2442, %max3A_2444 : vector<16xf32>
        %max3A_2448 = arith.maximumf %max3A_2442, %max3A_2444 : vector<16xf32>
        %sort3A_2449 = arith.constant dense<true> : vector<16xi1>
        %sort3A_2450, %sort3A_2451, %sort3A_2452 = tpu.sort %min3A_2445, %min3A_2445 masked %sort3A_2449 : (vector<16xf32>, vector<16xf32>, vector<16xi1>) -> (vector<16xi1>, vector<16xf32>, vector<16xf32>)
        %sort3A_2453 = arith.constant dense<true> : vector<16xi1>
        %sort3A_2454, %sort3A_2455, %sort3A_2456 = tpu.sort %max3A_2446, %max3A_2446 masked %sort3A_2453 : (vector<16xf32>, vector<16xf32>, vector<16xi1>) -> (vector<16xi1>, vector<16xf32>, vector<16xf32>)
        %sort3A_2457 = arith.constant dense<true> : vector<16xi1>
        %sort3A_2458, %sort3A_2459, %sort3A_2460 = tpu.sort %min3A_2447, %min3A_2447 masked %sort3A_2457 : (vector<16xf32>, vector<16xf32>, vector<16xi1>) -> (vector<16xi1>, vector<16xf32>, vector<16xf32>)
        %sort3A_2461 = arith.constant dense<true> : vector<16xi1>
        %sort3A_2462, %sort3A_2463, %sort3A_2464 = tpu.sort %max3A_2448, %max3A_2448 masked %sort3A_2461 : (vector<16xf32>, vector<16xf32>, vector<16xi1>) -> (vector<16xi1>, vector<16xf32>, vector<16xf32>)
        %sort3A_2465 = arith.constant dense<true> : vector<16xi1>
        %sort3A_2466, %sort3A_2467, %sort3A_2468 = tpu.sort %max3A_2440, %max3A_2440 masked %sort3A_2465 : (vector<16xf32>, vector<16xf32>, vector<16xi1>) -> (vector<16xi1>, vector<16xf32>, vector<16xf32>)
        %rev3A_2469 = arith.constant 15 : i32
        %rev3A_2470 = vector.broadcast %rev3A_2469 : i32 to vector<16xi32>
        %rev3A_2471 = tpu.iota {dimensions = array<i32: 0>} : vector<16xi32>
        %rev3A_2472 = arith.subi %rev3A_2470, %rev3A_2471 : vector<16xi32>
        %rev3A_2473 = tpu.dynamic_gather %sort3A_2467[%rev3A_2472] in [0] : vector<16xf32>, vector<16xi32> -> vector<16xf32>
        %rev3A_2474 = arith.constant 15 : i32
        %rev3A_2475 = vector.broadcast %rev3A_2474 : i32 to vector<16xi32>
        %rev3A_2476 = tpu.iota {dimensions = array<i32: 0>} : vector<16xi32>
        %rev3A_2477 = arith.subi %rev3A_2475, %rev3A_2476 : vector<16xi32>
        %rev3A_2478 = tpu.dynamic_gather %sort3A_2463[%rev3A_2477] in [0] : vector<16xf32>, vector<16xi32> -> vector<16xf32>
        %rev3A_2479 = arith.constant 15 : i32
        %rev3A_2480 = vector.broadcast %rev3A_2479 : i32 to vector<16xi32>
        %rev3A_2481 = tpu.iota {dimensions = array<i32: 0>} : vector<16xi32>
        %rev3A_2482 = arith.subi %rev3A_2480, %rev3A_2481 : vector<16xi32>
        %rev3A_2483 = tpu.dynamic_gather %sort3A_2459[%rev3A_2482] in [0] : vector<16xf32>, vector<16xi32> -> vector<16xf32>
        %rev3A_2484 = arith.constant 15 : i32
        %rev3A_2485 = vector.broadcast %rev3A_2484 : i32 to vector<16xi32>
        %rev3A_2486 = tpu.iota {dimensions = array<i32: 0>} : vector<16xi32>
        %rev3A_2487 = arith.subi %rev3A_2485, %rev3A_2486 : vector<16xi32>
        %rev3A_2488 = tpu.dynamic_gather %sort3A_2455[%rev3A_2487] in [0] : vector<16xf32>, vector<16xi32> -> vector<16xf32>
        %rev3A_2489 = arith.constant 15 : i32
        %rev3A_2490 = vector.broadcast %rev3A_2489 : i32 to vector<16xi32>
        %rev3A_2491 = tpu.iota {dimensions = array<i32: 0>} : vector<16xi32>
        %rev3A_2492 = arith.subi %rev3A_2490, %rev3A_2491 : vector<16xi32>
        %rev3A_2493 = tpu.dynamic_gather %sort3A_2451[%rev3A_2492] in [0] : vector<16xf32>, vector<16xi32> -> vector<16xf32>
        %min3A_2494 = arith.minimumf %sort3A_2416, %rev3A_2473 : vector<16xf32>
        %max3A_2495 = arith.maximumf %sort3A_2416, %rev3A_2473 : vector<16xf32>
        %min3A_2496 = arith.minimumf %sort3A_2420, %rev3A_2478 : vector<16xf32>
        %max3A_2497 = arith.maximumf %sort3A_2420, %rev3A_2478 : vector<16xf32>
        %min3A_2498 = arith.minimumf %sort3A_2424, %rev3A_2483 : vector<16xf32>
        %max3A_2499 = arith.maximumf %sort3A_2424, %rev3A_2483 : vector<16xf32>
        %min3A_2500 = arith.minimumf %sort3A_2428, %rev3A_2488 : vector<16xf32>
        %max3A_2501 = arith.maximumf %sort3A_2428, %rev3A_2488 : vector<16xf32>
        %min3A_2502 = arith.minimumf %sort3A_2432, %rev3A_2493 : vector<16xf32>
        %max3A_2503 = arith.maximumf %sort3A_2432, %rev3A_2493 : vector<16xf32>
        %min3A_2504 = arith.minimumf %sort3A_2404, %min3A_2496 : vector<16xf32>
        %max3A_2505 = arith.maximumf %sort3A_2404, %min3A_2496 : vector<16xf32>
        %min3A_2506 = arith.minimumf %sort3A_2408, %min3A_2498 : vector<16xf32>
        %max3A_2507 = arith.maximumf %sort3A_2408, %min3A_2498 : vector<16xf32>
        %min3A_2508 = arith.minimumf %sort3A_2412, %min3A_2500 : vector<16xf32>
        %max3A_2509 = arith.maximumf %sort3A_2412, %min3A_2500 : vector<16xf32>
        %min3A_2510 = arith.minimumf %min3A_2494, %min3A_2502 : vector<16xf32>
        %max3A_2511 = arith.maximumf %min3A_2494, %min3A_2502 : vector<16xf32>
        %min3A_2512 = arith.minimumf %max3A_2495, %max3A_2503 : vector<16xf32>
        %max3A_2513 = arith.maximumf %max3A_2495, %max3A_2503 : vector<16xf32>
        %min3A_2514 = arith.minimumf %min3A_2504, %min3A_2508 : vector<16xf32>
        %max3A_2515 = arith.maximumf %min3A_2504, %min3A_2508 : vector<16xf32>
        %min3A_2516 = arith.minimumf %min3A_2506, %min3A_2510 : vector<16xf32>
        %max3A_2517 = arith.maximumf %min3A_2506, %min3A_2510 : vector<16xf32>
        %min3A_2518 = arith.minimumf %max3A_2505, %max3A_2509 : vector<16xf32>
        %max3A_2519 = arith.maximumf %max3A_2505, %max3A_2509 : vector<16xf32>
        %min3A_2520 = arith.minimumf %max3A_2507, %max3A_2511 : vector<16xf32>
        %max3A_2521 = arith.maximumf %max3A_2507, %max3A_2511 : vector<16xf32>
        %min3A_2522 = arith.minimumf %max3A_2497, %max3A_2501 : vector<16xf32>
        %max3A_2523 = arith.maximumf %max3A_2497, %max3A_2501 : vector<16xf32>
        %min3A_2524 = arith.minimumf %max3A_2499, %min3A_2512 : vector<16xf32>
        %max3A_2525 = arith.maximumf %max3A_2499, %min3A_2512 : vector<16xf32>
        %min3A_2526 = arith.minimumf %min3A_2514, %min3A_2516 : vector<16xf32>
        %max3A_2527 = arith.maximumf %min3A_2514, %min3A_2516 : vector<16xf32>
        %min3A_2528 = arith.minimumf %max3A_2515, %max3A_2517 : vector<16xf32>
        %max3A_2529 = arith.maximumf %max3A_2515, %max3A_2517 : vector<16xf32>
        %min3A_2530 = arith.minimumf %min3A_2518, %min3A_2520 : vector<16xf32>
        %max3A_2531 = arith.maximumf %min3A_2518, %min3A_2520 : vector<16xf32>
        %min3A_2532 = arith.minimumf %max3A_2519, %max3A_2521 : vector<16xf32>
        %max3A_2533 = arith.maximumf %max3A_2519, %max3A_2521 : vector<16xf32>
        %min3A_2534 = arith.minimumf %min3A_2522, %min3A_2524 : vector<16xf32>
        %max3A_2535 = arith.maximumf %min3A_2522, %min3A_2524 : vector<16xf32>
        %min3A_2536 = arith.minimumf %max3A_2523, %max3A_2525 : vector<16xf32>
        %max3A_2537 = arith.maximumf %max3A_2523, %max3A_2525 : vector<16xf32>
        %sort3A_2538 = arith.constant dense<true> : vector<16xi1>
        %sort3A_2539, %sort3A_2540, %sort3A_2541 = tpu.sort %min3A_2526, %min3A_2526 masked %sort3A_2538 : (vector<16xf32>, vector<16xf32>, vector<16xi1>) -> (vector<16xi1>, vector<16xf32>, vector<16xf32>)
        %sort3A_2542 = arith.constant dense<true> : vector<16xi1>
        %sort3A_2543, %sort3A_2544, %sort3A_2545 = tpu.sort %max3A_2527, %max3A_2527 masked %sort3A_2542 : (vector<16xf32>, vector<16xf32>, vector<16xi1>) -> (vector<16xi1>, vector<16xf32>, vector<16xf32>)
        %sort3A_2546 = arith.constant dense<true> : vector<16xi1>
        %sort3A_2547, %sort3A_2548, %sort3A_2549 = tpu.sort %min3A_2528, %min3A_2528 masked %sort3A_2546 : (vector<16xf32>, vector<16xf32>, vector<16xi1>) -> (vector<16xi1>, vector<16xf32>, vector<16xf32>)
        %sort3A_2550 = arith.constant dense<true> : vector<16xi1>
        %sort3A_2551, %sort3A_2552, %sort3A_2553 = tpu.sort %max3A_2529, %max3A_2529 masked %sort3A_2550 : (vector<16xf32>, vector<16xf32>, vector<16xi1>) -> (vector<16xi1>, vector<16xf32>, vector<16xf32>)
        %sort3A_2554 = arith.constant dense<true> : vector<16xi1>
        %sort3A_2555, %sort3A_2556, %sort3A_2557 = tpu.sort %min3A_2530, %min3A_2530 masked %sort3A_2554 : (vector<16xf32>, vector<16xf32>, vector<16xi1>) -> (vector<16xi1>, vector<16xf32>, vector<16xf32>)
        %sort3A_2558 = arith.constant dense<true> : vector<16xi1>
        %sort3A_2559, %sort3A_2560, %sort3A_2561 = tpu.sort %max3A_2531, %max3A_2531 masked %sort3A_2558 : (vector<16xf32>, vector<16xf32>, vector<16xi1>) -> (vector<16xi1>, vector<16xf32>, vector<16xf32>)
        %sort3A_2562 = arith.constant dense<true> : vector<16xi1>
        %sort3A_2563, %sort3A_2564, %sort3A_2565 = tpu.sort %min3A_2532, %min3A_2532 masked %sort3A_2562 : (vector<16xf32>, vector<16xf32>, vector<16xi1>) -> (vector<16xi1>, vector<16xf32>, vector<16xf32>)
        %sort3A_2566 = arith.constant dense<true> : vector<16xi1>
        %sort3A_2567, %sort3A_2568, %sort3A_2569 = tpu.sort %max3A_2533, %max3A_2533 masked %sort3A_2566 : (vector<16xf32>, vector<16xf32>, vector<16xi1>) -> (vector<16xi1>, vector<16xf32>, vector<16xf32>)
        %sort3A_2570 = arith.constant dense<true> : vector<16xi1>
        %sort3A_2571, %sort3A_2572, %sort3A_2573 = tpu.sort %min3A_2534, %min3A_2534 masked %sort3A_2570 : (vector<16xf32>, vector<16xf32>, vector<16xi1>) -> (vector<16xi1>, vector<16xf32>, vector<16xf32>)
        %sort3A_2574 = arith.constant dense<true> : vector<16xi1>
        %sort3A_2575, %sort3A_2576, %sort3A_2577 = tpu.sort %max3A_2535, %max3A_2535 masked %sort3A_2574 : (vector<16xf32>, vector<16xf32>, vector<16xi1>) -> (vector<16xi1>, vector<16xf32>, vector<16xf32>)
        %sort3A_2578 = arith.constant dense<true> : vector<16xi1>
        %sort3A_2579, %sort3A_2580, %sort3A_2581 = tpu.sort %min3A_2536, %min3A_2536 masked %sort3A_2578 : (vector<16xf32>, vector<16xf32>, vector<16xi1>) -> (vector<16xi1>, vector<16xf32>, vector<16xf32>)
        %sort3A_2582 = arith.constant dense<true> : vector<16xi1>
        %sort3A_2583, %sort3A_2584, %sort3A_2585 = tpu.sort %max3A_2537, %max3A_2537 masked %sort3A_2582 : (vector<16xf32>, vector<16xf32>, vector<16xi1>) -> (vector<16xi1>, vector<16xf32>, vector<16xf32>)
        %sort3A_2586 = arith.constant dense<true> : vector<16xi1>
        %sort3A_2587, %sort3A_2588, %sort3A_2589 = tpu.sort %max3A_2513, %max3A_2513 masked %sort3A_2586 : (vector<16xf32>, vector<16xf32>, vector<16xi1>) -> (vector<16xi1>, vector<16xf32>, vector<16xf32>)
        %broadcast_in_dim3A_2590 = arith.constant 9.99999997E-7 : f32
        %broadcast_in_dim3A_2591 = vector.broadcast %broadcast_in_dim3A_2590 : f32 to vector<16xf32>
        %broadcast_in_dim3A_2592 = arith.constant 15 : i32
        %broadcast_in_dim3A_2593 = vector.broadcast %broadcast_in_dim3A_2592 : i32 to vector<16xi32>
        %broadcast_in_dim3A_2594 = arith.constant 0.000000e+00 : f32
        %broadcast_in_dim3A_2595 = vector.broadcast %broadcast_in_dim3A_2594 : f32 to vector<16xf32>
        %bitcast3A_2596 = vector.bitcast %sort3A_2540 : vector<16xf32> to vector<16xi32>
        %and3A_2597 = arith.constant 255 : i32
        %and3A_2598 = vector.broadcast %and3A_2597 : i32 to vector<16xi32>
        %and3A_2599 = arith.andi %bitcast3A_2596, %and3A_2598 : vector<16xi32>
        %gather3A_2600 = tpu.vector_load_idx %arg9[%and3A_2599] : memref<256xf32, #tpu.memory_space<vmem>>[vector<16xi32>], vector<16xf32>,
        %and3A_2601 = arith.constant -256 : i32
        %and3A_2602 = vector.broadcast %and3A_2601 : i32 to vector<16xi32>
        %and3A_2603 = arith.andi %bitcast3A_2596, %and3A_2602 : vector<16xi32>
        %ne3A_2604 = arith.constant -1082130432 : i32
        %ne3A_2605 = vector.broadcast %ne3A_2604 : i32 to vector<16xi32>
        %ne3A_2606 = arith.cmpi ne, %and3A_2603, %ne3A_2605 : vector<16xi32>
        %broadcast_in_dim3A_2607 = arith.constant true
        %broadcast_in_dim3A_2608 = vector.broadcast %broadcast_in_dim3A_2607 : i1 to vector<16xi1>
        %masked_cumsum3A_2609 = tpu.scan <sum>, %gather3A_2600 masked %broadcast_in_dim3A_2608 : vector<16xf32>, vector<16xi1> -> vector<16xf32>
        %add3A_2610 = arith.addf %masked_cumsum3A_2609, %broadcast_in_dim3A_2591 : vector<16xf32>
        %lt3A_2611 = arith.constant 0 : i32
        %lt3A_2612 = vector.broadcast %lt3A_2611 : i32 to vector<16xi32>
        %lt3A_2613 = arith.cmpi slt, %broadcast_in_dim3A_2593, %lt3A_2612 : vector<16xi32>
        %add3A_2614 = arith.constant 16 : i32
        %add3A_2615 = vector.broadcast %add3A_2614 : i32 to vector<16xi32>
        %add3A_2616 = arith.addi %broadcast_in_dim3A_2593, %add3A_2615 : vector<16xi32>
        %select_n3A_2617 = arith.select %lt3A_2613, %add3A_2616, %broadcast_in_dim3A_2593 : vector<16xi1>, vector<16xi32>
        %broadcast_in_dim3A_2618 = vector.shape_cast %select_n3A_2617 : vector<16xi32> to vector<16x1xi32>
        %gather3A_2619 = vector.shape_cast %broadcast_in_dim3A_2618 : vector<16x1xi32> to vector<16xi32>
        %gather3A_2620 = tpu.dynamic_gather %add3A_2610[%gather3A_2619] in [0] : vector<16xf32>, vector<16xi32> -> vector<16xf32>
        %bitcast3A_2621 = vector.bitcast %add3A_2610 : vector<16xf32> to vector<16xi32>
        %shift_right_arithmetic3A_2622 = arith.constant 15 : i32
        %shift_right_arithmetic3A_2623 = vector.broadcast %shift_right_arithmetic3A_2622 : i32 to vector<16xi32>
        %shift_right_arithmetic3A_2624 = arith.shrsi %bitcast3A_2621, %shift_right_arithmetic3A_2623 : vector<16xi32>
        %sub3A_2625 = arith.constant 27404 : i32
        %sub3A_2626 = vector.broadcast %sub3A_2625 : i32 to vector<16xi32>
        %sub3A_2627 = arith.subi %shift_right_arithmetic3A_2624, %sub3A_2626 : vector<16xi32>
        %and3A_2628 = arith.constant 32767 : i32
        %and3A_2629 = vector.broadcast %and3A_2628 : i32 to vector<16xi32>
        %and3A_2630 = arith.andi %bitcast3A_2621, %and3A_2629 : vector<16xi32>
        %convert_element_type3A_2631 = arith.sitofp %and3A_2630 : vector<16xi32> to vector<16xf32>
        %gather3A_2632 = tpu.vector_load_idx %arg10[%sub3A_2627] : memref<7168xf32, #tpu.memory_space<vmem>>[vector<16xi32>], vector<16xf32>,
        %gather3A_2633 = tpu.vector_load_idx %arg11[%sub3A_2627] : memref<7168xf32, #tpu.memory_space<vmem>>[vector<16xi32>], vector<16xf32>,
        %mul3A_2634 = arith.mulf %convert_element_type3A_2631, %gather3A_2633 : vector<16xf32>
        %add3A_2635 = arith.addf %gather3A_2632, %mul3A_2634 : vector<16xf32>
        %jit3A_2636 = arith.constant 0.000000e+00 : f32
        %broadcast_in_dim3A_2637 = vector.broadcast %jit3A_2636 : f32 to vector<16xf32>
        %select_n3A_2638 = arith.select %ne3A_2606, %add3A_2635, %broadcast_in_dim3A_2637 : vector<16xi1>, vector<16xf32>
        %add3A_2639 = arith.addf %broadcast_in_dim3A_2595, %select_n3A_2638 : vector<16xf32>
        %bitcast3A_2640 = vector.bitcast %sort3A_2544 : vector<16xf32> to vector<16xi32>
        %and3A_2641 = arith.constant 255 : i32
        %and3A_2642 = vector.broadcast %and3A_2641 : i32 to vector<16xi32>
        %and3A_2643 = arith.andi %bitcast3A_2640, %and3A_2642 : vector<16xi32>
        %gather3A_2644 = tpu.vector_load_idx %arg9[%and3A_2643] : memref<256xf32, #tpu.memory_space<vmem>>[vector<16xi32>], vector<16xf32>,
        %and3A_2645 = arith.constant -256 : i32
        %and3A_2646 = vector.broadcast %and3A_2645 : i32 to vector<16xi32>
        %and3A_2647 = arith.andi %bitcast3A_2640, %and3A_2646 : vector<16xi32>
        %ne3A_2648 = arith.constant -1082130432 : i32
        %ne3A_2649 = vector.broadcast %ne3A_2648 : i32 to vector<16xi32>
        %ne3A_2650 = arith.cmpi ne, %and3A_2647, %ne3A_2649 : vector<16xi32>
        %broadcast_in_dim3A_2651 = arith.constant true
        %broadcast_in_dim3A_2652 = vector.broadcast %broadcast_in_dim3A_2651 : i1 to vector<16xi1>
        %masked_cumsum3A_2653 = tpu.scan <sum>, %gather3A_2644 masked %broadcast_in_dim3A_2652 : vector<16xf32>, vector<16xi1> -> vector<16xf32>
        %add3A_2654 = arith.addf %masked_cumsum3A_2653, %gather3A_2620 : vector<16xf32>
        %lt3A_2655 = arith.constant 0 : i32
        %lt3A_2656 = vector.broadcast %lt3A_2655 : i32 to vector<16xi32>
        %lt3A_2657 = arith.cmpi slt, %broadcast_in_dim3A_2593, %lt3A_2656 : vector<16xi32>
        %add3A_2658 = arith.constant 16 : i32
        %add3A_2659 = vector.broadcast %add3A_2658 : i32 to vector<16xi32>
        %add3A_2660 = arith.addi %broadcast_in_dim3A_2593, %add3A_2659 : vector<16xi32>
        %select_n3A_2661 = arith.select %lt3A_2657, %add3A_2660, %broadcast_in_dim3A_2593 : vector<16xi1>, vector<16xi32>
        %broadcast_in_dim3A_2662 = vector.shape_cast %select_n3A_2661 : vector<16xi32> to vector<16x1xi32>
        %gather3A_2663 = vector.shape_cast %broadcast_in_dim3A_2662 : vector<16x1xi32> to vector<16xi32>
        %gather3A_2664 = tpu.dynamic_gather %add3A_2654[%gather3A_2663] in [0] : vector<16xf32>, vector<16xi32> -> vector<16xf32>
        %bitcast3A_2665 = vector.bitcast %add3A_2654 : vector<16xf32> to vector<16xi32>
        %shift_right_arithmetic3A_2666 = arith.constant 15 : i32
        %shift_right_arithmetic3A_2667 = vector.broadcast %shift_right_arithmetic3A_2666 : i32 to vector<16xi32>
        %shift_right_arithmetic3A_2668 = arith.shrsi %bitcast3A_2665, %shift_right_arithmetic3A_2667 : vector<16xi32>
        %sub3A_2669 = arith.constant 27404 : i32
        %sub3A_2670 = vector.broadcast %sub3A_2669 : i32 to vector<16xi32>
        %sub3A_2671 = arith.subi %shift_right_arithmetic3A_2668, %sub3A_2670 : vector<16xi32>
        %and3A_2672 = arith.constant 32767 : i32
        %and3A_2673 = vector.broadcast %and3A_2672 : i32 to vector<16xi32>
        %and3A_2674 = arith.andi %bitcast3A_2665, %and3A_2673 : vector<16xi32>
        %convert_element_type3A_2675 = arith.sitofp %and3A_2674 : vector<16xi32> to vector<16xf32>
        %gather3A_2676 = tpu.vector_load_idx %arg10[%sub3A_2671] : memref<7168xf32, #tpu.memory_space<vmem>>[vector<16xi32>], vector<16xf32>,
        %gather3A_2677 = tpu.vector_load_idx %arg11[%sub3A_2671] : memref<7168xf32, #tpu.memory_space<vmem>>[vector<16xi32>], vector<16xf32>,
        %mul3A_2678 = arith.mulf %convert_element_type3A_2675, %gather3A_2677 : vector<16xf32>
        %add3A_2679 = arith.addf %gather3A_2676, %mul3A_2678 : vector<16xf32>
        %jit3A_2680 = arith.constant 0.000000e+00 : f32
        %broadcast_in_dim3A_2681 = vector.broadcast %jit3A_2680 : f32 to vector<16xf32>
        %select_n3A_2682 = arith.select %ne3A_2650, %add3A_2679, %broadcast_in_dim3A_2681 : vector<16xi1>, vector<16xf32>
        %add3A_2683 = arith.addf %add3A_2639, %select_n3A_2682 : vector<16xf32>
        %bitcast3A_2684 = vector.bitcast %sort3A_2548 : vector<16xf32> to vector<16xi32>
        %and3A_2685 = arith.constant 255 : i32
        %and3A_2686 = vector.broadcast %and3A_2685 : i32 to vector<16xi32>
        %and3A_2687 = arith.andi %bitcast3A_2684, %and3A_2686 : vector<16xi32>
        %gather3A_2688 = tpu.vector_load_idx %arg9[%and3A_2687] : memref<256xf32, #tpu.memory_space<vmem>>[vector<16xi32>], vector<16xf32>,
        %and3A_2689 = arith.constant -256 : i32
        %and3A_2690 = vector.broadcast %and3A_2689 : i32 to vector<16xi32>
        %and3A_2691 = arith.andi %bitcast3A_2684, %and3A_2690 : vector<16xi32>
        %ne3A_2692 = arith.constant -1082130432 : i32
        %ne3A_2693 = vector.broadcast %ne3A_2692 : i32 to vector<16xi32>
        %ne3A_2694 = arith.cmpi ne, %and3A_2691, %ne3A_2693 : vector<16xi32>
        %broadcast_in_dim3A_2695 = arith.constant true
        %broadcast_in_dim3A_2696 = vector.broadcast %broadcast_in_dim3A_2695 : i1 to vector<16xi1>
        %masked_cumsum3A_2697 = tpu.scan <sum>, %gather3A_2688 masked %broadcast_in_dim3A_2696 : vector<16xf32>, vector<16xi1> -> vector<16xf32>
        %add3A_2698 = arith.addf %masked_cumsum3A_2697, %gather3A_2664 : vector<16xf32>
        %lt3A_2699 = arith.constant 0 : i32
        %lt3A_2700 = vector.broadcast %lt3A_2699 : i32 to vector<16xi32>
        %lt3A_2701 = arith.cmpi slt, %broadcast_in_dim3A_2593, %lt3A_2700 : vector<16xi32>
        %add3A_2702 = arith.constant 16 : i32
        %add3A_2703 = vector.broadcast %add3A_2702 : i32 to vector<16xi32>
        %add3A_2704 = arith.addi %broadcast_in_dim3A_2593, %add3A_2703 : vector<16xi32>
        %select_n3A_2705 = arith.select %lt3A_2701, %add3A_2704, %broadcast_in_dim3A_2593 : vector<16xi1>, vector<16xi32>
        %broadcast_in_dim3A_2706 = vector.shape_cast %select_n3A_2705 : vector<16xi32> to vector<16x1xi32>
        %gather3A_2707 = vector.shape_cast %broadcast_in_dim3A_2706 : vector<16x1xi32> to vector<16xi32>
        %gather3A_2708 = tpu.dynamic_gather %add3A_2698[%gather3A_2707] in [0] : vector<16xf32>, vector<16xi32> -> vector<16xf32>
        %bitcast3A_2709 = vector.bitcast %add3A_2698 : vector<16xf32> to vector<16xi32>
        %shift_right_arithmetic3A_2710 = arith.constant 15 : i32
        %shift_right_arithmetic3A_2711 = vector.broadcast %shift_right_arithmetic3A_2710 : i32 to vector<16xi32>
        %shift_right_arithmetic3A_2712 = arith.shrsi %bitcast3A_2709, %shift_right_arithmetic3A_2711 : vector<16xi32>
        %sub3A_2713 = arith.constant 27404 : i32
        %sub3A_2714 = vector.broadcast %sub3A_2713 : i32 to vector<16xi32>
        %sub3A_2715 = arith.subi %shift_right_arithmetic3A_2712, %sub3A_2714 : vector<16xi32>
        %and3A_2716 = arith.constant 32767 : i32
        %and3A_2717 = vector.broadcast %and3A_2716 : i32 to vector<16xi32>
        %and3A_2718 = arith.andi %bitcast3A_2709, %and3A_2717 : vector<16xi32>
        %convert_element_type3A_2719 = arith.sitofp %and3A_2718 : vector<16xi32> to vector<16xf32>
        %gather3A_2720 = tpu.vector_load_idx %arg10[%sub3A_2715] : memref<7168xf32, #tpu.memory_space<vmem>>[vector<16xi32>], vector<16xf32>,
        %gather3A_2721 = tpu.vector_load_idx %arg11[%sub3A_2715] : memref<7168xf32, #tpu.memory_space<vmem>>[vector<16xi32>], vector<16xf32>,
        %mul3A_2722 = arith.mulf %convert_element_type3A_2719, %gather3A_2721 : vector<16xf32>
        %add3A_2723 = arith.addf %gather3A_2720, %mul3A_2722 : vector<16xf32>
        %jit3A_2724 = arith.constant 0.000000e+00 : f32
        %broadcast_in_dim3A_2725 = vector.broadcast %jit3A_2724 : f32 to vector<16xf32>
        %select_n3A_2726 = arith.select %ne3A_2694, %add3A_2723, %broadcast_in_dim3A_2725 : vector<16xi1>, vector<16xf32>
        %add3A_2727 = arith.addf %add3A_2683, %select_n3A_2726 : vector<16xf32>
        %bitcast3A_2728 = vector.bitcast %sort3A_2552 : vector<16xf32> to vector<16xi32>
        %and3A_2729 = arith.constant 255 : i32
        %and3A_2730 = vector.broadcast %and3A_2729 : i32 to vector<16xi32>
        %and3A_2731 = arith.andi %bitcast3A_2728, %and3A_2730 : vector<16xi32>
        %gather3A_2732 = tpu.vector_load_idx %arg9[%and3A_2731] : memref<256xf32, #tpu.memory_space<vmem>>[vector<16xi32>], vector<16xf32>,
        %and3A_2733 = arith.constant -256 : i32
        %and3A_2734 = vector.broadcast %and3A_2733 : i32 to vector<16xi32>
        %and3A_2735 = arith.andi %bitcast3A_2728, %and3A_2734 : vector<16xi32>
        %ne3A_2736 = arith.constant -1082130432 : i32
        %ne3A_2737 = vector.broadcast %ne3A_2736 : i32 to vector<16xi32>
        %ne3A_2738 = arith.cmpi ne, %and3A_2735, %ne3A_2737 : vector<16xi32>
        %broadcast_in_dim3A_2739 = arith.constant true
        %broadcast_in_dim3A_2740 = vector.broadcast %broadcast_in_dim3A_2739 : i1 to vector<16xi1>
        %masked_cumsum3A_2741 = tpu.scan <sum>, %gather3A_2732 masked %broadcast_in_dim3A_2740 : vector<16xf32>, vector<16xi1> -> vector<16xf32>
        %add3A_2742 = arith.addf %masked_cumsum3A_2741, %gather3A_2708 : vector<16xf32>
        %lt3A_2743 = arith.constant 0 : i32
        %lt3A_2744 = vector.broadcast %lt3A_2743 : i32 to vector<16xi32>
        %lt3A_2745 = arith.cmpi slt, %broadcast_in_dim3A_2593, %lt3A_2744 : vector<16xi32>
        %add3A_2746 = arith.constant 16 : i32
        %add3A_2747 = vector.broadcast %add3A_2746 : i32 to vector<16xi32>
        %add3A_2748 = arith.addi %broadcast_in_dim3A_2593, %add3A_2747 : vector<16xi32>
        %select_n3A_2749 = arith.select %lt3A_2745, %add3A_2748, %broadcast_in_dim3A_2593 : vector<16xi1>, vector<16xi32>
        %broadcast_in_dim3A_2750 = vector.shape_cast %select_n3A_2749 : vector<16xi32> to vector<16x1xi32>
        %gather3A_2751 = vector.shape_cast %broadcast_in_dim3A_2750 : vector<16x1xi32> to vector<16xi32>
        %gather3A_2752 = tpu.dynamic_gather %add3A_2742[%gather3A_2751] in [0] : vector<16xf32>, vector<16xi32> -> vector<16xf32>
        %bitcast3A_2753 = vector.bitcast %add3A_2742 : vector<16xf32> to vector<16xi32>
        %shift_right_arithmetic3A_2754 = arith.constant 15 : i32
        %shift_right_arithmetic3A_2755 = vector.broadcast %shift_right_arithmetic3A_2754 : i32 to vector<16xi32>
        %shift_right_arithmetic3A_2756 = arith.shrsi %bitcast3A_2753, %shift_right_arithmetic3A_2755 : vector<16xi32>
        %sub3A_2757 = arith.constant 27404 : i32
        %sub3A_2758 = vector.broadcast %sub3A_2757 : i32 to vector<16xi32>
        %sub3A_2759 = arith.subi %shift_right_arithmetic3A_2756, %sub3A_2758 : vector<16xi32>
        %and3A_2760 = arith.constant 32767 : i32
        %and3A_2761 = vector.broadcast %and3A_2760 : i32 to vector<16xi32>
        %and3A_2762 = arith.andi %bitcast3A_2753, %and3A_2761 : vector<16xi32>
        %convert_element_type3A_2763 = arith.sitofp %and3A_2762 : vector<16xi32> to vector<16xf32>
        %gather3A_2764 = tpu.vector_load_idx %arg10[%sub3A_2759] : memref<7168xf32, #tpu.memory_space<vmem>>[vector<16xi32>], vector<16xf32>,
        %gather3A_2765 = tpu.vector_load_idx %arg11[%sub3A_2759] : memref<7168xf32, #tpu.memory_space<vmem>>[vector<16xi32>], vector<16xf32>,
        %mul3A_2766 = arith.mulf %convert_element_type3A_2763, %gather3A_2765 : vector<16xf32>
        %add3A_2767 = arith.addf %gather3A_2764, %mul3A_2766 : vector<16xf32>
        %jit3A_2768 = arith.constant 0.000000e+00 : f32
        %broadcast_in_dim3A_2769 = vector.broadcast %jit3A_2768 : f32 to vector<16xf32>
        %select_n3A_2770 = arith.select %ne3A_2738, %add3A_2767, %broadcast_in_dim3A_2769 : vector<16xi1>, vector<16xf32>
        %add3A_2771 = arith.addf %add3A_2727, %select_n3A_2770 : vector<16xf32>
        %bitcast3A_2772 = vector.bitcast %sort3A_2556 : vector<16xf32> to vector<16xi32>
        %and3A_2773 = arith.constant 255 : i32
        %and3A_2774 = vector.broadcast %and3A_2773 : i32 to vector<16xi32>
        %and3A_2775 = arith.andi %bitcast3A_2772, %and3A_2774 : vector<16xi32>
        %gather3A_2776 = tpu.vector_load_idx %arg9[%and3A_2775] : memref<256xf32, #tpu.memory_space<vmem>>[vector<16xi32>], vector<16xf32>,
        %and3A_2777 = arith.constant -256 : i32
        %and3A_2778 = vector.broadcast %and3A_2777 : i32 to vector<16xi32>
        %and3A_2779 = arith.andi %bitcast3A_2772, %and3A_2778 : vector<16xi32>
        %ne3A_2780 = arith.constant -1082130432 : i32
        %ne3A_2781 = vector.broadcast %ne3A_2780 : i32 to vector<16xi32>
        %ne3A_2782 = arith.cmpi ne, %and3A_2779, %ne3A_2781 : vector<16xi32>
        %broadcast_in_dim3A_2783 = arith.constant true
        %broadcast_in_dim3A_2784 = vector.broadcast %broadcast_in_dim3A_2783 : i1 to vector<16xi1>
        %masked_cumsum3A_2785 = tpu.scan <sum>, %gather3A_2776 masked %broadcast_in_dim3A_2784 : vector<16xf32>, vector<16xi1> -> vector<16xf32>
        %add3A_2786 = arith.addf %masked_cumsum3A_2785, %gather3A_2752 : vector<16xf32>
        %lt3A_2787 = arith.constant 0 : i32
        %lt3A_2788 = vector.broadcast %lt3A_2787 : i32 to vector<16xi32>
        %lt3A_2789 = arith.cmpi slt, %broadcast_in_dim3A_2593, %lt3A_2788 : vector<16xi32>
        %add3A_2790 = arith.constant 16 : i32
        %add3A_2791 = vector.broadcast %add3A_2790 : i32 to vector<16xi32>
        %add3A_2792 = arith.addi %broadcast_in_dim3A_2593, %add3A_2791 : vector<16xi32>
        %select_n3A_2793 = arith.select %lt3A_2789, %add3A_2792, %broadcast_in_dim3A_2593 : vector<16xi1>, vector<16xi32>
        %broadcast_in_dim3A_2794 = vector.shape_cast %select_n3A_2793 : vector<16xi32> to vector<16x1xi32>
        %gather3A_2795 = vector.shape_cast %broadcast_in_dim3A_2794 : vector<16x1xi32> to vector<16xi32>
        %gather3A_2796 = tpu.dynamic_gather %add3A_2786[%gather3A_2795] in [0] : vector<16xf32>, vector<16xi32> -> vector<16xf32>
        %bitcast3A_2797 = vector.bitcast %add3A_2786 : vector<16xf32> to vector<16xi32>
        %shift_right_arithmetic3A_2798 = arith.constant 15 : i32
        %shift_right_arithmetic3A_2799 = vector.broadcast %shift_right_arithmetic3A_2798 : i32 to vector<16xi32>
        %shift_right_arithmetic3A_2800 = arith.shrsi %bitcast3A_2797, %shift_right_arithmetic3A_2799 : vector<16xi32>
        %sub3A_2801 = arith.constant 27404 : i32
        %sub3A_2802 = vector.broadcast %sub3A_2801 : i32 to vector<16xi32>
        %sub3A_2803 = arith.subi %shift_right_arithmetic3A_2800, %sub3A_2802 : vector<16xi32>
        %and3A_2804 = arith.constant 32767 : i32
        %and3A_2805 = vector.broadcast %and3A_2804 : i32 to vector<16xi32>
        %and3A_2806 = arith.andi %bitcast3A_2797, %and3A_2805 : vector<16xi32>
        %convert_element_type3A_2807 = arith.sitofp %and3A_2806 : vector<16xi32> to vector<16xf32>
        %gather3A_2808 = tpu.vector_load_idx %arg10[%sub3A_2803] : memref<7168xf32, #tpu.memory_space<vmem>>[vector<16xi32>], vector<16xf32>,
        %gather3A_2809 = tpu.vector_load_idx %arg11[%sub3A_2803] : memref<7168xf32, #tpu.memory_space<vmem>>[vector<16xi32>], vector<16xf32>,
        %mul3A_2810 = arith.mulf %convert_element_type3A_2807, %gather3A_2809 : vector<16xf32>
        %add3A_2811 = arith.addf %gather3A_2808, %mul3A_2810 : vector<16xf32>
        %jit3A_2812 = arith.constant 0.000000e+00 : f32
        %broadcast_in_dim3A_2813 = vector.broadcast %jit3A_2812 : f32 to vector<16xf32>
        %select_n3A_2814 = arith.select %ne3A_2782, %add3A_2811, %broadcast_in_dim3A_2813 : vector<16xi1>, vector<16xf32>
        %add3A_2815 = arith.addf %add3A_2771, %select_n3A_2814 : vector<16xf32>
        %bitcast3A_2816 = vector.bitcast %sort3A_2560 : vector<16xf32> to vector<16xi32>
        %and3A_2817 = arith.constant 255 : i32
        %and3A_2818 = vector.broadcast %and3A_2817 : i32 to vector<16xi32>
        %and3A_2819 = arith.andi %bitcast3A_2816, %and3A_2818 : vector<16xi32>
        %gather3A_2820 = tpu.vector_load_idx %arg9[%and3A_2819] : memref<256xf32, #tpu.memory_space<vmem>>[vector<16xi32>], vector<16xf32>,
        %and3A_2821 = arith.constant -256 : i32
        %and3A_2822 = vector.broadcast %and3A_2821 : i32 to vector<16xi32>
        %and3A_2823 = arith.andi %bitcast3A_2816, %and3A_2822 : vector<16xi32>
        %ne3A_2824 = arith.constant -1082130432 : i32
        %ne3A_2825 = vector.broadcast %ne3A_2824 : i32 to vector<16xi32>
        %ne3A_2826 = arith.cmpi ne, %and3A_2823, %ne3A_2825 : vector<16xi32>
        %broadcast_in_dim3A_2827 = arith.constant true
        %broadcast_in_dim3A_2828 = vector.broadcast %broadcast_in_dim3A_2827 : i1 to vector<16xi1>
        %masked_cumsum3A_2829 = tpu.scan <sum>, %gather3A_2820 masked %broadcast_in_dim3A_2828 : vector<16xf32>, vector<16xi1> -> vector<16xf32>
        %add3A_2830 = arith.addf %masked_cumsum3A_2829, %gather3A_2796 : vector<16xf32>
        %lt3A_2831 = arith.constant 0 : i32
        %lt3A_2832 = vector.broadcast %lt3A_2831 : i32 to vector<16xi32>
        %lt3A_2833 = arith.cmpi slt, %broadcast_in_dim3A_2593, %lt3A_2832 : vector<16xi32>
        %add3A_2834 = arith.constant 16 : i32
        %add3A_2835 = vector.broadcast %add3A_2834 : i32 to vector<16xi32>
        %add3A_2836 = arith.addi %broadcast_in_dim3A_2593, %add3A_2835 : vector<16xi32>
        %select_n3A_2837 = arith.select %lt3A_2833, %add3A_2836, %broadcast_in_dim3A_2593 : vector<16xi1>, vector<16xi32>
        %broadcast_in_dim3A_2838 = vector.shape_cast %select_n3A_2837 : vector<16xi32> to vector<16x1xi32>
        %gather3A_2839 = vector.shape_cast %broadcast_in_dim3A_2838 : vector<16x1xi32> to vector<16xi32>
        %gather3A_2840 = tpu.dynamic_gather %add3A_2830[%gather3A_2839] in [0] : vector<16xf32>, vector<16xi32> -> vector<16xf32>
        %bitcast3A_2841 = vector.bitcast %add3A_2830 : vector<16xf32> to vector<16xi32>
        %shift_right_arithmetic3A_2842 = arith.constant 15 : i32
        %shift_right_arithmetic3A_2843 = vector.broadcast %shift_right_arithmetic3A_2842 : i32 to vector<16xi32>
        %shift_right_arithmetic3A_2844 = arith.shrsi %bitcast3A_2841, %shift_right_arithmetic3A_2843 : vector<16xi32>
        %sub3A_2845 = arith.constant 27404 : i32
        %sub3A_2846 = vector.broadcast %sub3A_2845 : i32 to vector<16xi32>
        %sub3A_2847 = arith.subi %shift_right_arithmetic3A_2844, %sub3A_2846 : vector<16xi32>
        %and3A_2848 = arith.constant 32767 : i32
        %and3A_2849 = vector.broadcast %and3A_2848 : i32 to vector<16xi32>
        %and3A_2850 = arith.andi %bitcast3A_2841, %and3A_2849 : vector<16xi32>
        %convert_element_type3A_2851 = arith.sitofp %and3A_2850 : vector<16xi32> to vector<16xf32>
        %gather3A_2852 = tpu.vector_load_idx %arg10[%sub3A_2847] : memref<7168xf32, #tpu.memory_space<vmem>>[vector<16xi32>], vector<16xf32>,
        %gather3A_2853 = tpu.vector_load_idx %arg11[%sub3A_2847] : memref<7168xf32, #tpu.memory_space<vmem>>[vector<16xi32>], vector<16xf32>,
        %mul3A_2854 = arith.mulf %convert_element_type3A_2851, %gather3A_2853 : vector<16xf32>
        %add3A_2855 = arith.addf %gather3A_2852, %mul3A_2854 : vector<16xf32>
        %jit3A_2856 = arith.constant 0.000000e+00 : f32
        %broadcast_in_dim3A_2857 = vector.broadcast %jit3A_2856 : f32 to vector<16xf32>
        %select_n3A_2858 = arith.select %ne3A_2826, %add3A_2855, %broadcast_in_dim3A_2857 : vector<16xi1>, vector<16xf32>
        %add3A_2859 = arith.addf %add3A_2815, %select_n3A_2858 : vector<16xf32>
        %bitcast3A_2860 = vector.bitcast %sort3A_2564 : vector<16xf32> to vector<16xi32>
        %and3A_2861 = arith.constant 255 : i32
        %and3A_2862 = vector.broadcast %and3A_2861 : i32 to vector<16xi32>
        %and3A_2863 = arith.andi %bitcast3A_2860, %and3A_2862 : vector<16xi32>
        %gather3A_2864 = tpu.vector_load_idx %arg9[%and3A_2863] : memref<256xf32, #tpu.memory_space<vmem>>[vector<16xi32>], vector<16xf32>,
        %and3A_2865 = arith.constant -256 : i32
        %and3A_2866 = vector.broadcast %and3A_2865 : i32 to vector<16xi32>
        %and3A_2867 = arith.andi %bitcast3A_2860, %and3A_2866 : vector<16xi32>
        %ne3A_2868 = arith.constant -1082130432 : i32
        %ne3A_2869 = vector.broadcast %ne3A_2868 : i32 to vector<16xi32>
        %ne3A_2870 = arith.cmpi ne, %and3A_2867, %ne3A_2869 : vector<16xi32>
        %broadcast_in_dim3A_2871 = arith.constant true
        %broadcast_in_dim3A_2872 = vector.broadcast %broadcast_in_dim3A_2871 : i1 to vector<16xi1>
        %masked_cumsum3A_2873 = tpu.scan <sum>, %gather3A_2864 masked %broadcast_in_dim3A_2872 : vector<16xf32>, vector<16xi1> -> vector<16xf32>
        %add3A_2874 = arith.addf %masked_cumsum3A_2873, %gather3A_2840 : vector<16xf32>
        %lt3A_2875 = arith.constant 0 : i32
        %lt3A_2876 = vector.broadcast %lt3A_2875 : i32 to vector<16xi32>
        %lt3A_2877 = arith.cmpi slt, %broadcast_in_dim3A_2593, %lt3A_2876 : vector<16xi32>
        %add3A_2878 = arith.constant 16 : i32
        %add3A_2879 = vector.broadcast %add3A_2878 : i32 to vector<16xi32>
        %add3A_2880 = arith.addi %broadcast_in_dim3A_2593, %add3A_2879 : vector<16xi32>
        %select_n3A_2881 = arith.select %lt3A_2877, %add3A_2880, %broadcast_in_dim3A_2593 : vector<16xi1>, vector<16xi32>
        %broadcast_in_dim3A_2882 = vector.shape_cast %select_n3A_2881 : vector<16xi32> to vector<16x1xi32>
        %gather3A_2883 = vector.shape_cast %broadcast_in_dim3A_2882 : vector<16x1xi32> to vector<16xi32>
        %gather3A_2884 = tpu.dynamic_gather %add3A_2874[%gather3A_2883] in [0] : vector<16xf32>, vector<16xi32> -> vector<16xf32>
        %bitcast3A_2885 = vector.bitcast %add3A_2874 : vector<16xf32> to vector<16xi32>
        %shift_right_arithmetic3A_2886 = arith.constant 15 : i32
        %shift_right_arithmetic3A_2887 = vector.broadcast %shift_right_arithmetic3A_2886 : i32 to vector<16xi32>
        %shift_right_arithmetic3A_2888 = arith.shrsi %bitcast3A_2885, %shift_right_arithmetic3A_2887 : vector<16xi32>
        %sub3A_2889 = arith.constant 27404 : i32
        %sub3A_2890 = vector.broadcast %sub3A_2889 : i32 to vector<16xi32>
        %sub3A_2891 = arith.subi %shift_right_arithmetic3A_2888, %sub3A_2890 : vector<16xi32>
        %and3A_2892 = arith.constant 32767 : i32
        %and3A_2893 = vector.broadcast %and3A_2892 : i32 to vector<16xi32>
        %and3A_2894 = arith.andi %bitcast3A_2885, %and3A_2893 : vector<16xi32>
        %convert_element_type3A_2895 = arith.sitofp %and3A_2894 : vector<16xi32> to vector<16xf32>
        %gather3A_2896 = tpu.vector_load_idx %arg10[%sub3A_2891] : memref<7168xf32, #tpu.memory_space<vmem>>[vector<16xi32>], vector<16xf32>,
        %gather3A_2897 = tpu.vector_load_idx %arg11[%sub3A_2891] : memref<7168xf32, #tpu.memory_space<vmem>>[vector<16xi32>], vector<16xf32>,
        %mul3A_2898 = arith.mulf %convert_element_type3A_2895, %gather3A_2897 : vector<16xf32>
        %add3A_2899 = arith.addf %gather3A_2896, %mul3A_2898 : vector<16xf32>
        %jit3A_2900 = arith.constant 0.000000e+00 : f32
        %broadcast_in_dim3A_2901 = vector.broadcast %jit3A_2900 : f32 to vector<16xf32>
        %select_n3A_2902 = arith.select %ne3A_2870, %add3A_2899, %broadcast_in_dim3A_2901 : vector<16xi1>, vector<16xf32>
        %add3A_2903 = arith.addf %add3A_2859, %select_n3A_2902 : vector<16xf32>
        %bitcast3A_2904 = vector.bitcast %sort3A_2568 : vector<16xf32> to vector<16xi32>
        %and3A_2905 = arith.constant 255 : i32
        %and3A_2906 = vector.broadcast %and3A_2905 : i32 to vector<16xi32>
        %and3A_2907 = arith.andi %bitcast3A_2904, %and3A_2906 : vector<16xi32>
        %gather3A_2908 = tpu.vector_load_idx %arg9[%and3A_2907] : memref<256xf32, #tpu.memory_space<vmem>>[vector<16xi32>], vector<16xf32>,
        %and3A_2909 = arith.constant -256 : i32
        %and3A_2910 = vector.broadcast %and3A_2909 : i32 to vector<16xi32>
        %and3A_2911 = arith.andi %bitcast3A_2904, %and3A_2910 : vector<16xi32>
        %ne3A_2912 = arith.constant -1082130432 : i32
        %ne3A_2913 = vector.broadcast %ne3A_2912 : i32 to vector<16xi32>
        %ne3A_2914 = arith.cmpi ne, %and3A_2911, %ne3A_2913 : vector<16xi32>
        %broadcast_in_dim3A_2915 = arith.constant true
        %broadcast_in_dim3A_2916 = vector.broadcast %broadcast_in_dim3A_2915 : i1 to vector<16xi1>
        %masked_cumsum3A_2917 = tpu.scan <sum>, %gather3A_2908 masked %broadcast_in_dim3A_2916 : vector<16xf32>, vector<16xi1> -> vector<16xf32>
        %add3A_2918 = arith.addf %masked_cumsum3A_2917, %gather3A_2884 : vector<16xf32>
        %lt3A_2919 = arith.constant 0 : i32
        %lt3A_2920 = vector.broadcast %lt3A_2919 : i32 to vector<16xi32>
        %lt3A_2921 = arith.cmpi slt, %broadcast_in_dim3A_2593, %lt3A_2920 : vector<16xi32>
        %add3A_2922 = arith.constant 16 : i32
        %add3A_2923 = vector.broadcast %add3A_2922 : i32 to vector<16xi32>
        %add3A_2924 = arith.addi %broadcast_in_dim3A_2593, %add3A_2923 : vector<16xi32>
        %select_n3A_2925 = arith.select %lt3A_2921, %add3A_2924, %broadcast_in_dim3A_2593 : vector<16xi1>, vector<16xi32>
        %broadcast_in_dim3A_2926 = vector.shape_cast %select_n3A_2925 : vector<16xi32> to vector<16x1xi32>
        %gather3A_2927 = vector.shape_cast %broadcast_in_dim3A_2926 : vector<16x1xi32> to vector<16xi32>
        %gather3A_2928 = tpu.dynamic_gather %add3A_2918[%gather3A_2927] in [0] : vector<16xf32>, vector<16xi32> -> vector<16xf32>
        %bitcast3A_2929 = vector.bitcast %add3A_2918 : vector<16xf32> to vector<16xi32>
        %shift_right_arithmetic3A_2930 = arith.constant 15 : i32
        %shift_right_arithmetic3A_2931 = vector.broadcast %shift_right_arithmetic3A_2930 : i32 to vector<16xi32>
        %shift_right_arithmetic3A_2932 = arith.shrsi %bitcast3A_2929, %shift_right_arithmetic3A_2931 : vector<16xi32>
        %sub3A_2933 = arith.constant 27404 : i32
        %sub3A_2934 = vector.broadcast %sub3A_2933 : i32 to vector<16xi32>
        %sub3A_2935 = arith.subi %shift_right_arithmetic3A_2932, %sub3A_2934 : vector<16xi32>
        %and3A_2936 = arith.constant 32767 : i32
        %and3A_2937 = vector.broadcast %and3A_2936 : i32 to vector<16xi32>
        %and3A_2938 = arith.andi %bitcast3A_2929, %and3A_2937 : vector<16xi32>
        %convert_element_type3A_2939 = arith.sitofp %and3A_2938 : vector<16xi32> to vector<16xf32>
        %gather3A_2940 = tpu.vector_load_idx %arg10[%sub3A_2935] : memref<7168xf32, #tpu.memory_space<vmem>>[vector<16xi32>], vector<16xf32>,
        %gather3A_2941 = tpu.vector_load_idx %arg11[%sub3A_2935] : memref<7168xf32, #tpu.memory_space<vmem>>[vector<16xi32>], vector<16xf32>,
        %mul3A_2942 = arith.mulf %convert_element_type3A_2939, %gather3A_2941 : vector<16xf32>
        %add3A_2943 = arith.addf %gather3A_2940, %mul3A_2942 : vector<16xf32>
        %jit3A_2944 = arith.constant 0.000000e+00 : f32
        %broadcast_in_dim3A_2945 = vector.broadcast %jit3A_2944 : f32 to vector<16xf32>
        %select_n3A_2946 = arith.select %ne3A_2914, %add3A_2943, %broadcast_in_dim3A_2945 : vector<16xi1>, vector<16xf32>
        %add3A_2947 = arith.addf %add3A_2903, %select_n3A_2946 : vector<16xf32>
        %bitcast3A_2948 = vector.bitcast %sort3A_2572 : vector<16xf32> to vector<16xi32>
        %and3A_2949 = arith.constant 255 : i32
        %and3A_2950 = vector.broadcast %and3A_2949 : i32 to vector<16xi32>
        %and3A_2951 = arith.andi %bitcast3A_2948, %and3A_2950 : vector<16xi32>
        %gather3A_2952 = tpu.vector_load_idx %arg9[%and3A_2951] : memref<256xf32, #tpu.memory_space<vmem>>[vector<16xi32>], vector<16xf32>,
        %and3A_2953 = arith.constant -256 : i32
        %and3A_2954 = vector.broadcast %and3A_2953 : i32 to vector<16xi32>
        %and3A_2955 = arith.andi %bitcast3A_2948, %and3A_2954 : vector<16xi32>
        %ne3A_2956 = arith.constant -1082130432 : i32
        %ne3A_2957 = vector.broadcast %ne3A_2956 : i32 to vector<16xi32>
        %ne3A_2958 = arith.cmpi ne, %and3A_2955, %ne3A_2957 : vector<16xi32>
        %broadcast_in_dim3A_2959 = arith.constant true
        %broadcast_in_dim3A_2960 = vector.broadcast %broadcast_in_dim3A_2959 : i1 to vector<16xi1>
        %masked_cumsum3A_2961 = tpu.scan <sum>, %gather3A_2952 masked %broadcast_in_dim3A_2960 : vector<16xf32>, vector<16xi1> -> vector<16xf32>
        %add3A_2962 = arith.addf %masked_cumsum3A_2961, %gather3A_2928 : vector<16xf32>
        %lt3A_2963 = arith.constant 0 : i32
        %lt3A_2964 = vector.broadcast %lt3A_2963 : i32 to vector<16xi32>
        %lt3A_2965 = arith.cmpi slt, %broadcast_in_dim3A_2593, %lt3A_2964 : vector<16xi32>
        %add3A_2966 = arith.constant 16 : i32
        %add3A_2967 = vector.broadcast %add3A_2966 : i32 to vector<16xi32>
        %add3A_2968 = arith.addi %broadcast_in_dim3A_2593, %add3A_2967 : vector<16xi32>
        %select_n3A_2969 = arith.select %lt3A_2965, %add3A_2968, %broadcast_in_dim3A_2593 : vector<16xi1>, vector<16xi32>
        %broadcast_in_dim3A_2970 = vector.shape_cast %select_n3A_2969 : vector<16xi32> to vector<16x1xi32>
        %gather3A_2971 = vector.shape_cast %broadcast_in_dim3A_2970 : vector<16x1xi32> to vector<16xi32>
        %gather3A_2972 = tpu.dynamic_gather %add3A_2962[%gather3A_2971] in [0] : vector<16xf32>, vector<16xi32> -> vector<16xf32>
        %bitcast3A_2973 = vector.bitcast %add3A_2962 : vector<16xf32> to vector<16xi32>
        %shift_right_arithmetic3A_2974 = arith.constant 15 : i32
        %shift_right_arithmetic3A_2975 = vector.broadcast %shift_right_arithmetic3A_2974 : i32 to vector<16xi32>
        %shift_right_arithmetic3A_2976 = arith.shrsi %bitcast3A_2973, %shift_right_arithmetic3A_2975 : vector<16xi32>
        %sub3A_2977 = arith.constant 27404 : i32
        %sub3A_2978 = vector.broadcast %sub3A_2977 : i32 to vector<16xi32>
        %sub3A_2979 = arith.subi %shift_right_arithmetic3A_2976, %sub3A_2978 : vector<16xi32>
        %and3A_2980 = arith.constant 32767 : i32
        %and3A_2981 = vector.broadcast %and3A_2980 : i32 to vector<16xi32>
        %and3A_2982 = arith.andi %bitcast3A_2973, %and3A_2981 : vector<16xi32>
        %convert_element_type3A_2983 = arith.sitofp %and3A_2982 : vector<16xi32> to vector<16xf32>
        %gather3A_2984 = tpu.vector_load_idx %arg10[%sub3A_2979] : memref<7168xf32, #tpu.memory_space<vmem>>[vector<16xi32>], vector<16xf32>,
        %gather3A_2985 = tpu.vector_load_idx %arg11[%sub3A_2979] : memref<7168xf32, #tpu.memory_space<vmem>>[vector<16xi32>], vector<16xf32>,
        %mul3A_2986 = arith.mulf %convert_element_type3A_2983, %gather3A_2985 : vector<16xf32>
        %add3A_2987 = arith.addf %gather3A_2984, %mul3A_2986 : vector<16xf32>
        %jit3A_2988 = arith.constant 0.000000e+00 : f32
        %broadcast_in_dim3A_2989 = vector.broadcast %jit3A_2988 : f32 to vector<16xf32>
        %select_n3A_2990 = arith.select %ne3A_2958, %add3A_2987, %broadcast_in_dim3A_2989 : vector<16xi1>, vector<16xf32>
        %add3A_2991 = arith.addf %add3A_2947, %select_n3A_2990 : vector<16xf32>
        %bitcast3A_2992 = vector.bitcast %sort3A_2576 : vector<16xf32> to vector<16xi32>
        %and3A_2993 = arith.constant 255 : i32
        %and3A_2994 = vector.broadcast %and3A_2993 : i32 to vector<16xi32>
        %and3A_2995 = arith.andi %bitcast3A_2992, %and3A_2994 : vector<16xi32>
        %gather3A_2996 = tpu.vector_load_idx %arg9[%and3A_2995] : memref<256xf32, #tpu.memory_space<vmem>>[vector<16xi32>], vector<16xf32>,
        %and3A_2997 = arith.constant -256 : i32
        %and3A_2998 = vector.broadcast %and3A_2997 : i32 to vector<16xi32>
        %and3A_2999 = arith.andi %bitcast3A_2992, %and3A_2998 : vector<16xi32>
        %ne3A_3000 = arith.constant -1082130432 : i32
        %ne3A_3001 = vector.broadcast %ne3A_3000 : i32 to vector<16xi32>
        %ne3A_3002 = arith.cmpi ne, %and3A_2999, %ne3A_3001 : vector<16xi32>
        %broadcast_in_dim3A_3003 = arith.constant true
        %broadcast_in_dim3A_3004 = vector.broadcast %broadcast_in_dim3A_3003 : i1 to vector<16xi1>
        %masked_cumsum3A_3005 = tpu.scan <sum>, %gather3A_2996 masked %broadcast_in_dim3A_3004 : vector<16xf32>, vector<16xi1> -> vector<16xf32>
        %add3A_3006 = arith.addf %masked_cumsum3A_3005, %gather3A_2972 : vector<16xf32>
        %lt3A_3007 = arith.constant 0 : i32
        %lt3A_3008 = vector.broadcast %lt3A_3007 : i32 to vector<16xi32>
        %lt3A_3009 = arith.cmpi slt, %broadcast_in_dim3A_2593, %lt3A_3008 : vector<16xi32>
        %add3A_3010 = arith.constant 16 : i32
        %add3A_3011 = vector.broadcast %add3A_3010 : i32 to vector<16xi32>
        %add3A_3012 = arith.addi %broadcast_in_dim3A_2593, %add3A_3011 : vector<16xi32>
        %select_n3A_3013 = arith.select %lt3A_3009, %add3A_3012, %broadcast_in_dim3A_2593 : vector<16xi1>, vector<16xi32>
        %broadcast_in_dim3A_3014 = vector.shape_cast %select_n3A_3013 : vector<16xi32> to vector<16x1xi32>
        %gather3A_3015 = vector.shape_cast %broadcast_in_dim3A_3014 : vector<16x1xi32> to vector<16xi32>
        %gather3A_3016 = tpu.dynamic_gather %add3A_3006[%gather3A_3015] in [0] : vector<16xf32>, vector<16xi32> -> vector<16xf32>
        %bitcast3A_3017 = vector.bitcast %add3A_3006 : vector<16xf32> to vector<16xi32>
        %shift_right_arithmetic3A_3018 = arith.constant 15 : i32
        %shift_right_arithmetic3A_3019 = vector.broadcast %shift_right_arithmetic3A_3018 : i32 to vector<16xi32>
        %shift_right_arithmetic3A_3020 = arith.shrsi %bitcast3A_3017, %shift_right_arithmetic3A_3019 : vector<16xi32>
        %sub3A_3021 = arith.constant 27404 : i32
        %sub3A_3022 = vector.broadcast %sub3A_3021 : i32 to vector<16xi32>
        %sub3A_3023 = arith.subi %shift_right_arithmetic3A_3020, %sub3A_3022 : vector<16xi32>
        %and3A_3024 = arith.constant 32767 : i32
        %and3A_3025 = vector.broadcast %and3A_3024 : i32 to vector<16xi32>
        %and3A_3026 = arith.andi %bitcast3A_3017, %and3A_3025 : vector<16xi32>
        %convert_element_type3A_3027 = arith.sitofp %and3A_3026 : vector<16xi32> to vector<16xf32>
        %gather3A_3028 = tpu.vector_load_idx %arg10[%sub3A_3023] : memref<7168xf32, #tpu.memory_space<vmem>>[vector<16xi32>], vector<16xf32>,
        %gather3A_3029 = tpu.vector_load_idx %arg11[%sub3A_3023] : memref<7168xf32, #tpu.memory_space<vmem>>[vector<16xi32>], vector<16xf32>,
        %mul3A_3030 = arith.mulf %convert_element_type3A_3027, %gather3A_3029 : vector<16xf32>
        %add3A_3031 = arith.addf %gather3A_3028, %mul3A_3030 : vector<16xf32>
        %jit3A_3032 = arith.constant 0.000000e+00 : f32
        %broadcast_in_dim3A_3033 = vector.broadcast %jit3A_3032 : f32 to vector<16xf32>
        %select_n3A_3034 = arith.select %ne3A_3002, %add3A_3031, %broadcast_in_dim3A_3033 : vector<16xi1>, vector<16xf32>
        %add3A_3035 = arith.addf %add3A_2991, %select_n3A_3034 : vector<16xf32>
        %bitcast3A_3036 = vector.bitcast %sort3A_2580 : vector<16xf32> to vector<16xi32>
        %and3A_3037 = arith.constant 255 : i32
        %and3A_3038 = vector.broadcast %and3A_3037 : i32 to vector<16xi32>
        %and3A_3039 = arith.andi %bitcast3A_3036, %and3A_3038 : vector<16xi32>
        %gather3A_3040 = tpu.vector_load_idx %arg9[%and3A_3039] : memref<256xf32, #tpu.memory_space<vmem>>[vector<16xi32>], vector<16xf32>,
        %and3A_3041 = arith.constant -256 : i32
        %and3A_3042 = vector.broadcast %and3A_3041 : i32 to vector<16xi32>
        %and3A_3043 = arith.andi %bitcast3A_3036, %and3A_3042 : vector<16xi32>
        %ne3A_3044 = arith.constant -1082130432 : i32
        %ne3A_3045 = vector.broadcast %ne3A_3044 : i32 to vector<16xi32>
        %ne3A_3046 = arith.cmpi ne, %and3A_3043, %ne3A_3045 : vector<16xi32>
        %broadcast_in_dim3A_3047 = arith.constant true
        %broadcast_in_dim3A_3048 = vector.broadcast %broadcast_in_dim3A_3047 : i1 to vector<16xi1>
        %masked_cumsum3A_3049 = tpu.scan <sum>, %gather3A_3040 masked %broadcast_in_dim3A_3048 : vector<16xf32>, vector<16xi1> -> vector<16xf32>
        %add3A_3050 = arith.addf %masked_cumsum3A_3049, %gather3A_3016 : vector<16xf32>
        %lt3A_3051 = arith.constant 0 : i32
        %lt3A_3052 = vector.broadcast %lt3A_3051 : i32 to vector<16xi32>
        %lt3A_3053 = arith.cmpi slt, %broadcast_in_dim3A_2593, %lt3A_3052 : vector<16xi32>
        %add3A_3054 = arith.constant 16 : i32
        %add3A_3055 = vector.broadcast %add3A_3054 : i32 to vector<16xi32>
        %add3A_3056 = arith.addi %broadcast_in_dim3A_2593, %add3A_3055 : vector<16xi32>
        %select_n3A_3057 = arith.select %lt3A_3053, %add3A_3056, %broadcast_in_dim3A_2593 : vector<16xi1>, vector<16xi32>
        %broadcast_in_dim3A_3058 = vector.shape_cast %select_n3A_3057 : vector<16xi32> to vector<16x1xi32>
        %gather3A_3059 = vector.shape_cast %broadcast_in_dim3A_3058 : vector<16x1xi32> to vector<16xi32>
        %gather3A_3060 = tpu.dynamic_gather %add3A_3050[%gather3A_3059] in [0] : vector<16xf32>, vector<16xi32> -> vector<16xf32>
        %bitcast3A_3061 = vector.bitcast %add3A_3050 : vector<16xf32> to vector<16xi32>
        %shift_right_arithmetic3A_3062 = arith.constant 15 : i32
        %shift_right_arithmetic3A_3063 = vector.broadcast %shift_right_arithmetic3A_3062 : i32 to vector<16xi32>
        %shift_right_arithmetic3A_3064 = arith.shrsi %bitcast3A_3061, %shift_right_arithmetic3A_3063 : vector<16xi32>
        %sub3A_3065 = arith.constant 27404 : i32
        %sub3A_3066 = vector.broadcast %sub3A_3065 : i32 to vector<16xi32>
        %sub3A_3067 = arith.subi %shift_right_arithmetic3A_3064, %sub3A_3066 : vector<16xi32>
        %and3A_3068 = arith.constant 32767 : i32
        %and3A_3069 = vector.broadcast %and3A_3068 : i32 to vector<16xi32>
        %and3A_3070 = arith.andi %bitcast3A_3061, %and3A_3069 : vector<16xi32>
        %convert_element_type3A_3071 = arith.sitofp %and3A_3070 : vector<16xi32> to vector<16xf32>
        %gather3A_3072 = tpu.vector_load_idx %arg10[%sub3A_3067] : memref<7168xf32, #tpu.memory_space<vmem>>[vector<16xi32>], vector<16xf32>,
        %gather3A_3073 = tpu.vector_load_idx %arg11[%sub3A_3067] : memref<7168xf32, #tpu.memory_space<vmem>>[vector<16xi32>], vector<16xf32>,
        %mul3A_3074 = arith.mulf %convert_element_type3A_3071, %gather3A_3073 : vector<16xf32>
        %add3A_3075 = arith.addf %gather3A_3072, %mul3A_3074 : vector<16xf32>
        %jit3A_3076 = arith.constant 0.000000e+00 : f32
        %broadcast_in_dim3A_3077 = vector.broadcast %jit3A_3076 : f32 to vector<16xf32>
        %select_n3A_3078 = arith.select %ne3A_3046, %add3A_3075, %broadcast_in_dim3A_3077 : vector<16xi1>, vector<16xf32>
        %add3A_3079 = arith.addf %add3A_3035, %select_n3A_3078 : vector<16xf32>
        %bitcast3A_3080 = vector.bitcast %sort3A_2584 : vector<16xf32> to vector<16xi32>
        %and3A_3081 = arith.constant 255 : i32
        %and3A_3082 = vector.broadcast %and3A_3081 : i32 to vector<16xi32>
        %and3A_3083 = arith.andi %bitcast3A_3080, %and3A_3082 : vector<16xi32>
        %gather3A_3084 = tpu.vector_load_idx %arg9[%and3A_3083] : memref<256xf32, #tpu.memory_space<vmem>>[vector<16xi32>], vector<16xf32>,
        %and3A_3085 = arith.constant -256 : i32
        %and3A_3086 = vector.broadcast %and3A_3085 : i32 to vector<16xi32>
        %and3A_3087 = arith.andi %bitcast3A_3080, %and3A_3086 : vector<16xi32>
        %ne3A_3088 = arith.constant -1082130432 : i32
        %ne3A_3089 = vector.broadcast %ne3A_3088 : i32 to vector<16xi32>
        %ne3A_3090 = arith.cmpi ne, %and3A_3087, %ne3A_3089 : vector<16xi32>
        %broadcast_in_dim3A_3091 = arith.constant true
        %broadcast_in_dim3A_3092 = vector.broadcast %broadcast_in_dim3A_3091 : i1 to vector<16xi1>
        %masked_cumsum3A_3093 = tpu.scan <sum>, %gather3A_3084 masked %broadcast_in_dim3A_3092 : vector<16xf32>, vector<16xi1> -> vector<16xf32>
        %add3A_3094 = arith.addf %masked_cumsum3A_3093, %gather3A_3060 : vector<16xf32>
        %lt3A_3095 = arith.constant 0 : i32
        %lt3A_3096 = vector.broadcast %lt3A_3095 : i32 to vector<16xi32>
        %lt3A_3097 = arith.cmpi slt, %broadcast_in_dim3A_2593, %lt3A_3096 : vector<16xi32>
        %add3A_3098 = arith.constant 16 : i32
        %add3A_3099 = vector.broadcast %add3A_3098 : i32 to vector<16xi32>
        %add3A_3100 = arith.addi %broadcast_in_dim3A_2593, %add3A_3099 : vector<16xi32>
        %select_n3A_3101 = arith.select %lt3A_3097, %add3A_3100, %broadcast_in_dim3A_2593 : vector<16xi1>, vector<16xi32>
        %broadcast_in_dim3A_3102 = vector.shape_cast %select_n3A_3101 : vector<16xi32> to vector<16x1xi32>
        %gather3A_3103 = vector.shape_cast %broadcast_in_dim3A_3102 : vector<16x1xi32> to vector<16xi32>
        %gather3A_3104 = tpu.dynamic_gather %add3A_3094[%gather3A_3103] in [0] : vector<16xf32>, vector<16xi32> -> vector<16xf32>
        %bitcast3A_3105 = vector.bitcast %add3A_3094 : vector<16xf32> to vector<16xi32>
        %shift_right_arithmetic3A_3106 = arith.constant 15 : i32
        %shift_right_arithmetic3A_3107 = vector.broadcast %shift_right_arithmetic3A_3106 : i32 to vector<16xi32>
        %shift_right_arithmetic3A_3108 = arith.shrsi %bitcast3A_3105, %shift_right_arithmetic3A_3107 : vector<16xi32>
        %sub3A_3109 = arith.constant 27404 : i32
        %sub3A_3110 = vector.broadcast %sub3A_3109 : i32 to vector<16xi32>
        %sub3A_3111 = arith.subi %shift_right_arithmetic3A_3108, %sub3A_3110 : vector<16xi32>
        %and3A_3112 = arith.constant 32767 : i32
        %and3A_3113 = vector.broadcast %and3A_3112 : i32 to vector<16xi32>
        %and3A_3114 = arith.andi %bitcast3A_3105, %and3A_3113 : vector<16xi32>
        %convert_element_type3A_3115 = arith.sitofp %and3A_3114 : vector<16xi32> to vector<16xf32>
        %gather3A_3116 = tpu.vector_load_idx %arg10[%sub3A_3111] : memref<7168xf32, #tpu.memory_space<vmem>>[vector<16xi32>], vector<16xf32>,
        %gather3A_3117 = tpu.vector_load_idx %arg11[%sub3A_3111] : memref<7168xf32, #tpu.memory_space<vmem>>[vector<16xi32>], vector<16xf32>,
        %mul3A_3118 = arith.mulf %convert_element_type3A_3115, %gather3A_3117 : vector<16xf32>
        %add3A_3119 = arith.addf %gather3A_3116, %mul3A_3118 : vector<16xf32>
        %jit3A_3120 = arith.constant 0.000000e+00 : f32
        %broadcast_in_dim3A_3121 = vector.broadcast %jit3A_3120 : f32 to vector<16xf32>
        %select_n3A_3122 = arith.select %ne3A_3090, %add3A_3119, %broadcast_in_dim3A_3121 : vector<16xi1>, vector<16xf32>
        %add3A_3123 = arith.addf %add3A_3079, %select_n3A_3122 : vector<16xf32>
        %bitcast3A_3124 = vector.bitcast %sort3A_2588 : vector<16xf32> to vector<16xi32>
        %and3A_3125 = arith.constant 255 : i32
        %and3A_3126 = vector.broadcast %and3A_3125 : i32 to vector<16xi32>
        %and3A_3127 = arith.andi %bitcast3A_3124, %and3A_3126 : vector<16xi32>
        %gather3A_3128 = tpu.vector_load_idx %arg9[%and3A_3127] : memref<256xf32, #tpu.memory_space<vmem>>[vector<16xi32>], vector<16xf32>,
        %and3A_3129 = arith.constant -256 : i32
        %and3A_3130 = vector.broadcast %and3A_3129 : i32 to vector<16xi32>
        %and3A_3131 = arith.andi %bitcast3A_3124, %and3A_3130 : vector<16xi32>
        %eq3A_3132 = arith.constant 2139095040 : i32
        %eq3A_3133 = vector.broadcast %eq3A_3132 : i32 to vector<16xi32>
        %eq3A_3134 = arith.cmpi eq, %and3A_3131, %eq3A_3133 : vector<16xi32>
        %jit3A_3135 = arith.constant 0.000000e+00 : f32
        %broadcast_in_dim3A_3136 = vector.broadcast %jit3A_3135 : f32 to vector<16xf32>
        %select_n3A_3137 = arith.select %eq3A_3134, %broadcast_in_dim3A_3136, %gather3A_3128 : vector<16xi1>, vector<16xf32>
        %ne3A_3138 = arith.constant -1082130432 : i32
        %ne3A_3139 = vector.broadcast %ne3A_3138 : i32 to vector<16xi32>
        %ne3A_3140 = arith.cmpi ne, %and3A_3131, %ne3A_3139 : vector<16xi32>
        %not3A_3141 = arith.constant dense<true> : vector<16xi1>
        %not3A_3142 = arith.xori %eq3A_3134, %not3A_3141 : vector<16xi1>
        %and3A_3143 = arith.andi %ne3A_3140, %not3A_3142 : vector<16xi1>
        %broadcast_in_dim3A_3144 = arith.constant true
        %broadcast_in_dim3A_3145 = vector.broadcast %broadcast_in_dim3A_3144 : i1 to vector<16xi1>
        %masked_cumsum3A_3146 = tpu.scan <sum>, %select_n3A_3137 masked %broadcast_in_dim3A_3145 : vector<16xf32>, vector<16xi1> -> vector<16xf32>
        %add3A_3147 = arith.addf %masked_cumsum3A_3146, %gather3A_3104 : vector<16xf32>
        %bitcast3A_3148 = vector.bitcast %add3A_3147 : vector<16xf32> to vector<16xi32>
        %shift_right_arithmetic3A_3149 = arith.constant 15 : i32
        %shift_right_arithmetic3A_3150 = vector.broadcast %shift_right_arithmetic3A_3149 : i32 to vector<16xi32>
        %shift_right_arithmetic3A_3151 = arith.shrsi %bitcast3A_3148, %shift_right_arithmetic3A_3150 : vector<16xi32>
        %sub3A_3152 = arith.constant 27404 : i32
        %sub3A_3153 = vector.broadcast %sub3A_3152 : i32 to vector<16xi32>
        %sub3A_3154 = arith.subi %shift_right_arithmetic3A_3151, %sub3A_3153 : vector<16xi32>
        %and3A_3155 = arith.constant 32767 : i32
        %and3A_3156 = vector.broadcast %and3A_3155 : i32 to vector<16xi32>
        %and3A_3157 = arith.andi %bitcast3A_3148, %and3A_3156 : vector<16xi32>
        %convert_element_type3A_3158 = arith.sitofp %and3A_3157 : vector<16xi32> to vector<16xf32>
        %gather3A_3159 = tpu.vector_load_idx %arg10[%sub3A_3154] : memref<7168xf32, #tpu.memory_space<vmem>>[vector<16xi32>], vector<16xf32>,
        %gather3A_3160 = tpu.vector_load_idx %arg11[%sub3A_3154] : memref<7168xf32, #tpu.memory_space<vmem>>[vector<16xi32>], vector<16xf32>,
        %mul3A_3161 = arith.mulf %convert_element_type3A_3158, %gather3A_3160 : vector<16xf32>
        %add3A_3162 = arith.addf %gather3A_3159, %mul3A_3161 : vector<16xf32>
        %jit3A_3163 = arith.constant 0.000000e+00 : f32
        %broadcast_in_dim3A_3164 = vector.broadcast %jit3A_3163 : f32 to vector<16xf32>
        %select_n3A_3165 = arith.select %and3A_3143, %add3A_3162, %broadcast_in_dim3A_3164 : vector<16xi1>, vector<16xf32>
        %add3A_3166 = arith.addf %add3A_3123, %select_n3A_3165 : vector<16xf32>
        %sub3A_3167 = arith.subf %add3A_3166, %add3A_1965 : vector<16xf32>
        %add3A_3168 = arith.addf %add3A_1594, %sub3A_3167 : vector<16xf32>
        scf.yield %add3A_3168 : vector<16xf32>
      }
      %scan3A_40 = arith.constant 64 : i32
      scf.yield %scan3A_39 : vector<16xf32>
    }
    %scan3A_25 = arith.constant 8 : i32
    %swap3A_26 = arith.constant 0 : index
    %swap3A_27 = tpu.vector_load %arg12[%swap3A_26] {strides = array<i32>} : memref<16xf32, #tpu.memory_space<vmem>>, vector<16xf32>,
    tpu.vector_store %arg12[%swap3A_26], %scan3A_24 {strides = array<i32>} : memref<16xf32, #tpu.memory_space<vmem>>, vector<16xf32>,
    %mul3A_28 = arith.constant 16 : i32
    %mul3A_29 = arith.muli %add3A, %mul3A_28 : i32
    "tpu.region"() ({
      %run_scoped3A = tpu.sem_alloc : memref<!tpu.dma_semaphore, #tpu.memory_space<semaphore_mem>>
      %dma_start3A = tpu.memref_slice %arg6[%mul3A_29] : memref<512xf32, #tpu.memory_space<hbm>> -> memref<16xf32, #tpu.memory_space<hbm>>
      %dma_start3A_30 = tpu.memref_slice %arg6[%mul3A_29] : memref<512xf32, #tpu.memory_space<hbm>> -> memref<16xf32, #tpu.memory_space<hbm>>
      tpu.enqueue_dma source(%arg12 : memref<16xf32, #tpu.memory_space<vmem>>) target(%dma_start3A_30 : memref<16xf32, #tpu.memory_space<hbm>>) target_semaphore(%run_scoped3A : memref<!tpu.dma_semaphore, #tpu.memory_space<semaphore_mem>>)
      %dma_wait3A = tpu.memref_slice %arg6[%mul3A_29] : memref<512xf32, #tpu.memory_space<hbm>> -> memref<16xf32, #tpu.memory_space<hbm>>
      %dma_wait3A_31 = tpu.memref_slice %arg6[%mul3A_29] : memref<512xf32, #tpu.memory_space<hbm>> -> memref<16xf32, #tpu.memory_space<hbm>>
      tpu.wait_dma2 semaphore(%run_scoped3A : memref<!tpu.dma_semaphore, #tpu.memory_space<semaphore_mem>>) src(%arg12 : memref<16xf32, #tpu.memory_space<vmem>>) dst(%dma_wait3A_31 : memref<16xf32, #tpu.memory_space<hbm>>)
      tpu.yield
    }) : () -> ()
    return
  }
}

</mosaic_0001>

<sc_bundles>
// kernel: kernel.3.cloned.1.call-start
scs
__scs_entry_jumppad:
0x0: {  	(pc) =	sbr.rel $0x88, $3  }
0x1: {  	(tag) =	ssettag $0x0;
	lr =	simm.s32 $0x1  }
0x2: {  	[smem:$0x3F9F] =	sst lr;
	_ =	strace $0xD0000000  }
0x3: {  	_ = 	snop  }
0x4: {  	_ = 	snop  }
0x5: {  	_ = 	snop  }
0x6: {  	_ = 	snop  }
0x7: {  	_ = 	snop  }
__scs_overlays_trampoline_lowered:
0x8: {  	[smem:$0x3FAE] =	sst s0  }
0x9: {  	[smem:$0x3FAF] =	sst s1  }
0xa: {  	[smem:$0x3FB0] =	sst s2  }
0xb: {  	[smem:$0x3FB1] =	sst s3  }
0xc: {  	[smem:$0x3FB2] =	sst s4  }
0xd: {  	[smem:$0x3FB3] =	sst s5  }
0xe: {  	[smem:$0x3FB4] =	sst s6  }
0xf: {  	[smem:$0x3FB5] =	sst s7  }
0x10: {  	[smem:$0x3FB6] =	sst s8  }
0x11: {  	[smem:$0x3FB7] =	sst s9;
	s0 =	simm.s32 @!p0 $0x0  }
0x12: {  	s1 =	sld [smem:$0x3F9D];
	s0 =	simm.s32 @p0 $0x1  }
0x13: {  	[smem:$0x3FB8] =	sst s0;
	s0 =	simm.s32 @!p1 $0x0  }
0x14: {  	s2 =	sld [smem:$0x3F9C];
	s0 =	simm.s32 @p1 $0x1  }
0x15: {  	[smem:$0x3FB9] =	sst s0;
	s0 =	simm.s32 @!p2 $0x0  }
0x16: {  	s3 =	sld [smem:$0x3FDB];
	s0 =	simm.s32 @p2 $0x1  }
0x17: {  	s4 =	simm.s32 $0x1BF5;
	[smem:$0x3FBB] =	sst s0  }
0x18: {  	s0 =	sld [smem:$0x3F9E];
	_ =	swait.ge [sflag:s4], $0x0  }
0x19: {  	s7 =	sld [smem:$0x3F9F]  }
0x1a: {  	s8 =	sadd.s32 $0xFFFFE003, lr  }
0x1b: {  	s9 =	sadd.s32 $0xFFFFFEF7, lr;
	s5 =	simm.s32 $0xFFFFFFFF;
	p2 =	slt.u32 s8, $0xFFFFF086  }
0x1c: {  	p1 =	slt.u32 s9, $0xF7A;
	s5 =	simm.s32 @!p2 $0x0  }
0x1d: {  	s5 =	simm.s32 @p1 $0x1;
	p0 =	seq.s32 s7, s2  }
0x1e: {  	s7 =	smul.u32 @!p0 $0xF7A, s2;
	p2 =	seq.s32 @!p0 s5, $0x0  }
0x1f: {  	s9 =	smul.u32 $0xF7A, s1;
	s8 =	simm.s32 @!p0 $0x1BF5;
	p2 =	por !p2, p0  }
0x20: {  	[sflag:s8] =	ssyncset.s32 @!p0 $0xFFFFF086;
	s6 =	sadd.s32 @!p0 s3, s7;
	s7 =	simm.s32 @!p0 $0x108  }
0x21: {  	s3 =	sadd.s32 s3, s9;
	s6 =	sadd.s32 @!p0 $0x88, s6;
	s7 =	simm.s32 @p2 $0x1082  }
0x22: {  	[simem:s7], [sflag:s8] =	dma.local @!p0 [hbm:s6], $0xF7A  }
0x23: {  	s9 =	sor.u32 $0xD0000000, s2;
	s6 =	simm.s32 $0x108;
	_ =	swait.ge @!p0 [sflag:s8], $0x0  }
0x24: {  	s3 =	sadd.s32 $0x88, s3;
	s6 =	simm.s32 @!p1 $0x1082;
	[sflag:s4] =	ssyncset.s32 $0xFFFFF086  }
0x25: {  	[simem:s6], [sflag:s4] =	dma.local [hbm:s3], $0xF7A  }
0x26: {  	[smem:$0x3F9F] =	sst s1;
	(tag) =	ssettag s2;
	_ =	strace s9  }
0x27: {  	s1 =	sld [smem:$0x3FAF]  }
0x28: {  	s2 =	sld [smem:$0x3FB0]  }
0x29: {  	s4 =	sld [smem:$0x3FB2]  }
0x2a: {  	p0 =	seq.s32 s5, $0x0;
	s5 =	sld [smem:$0x3FB3]  }
0x2b: {  	s6 =	sld [smem:$0x3FB4]  }
0x2c: {  	s7 =	sld [smem:$0x3FB5]  }
0x2d: {  	s3 =	simm.s32 $0x108;
	s8 =	sld [smem:$0x3FB6]  }
0x2e: {  	s3 =	simm.s32 @!p0 $0x1082;
	s9 =	sld [smem:$0x3FB7]  }
0x2f: {  	lr =	sadd.s32 s0, s3;
	s0 =	sld [smem:$0x3FAE]  }
0x30: {  	s3 =	sld [smem:$0x3FB1]  }
0x31: {  	[smem:$0x3FBA] =	sst s10  }
0x32: {  	s10 =	sld [smem:$0x3FB8];
	_ =	sdelay $0x3  }
0x33: {  	p0 =	seq.s32 s10, $0x1;
	s10 =	sld [smem:$0x3FBA];
	_ =	sdelay $0x3  }
0x34: {  	[smem:$0x3FBA] =	sst s10  }
0x35: {  	s10 =	sld [smem:$0x3FB9];
	_ =	sdelay $0x3  }
0x36: {  	p1 =	seq.s32 s10, $0x1;
	s10 =	sld [smem:$0x3FBA];
	_ =	sdelay $0x3  }
0x37: {  	[smem:$0x3FBA] =	sst s10  }
0x38: {  	s10 =	sld [smem:$0x3FBB]  }
0x39: {  	_ = 	snop;
	(pc) =	sbr.ind lr, $3  }
0x3a: {  	_ = 	snop  }
0x3b: {  	_ = 	snop  }
0x3c: {  	p2 =	seq.s32 s10, $0x1;
	s10 =	sld [smem:$0x3FBA]  }
0x3d: {  	_ =	shalt  }
0x3e: {  	_ =	shalt  }
0x3f: {  	_ =	shalt  }
0x40: {  	_ =	shalt  }
0x41: {  	_ =	shalt  }
0x42: {  	_ =	shalt  }
0x43: {  	_ =	shalt  }
0x44: {  	_ =	shalt  }
0x45: {  	_ =	shalt  }
0x46: {  	_ =	shalt  }
0x47: {  	_ =	shalt  }
0x48: {  	_ =	shalt  }
0x49: {  	_ =	shalt  }
0x4a: {  	_ =	shalt  }
0x4b: {  	_ =	shalt  }
0x4c: {  	_ =	shalt  }
0x4d: {  	_ =	shalt  }
0x4e: {  	_ =	shalt  }
0x4f: {  	_ =	shalt  }
0x50: {  	_ =	shalt  }
0x51: {  	_ =	shalt  }
0x52: {  	_ =	shalt  }
0x53: {  	_ =	shalt  }
0x54: {  	_ =	shalt  }
0x55: {  	_ =	shalt  }
0x56: {  	_ =	shalt  }
0x57: {  	_ =	shalt  }
0x58: {  	_ =	shalt  }
0x59: {  	_ =	shalt  }
0x5a: {  	_ =	shalt  }
0x5b: {  	_ =	shalt  }
0x5c: {  	_ =	shalt  }
0x5d: {  	_ =	shalt  }
0x5e: {  	_ =	shalt  }
0x5f: {  	_ =	shalt  }
0x60: {  	_ =	shalt  }
0x61: {  	_ =	shalt  }
0x62: {  	_ =	shalt  }
0x63: {  	_ =	shalt  }
0x64: {  	_ =	shalt  }
0x65: {  	_ =	shalt  }
0x66: {  	_ =	shalt  }
0x67: {  	_ =	shalt  }
0x68: {  	_ =	shalt  }
0x69: {  	_ =	shalt  }
0x6a: {  	_ =	shalt  }
0x6b: {  	_ =	shalt  }
0x6c: {  	_ =	shalt  }
0x6d: {  	_ =	shalt  }
0x6e: {  	_ =	shalt  }
0x6f: {  	_ =	shalt  }
0x70: {  	_ =	shalt  }
0x71: {  	_ =	shalt  }
0x72: {  	_ =	shalt  }
0x73: {  	_ =	shalt  }
0x74: {  	_ =	shalt  }
0x75: {  	_ =	shalt  }
0x76: {  	_ =	shalt  }
0x77: {  	_ =	shalt  }
0x78: {  	_ =	shalt  }
0x79: {  	_ =	shalt  }
0x7a: {  	_ =	shalt  }
0x7b: {  	_ =	shalt  }
0x7c: {  	_ =	shalt  }
0x7d: {  	_ =	shalt  }
0x7e: {  	_ =	shalt  }
0x7f: {  	_ =	shalt  }
0x80: {  	_ =	shalt  }
0x81: {  	_ =	shalt  }
0x82: {  	_ =	shalt  }
0x83: {  	_ =	shalt  }
0x84: {  	_ =	shalt  }
0x85: {  	_ =	shalt  }
0x86: {  	_ =	shalt  }
0x87: {  	_ =	shalt  }
.Lfunc_end0:
.L_simem_size_0:
called_computation_lowered:
.L_overlay_start_0:
0x88: {  	s2 =	sld [smem:$0x3FD9]  }
0x89: {  	s3 =	sld [smem:$0x3FFE];
	_ =	sdelay $0x1  }
0x8a: {  	s1 =	srdreg.scid  }
0x8b: {  	s0 =	sand.u32 $0x1, s1  }
0x8c: {  	s16 =	sshll.u32 s0, $0xA;
	s2 =	sadd.s32 s3, s2  }
0x8d: {  	s2 =	sadd.s32 s2, s16  }
0x8e: {  	[smem:$0x3FC6] =	sst s2  }
0x8f: {  	_ = 	snop  }
0x90: {  	(tm) =	ssettm $0x1  }
0x91: {  	s17 =	sld [smem:$0x3FFB];
	_ =	sdelay $0x3  }
0x92: {  	_ =	strace s17  }
0x93: {  	s2 =	sld [smem:$0x3FFC];
	_ =	sdelay $0x3  }
0x94: {  	_ =	strace s2  }
0x95: {  	s2 =	sld [smem:$0x3FFD];
	_ =	sdelay $0x3  }
0x96: {  	_ =	strace s2  }
0x97: {  	_ =	strace $0x8FFFFFFF  }
0x98: {  	s18 =	sld [smem:$0x3FDB];
	_ =	sdelay $0x1  }
0x99: {  	s19 =	simm.s32 $_scs_section_size  }
0x9a: {  	s4 =	simm.s32 $_size__tile_overlayer_lowered;
	s5 =	simm.s32 $_tile_overlayer_lowered  }
0x9b: {  	s22 =	simm.s32 $0x1BFF;
	s21 =	sshll.u32 s5, $0x1;
	s2 =	sadd.s32 s19, s18  }
0x9c: {  	s6 =	simm.s32 $0x0;
	s20 =	sshll.u32 s4, $0x1;
	s4 =	sadd.s32 s21, s2  }
0x9d: {  	[timem:s6], [sflag:s22] =	dma.local [hbm:s4], s20  }
0x9e: {  	_ =	swait.ge [sflag:s22], s20  }
0x9f: {  	s3 =	ssub.s32 $0x0, s20;
	[sflag:s22] =	ssyncset.done $0x0  }
0xa0: {  	[sflag:s22] =	ssyncadd.s32 s3;
	_ =	sdelay $0x1  }
0xa1: {  	s23 =	simm.s32 $0x1B8B  }
0xa2: {  	_ =	swait.ge [sflag:s23], $0x1  }
0xa3: {  	[sflag:s23] =	ssyncset.done $0x0  }
0xa4: {  	s25 =	simm.s32 $0x1B8E;
	s24 =	sld [smem:$0x3FFE];
	[sflag:s23] =	ssyncadd.s32 $0xFFFFFFFF  }
0xa5: {  	s26 =	simm.s32 $execute0_lowered;
	[smem:$0x3FD2] =	sst s25  }
0xa6: {  	s4 =	sshll.u32 s26, $0x1;
	_ =	strace $0x80000046;
	[dreg:$0x1] =	wrdreg $0xFFFFFFFF  }
0xa7: {  	s28 =	simm.s32 $_size_execute0_lowered;
	s2 =	sadd.s32 s2, s4;
	[dreg:$0x0] =	wrdreg $0x0  }
0xa8: {  	s4 =	sshll.u32 s28, $0x1;
	[dreg:$0x2] =	wrdreg s2  }
0xa9: {  	[dreg:$0x3] =	wrdreg s4  }
0xaa: {  	[dreg:$0x4] =	wrdreg $0xC0  }
0xab: {  	_ =	task [dreg:s6], $0x5FFFF  }
0xac: {  	[dreg:$0x1] =	wrdreg $0xFFFFFFFF  }
0xad: {  	[dreg:$0x0] =	wrdreg $0x60  }
0xae: {  	[dreg:$0x2] =	wrdreg s24  }
0xaf: {  	[dreg:$0x3] =	wrdreg $0x9  }
0xb0: {  	_ =	task.clear_ibuf [dreg:s6], $0x4FFFF;
	_ =	strace $0x90000046  }
0xb1: {  	s29 =	simm.s32 $0x9;
	_ =	strace $0x80000048  }
0xb2: {  	_ =	swait.ge [sflag:s29], $0x1  }
0xb3: {  	[sflag:s29] =	ssyncadd.s32 $0xFFFFFFFF  }
0xb4: {  	_ =	strace $0x90000048  }
0xb5: {  	_ =	sfence  }
0xb6: {  	s30 =	sld [smem:$0x0];
	_ =	sdelay $0x2  }
0xb7: {  	s31 =	sshll.u32 s1, $0xD;
	s1 =	sshrl.u32 s1, $0x2  }
0xb8: {  	s3 =	sand.u32 $0x4000, s31;
	s1 =	sadd.s32 s1, s30  }
0xb9: {  	s0 =	sor.u32 s3, s0;
	s1 =	sshll.u32 s1, $0x11  }
0xba: {  	s0 =	sor.u32 s1, s0  }
0xbb: {  	s0 =	sadd.s32 $0x8F2B, s0  }
0xbc: {  	[sflag:s0] =	ssyncadd.remote.s32 $0x1  }
0xbd: {  	_ =	sfence.sel $0xFFFF  }
0xbe: {  	[dreg:$0x0] =	wrdreg $0xFFFFFFFF;
	(pc) =	sbr.abs _section_cstart, $3  }
0xbf: {  	[dreg:$0x1] =	wrdreg $0xFFFFFFFF  }
0xc0: {  	_ =	task.clear_ibuf [dreg:s6], $0x2FFFF;
	_ =	strace $0x9FFFFFFF  }
0xc1: {  	(tm) =	ssettm $0x7FFFFFFF  }
tec
execute0_lowered:
.L_overlay_start_1:
0x0: {  	(tag) =	ssettag $0x1  }
0x1: {  	s7 =	rddreg [dreg:$0x0];
	s1 =	simm.s32 $0x0;
	v22 =	vlaneseq.u32  }
0x2: {  	[smem:$0x7FF] =	sst s1;
	v30 =	vor.u32 $0x10, v22  }
0x3: {  	s0 =	rddreg [dreg:$0x1];
	v37 =	vor.u32 $0x20, v22;
	_ =	strace $0x80000047;
	[tilespmem:$0x1FF50] =	vst v30  }
0x4: {  	v62 =	vor.u32 $0x40, v22;
	[tilespmem:$0x1FF60] =	vst v37  }
0x5: {  	v17 =	vor.u32 $0x60, v22;
	[tilespmem:$0x1FF70] =	vst v62  }
0x6: {  	v0 =	vimm.s32 $0xC3C2C1C0;
	v19 =	vor.u32 $0x70, v22;
	[tilespmem:$0x1FF80] =	vst v17  }
0x7: {  	s5 =	srdreg.scid;
	s2 =	stileid.u32;
	v1 =	vimm.s32 $0xC7C6C5C4;
	s12 =	simm.s32 $0x9D00;
	v24 =	vor.u32 $0x80, v22;
	[tilespmem:$0x1FF90] =	vst v19  }
0x8: {  	s13 =	simm.s32 $0x4000;
	s14 =	simm.s32 $0x8000;
	s15 =	simm.s32 $0xB900;
	v25 =	vor.u32 $0x90, v22;
	[tilespmem:$0x1FFA0] =	vst v24  }
0x9: {  	s16 =	simm.s32 $0x0;
	s6 =	sand.u32 $0x1, s5;
	s8 =	sshll.u32 s2, $0x1;
	v0 =	vunpack.c.0.s8.s32 v0;
	v1 =	vunpack.c.0.s8.s32 v1;
	v28 =	vor.u32 $0xA0, v22;
	[tilespmem:$0x1FFB0] =	vst v25  }
0xa: {  	vm15 =	vmmov $0xff;
	vm0 =	vcmask $0x3F30;
	s3 =	sadd.s32 $0x1400, s7;
	s4 =	sadd.s32 $0x101800, s7;
	v29 =	vor.u32 $0xB0, v22;
	s8 =	sor.u32 s6, s8;
	[tilespmem:$0x1FFC0] =	vst v28  }
0xb: {  	v63 =	vimm.s32 $0x0;
	s5 =	sadd.s32 $0x101400, s7;
	v45 =	vor.u32 $0x50, v22;
	s9 =	ssub.s32 $0x2, s6;
	[tilespmem:$0x1FFD0] =	vst v29;
	s10 =	sshll.u32 s8, $0x1;
	v0 =	vsel vm0, v1, v0  }
0xc: {  	v2 =	vmul.u32 $0xFFFFFFFF, v22;
	s6 =	sadd.s32 $0x81400, s7;
	[tilespmem:$0x1FFF0] =	vst v45;
	s11 =	sshrl.u32 s9, $0x1;
	s10 =	sadd.s32 s10, s7;
	v31 =	vand.u32 $0xFF, v0;
	v0 =	vsel vm15, $0xFFFFFFFF, v63  }
0xd: {  	s9 =	ssub.s32 s9, s11;
	s7 =	sshll.u32 s8, $0xE;
	s11 =	simm.s32 $0x1;
	[tilespmem:$0x1FF40] =	vst v0  }
0xe: {  	v47 =	vor.u32 $0x30, v22;
	v32 =	vadd.s32 $0xF, v2;
	s8 =	sadd.s32 $0x101C00, s10;
	s9 =	smax.u32 s9, $0x1;
	s10 =	simm.s32 $0x8100;
	[tilespmem:$0x1FFE0] =	vst v31  }
.LBB2_1:
0xf: {  	[tilespmem:s10], [sflag:$0x1] =	stream.linear.gather [hbm4b:s4+s1], $0x1C00, $0x38;
	[tilespmem:$0xB980] =	vst v63  }
0x10: {  	_ =	swait.ge [sflag:s11], $0x1C00  }
0x11: {  	[sflag:s11] =	ssyncset.done $0x0  }
0x12: {  	[sflag:s11] =	ssyncadd.s32 $0xFFFFE400  }
0x13: {  	[tilespmem:s12], [sflag:$0x1] =	stream.linear.gather [hbm4b:s5+s1], $0x1C00, $0x38;
	[tilespmem:$0xB980] =	vst v63  }
0x14: {  	_ =	swait.ge [sflag:s11], $0x1C00  }
0x15: {  	[sflag:s11] =	ssyncset.done $0x0  }
0x16: {  	v0 =	vimm.f32 $0.0e+00;
	[sflag:s11] =	ssyncadd.s32 $0xFFFFE400  }
0x17: {  	[tilespmem:$0x80C0] =	vst v0  }
0x18: {  	[tilespmem:$0x80D0] =	vst v0  }
0x19: {  	[tilespmem:$0x80E0] =	vst v0  }
0x1a: {  	s17 =	simm.s32 $0x0;
	[tilespmem:$0x80F0] =	vst v0  }
.LBB2_2:
0x1b: {  	s18 =	sshll.u32 s17, $0xB  }
0x1c: {  	s19 =	sadd.s32 s7, s18  }
0x1d: {  	s18 =	simm.s32 $0x0;
	s20 =	sadd.s32 s6, s19  }
0x1e: {  	[tilespmem:s13], [sflag:$0x1] =	stream.linear.gather [hbm4b:s20+s18], $0x4000, $0x38;
	[tilespmem:$0xB980] =	vst v63  }
0x1f: {  	_ =	swait.ge [sflag:s11], $0x4000  }
0x20: {  	[sflag:s11] =	ssyncset.done $0x0  }
0x21: {  	s19 =	sadd.s32 s3, s19;
	[sflag:s11] =	ssyncadd.s32 $0xFFFFC000  }
0x22: {  	[tilespmem:s18], [sflag:$0x1] =	stream.linear.gather [hbm4b:s19+s18], $0x4000, $0x38;
	[tilespmem:$0xB980] =	vst v63  }
0x23: {  	_ =	swait.ge [sflag:s11], $0x4000  }
0x24: {  	[sflag:s11] =	ssyncset.done $0x0  }
0x25: {  	s20 =	simm.s32 $0x0;
	s19 =	simm.s32 $0xFFFFFFFE;
	[sflag:s11] =	ssyncadd.s32 $0xFFFFC000  }
.LBB2_3:
0x26: {  	s21 =	sand.u32 $0x3800, s18;
	s22 =	sand.u32 $0x300, s20  }
0x27: {  	s21 =	sor.u32 s22, s21  }
0x28: {  	[tilespmem:$0x1FF30] =	vst v0;
	v0 =	vld [tilespmem:s21+$0x4000]  }
0x29: {  	v2 =	vld [tilespmem:s21+$0x4010]  }
0x2a: {  	v4 =	vld [tilespmem:s21+$0x4020]  }
0x2b: {  	v6 =	vld [tilespmem:s21+$0x4030]  }
0x2c: {  	v8 =	vld [tilespmem:s21+$0x4040]  }
0x2d: {  	v10 =	vld [tilespmem:s21+$0x4050];
	v18 =	vand.u32 $0xFFFFFF00, v0  }
0x2e: {  	v12 =	vld [tilespmem:s21+$0x4060];
	v18 =	vor.u32 v22, v18  }
0x2f: {  	v15 =	vld [tilespmem:s21+$0x4070];
	v20 =	vand.u32 $0xFFFFFF00, v2;
	v21 =	vand.u32 $0xFFFFFF00, v4;
	(xrf1) =	vsort.ascd.msk.f32 $0xffff, v18, v18  }
0x30: {  	v20 =	vor.u32 v30, v20;
	v18 =	vor.u32 v37, v21;
	v21 =	vand.u32 $0xFFFFFF00, v6  }
0x31: {  	(xrf1) =	vsort.ascd.msk.f32 $0xffff, v20, v20;
	v20 =	vor.u32 v47, v21;
	v21 =	vand.u32 $0xFFFFFF00, v8  }
0x32: {  	(xrf1) =	vsort.ascd.msk.f32 $0xffff, v18, v18;
	v18 =	vor.u32 v62, v21;
	v21 =	vand.u32 $0xFFFFFF00, v10  }
0x33: {  	(xrf1) =	vsort.ascd.msk.f32 $0xffff, v20, v20;
	v20 =	vor.u32 v45, v21;
	v21 =	vand.u32 $0xFFFFFF00, v12  }
0x34: {  	v16 =	vld [tilespmem:s21+$0x4400];
	(xrf1) =	vsort.ascd.msk.f32 $0xffff, v18, v18;
	v18 =	vor.u32 v17, v21;
	v21 =	vand.u32 $0xFFFFFF00, v15  }
0x35: {  	(xrf1) =	vsort.ascd.msk.f32 $0xffff, v20, v20;
	v20 =	vor.u32 v19, v21;
	v21 =	vld [tilespmem:s21+$0x4430]  }
0x36: {  	(xrf1) =	vsort.ascd.msk.f32 $0xffff, v18, v18;
	v18 =	vld [tilespmem:s21+$0x4410]  }
0x37: {  	(xrf1) =	vsort.ascd.msk.f32 $0xffff, v20, v20;
	v20 =	vld [tilespmem:s21+$0x4420]  }
0x38: {  	v19 =	vld [tilespmem:s21+$0x4438];
	_ =	sdelay $0x1  }
0x39: {  	v23 =	vand.u32 $0xFFFFFF00, v16  }
0x3a: {  	v23 =	vor.u32 v24, v23;
	v24 =	vand.u32 $0xFFFFFF00, v18  }
0x3b: {  	v26 =	vand.u32 $0xFFFFFF00, v21;
	v24 =	vor.u32 v25, v24;
	v25 =	vand.u32 $0xFFFFFF00, v20  }
0x3c: {  	v27, _, _ =	vpop (xrf1);
	(xrf1) =	vsort.ascd.msk.f32 $0xffff, v23, v23;
	v23 =	vor.u32 v28, v25;
	v25 =	vor.u32 v29, v26;
	v26 =	vand.u32 $0xFFFFFF00, v19;
	_ =	sdelay $0x1  }
0x3d: {  	v28, _, _ =	vpop (xrf1);
	(xrf1) =	vsort.ascd.msk.f32 $0xffff, v24, v24  }
0x3e: {  	v1 =	vld [tilespmem:s21+$0x0];
	v24 =	vor.u32 v31, v26;
	v26, _, _ =	vpop (xrf1);
	(xrf1) =	vsort.ascd.msk.f32 $0xffff, v23, v23;
	v23 =	vperm.xlane v28, v32  }
0x3f: {  	v3 =	vld [tilespmem:s21+$0x10];
	v24 =	vsel vm15, $0x7F800000, v24;
	v28, _, _ =	vpop (xrf1);
	(xrf1) =	vsort.ascd.msk.f32 $0xffff, v25, v25  }
0x40: {  	v5 =	vld [tilespmem:s21+$0x20];
	vm0 =	veq.f32 v0, $-1.000000000e+00;
	v29, _, _ =	vpop (xrf1);
	(xrf1) =	vsort.ascd.msk.f32 $0xffff, v24, v24;
	v24 =	vmin.f32 v27, v23;
	v25 =	vperm.xlane v28, v32  }
0x41: {  	v7 =	vld [tilespmem:s21+$0x30];
	vm8 =	veq.f32 v2, $-1.000000000e+00;
	vm9 =	veq.f32 v4, $-1.000000000e+00;
	v23 =	vmax.f32 v27, v23;
	v28, _, _ =	vpop (xrf1);
	(xrf1) =	vsort.ascd.msk.f32 $0xffff, v24, v24  }
0x42: {  	v9 =	vld [tilespmem:s21+$0x40];
	vm1 =	veq.f32 v6, $-1.000000000e+00;
	v0, _, _ =	vpop (xrf1);
	(xrf1) =	vsort.ascd.msk.f32 $0xffff, v23, v23;
	v23 =	vmin.f32 v26, v25;
	v27 =	vperm.xlane v28, v32  }
0x43: {  	v11 =	vld [tilespmem:s21+$0x50];
	vm10 =	veq.f32 v8, $-1.000000000e+00;
	v24 =	vsel vm0, $0xFF800000, v1;
	v2 =	vmax.f32 v26, v25;
	v1, _, _ =	vpop (xrf1);
	(xrf1) =	vsort.ascd.msk.f32 $0xffff, v23, v23  }
0x44: {  	v14 =	vld [tilespmem:s21+$0x60];
	vm11 =	veq.f32 v10, $-1.000000000e+00;
	(xrf1) =	vsort.ascd.msk.f32 $0xffff, v2, v2;
	v2 =	vmin.f32 v29, v27;
	v1 =	vperm.xlane v1, v32  }
0x45: {  	v13 =	vld [tilespmem:s21+$0x70];
	vm4 =	veq.f32 v12, $-1.000000000e+00;
	v25 =	vsel vm8, $0xFF800000, v3;
	v3 =	vmax.f32 v29, v27;
	(xrf1) =	vsort.ascd.msk.f32 $0xffff, v2, v2  }
0x46: {  	v50 =	vmax.f32 v24, v25;
	v27 =	vsel vm9, $0xFF800000, v5;
	(xrf1) =	vsort.ascd.msk.f32 $0xffff, v3, v3;
	v2 =	vmin.f32 v0, v1;
	v3 =	vld [tilespmem:s21+$0x400]  }
0x47: {  	v26 =	vsel vm1, $0xFF800000, v7;
	v0 =	vmax.f32 v0, v1;
	v1 =	vld [tilespmem:s21+$0x410];
	(xrf1) =	vsort.ascd.msk.f32 $0xffff, v2, v2;
	v2 =	vmax.f32 v50, v27  }
0x48: {  	vm5 =	veq.f32 v15, $-1.000000000e+00;
	v63 =	vsel vm10, $0xFF800000, v9;
	v2 =	vmax.f32 v2, v26  }
0x49: {  	vm6 =	veq.f32 v16, $-1.000000000e+00;
	v29 =	vsel vm11, $0xFF800000, v11;
	(xrf1) =	vsort.ascd.msk.f32 $0xffff, v0, v0;
	v2 =	vmax.f32 v2, v63  }
0x4a: {  	v51 =	vld [tilespmem:s21+$0x430];
	v33 =	vsel vm4, $0xFF800000, v14;
	vm7 =	veq.f32 v18, $-1.000000000e+00;
	v2 =	vmax.f32 v2, v29  }
0x4b: {  	v28 =	vmov v32;
	v32 =	vsel vm5, $0xFF800000, v13;
	v0 =	vld [tilespmem:s21+$0x420];
	v52, _, _ =	vpop (xrf1);
	v2 =	vmax.f32 v2, v33  }
0x4c: {  	v53, _, _ =	vpop (xrf1);
	v17 =	vsel vm6, $0xFF800000, v3;
	v31 =	vsel vm7, $0xFF800000, v1;
	v1 =	vld [tilespmem:s21+$0x438];
	v2 =	vmax.f32 v2, v32  }
0x4d: {  	v3, _, _ =	vpop (xrf1);
	v2 =	vmax.f32 v2, v17  }
0x4e: {  	vm9 =	veq.f32 v21, $-1.000000000e+00;
	v6 =	vperm.xlane v53, v28;
	v54, _, _ =	vpop (xrf1)  }
0x4f: {  	vm10 =	veq.f32 v19, $-1.000000000e+00;
	vm8 =	veq.f32 v20, $-1.000000000e+00;
	v34 =	vsel vm9, $0xFF800000, v51;
	v8, _, _ =	vpop (xrf1)  }
0x50: {  	v35 =	vsel vm8, $0xFF800000, v0;
	v56 =	vmin.f32 v52, v6;
	v0 =	vmax.f32 v2, v31;
	v2, _, _ =	vpop (xrf1)  }
0x51: {  	v7 =	vperm.xlane v54, v28;
	v0 =	vmax.f32 v0, v35;
	v1 =	vsel vm10, $0xFF800000, v1;
	v55, _, _ =	vpop (xrf1)  }
0x52: {  	(xrf1) =	vsort.ascd.msk.f32 $0xffff, v56, v56;
	v57 =	vmax.f32 v0, v34;
	v0 =	vmax.f32 v52, v6;
	v58, _, _ =	vpop (xrf1)  }
0x53: {  	v60 =	vmin.f32 v3, v7;
	v3 =	vmax.f32 v3, v7;
	(xrf1) =	vsort.ascd.msk.f32 $0xffff, v0, v0;
	v59, _, _ =	vpop (xrf1)  }
0x54: {  	v0 =	vsel vm15, $0xFF800000, v1;
	(xrf1) =	vsort.ascd.msk.f32 $0xffff, v60, v60;
	v61 =	vperm.xlane v58, v28;
	v1, _, _ =	vpop (xrf1);
	v5 =	vperm.xlane v59, v28  }
0x55: {  	(xrf1) =	vsort.ascd.msk.f32 $0xffff, v3, v3;
	v13, _, _ =	vpop (xrf1)  }
0x56: {  	v36 =	vmin.f32 v55, v61;
	v4 =	vmax.f32 v55, v61;
	v3, _, _ =	vpop (xrf1);
	v14 =	vmin.f32 v2, v5  }
0x57: {  	v2 =	vmax.f32 v2, v5;
	v38, _, _ =	vpop (xrf1);
	v39 =	vmin.f32 v14, v36;
	v5 =	vmax.f32 v14, v36  }
0x58: {  	v3 =	vperm.xlane v3, v28;
	(xrf1) =	vsort.ascd.msk.f32 $0xffff, v39, v39;
	v40 =	vperm.xlane v38, v28  }
0x59: {  	v41 =	vmin.f32 v2, v4;
	v2 =	vmax.f32 v2, v4;
	(xrf1) =	vsort.ascd.msk.f32 $0xffff, v5, v5  }
0x5a: {  	v43 =	vmin.f32 v13, v3;
	(xrf1) =	vsort.ascd.msk.f32 $0xffff, v41, v41;
	v42 =	vmin.f32 v1, v40  }
0x5b: {  	v3 =	vmax.f32 v13, v3;
	(xrf1) =	vsort.ascd.msk.f32 $0xffff, v2, v2;
	v2 =	vmin.f32 v42, v43  }
0x5c: {  	v1 =	vmax.f32 v1, v40;
	v4 =	vmax.f32 v42, v43;
	(xrf1) =	vsort.ascd.msk.f32 $0xffff, v2, v2  }
0x5d: {  	v2 =	vmin.f32 v1, v3;
	v1 =	vmax.f32 v1, v3;
	(xrf1) =	vsort.ascd.msk.f32 $0xffff, v4, v4;
	_ =	sdelay $0x1  }
0x5e: {  	(xrf1) =	vsort.ascd.msk.f32 $0xffff, v2, v2  }
0x5f: {  	(xrf1) =	vsort.ascd.msk.f32 $0xffff, v1, v1;
	v1, _, _ =	vpop (xrf1)  }
0x60: {  	v2, _, _ =	vpop (xrf1)  }
0x61: {  	v3, _, _ =	vpop (xrf1)  }
0x62: {  	v44, _, _ =	vpop (xrf1)  }
0x63: {  	v3 =	vperm.xlane v3, v28;
	v4 =	vperm.xlane v44, v28  }
0x64: {  	v12 =	vmax.f32 v57, v0  }
0x65: {  	(xrf0) =	vmax.scan.msk.f32 $0xffff, v12;
	v49 =	vmin.f32 v2, v3;
	v48 =	vmin.f32 v1, v4;
	v46, _, _ =	vpop (xrf1)  }
0x66: {  	v2 =	vmax.f32 v2, v3;
	v51 =	vmin.f32 v48, v49;
	v3 =	vmax.f32 v48, v49;
	v50, _, _ =	vpop (xrf1)  }
0x67: {  	v1 =	vmax.f32 v1, v4;
	(xrf1) =	vsort.ascd.msk.f32 $0xffff, v51, v51;
	v52, _, _ =	vpop (xrf1)  }
0x68: {  	v54 =	vmin.f32 v1, v2;
	(xrf1) =	vsort.ascd.msk.f32 $0xffff, v3, v3;
	v53, _, _ =	vpop (xrf1)  }
0x69: {  	v1 =	vmax.f32 v1, v2;
	(xrf1) =	vsort.ascd.msk.f32 $0xffff, v54, v54;
	v3, _, _ =	vpop (xrf1)  }
0x6a: {  	v2, _, _ =	vpop (xrf1);
	(xrf1) =	vsort.ascd.msk.f32 $0xffff, v1, v1  }
0x6b: {  	v45, _, _ =	vpop (xrf0)  }
0x6c: {  	v5 =	vbroadcast v45, $0xF  }
0x6d: {  	v3 =	vperm.xlane v3, v28;
	v1, _, _ =	vpop (xrf1)  }
0x6e: {  	v13 =	vsub.f32 v24, v5;
	v2 =	vperm.xlane v2, v28;
	v55, _, _ =	vpop (xrf1);
	v1 =	vperm.xlane v1, v28  }
0x6f: {  	v59 =	vmin.f32 v53, v3;
	v3 =	vmax.f32 v53, v3;
	v7 =	vperm.xlane v55, v28  }
0x70: {  	v58 =	vmin.f32 v52, v2;
	v2 =	vmax.f32 v52, v2;
	v57 =	vmin.f32 v50, v1  }
0x71: {  	v1 =	vmax.f32 v50, v1;
	v56 =	vmin.f32 v46, v7;
	v6 =	vmax.f32 v46, v7  }
0x72: {  	v15 =	vmin.f32 v57, v59;
	v7 =	vmax.f32 v57, v59;
	v60 =	vmin.f32 v56, v58  }
0x73: {  	v40 =	vmin.f32 v1, v3;
	v1 =	vmax.f32 v1, v3;
	v61 =	vmin.f32 v60, v15  }
0x74: {  	v9 =	vmax.f32 v56, v58;
	v38 =	vmax.f32 v60, v15;
	(xrf1) =	vsort.ascd.msk.f32 $0xffff, v61, v61  }
0x75: {  	v36 =	vmin.f32 v6, v2;
	v12 =	vmin.f32 v9, v7;
	(xrf1) =	vsort.ascd.msk.f32 $0xffff, v38, v38;
	v39, _, _ =	vpop (xrf1)  }
0x76: {  	v42 =	vmul.f32 $1.442695020e+00, v13;
	v2 =	vmax.f32 v6, v2;
	v3 =	vmax.f32 v9, v7;
	(xrf1) =	vsort.ascd.msk.f32 $0xffff, v12, v12;
	v41, _, _ =	vpop (xrf1)  }
0x77: {  	v44 =	vmin.f32 v36, v40;
	(xrf1) =	vsort.ascd.msk.f32 $0xffff, v3, v3;
	v3 =	vperm.xlane v8, v28;
	v43, _, _ =	vpop (xrf1)  }
0x78: {  	(erf) = vpow2.f32 v42;
	v4 =	vmax.f32 v36, v40;
	v46 =	vmin.f32 v2, v1;
	(xrf1) =	vsort.ascd.msk.f32 $0xffff, v44, v44;
	v45, _, _ =	vpop (xrf1)  }
0x79: {  	v1 =	vmax.f32 v2, v1;
	(xrf1) =	vsort.ascd.msk.f32 $0xffff, v4, v4;
	v2 =	vmin.f32 v45, v3  }
0x7a: {  	v48 =	vmin.f32 v39, v43;
	(xrf1) =	vsort.ascd.msk.f32 $0xffff, v46, v46;
	v49 =	vmin.f32 v41, v2  }
0x7b: {  	(xrf1) =	vsort.ascd.msk.f32 $0xffff, v1, v1;
	v1 =	vmax.f32 v39, v43;
	v50 =	vmin.f32 v48, v49  }
0x7c: {  	v2 =	vmax.f32 v41, v2;
	v4 =	vmax.f32 v48, v49;
	(xrf1) =	vsort.ascd.msk.f32 $0xffff, v50, v50  }
0x7d: {  	v6 =	vmin.f32 v1, v2;
	(xrf1) =	vsort.ascd.msk.f32 $0xffff, v4, v4  }
0x7e: {  	v1 =	vmax.f32 v1, v2;
	v4 =	vsub.f32 v25, v5;
	(xrf1) =	vsort.ascd.msk.f32 $0xffff, v6, v6  }
0x7f: {  	v2 =	vmax.f32 v45, v3;
	(xrf1) =	vsort.ascd.msk.f32 $0xffff, v1, v1  }
0x80: {  	v8 =	vsub.f32 v26, v5;
	v1 =	vmul.f32 $1.442695020e+00, v4;
	(xrf1) =	vsort.ascd.msk.f32 $0xffff, v2, v2  }
0x81: {  	v18 =	vsub.f32 v29, v5;
	v6 =	vpop (erf);
	v2 =	vsub.f32 v27, v5  }
0x82: {  	v53 =	vsub.f32 v33, v5;
	v3, _, _ =	vpop (xrf1);
	(erf) = vpow2.f32 v1;
	v1 =	vmul.f32 $1.442695020e+00, v8  }
0x83: {  	v19 =	vsub.f32 v17, v5;
	v36 =	vsub.f32 v63, v5;
	v9, _, _ =	vpop (xrf1);
	v51 =	vmul.f32 $1.442695020e+00, v2  }
0x84: {  	v54 =	vmul.f32 $1.442695020e+00, v18;
	v55 =	vmul.f32 $1.442695020e+00, v53;
	v15 =	vsub.f32 v32, v5;
	v10, _, _ =	vpop (xrf1)  }
0x85: {  	v21 =	vsub.f32 v35, v5;
	v52 =	vmul.f32 $1.442695020e+00, v36;
	v11, _, _ =	vpop (xrf1);
	(erf) = vpow2.f32 v51  }
0x86: {  	v57 =	vmul.f32 $1.442695020e+00, v19;
	(erf) = vpow2.f32 v1;
	v1, _, _ =	vpop (xrf1)  }
0x87: {  	v16 =	vsub.f32 v31, v5;
	v59 =	vmul.f32 $1.442695020e+00, v21;
	[tilespmem:$0x1FCF0] =	vst v15;
	(erf) = vpow2.f32 v52;
	v14, _, _ =	vpop (xrf1)  }
0x88: {  	v56 =	vmul.f32 $1.442695020e+00, v15;
	[tilespmem:$0x1FD10] =	vst v19;
	v19 =	vsub.f32 v34, v5;
	(erf) = vpow2.f32 v54;
	v15, _, _ =	vpop (xrf1)  }
0x89: {  	v58 =	vmul.f32 $1.442695020e+00, v16;
	[tilespmem:$0x1FD20] =	vst v16;
	v16 =	vsub.f32 v0, v5;
	(erf) = vpow2.f32 v55;
	v20, _, _ =	vpop (xrf1)  }
0x8a: {  	v61 =	vmul.f32 $1.442695020e+00, v19;
	(erf) = vpow2.f32 v56;
	v23, _, _ =	vpop (xrf1)  }
0x8b: {  	v42 =	vmul.f32 $1.442695020e+00, v16;
	(erf) = vpow2.f32 v57;
	v60, _, _ =	vpop (xrf1)  }
0x8c: {  	(erf) = vpow2.f32 v58;
	v23 =	vperm.xlane v23, v28;
	v38, _, _ =	vpop (xrf1)  }
0x8d: {  	(erf) = vpow2.f32 v59;
	v40 =	vperm.xlane v60, v28;
	v39, _, _ =	vpop (xrf1)  }
0x8e: {  	(erf) = vpow2.f32 v61;
	v38 =	vperm.xlane v38, v28;
	v43, _, _ =	vpop (xrf1)  }
0x8f: {  	v46 =	vmin.f32 v20, v23;
	v12 =	vperm.xlane v39, v28;
	v7 =	vperm.xlane v43, v28  }
0x90: {  	(erf) = vpow2.f32 v42;
	v45 =	vmin.f32 v15, v40;
	v43 =	vmin.f32 v14, v38  }
0x91: {  	v39 =	vpop (erf);
	v51 =	vmin.f32 v10, v45;
	v42 =	vmin.f32 v1, v12;
	v41 =	vmin.f32 v11, v7  }
0x92: {  	v5 =	vpop (erf);
	v50 =	vmin.f32 v9, v43;
	v48 =	vmin.f32 v3, v42;
	v52 =	vmin.f32 v41, v46  }
0x93: {  	v44 =	vpop (erf);
	v54 =	vmin.f32 v48, v51;
	v55 =	vmin.f32 v50, v52  }
0x94: {  	v49 =	vpop (erf);
	v57 =	vmin.f32 v54, v55  }
0x95: {  	[tilespmem:$0x1FCD0] =	vst v53;
	v53 =	vpop (erf);
	(xrf1) =	vsort.ascd.msk.f32 $0xffff, v57, v57  }
0x96: {  	v56 =	vpop (erf)  }
0x97: {  	v58 =	vpop (erf)  }
0x98: {  	vm11 =	veq.f32 v0, $-Inf;
	v0 =	vimm.s32 $0x0;
	v57 =	vpop (erf)  }
0x99: {  	v0 =	vsel vm11, $0xFFFFFFFF, v0;
	v59 =	vpop (erf)  }
0x9a: {  	vm5 =	veq.f32 v24, $-Inf;
	v60 =	vpop (erf)  }
0x9b: {  	vm1 =	veq.f32 v27, $-Inf;
	[tilespmem:$0x1FD60] =	vst v0;
	v6 =	vsel vm5, $0x0, v6;
	v61 =	vpop (erf)  }
0x9c: {  	[tilespmem:$0x8000] =	vst v6;
	v5 =	vsel vm1, $0x0, v5;
	v0 =	vpop (erf)  }
0x9d: {  	[tilespmem:$0x8020] =	vst v5;
	v0 =	vsel vm11, $0x0, v0;
	vm11 =	veq.f32 v25, $-Inf  }
0x9e: {  	vm9 =	veq.f32 v63, $-Inf;
	vm10 =	veq.f32 v26, $-Inf;
	[tilespmem:$0x80B8] =	vst v0;
	v0 =	vsel vm11, $0x0, v39  }
0x9f: {  	vm4 =	veq.f32 v32, $-Inf;
	vm8 =	veq.f32 v29, $-Inf;
	[tilespmem:$0x8010] =	vst v0;
	v0 =	vsel vm10, $0x0, v44  }
0xa0: {  	vm3 =	veq.f32 v34, $-Inf;
	vm0 =	veq.f32 v31, $-Inf;
	[tilespmem:$0x8030] =	vst v0;
	v0 =	vsel vm8, $0x0, v53  }
0xa1: {  	vm7 =	veq.f32 v33, $-Inf;
	v24 =	vsel vm0, $0x0, v59;
	[tilespmem:$0x8050] =	vst v0;
	v0 =	vmax.f32 v54, v55  }
0xa2: {  	vm6 =	veq.f32 v35, $-Inf;
	[tilespmem:$0x8090] =	vst v24;
	v24 =	vsel vm3, $0x0, v61;
	(xrf1) =	vsort.ascd.msk.f32 $0xffff, v0, v0  }
0xa3: {  	v59 =	vmax.f32 v48, v51;
	v44 =	vsel vm9, $0x0, v49;
	v49 =	vsel vm7, $0x0, v56;
	[tilespmem:$0x80B0] =	vst v24;
	v5, _, _ =	vpop (xrf1)  }
0xa4: {  	v56 =	vsel vm4, $0x0, v58;
	[tilespmem:$0x8040] =	vst v44;
	v53 =	vimm.s32 $0x0;
	v58 =	vand.u32 $0xFF, v5  }
0xa5: {  	v24 =	vmax.f32 v50, v52;
	[tilespmem:$0x8060] =	vst v49;
	v6 =	vsel vm4, $0xFFFFFFFF, v53;
	vm4 =	veq.f32 v17, $-Inf  }
0xa6: {  	v25 =	vmax.f32 v3, v42;
	[tilespmem:$0x8070] =	vst v56;
	v3 =	vmin.f32 v59, v24;
	v0 =	vsel vm4, $0x0, v57  }
0xa7: {  	[tilespmem:$0x8080] =	vst v0;
	v0 =	vsel vm6, $0x0, v60;
	(xrf1) =	vsort.ascd.msk.f32 $0xffff, v3, v3  }
0xa8: {  	[tilespmem:$0x80A0] =	vst v0  }
0xa9: {  	v0 =	vld.idx.msk [tilespmem:v58+s14+$0x0], $0xffff;
	_ =	sdelay $0x2  }
0xaa: {  	v10 =	vmax.f32 v10, v45  }
0xab: {  	v3 =	vmin.f32 v25, v10  }
0xac: {  	v9 =	vmax.f32 v9, v43;
	v26 =	vmax.f32 v41, v46;
	(xrf2) =	vadd.scan.msk.f32 $0xffff, v0  }
0xad: {  	v27 =	vmin.f32 v9, v26;
	[tilespmem:$0x1FD00] =	vst v6;
	v6 =	vmax.f32 v59, v24  }
0xae: {  	(xrf1) =	vsort.ascd.msk.f32 $0xffff, v6, v6;
	v60 =	vmax.f32 v3, v27;
	v0 =	vmin.f32 v3, v27;
	v3, _, _ =	vpop (xrf1)  }
0xaf: {  	(xrf1) =	vsort.ascd.msk.f32 $0xffff, v0, v0;
	v0 =	vand.u32 $0xFF, v3;
	_ =	sdelay $0x1  }
0xb0: {  	v9 =	vmax.f32 v9, v26;
	v10 =	vmax.f32 v25, v10  }
0xb1: {  	v32 =	vmax.f32 v1, v12;
	v1 =	vmin.f32 v10, v9;
	(xrf1) =	vsort.ascd.msk.f32 $0xffff, v60, v60  }
0xb2: {  	[tilespmem:$0x1FD30] =	vst v21;
	v9 =	vmax.f32 v10, v9;
	v21, _, _ =	vpop (xrf1);
	(xrf1) =	vsort.ascd.msk.f32 $0xffff, v1, v1  }
0xb3: {  	v56 =	vand.u32 $0xFF, v21;
	(xrf1) =	vsort.ascd.msk.f32 $0xffff, v9, v9;
	v0 =	vld.idx.msk [tilespmem:v0+s14+$0x0], $0xffff;
	_ =	sdelay $0x1  }
0xb4: {  	v34 =	vmax.f32 v15, v40;
	v48 =	vld [tilespmem:$0x1FF80];
	v63, _, _ =	vpop (xrf2)  }
0xb5: {  	v15 =	vmax.f32 v20, v23;
	v61 =	vmax.f32 v11, v7;
	v49 =	vld [tilespmem:$0x1FF90];
	v7 =	vadd.f32 $9.999999970e-07, v63  }
0xb6: {  	v33 =	vmax.f32 v14, v38;
	v20 =	vmin.f32 v61, v15;
	v38 =	vld [tilespmem:s21+$0x4080]  }
0xb7: {  	v23 =	vmin.f32 v33, v20;
	v9 =	vld.idx.msk [tilespmem:v56+s14+$0x0], $0xffff;
	(xrf2) =	vadd.scan.msk.f32 $0xffff, v0;
	v0 =	vmin.f32 v32, v34;
	v1 =	vshra.s32 v7, $0xF  }
0xb8: {  	v40 =	vld [tilespmem:s21+$0x4090];
	v24 =	vmin.f32 v0, v23  }
0xb9: {  	v39 =	vld [tilespmem:s21+$0x40A0];
	(xrf1) =	vsort.ascd.msk.f32 $0xffff, v24, v24  }
0xba: {  	v41 =	vld [tilespmem:s21+$0x40B0];
	v35 =	vadd.s32 $0xFFFF94F4, v1;
	v1, _, _ =	vpop (xrf1)  }
0xbb: {  	v42 =	vld [tilespmem:s21+$0x40C0];
	v25 =	vand.u32 $0xFF, v1  }
0xbc: {  	v11 =	vmax.f32 v32, v34;
	v12 =	vmax.f32 v33, v20;
	v4 =	vsel vm11, $0x0, v4;
	v43 =	vld [tilespmem:s21+$0x40D0];
	(xrf2) =	vadd.scan.msk.f32 $0xffff, v9  }
0xbd: {  	[tilespmem:$0x1FD50] =	vst v16;
	v20 =	vmin.f32 v11, v12;
	v11 =	vmax.f32 v11, v12;
	v45 =	vld [tilespmem:s21+$0x40E0];
	v0 =	vmax.f32 v0, v23;
	v50, _, _ =	vpop (xrf1)  }
0xbe: {  	v6 =	vmax.f32 v61, v15;
	v46 =	vld [tilespmem:s21+$0x40F0];
	v15 =	vand.u32 $0xFFFFFF00, v39;
	(xrf1) =	vsort.ascd.msk.f32 $0xffff, v0, v0;
	v44, _, _ =	vpop (xrf1);
	v24 =	vand.u32 $0xFF, v50  }
0xbf: {  	v51 =	vld [tilespmem:s21+$0x4480];
	v15 =	vor.u32 v37, v15;
	v0 =	vimm.s32 $0xF;
	(xrf1) =	vsort.ascd.msk.f32 $0xffff, v20, v20;
	v26 =	vand.u32 $0xFF, v44;
	v52, _, _ =	vpop (xrf1)  }
0xc0: {  	v60 =	vand.u32 $0xFFFFFF00, v38;
	v63 =	vand.u32 $0xFFFFFF00, v40;
	v0 =	vperm.xlane v7, v0;
	(xrf1) =	vsort.ascd.msk.f32 $0xffff, v11, v11;
	v31, _, _ =	vpop (xrf1);
	v25 =	vld.idx.msk [tilespmem:v25+s14+$0x0], $0xffff  }
0xc1: {  	v11 =	vor.u32 v30, v63;
	(xrf1) =	vsort.ascd.msk.f32 $0xffff, v6, v6;
	v6 =	vor.u32 v22, v60;
	v60 =	vld [tilespmem:$0x1FFB0];
	v61 =	vand.u32 $0xFF, v31;
	v20, _, _ =	vpop (xrf2)  }
0xc2: {  	v16 =	vld.idx.msk [tilespmem:v35+s10+$0x0], $0xffff;
	(xrf1) =	vsort.ascd.msk.f32 $0xffff, v6, v6;
	v58 =	vadd.f32 v20, v0;
	v0 =	vsel vm5, $0x0, v13;
	v20 =	vand.u32 $0xFFFFFF00, v41  }
0xc3: {  	(xrf1) =	vsort.ascd.msk.f32 $0xffff, v11, v11;
	v57 =	vld.idx.msk [tilespmem:v24+s14+$0x0], $0xffff;
	v0 =	vadd.f32 v4, v0;
	v20 =	vor.u32 v47, v20  }
0xc4: {  	v2 =	vsel vm1, $0x0, v2;
	v32 =	vimm.s32 $0xF;
	(xrf1) =	vsort.ascd.msk.f32 $0xffff, v15, v15;
	v23 =	vld.idx.msk [tilespmem:v26+s14+$0x0], $0xffff;
	v59 =	vshra.s32 v58, $0xF  }
0xc5: {  	v34 =	vld.idx.msk [tilespmem:v35+s12+$0x0], $0xffff;
	v33 =	vperm.xlane v58, v32;
	v0 =	vadd.f32 v0, v2;
	v2 =	vand.u32 $0xFF, v52;
	(xrf2) =	vadd.scan.msk.f32 $0xffff, v25  }
0xc6: {  	v5 =	vand.u32 $0xFFFFFF00, v5;
	v55 =	vand.u32 $0xFFFFFF00, v51;
	v26 =	vld [tilespmem:$0x1FFF0];
	(xrf1) =	vsort.ascd.msk.f32 $0xffff, v20, v20;
	v4 =	vadd.s32 $0xFFFF94F4, v59;
	v20, _, _ =	vpop (xrf2)  }
0xc7: {  	vm2 =	veq.f32 v40, $-1.000000000e+00;
	v9 =	vld.idx.msk [tilespmem:v61+s14+$0x0], $0xffff;
	v17, _, _ =	vpop (xrf1);
	v14 =	vadd.f32 v20, v33;
	v20 =	vand.u32 $0xFFFFFF00, v46  }
0xc8: {  	vm1 =	veq.f32 v41, $-1.000000000e+00;
	(xrf2) =	vadd.scan.msk.f32 $0xffff, v57;
	v35 =	vand.u32 $0xFF, v17;
	v20 =	vor.u32 v49, v20;
	v49 =	vld [tilespmem:s21+$0x44A0]  }
0xc9: {  	v3 =	vand.u32 $0xFFFFFF00, v3;
	(xrf2) =	vadd.scan.msk.f32 $0xffff, v23;
	[tilespmem:$0x1FCE0] =	vst v17;
	v23 =	vand.u32 $0xFFFFFF00, v42;
	v17 =	vld [tilespmem:s21+$0x44B0]  }
0xca: {  	v56 =	vimm.s32 $0xF;
	v15 =	vor.u32 v62, v23;
	v23 =	vand.u32 $0xFFFFFF00, v43;
	v2 =	vld.idx.msk [tilespmem:v2+s14+$0x0], $0xffff  }
0xcb: {  	v7 =	vand.u32 $0x7FFF, v7;
	v24 =	vand.u32 $0xFFFFFF00, v45;
	v37 =	vld.idx.msk [tilespmem:v4+s12+$0x0], $0xffff;
	v23 =	vor.u32 v26, v23;
	(xrf1) =	vsort.ascd.msk.f32 $0xffff, v15, v15  }
0xcc: {  	v7 =	vcvt.s32.f32 v7;
	v15 =	vor.u32 v48, v24;
	v4 =	vld.idx.msk [tilespmem:v4+s10+$0x0], $0xffff;
	(xrf1) =	vsort.ascd.msk.f32 $0xffff, v23, v23;
	v23 =	vsel vm10, $0x0, v8  }
0xcd: {  	v1 =	vand.u32 $0xFFFFFF00, v1;
	(xrf1) =	vsort.ascd.msk.f32 $0xffff, v15, v15;
	v15 =	vadd.f32 v0, v23;
	v0 =	vimm.s32 $0xF;
	v10 =	vld.idx.msk [tilespmem:v35+s14+$0x0], $0xffff  }
0xce: {  	v6 =	vmul.f32 v7, v34;
	v12 =	vand.u32 $0x7FFF, v58;
	v22, _, _ =	vpop (xrf1);
	v23 =	vperm.xlane v14, v0;
	v0 =	vld [tilespmem:s21+$0x4490]  }
0xcf: {  	vm12 =	veq.s32 v1, $0xBF800000;
	vm5 =	veq.f32 v38, $-1.000000000e+00;
	v54 =	vcvt.s32.f32 v12;
	v24, _, _ =	vpop (xrf2);
	(xrf2) =	vadd.scan.msk.f32 $0xffff, v2;
	v2 =	vld [tilespmem:$0x1FFA0]  }
0xd0: {  	v57 =	vadd.f32 v6, v16;
	v25, _, _ =	vpop (xrf1);
	vm10 =	veq.s32 v3, $0xBF800000;
	(xrf1) =	vsort.ascd.msk.f32 $0xffff, v20, v20;
	v20 =	vsel vm9, $0x0, v36;
	v36 =	vld [tilespmem:$0x1FFC0]  }
0xd1: {  	[tilespmem:$0x1FD40] =	vst v19;
	v19, _, _ =	vpop (xrf1);
	v48 =	vld [tilespmem:s21+$0x44B8];
	vm9 =	veq.s32 v5, $0xBF800000;
	v53 =	vadd.f32 v15, v20;
	v5 =	vmul.f32 v54, v37  }
0xd2: {  	v8 =	vand.u32 $0xFFFFFF00, v52;
	v61 =	vand.u32 $0xFFFFFF00, v49;
	v37 =	vld [tilespmem:$0x1FFD0];
	v15 =	vadd.f32 v24, v23;
	v58, _, _ =	vpop (xrf2)  }
0xd3: {  	v62 =	vand.u32 $0xFFFFFF00, v17;
	[tilespmem:$0x1FE10] =	vst v53;
	v53 =	vld [tilespmem:$0x1FFE0];
	v3 =	vadd.f32 v5, v4;
	v7, _, _ =	vpop (xrf2);
	(xrf2) =	vadd.scan.msk.f32 $0xffff, v9  }
0xd4: {  	v29, _, _ =	vpop (xrf1);
	v59 =	vand.u32 $0xFFFFFF00, v0;
	v20 =	vperm.xlane v15, v56;
	(xrf2) =	vadd.scan.msk.f32 $0xffff, v10;
	v2 =	vor.u32 v2, v55  }
0xd5: {  	v63, _, _ =	vpop (xrf1);
	v9 =	vor.u32 v60, v59;
	v10 =	vor.u32 v36, v61;
	v56 =	vimm.s32 $0xF;
	(xrf1) =	vsort.ascd.msk.f32 $0xffff, v2, v2  }
0xd6: {  	v23, _, _ =	vpop (xrf1);
	v6 =	vadd.f32 v58, v20;
	v20 =	vand.u32 $0xFFFFFF00, v48;
	v2 =	vshra.s32 v14, $0xF  }
0xd7: {  	[tilespmem:$0x1FD70] =	vst v57;
	v11 =	vor.u32 v37, v62;
	v55 =	vperm.xlane v23, v28;
	v2 =	vadd.s32 $0xFFFF94F4, v2  }
0xd8: {  	v57 =	vshra.s32 v15, $0xF;
	v54 =	vor.u32 v53, v20;
	(xrf1) =	vsort.ascd.msk.f32 $0xffff, v9, v9;
	v23 =	vperm.xlane v6, v56  }
0xd9: {  	v14 =	vand.u32 $0x7FFF, v14;
	v53 =	vimm.s32 $0xF;
	v9 =	vsel vm15, $0x7F800000, v54;
	v20, _, _ =	vpop (xrf1);
	(xrf1) =	vsort.ascd.msk.f32 $0xffff, v10, v10  }
0xda: {  	v59 =	vmin.f32 v63, v55;
	v60 =	vshra.s32 v6, $0xF;
	v14 =	vcvt.s32.f32 v14;
	v24, _, _ =	vpop (xrf1);
	(xrf1) =	vsort.ascd.msk.f32 $0xffff, v11, v11  }
0xdb: {  	v11 =	vadd.s32 $0xFFFF94F4, v57;
	v7 =	vadd.f32 v7, v23;
	v58, _, _ =	vpop (xrf1);
	(xrf1) =	vsort.ascd.msk.f32 $0xffff, v9, v9;
	v24 =	vperm.xlane v24, v28  }
0xdc: {  	v6 =	vand.u32 $0x7FFF, v6;
	v10 =	vmax.f32 v63, v55;
	v9 =	vadd.s32 $0xFFFF94F4, v60;
	v23, _, _ =	vpop (xrf1);
	(xrf1) =	vsort.ascd.msk.f32 $0xffff, v59, v59;
	v63 =	vld.idx.msk [tilespmem:v2+s12+$0x0], $0xffff  }
0xdd: {  	v13 =	vshra.s32 v7, $0xF;
	v61, _, _ =	vpop (xrf1);
	(xrf1) =	vsort.ascd.msk.f32 $0xffff, v10, v10;
	v62 =	vmin.f32 v20, v24;
	v23 =	vperm.xlane v23, v28  }
0xde: {  	v54 =	vperm.xlane v7, v53;
	v20 =	vmax.f32 v20, v24;
	v2 =	vld.idx.msk [tilespmem:v2+s10+$0x0], $0xffff;
	v33, _, _ =	vpop (xrf1);
	(xrf1) =	vsort.ascd.msk.f32 $0xffff, v62, v62  }
0xdf: {  	v55, _, _ =	vpop (xrf2);
	v37 =	vadd.s32 $0xFFFF94F4, v13;
	(xrf1) =	vsort.ascd.msk.f32 $0xffff, v20, v20;
	v20 =	vmin.f32 v58, v23;
	v24 =	vperm.xlane v33, v28  }
0xe0: {  	v56 =	vadd.f32 v55, v54;
	v23 =	vmax.f32 v58, v23;
	(xrf1) =	vsort.ascd.msk.f32 $0xffff, v20, v20;
	v20 =	vld.idx.msk [tilespmem:v11+s10+$0x0], $0xffff  }
0xe1: {  	v11 =	vld.idx.msk [tilespmem:v11+s12+$0x0], $0xffff;
	(xrf1) =	vsort.ascd.msk.f32 $0xffff, v23, v23;
	v23 =	vmin.f32 v61, v24;
	v58 =	vmul.f32 v14, v63  }
0xe2: {  	v60 =	vimm.s32 $0xF;
	v57 =	vld.idx.msk [tilespmem:v9+s12+$0x0], $0xffff;
	v12 =	vmax.f32 v61, v24;
	(xrf1) =	vsort.ascd.msk.f32 $0xffff, v23, v23;
	v23 =	vshra.s32 v56, $0xF  }
0xe3: {  	v59 =	vand.u32 $0x7FFF, v15;
	v9 =	vld.idx.msk [tilespmem:v9+s10+$0x0], $0xffff;
	v13 =	vadd.s32 $0xFFFF94F4, v23;
	v2 =	vadd.f32 v58, v2;
	v5, _, _ =	vpop (xrf1);
	(xrf1) =	vsort.ascd.msk.f32 $0xffff, v12, v12  }
0xe4: {  	[tilespmem:$0x1FD80] =	vst v3;
	v7 =	vand.u32 $0x7FFF, v7;
	v61 =	vperm.xlane v56, v60;
	v15 =	vld.idx.msk [tilespmem:v37+s12+$0x0], $0xffff;
	v14 =	vcvt.s32.f32 v59;
	v24, _, _ =	vpop (xrf2)  }
0xe5: {  	v3 =	vand.u32 $0xFFFFFF00, v21;
	v6 =	vcvt.s32.f32 v6;
	v23, _, _ =	vpop (xrf2);
	[tilespmem:$0x1FD90] =	vst v2;
	v2 =	vcvt.s32.f32 v7  }
0xe6: {  	vm11 =	veq.s32 v3, $0xBF800000;
	v3 =	vadd.f32 v24, v61;
	v11 =	vmul.f32 v14, v11;
	v62, _, _ =	vpop (xrf1)  }
0xe7: {  	v36 =	vimm.s32 $0xF;
	v10 =	vld.idx.msk [tilespmem:v37+s10+$0x0], $0xffff;
	v4 =	vmul.f32 v6, v57;
	v14 =	vand.u32 $0xFF, v25;
	v7, _, _ =	vpop (xrf1)  }
0xe8: {  	v37 =	vperm.xlane v3, v36;
	v33 =	vperm.xlane v62, v28;
	v34 =	vadd.f32 v11, v20;
	v63, _, _ =	vpop (xrf1);
	v35 =	vld.idx.msk [tilespmem:v13+s12+$0x0], $0xffff  }
0xe9: {  	v4 =	vadd.f32 v4, v9;
	v32 =	vmul.f32 v2, v15;
	v15 =	vand.u32 $0x7FFF, v56;
	v2, _, _ =	vpop (xrf1)  }
0xea: {  	v58 =	vadd.f32 v23, v37;
	v60 =	vmin.f32 v5, v33;
	v6 =	vperm.xlane v63, v28;
	v11, _, _ =	vpop (xrf1)  }
0xeb: {  	[tilespmem:$0x1FDA0] =	vst v34;
	v5 =	vmax.f32 v5, v33;
	v62 =	vcvt.s32.f32 v15;
	v34 =	vand.u32 $0xFFFFFF00, v50;
	v55, _, _ =	vpop (xrf1)  }
0xec: {  	v54 =	vadd.f32 v32, v10;
	vm13 =	veq.s32 v34, $0xBF800000;
	v32 =	vmin.f32 v7, v6;
	v61, _, _ =	vpop (xrf1);
	(xrf1) =	vsort.ascd.msk.f32 $0xffff, v60, v60  }
0xed: {  	v10 =	vshra.s32 v3, $0xF;
	v6 =	vmax.f32 v7, v6;
	v62 =	vmul.f32 v62, v35;
	v63, _, _ =	vpop (xrf1);
	(xrf1) =	vsort.ascd.msk.f32 $0xffff, v5, v5  }
0xee: {  	v15 =	vld [tilespmem:s21+$0x80];
	v35 =	vimm.s32 $0xF;
	v9 =	vperm.xlane v61, v28;
	v1, _, _ =	vpop (xrf1);
	(xrf1) =	vsort.ascd.msk.f32 $0xffff, v32, v32;
	v33 =	vperm.xlane v63, v28  }
0xef: {  	v3 =	vand.u32 $0x7FFF, v3;
	v2 =	vperm.xlane v2, v28;
	v5 =	vperm.xlane v58, v35;
	v36, _, _ =	vpop (xrf1);
	(xrf1) =	vsort.ascd.msk.f32 $0xffff, v6, v6  }
0xf0: {  	v38 =	vld [tilespmem:s21+$0xF0];
	v53 =	vmin.f32 v55, v9;
	v9 =	vmax.f32 v55, v9;
	v37, _, _ =	vpop (xrf1);
	v50 =	vmin.f32 v11, v33  }
0xf1: {  	v24 =	vld [tilespmem:s21+$0xC0];
	[tilespmem:$0x1FDC0] =	vst v54;
	v7 =	vmax.f32 v11, v33;
	v54 =	vmin.f32 v50, v53;
	v6 =	vmax.f32 v50, v53;
	v20, _, _ =	vpop (xrf1)  }
0xf2: {  	v10 =	vadd.s32 $0xFFFF94F4, v10;
	v32 =	vld [tilespmem:s21+$0xB0];
	v61 =	vperm.xlane v37, v28;
	(xrf1) =	vsort.ascd.msk.f32 $0xffff, v54, v54;
	v60 =	vperm.xlane v20, v28  }
0xf3: {  	v59 =	vsel vm5, $0xFF800000, v15;
	v23 =	vmin.f32 v7, v9;
	v7 =	vmax.f32 v7, v9;
	v20 =	vld [tilespmem:s21+$0xA0];
	(xrf1) =	vsort.ascd.msk.f32 $0xffff, v6, v6  }
0xf4: {  	v35 =	vld [tilespmem:s21+$0xD0];
	vm5 =	veq.f32 v39, $-1.000000000e+00;
	(xrf1) =	vsort.ascd.msk.f32 $0xffff, v23, v23;
	v23 =	vmin.f32 v36, v61;
	v33 =	vmin.f32 v1, v60  }
0xf5: {  	v63 =	vand.u32 $0xFFFFFF00, v44;
	v55 =	vld [tilespmem:s21+$0x90];
	v12 =	vmax.f32 v36, v61;
	(xrf1) =	vsort.ascd.msk.f32 $0xffff, v7, v7;
	v34 =	vmin.f32 v33, v23  }
0xf6: {  	vm14 =	veq.s32 v63, $0xBF800000;
	v1 =	vmax.f32 v1, v60;
	v9 =	vmax.f32 v33, v23;
	v23 =	vld [tilespmem:s21+$0xE0];
	(xrf1) =	vsort.ascd.msk.f32 $0xffff, v34, v34  }
0xf7: {  	v56 =	vsel vm1, $0xFF800000, v32;
	vm1 =	veq.f32 v45, $-1.000000000e+00;
	v37 =	vmin.f32 v1, v12;
	(xrf1) =	vsort.ascd.msk.f32 $0xffff, v9, v9  }
0xf8: {  	v61 =	vld [tilespmem:s21+$0x490];
	v1 =	vmax.f32 v1, v12;
	v52 =	vsel vm5, $0xFF800000, v20;
	vm5 =	veq.f32 v42, $-1.000000000e+00;
	(xrf1) =	vsort.ascd.msk.f32 $0xffff, v37, v37  }
0xf9: {  	v36 =	vand.u32 $0xFF, v22;
	v20 =	vld [tilespmem:s21+$0x4A0];
	v44 =	vsel vm5, $0xFF800000, v24;
	vm5 =	veq.f32 v43, $-1.000000000e+00;
	(xrf1) =	vsort.ascd.msk.f32 $0xffff, v1, v1  }
0xfa: {  	v54 =	vsel vm2, $0xFF800000, v55;
	v42 =	vsel vm5, $0xFF800000, v35;
	vm5 =	veq.f32 v46, $-1.000000000e+00  }
0xfb: {  	[tilespmem:$0x1FDB0] =	vst v4;
	v4 =	vmax.f32 v59, v54;
	v1 =	vld [tilespmem:s21+$0x480];
	v60, _, _ =	vpop (xrf1);
	v43 =	vsel vm1, $0xFF800000, v23;
	v41 =	vsel vm5, $0xFF800000, v38  }
0xfc: {  	v63, _, _ =	vpop (xrf1);
	vm1 =	veq.f32 v51, $-1.000000000e+00;
	vm5 =	veq.f32 v0, $-1.000000000e+00;
	v0 =	vmax.f32 v4, v52  }
0xfd: {  	v34 =	vld [tilespmem:s21+$0x4B0];
	v15, _, _ =	vpop (xrf1);
	v0 =	vmax.f32 v0, v56;
	v45 =	vsel vm5, $0xFF800000, v61;
	vm5 =	veq.f32 v49, $-1.000000000e+00  }
0xfe: {  	v7 =	vld.idx.msk [tilespmem:v36+s14+$0x0], $0xffff;
	v32, _, _ =	vpop (xrf1);
	v15 =	vperm.xlane v15, v28;
	v0 =	vmax.f32 v0, v44;
	v55 =	vsel vm5, $0xFF800000, v20  }
0xff: {  	vm5 =	veq.f32 v17, $-1.000000000e+00;
	v9 =	vperm.xlane v32, v28;
	v0 =	vmax.f32 v0, v42  }
0x100: {  	v46 =	vsel vm1, $0xFF800000, v1;
	v1 =	vld [tilespmem:s21+$0x4B8];
	v33 =	vmin.f32 v63, v15;
	v0 =	vmax.f32 v0, v43;
	v6, _, _ =	vpop (xrf1)  }
0x101: {  	v12 =	vmax.f32 v63, v15;
	vm1 =	veq.f32 v48, $-1.000000000e+00;
	v24 =	vmin.f32 v60, v9;
	v23, _, _ =	vpop (xrf1)  }
0x102: {  	v9 =	vmax.f32 v60, v9;
	v0 =	vmax.f32 v0, v41;
	v15 =	vmax.f32 v24, v33;
	v35, _, _ =	vpop (xrf1)  }
0x103: {  	(xrf2) =	vadd.scan.msk.f32 $0xffff, v7;
	v60 =	vsel vm5, $0xFF800000, v34;
	v50 =	vmin.f32 v24, v33;
	v0 =	vmax.f32 v0, v46;
	v51, _, _ =	vpop (xrf1)  }
0x104: {  	v34 =	vand.u32 $0xFF, v29;
	v20 =	vmin.f32 v9, v12;
	(xrf1) =	vsort.ascd.msk.f32 $0xffff, v50, v50;
	v0 =	vmax.f32 v0, v45;
	v53, _, _ =	vpop (xrf1)  }
0x105: {  	v9 =	vmax.f32 v9, v12;
	(xrf1) =	vsort.ascd.msk.f32 $0xffff, v15, v15;
	v0 =	vmax.f32 v0, v55;
	v1 =	vsel vm1, $0xFF800000, v1;
	v15, _, _ =	vpop (xrf1)  }
0x106: {  	v0 =	vmax.f32 v0, v60;
	(xrf1) =	vsort.ascd.msk.f32 $0xffff, v20, v20;
	v27 =	vsel vm15, $0xFF800000, v1;
	v11 =	vperm.xlane v53, v28;
	v57, _, _ =	vpop (xrf1)  }
0x107: {  	v1 =	vcvt.s32.f32 v3;
	(xrf1) =	vsort.ascd.msk.f32 $0xffff, v9, v9;
	v0 =	vmax.f32 v0, v27;
	v32 =	vperm.xlane v15, v28;
	v61, _, _ =	vpop (xrf1)  }
0x108: {  	v63 =	vperm.xlane v57, v28;
	v20 =	vmin.f32 v51, v11;
	v7 =	vperm.xlane v61, v28  }
0x109: {  	v11 =	vmax.f32 v51, v11;
	v15 =	vmin.f32 v35, v32;
	v12 =	vmax.f32 v35, v32  }
0x10a: {  	(xrf0) =	vmax.scan.msk.f32 $0xffff, v0;
	v33 =	vmin.f32 v23, v63;
	v9 =	vmax.f32 v23, v63;
	v0 =	vmin.f32 v6, v7  }
0x10b: {  	v6 =	vmax.f32 v6, v7;
	v24 =	vmin.f32 v33, v20;
	v7 =	vmax.f32 v33, v20  }
0x10c: {  	v40 =	vmin.f32 v9, v11;
	v9 =	vmax.f32 v9, v11;
	v23 =	vmin.f32 v0, v15  }
0x10d: {  	[tilespmem:$0x1FDE0] =	vst v25;
	v0 =	vmax.f32 v0, v15;
	v15 =	vmin.f32 v23, v24;
	v20 =	vmax.f32 v23, v24  }
0x10e: {  	v23 =	vand.u32 $0xFF, v19;
	v24 =	vmin.f32 v6, v12;
	v35 =	vmin.f32 v0, v7;
	(xrf1) =	vsort.ascd.msk.f32 $0xffff, v15, v15  }
0x10f: {  	v50 =	vld.idx.msk [tilespmem:v34+s14+$0x0], $0xffff;
	v0 =	vmax.f32 v0, v7;
	v6 =	vmax.f32 v6, v12;
	(xrf1) =	vsort.ascd.msk.f32 $0xffff, v20, v20  }
0x110: {  	v61 =	vand.u32 $0xFFFFFF00, v29;
	v49 =	vmin.f32 v24, v40;
	v53 =	vmax.f32 v24, v40;
	v20, _, _ =	vpop (xrf0);
	(xrf1) =	vsort.ascd.msk.f32 $0xffff, v35, v35  }
0x111: {  	v29 =	vshra.s32 v58, $0xF;
	v24 =	vmin.f32 v6, v9;
	v15, _, _ =	vpop (xrf2);
	(xrf1) =	vsort.ascd.msk.f32 $0xffff, v0, v0;
	v0 =	vld.idx.msk [tilespmem:v14+s14+$0x0], $0xffff;
	v14 =	vbroadcast v20, $0xF  }
0x112: {  	vm15 =	vne.s32 v61, $0x7F800000;
	v6 =	vmax.f32 v6, v9;
	v48, _, _ =	vpop (xrf1);
	v15 =	vadd.f32 v15, v5;
	(xrf1) =	vsort.ascd.msk.f32 $0xffff, v49, v49  }
0x113: {  	v34 =	vimm.s32 $0xF;
	v3, _, _ =	vpop (xrf1);
	v20 =	vld.idx.msk [tilespmem:v23+s14+$0x0], $0xffff;
	v57 =	vsub.f32 v59, v14;
	(xrf1) =	vsort.ascd.msk.f32 $0xffff, v53, v53;
	v16 =	vsub.f32 v54, v14  }
0x114: {  	[tilespmem:$0x1FE00] =	vst v61;
	v51, _, _ =	vpop (xrf1);
	v35 =	vperm.xlane v15, v34;
	v36 =	vsub.f32 v52, v14;
	v49 =	vsub.f32 v56, v14  }
0x115: {  	v7 =	vnsel vm15, $0x0, v50;
	v53 =	vsub.f32 v42, v14;
	v23, _, _ =	vpop (xrf1);
	(xrf1) =	vsort.ascd.msk.f32 $0xffff, v24, v24;
	v32 =	vmin.f32 v48, v51  }
0x116: {  	v37 =	vmax.f32 v48, v51;
	v51 =	vsub.f32 v44, v14;
	v63 =	vmin.f32 v23, v2;
	(xrf2) =	vadd.scan.msk.f32 $0xffff, v0  }
0x117: {  	[tilespmem:$0x1FE30] =	vst v57;
	(xrf1) =	vsort.ascd.msk.f32 $0xffff, v6, v6;
	v33 =	vmin.f32 v3, v63;
	v0 =	vmul.f32 $1.442695020e+00, v57  }
0x118: {  	[tilespmem:$0x1FE50] =	vst v36;
	v57 =	vsub.f32 v43, v14;
	v24 =	vmin.f32 v32, v33;
	(xrf2) =	vadd.scan.msk.f32 $0xffff, v20;
	v20 =	vld.idx.msk [tilespmem:v10+s12+$0x0], $0xffff  }
0x119: {  	v48 =	vmax.f32 v32, v33;
	(xrf1) =	vsort.ascd.msk.f32 $0xffff, v24, v24;
	(erf) = vpow2.f32 v0;
	v0 =	vmul.f32 $1.442695020e+00, v16  }
0x11a: {  	v50 =	vmul.f32 $1.442695020e+00, v36;
	v2 =	vmax.f32 v23, v2;
	v3 =	vmax.f32 v3, v63;
	(xrf1) =	vsort.ascd.msk.f32 $0xffff, v48, v48  }
0x11b: {  	(xrf2) =	vadd.scan.msk.f32 $0xffff, v7;
	v7 =	vmul.f32 $1.442695020e+00, v57;
	(erf) = vpow2.f32 v0;
	v0 =	vmin.f32 v37, v3  }
0x11c: {  	v3 =	vmax.f32 v37, v3;
	(erf) = vpow2.f32 v50;
	v40, _, _ =	vpop (xrf1);
	(xrf1) =	vsort.ascd.msk.f32 $0xffff, v0, v0;
	v0 =	vmul.f32 $1.442695020e+00, v49  }
0x11d: {  	v24 =	vadd.s32 $0xFFFF94F4, v29;
	v20 =	vmul.f32 v1, v20;
	v39, _, _ =	vpop (xrf1);
	(xrf1) =	vsort.ascd.msk.f32 $0xffff, v3, v3;
	v3 =	vmul.f32 $1.442695020e+00, v51  }
0x11e: {  	v36, _, _ =	vpop (xrf1);
	(xrf1) =	vsort.ascd.msk.f32 $0xffff, v2, v2;
	(erf) = vpow2.f32 v0;
	v2 =	vmul.f32 $1.442695020e+00, v53;
	v0 =	vsub.f32 v41, v14  }
0x11f: {  	[tilespmem:$0x1FE60] =	vst v49;
	v1 =	vsel vm8, $0x0, v18;
	v61, _, _ =	vpop (xrf1);
	(erf) = vpow2.f32 v3;
	v3 =	vsub.f32 v45, v14  }
0x120: {  	[tilespmem:$0x1FEC0] =	vst v0;
	v32, _, _ =	vpop (xrf2);
	(erf) = vpow2.f32 v2;
	v23 =	vmul.f32 $1.442695020e+00, v0;
	v0 =	vsub.f32 v46, v14  }
0x121: {  	[tilespmem:$0x1FEA0] =	vst v53;
	v53, _, _ =	vpop (xrf1);
	v2 =	vsub.f32 v55, v14;
	v25 =	vadd.f32 v32, v35;
	(erf) = vpow2.f32 v7  }
0x122: {  	v49, _, _ =	vpop (xrf1);
	[tilespmem:$0x1FED0] =	vst v0;
	(erf) = vpow2.f32 v23;
	v33 =	vmul.f32 $1.442695020e+00, v0;
	v0 =	vimm.s32 $0xF  }
0x123: {  	[tilespmem:$0x1FE20] =	vst v1;
	v1 =	vsub.f32 v60, v14;
	v34, _, _ =	vpop (xrf2);
	v29 =	vperm.xlane v25, v0;
	v0 =	vmul.f32 $1.442695020e+00, v3  }
0x124: {  	v31 =	vand.u32 $0xFFFFFF00, v31;
	[tilespmem:$0x1FE90] =	vst v51;
	v51, _, _ =	vpop (xrf1);
	v35 =	vmul.f32 $1.442695020e+00, v2;
	(erf) = vpow2.f32 v33  }
0x125: {  	vm2 =	veq.s32 v8, $0xBF800000;
	v18 =	vmul.f32 $1.442695020e+00, v1;
	v38, _, _ =	vpop (xrf1);
	(erf) = vpow2.f32 v0  }
0x126: {  	vm8 =	veq.s32 v31, $0xBF800000;
	v23 =	vpop (erf);
	v21 =	vadd.f32 v34, v29;
	(erf) = vpow2.f32 v35  }
0x127: {  	v35 =	vshra.s32 v25, $0xF;
	v0, _, _ =	vpop (xrf1);
	(erf) = vpow2.f32 v18;
	v18 =	vshra.s32 v15, $0xF  }
0x128: {  	v6 =	vld.idx.msk [tilespmem:v13+s10+$0x0], $0xffff;
	[tilespmem:$0x1FF00] =	vst v1;
	v1 =	vimm.s32 $0xF;
	v8 =	vadd.s32 $0xFFFF94F4, v35;
	v31, _, _ =	vpop (xrf1);
	v18 =	vadd.s32 $0xFFFF94F4, v18  }
0x129: {  	v37 =	vld.idx.msk [tilespmem:v24+s12+$0x0], $0xffff;
	v35 =	vperm.xlane v31, v28;
	v31 =	vperm.xlane v0, v28;
	v0 =	vshra.s32 v21, $0xF  }
0x12a: {  	v63 =	vperm.xlane v21, v1;
	v1 =	vadd.s32 $0xFFFF94F4, v0;
	v0 =	vld [tilespmem:$0x1FCD0];
	_ =	sdelay $0x1  }
0x12b: {  	v58 =	vand.u32 $0x7FFF, v58;
	[tilespmem:$0x1FEF0] =	vst v2;
	v2 =	vsub.f32 v27, v14  }
0x12c: {  	v48 =	vadd.f32 v62, v6;
	v62 =	vcvt.s32.f32 v58;
	v24 =	vld.idx.msk [tilespmem:v24+s10+$0x0], $0xffff  }
0x12d: {  	[tilespmem:$0x1FF10] =	vst v2;
	v4 =	vmul.f32 $1.442695020e+00, v2;
	v2 =	vld.idx.msk [tilespmem:v18+s12+$0x0], $0xffff  }
0x12e: {  	v11 =	vmul.f32 v62, v37;
	v62 =	vsel vm7, $0x0, v0;
	v0 =	vld [tilespmem:$0x1FCE0];
	_ =	sdelay $0x1  }
0x12f: {  	v15 =	vand.u32 $0x7FFF, v15  }
0x130: {  	[tilespmem:$0x1FDF0] =	vst v19;
	v19 =	vcvt.s32.f32 v15;
	_ =	sdelay $0x1  }
0x131: {  	v24 =	vadd.f32 v11, v24;
	v11 =	vmul.f32 v19, v2;
	v2 =	vld [tilespmem:$0x1FD00];
	v0 =	vand.u32 $0xFFFFFF00, v0  }
0x132: {  	vm1 =	veq.s32 v0, $0xBF800000;
	v0 =	vld [tilespmem:$0x1FCF0];
	_ =	sdelay $0x3  }
0x133: {  	vm5 =	vnez.u8 v2  }
0x134: {  	v0 =	vsel vm5, $0x0, v0  }
0x135: {  	[tilespmem:$0x1FE70] =	vst v0;
	v0 =	vld [tilespmem:$0x1FD10];
	_ =	sdelay $0x2  }
0x136: {  	v5, _, _ =	vpop (xrf1)  }
0x137: {  	v33, _, _ =	vpop (xrf1)  }
0x138: {  	(erf) = vpow2.f32 v4;
	v37 =	vperm.xlane v5, v28;
	v34, _, _ =	vpop (xrf1);
	v0 =	vsel vm4, $0x0, v0  }
0x139: {  	v50, _, _ =	vpop (xrf2);
	v4 =	vmin.f32 v51, v35;
	v32 =	vperm.xlane v33, v28;
	v58 =	vperm.xlane v34, v28;
	[tilespmem:$0x1FE80] =	vst v0;
	v0 =	vld [tilespmem:$0x1FD20]  }
0x13a: {  	v29 =	vadd.f32 v50, v63;
	v6 =	vmin.f32 v38, v31;
	v33 =	vmin.f32 v36, v4  }
0x13b: {  	[tilespmem:$0x1FEE0] =	vst v3;
	v5 =	vmin.f32 v49, v37;
	v3 =	vmin.f32 v53, v32;
	v7 =	vmin.f32 v61, v58  }
0x13c: {  	v50 =	vmovc v47;
	v63 =	vmin.f32 v39, v5;
	v47 =	vmin.f32 v40, v3;
	v30 =	vmin.f32 v7, v6  }
0x13d: {  	[tilespmem:$0x1FE40] =	vst v16;
	vm7 =	veq.f32 v54, $-Inf;
	v17 =	vmin.f32 v47, v33;
	v16 =	vmin.f32 v63, v30  }
0x13e: {  	v15 =	vmin.f32 v17, v16;
	v54 =	vmax.f32 v17, v16;
	v17 =	vsel vm0, $0x0, v0;
	v0 =	vld [tilespmem:$0x1FD30];
	_ =	sdelay $0x3  }
0x13f: {  	v10 =	vld.idx.msk [tilespmem:v10+s10+$0x0], $0xffff  }
0x140: {  	vm4 =	veq.f32 v52, $-Inf;
	v52 =	vsel vm6, $0x0, v0;
	v0 =	vld [tilespmem:$0x1FD40];
	_ =	sdelay $0x3  }
0x141: {  	[tilespmem:$0x1FEB0] =	vst v57;
	v57 =	vadd.f32 v20, v10;
	v13 =	vpop (erf);
	(xrf1) =	vsort.ascd.msk.f32 $0xffff, v15, v15  }
0x142: {  	v20 =	vpop (erf);
	(xrf1) =	vsort.ascd.msk.f32 $0xffff, v54, v54;
	vm6 =	veq.f32 v27, $-Inf;
	v54 =	vsel vm3, $0x0, v0;
	v0 =	vimm.s32 $0x0  }
0x143: {  	[tilespmem:$0x1FDD0] =	vst v22;
	v14 =	vpop (erf);
	v63 =	vmax.f32 v63, v30;
	v30 =	vld [tilespmem:$0x1FD60];
	v0 =	vsel vm6, $0xFFFFFFFF, v0  }
0x144: {  	v12 =	vpop (erf);
	v22 =	vshra.s32 v29, $0xF;
	[tilespmem:$0x1FF20] =	vst v0;
	v0 =	vld [tilespmem:$0x1FD50]  }
0x145: {  	v10 =	vpop (erf)  }
0x146: {  	v9 =	vpop (erf);
	v34 =	vld.idx.msk [tilespmem:v8+s10+$0x0], $0xffff  }
0x147: {  	v15 =	vld.idx.msk [tilespmem:v18+s10+$0x0], $0xffff;
	v18 =	vadd.s32 $0xFFFF94F4, v22;
	v22 =	vpop (erf)  }
0x148: {  	v8 =	vld.idx.msk [tilespmem:v8+s12+$0x0], $0xffff;
	v19 =	vpop (erf);
	vm3 =	vnez.u8 v30  }
0x149: {  	vm5 =	veq.f32 v59, $-Inf;
	v59 =	vpop (erf);
	v30 =	vsel vm3, $0x0, v0;
	v0 =	vld [tilespmem:$0x1FD70]  }
0x14a: {  	v16 =	vld.idx.msk [tilespmem:v1+s10+$0x0], $0xffff;
	v2 =	vpop (erf)  }
0x14b: {  	v1 =	vld.idx.msk [tilespmem:v1+s12+$0x0], $0xffff;
	vm0 =	veq.f32 v56, $-Inf;
	v56 =	vpop (erf)  }
0x14c: {  	v27 =	vpop (erf);
	vm3 =	veq.f32 v44, $-Inf;
	v44 =	vld [tilespmem:$0x1FD80]  }
0x14d: {  	v33 =	vmax.f32 v47, v33;
	v47 =	vld.idx.msk [tilespmem:v18+s10+$0x0], $0xffff;
	v27 =	vsel vm6, $0x0, v27  }
0x14e: {  	v18 =	vld.idx.msk [tilespmem:v18+s12+$0x0], $0xffff;
	[tilespmem:$0x80B8] =	vst v27;
	v27 =	vadd.f32 $0.0e+00, v0  }
0x14f: {  	v23 =	vsel vm5, $0x0, v23  }
0x150: {  	[tilespmem:$0x8000] =	vst v23;
	v0 =	vmin.f32 v33, v63;
	v23 =	vsel vm9, $0x0, v27;
	vm9 =	veq.f32 v42, $-Inf;
	v42 =	vld [tilespmem:$0x1FD90]  }
0x151: {  	(xrf1) =	vsort.ascd.msk.f32 $0xffff, v0, v0;
	v0 =	vsel vm7, $0x0, v13;
	v27 =	vsel vm10, $0x0, v44;
	vm10 =	veq.f32 v43, $-Inf;
	v43 =	vld [tilespmem:$0x1FDA0]  }
0x152: {  	[tilespmem:$0x8010] =	vst v0;
	v0 =	vsel vm4, $0x0, v20;
	v44 =	vld [tilespmem:$0x1FDB0]  }
0x153: {  	[tilespmem:$0x8020] =	vst v0;
	v0 =	vsel vm0, $0x0, v14  }
0x154: {  	[tilespmem:$0x8030] =	vst v0;
	v0 =	vsel vm3, $0x0, v12  }
0x155: {  	v20, _, _ =	vpop (xrf1);
	[tilespmem:$0x8040] =	vst v0;
	v0 =	vsel vm9, $0x0, v10;
	v42 =	vsel vm11, $0x0, v42;
	vm11 =	veq.f32 v46, $-Inf;
	v46 =	vld [tilespmem:$0x1FDC0]  }
0x156: {  	vm6 =	veq.f32 v41, $-Inf;
	v10 =	vand.u32 $0xFF, v20;
	[tilespmem:$0x8050] =	vst v0;
	v0 =	vsel vm10, $0x0, v9  }
0x157: {  	v41 =	vsel vm12, $0x0, v43;
	v43 =	vsel vm13, $0x0, v44;
	[tilespmem:$0x8060] =	vst v0;
	v0 =	vsel vm6, $0x0, v22  }
0x158: {  	vm12 =	veq.f32 v45, $-Inf;
	vm13 =	veq.f32 v55, $-Inf;
	[tilespmem:$0x8070] =	vst v0;
	v55 =	vsel vm11, $0x0, v19  }
0x159: {  	v4 =	vmax.f32 v36, v4;
	v63 =	vmax.f32 v33, v63;
	v33 =	vsel vm12, $0x0, v59;
	[tilespmem:$0x8080] =	vst v55  }
0x15a: {  	v2 =	vsel vm13, $0x0, v2;
	[tilespmem:$0x8090] =	vst v33;
	v44 =	vsel vm14, $0x0, v46;
	vm14 =	veq.f32 v60, $-Inf  }
0x15b: {  	v3 =	vmax.f32 v40, v3;
	v11 =	vadd.f32 v11, v15;
	[tilespmem:$0x80A0] =	vst v2;
	v60 =	vld [tilespmem:$0x1FDD0];
	v40 =	vsel vm14, $0x0, v56  }
0x15c: {  	v19 =	vand.u32 $0x7FFF, v21;
	v2 =	vmax.f32 v39, v5;
	v46 =	vmax.f32 v7, v6;
	[tilespmem:$0x80B0] =	vst v40  }
0x15d: {  	v19 =	vcvt.s32.f32 v19;
	v56 =	vmin.f32 v3, v4;
	v59 =	vmin.f32 v2, v46;
	v10 =	vld.idx.msk [tilespmem:v10+s14+$0x0], $0xffff  }
0x15e: {  	(xrf1) =	vsort.ascd.msk.f32 $0xffff, v63, v63;
	v0 =	vsel vm2, $0x0, v48;
	v48 =	vand.u32 $0x7FFF, v25;
	v33 =	vld [tilespmem:$0x1FDF0];
	v15 =	vmin.f32 v56, v59  }
0x15f: {  	v1 =	vmul.f32 v19, v1;
	(xrf1) =	vsort.ascd.msk.f32 $0xffff, v15, v15;
	v15 =	vsel vm1, $0x0, v24;
	v24 =	vand.u32 $0x7FFF, v29  }
0x160: {  	v13, _, _ =	vpop (xrf1);
	v6 =	vcvt.s32.f32 v48;
	v63 =	vcvt.s32.f32 v24;
	v9 =	vand.u32 $0xFFFFFF00, v60  }
0x161: {  	v55 =	vand.u32 $0xFF, v13;
	v1 =	vadd.f32 v1, v16  }
0x162: {  	v6 =	vmul.f32 v6, v8;
	v12 =	vmax.f32 v56, v59;
	(xrf2) =	vadd.scan.msk.f32 $0xffff, v10;
	v10 =	vmul.f32 v63, v18  }
0x163: {  	v22 =	vld [tilespmem:$0x1FDE0];
	v8 =	vsel vm8, $0x0, v57;
	(xrf1) =	vsort.ascd.msk.f32 $0xffff, v12, v12;
	v12 =	vand.u32 $0xFFFFFF00, v33;
	vm8 =	veq.s32 v9, $0xBF800000;
	v9, _, _ =	vpop (xrf1)  }
0x164: {  	vm2 =	veq.s32 v12, $0xBF800000;
	v21 =	vand.u32 $0xFF, v9;
	v40 =	vadd.f32 v10, v47;
	v47 =	vmovc v50;
	v50 =	vld [tilespmem:$0x1FE00]  }
0x165: {  	v14 =	vsel vm2, $0x0, v1;
	v1 =	vld [tilespmem:$0x1FF40]  }
0x166: {  	v7 =	vld.idx.msk [tilespmem:v55+s14+$0x0], $0xffff  }
0x167: {  	v39 =	vld [tilespmem:$0x1FE90];
	v3 =	vmax.f32 v3, v4;
	v2 =	vmax.f32 v2, v46  }
0x168: {  	v13 =	vand.u32 $0xFFFFFF00, v13;
	v19 =	vmax.f32 v49, v37;
	v48 =	vmin.f32 v3, v2;
	v55 =	vld [tilespmem:$0x1FE20]  }
0x169: {  	v6 =	vadd.f32 v6, v34;
	v11 =	vsel vm8, $0x0, v11;
	v34 =	vld.idx.msk [tilespmem:v21+s14+$0x0], $0xffff;
	vm8 =	vne.s32 v50, $0xBF800000  }
0x16a: {  	v56 =	vadd.f32 v27, v23;
	(xrf1) =	vsort.ascd.msk.f32 $0xffff, v48, v48;
	vm8 =	vmand vm8, vm15;
	vm15 =	vnez.u8 v1;
	v1 =	vld [tilespmem:$0x1FE10]  }
0x16b: {  	v49 =	vand.u32 $0xFFFFFF00, v20;
	v16 =	vmax.f32 v53, v32;
	v2 =	vmax.f32 v3, v2;
	v3 =	vld [tilespmem:$0x1FE30];
	(xrf2) =	vadd.scan.msk.f32 $0xffff, v7  }
0x16c: {  	v22 =	vand.u32 $0xFFFFFF00, v22;
	v57 =	vmax.f32 v61, v58;
	v27 =	vld [tilespmem:$0x1FE40];
	v5, _, _ =	vpop (xrf1);
	(xrf1) =	vsort.ascd.msk.f32 $0xffff, v2, v2;
	v2 =	vadd.f32 v42, v56  }
0x16d: {  	vm1 =	veq.s32 v22, $0xBF800000;
	v22 =	vmax.f32 v51, v35;
	v18 =	vand.u32 $0xFF, v5  }
0x16e: {  	v29 =	vld [tilespmem:$0x1FE50];
	v58 =	vmin.f32 v16, v22;
	v33 =	vsel vm3, $0x0, v39;
	v2 =	vadd.f32 v41, v2  }
0x16f: {  	v16 =	vmax.f32 v16, v22;
	v21 =	vmax.f32 v38, v31;
	(xrf2) =	vadd.scan.msk.f32 $0xffff, v34;
	v1 =	vadd.f32 v1, v55  }
0x170: {  	v45 =	vmovc v26;
	v60 =	vld [tilespmem:$0x1FE70];
	v3 =	vsel vm5, $0x0, v3;
	v2 =	vadd.f32 v43, v2;
	v23 =	vmin.f32 v57, v21  }
0x171: {  	v27 =	vsel vm7, $0x0, v27;
	v24 =	vmin.f32 v19, v23;
	v25, _, _ =	vpop (xrf2);
	v1 =	vadd.f32 v1, v62  }
0x172: {  	v18 =	vld.idx.msk [tilespmem:v18+s14+$0x0], $0xffff;
	v2 =	vadd.f32 v44, v2;
	v26 =	vmin.f32 v58, v24;
	v4, _, _ =	vpop (xrf1);
	v25 =	vadd.f32 $9.999999970e-07, v25  }
0x173: {  	v59 =	vsel vm4, $0x0, v29;
	v31 =	vimm.s32 $0xF;
	(xrf1) =	vsort.ascd.msk.f32 $0xffff, v26, v26;
	v26 =	vand.u32 $0xFF, v4  }
0x174: {  	v10 =	vsel vm1, $0x0, v6;
	v0 =	vadd.f32 v0, v2;
	v31 =	vperm.xlane v25, v31  }
0x175: {  	v29 =	vld [tilespmem:$0x1FE60];
	v6 =	vmax.f32 v58, v24;
	v61 =	vshra.s32 v25, $0xF;
	v32 =	vadd.f32 v1, v60;
	v1, _, _ =	vpop (xrf2)  }
0x176: {  	v41 =	vld [tilespmem:$0x1FEB0];
	v0 =	vadd.f32 v8, v0;
	v24 =	vadd.f32 v1, v31;
	v1, _, _ =	vpop (xrf1);
	v31 =	vadd.s32 $0xFFFF94F4, v61  }
0x177: {  	v12 =	vnsel vm8, $0x0, v40;
	v40 =	vld [tilespmem:$0x1FEA0];
	(xrf2) =	vadd.scan.msk.f32 $0xffff, v18;
	v18 =	vimm.s32 $0xF;
	v63 =	vand.u32 $0xFF, v1  }
0x178: {  	v0 =	vadd.f32 v15, v0;
	v26 =	vld.idx.msk [tilespmem:v26+s14+$0x0], $0xffff;
	(xrf1) =	vsort.ascd.msk.f32 $0xffff, v6, v6;
	v18 =	vperm.xlane v24, v18  }
0x179: {  	vm7 =	veq.s32 v13, $0xBF800000;
	v27 =	vadd.f32 v27, v3;
	v48 =	vimm.s32 $0xF;
	v62 =	vld [tilespmem:$0x1FE80];
	v42, _, _ =	vpop (xrf2)  }
0x17a: {  	v19 =	vmax.f32 v19, v23;
	v11 =	vadd.f32 v11, v0;
	v0 =	vld [tilespmem:$0x1FEC0];
	v2, _, _ =	vpop (xrf1);
	v18 =	vadd.f32 v42, v18  }
0x17b: {  	v9 =	vand.u32 $0xFFFFFF00, v9;
	v22 =	vmin.f32 v16, v19;
	v44 =	vand.u32 $0xFF, v2;
	v23 =	vld.idx.msk [tilespmem:v31+s12+$0x0], $0xffff  }
0x17c: {  	v5 =	vand.u32 $0xFFFFFF00, v5;
	v29 =	vsel vm0, $0x0, v29;
	(xrf1) =	vsort.ascd.msk.f32 $0xffff, v22, v22;
	v22 =	vshra.s32 v18, $0xF;
	v6 =	vld.idx.msk [tilespmem:v63+s14+$0x0], $0xffff  }
0x17d: {  	v7 =	vmax.f32 v57, v21;
	v25 =	vand.u32 $0x7FFF, v25;
	(xrf2) =	vadd.scan.msk.f32 $0xffff, v26;
	v26 =	vld.idx.msk [tilespmem:v31+s10+$0x0], $0xffff;
	v22 =	vadd.s32 $0xFFFF94F4, v22  }
0x17e: {  	v35 =	vsel vm10, $0x0, v41;
	v16 =	vmax.f32 v16, v19;
	v15 =	vcvt.s32.f32 v25;
	v3, _, _ =	vpop (xrf1)  }
0x17f: {  	vm8 =	veq.s32 v9, $0xBF800000;
	v25 =	vadd.f32 v27, v59;
	v19 =	vand.u32 $0xFF, v3  }
0x180: {  	v4 =	vand.u32 $0xFFFFFF00, v4;
	v43 =	vshra.s32 v24, $0xF;
	(xrf1) =	vsort.ascd.msk.f32 $0xffff, v16, v16;
	v16 =	vld.idx.msk [tilespmem:v44+s14+$0x0], $0xffff;
	v15 =	vmul.f32 v15, v23  }
0x181: {  	v46 =	vadd.s32 $0xFFFF94F4, v43;
	v23 =	vsel vm6, $0x0, v0;
	v0, _, _ =	vpop (xrf1);
	(xrf2) =	vadd.scan.msk.f32 $0xffff, v6;
	v6 =	vperm.xlane v18, v48  }
0x182: {  	v34 =	vsel vm9, $0x0, v40;
	v32 =	vadd.f32 v32, v62;
	v15 =	vadd.f32 v15, v26;
	v21 =	vld.idx.msk [tilespmem:v22+s12+$0x0], $0xffff;
	v26, _, _ =	vpop (xrf2)  }
0x183: {  	v25 =	vadd.f32 v25, v29;
	(xrf1) =	vsort.ascd.msk.f32 $0xffff, v7, v7;
	v20 =	vadd.f32 v26, v6;
	v26 =	vand.u32 $0xFF, v0  }
0x184: {  	v57 =	vadd.f32 v10, v11;
	v17 =	vadd.f32 v32, v17;
	v19 =	vld.idx.msk [tilespmem:v19+s14+$0x0], $0xffff;
	v18 =	vand.u32 $0x7FFF, v18  }
0x185: {  	v50 =	vand.u32 $0x7FFF, v24;
	v24 =	vimm.s32 $0xF;
	v18 =	vcvt.s32.f32 v18;
	(xrf2) =	vadd.scan.msk.f32 $0xffff, v16  }
0x186: {  	v9 =	vadd.f32 v14, v57;
	v17 =	vadd.f32 v17, v52;
	v27 =	vld.idx.msk [tilespmem:v46+s12+$0x0], $0xffff;
	v52, _, _ =	vpop (xrf1);
	v24 =	vperm.xlane v20, v24  }
0x187: {  	v8 =	vld.idx.msk [tilespmem:v46+s10+$0x0], $0xffff;
	v16 =	vadd.f32 v25, v33;
	v25 =	vand.u32 $0xFF, v52;
	v18 =	vmul.f32 v18, v21;
	v21, _, _ =	vpop (xrf2)  }
0x188: {  	v9 =	vadd.f32 v12, v9;
	v51 =	vcvt.s32.f32 v50;
	v21 =	vadd.f32 v21, v24;
	v26 =	vld.idx.msk [tilespmem:v26+s14+$0x0], $0xffff  }
0x189: {  	v59 =	vadd.f32 v17, v54;
	(xrf2) =	vadd.scan.msk.f32 $0xffff, v19;
	v19 =	vimm.s32 $0xF;
	v24 =	vshra.s32 v20, $0xF  }
0x18a: {  	vm6 =	veq.s32 v49, $0xBF800000;
	v55, _, _ =	vpop (xrf1);
	v53 =	vadd.s32 $0xFFFF94F4, v24;
	v19 =	vperm.xlane v21, v19  }
0x18b: {  	v22 =	vld.idx.msk [tilespmem:v22+s10+$0x0], $0xffff;
	v7 =	vmul.f32 v51, v27;
	v15 =	vadd.f32 $0.0e+00, v15;
	v24 =	vand.u32 $0xFF, v55;
	v56, _, _ =	vpop (xrf2)  }
0x18c: {  	v16 =	vadd.f32 v16, v34;
	v17 =	vshra.s32 v21, $0xF;
	v58 =	vadd.f32 v56, v19;
	v19 =	vld.idx.msk [tilespmem:v25+s14+$0x0], $0xffff  }
0x18d: {  	v32 =	vmovc v28;
	v7 =	vadd.f32 v7, v8;
	v17 =	vadd.s32 $0xFFFF94F4, v17;
	v25 =	vimm.s32 $0xF;
	(xrf2) =	vadd.scan.msk.f32 $0xffff, v26  }
0x18e: {  	v28 =	vld [tilespmem:$0x1FED0];
	v63 =	vand.u32 $0x7FFF, v20;
	v15 =	vsel vm6, $0x0, v15;
	v60, _, _ =	vpop (xrf1);
	v25 =	vperm.xlane v58, v25  }
0x18f: {  	v16 =	vadd.f32 v16, v35;
	v12 =	vcvt.s32.f32 v63;
	v27 =	vand.u32 $0xFF, v60;
	v26, _, _ =	vpop (xrf2);
	v61 =	vld.idx.msk [tilespmem:v53+s12+$0x0], $0xffff  }
0x190: {  	v18 =	vadd.f32 v18, v22;
	v22 =	vsel vm7, $0x0, v7;
	v24 =	vld.idx.msk [tilespmem:v24+s14+$0x0], $0xffff;
	v20 =	vadd.f32 v26, v25  }
0x191: {  	v16 =	vadd.f32 v16, v23;
	v15 =	vadd.f32 v22, v15;
	v22 =	vimm.s32 $0xF;
	v13 =	vld.idx.msk [tilespmem:v53+s10+$0x0], $0xffff;
	v23, _, _ =	vpop (xrf1);
	(xrf2) =	vadd.scan.msk.f32 $0xffff, v19  }
0x192: {  	v18 =	vsel vm8, $0x0, v18;
	v25 =	vand.u32 $0xFF, v23;
	v33 =	vld.idx.msk [tilespmem:v17+s12+$0x0], $0xffff;
	v22 =	vperm.xlane v20, v22  }
0x193: {  	v35 =	vand.u32 $0x7FFF, v21;
	v15 =	vadd.f32 v18, v15;
	v19 =	vshra.s32 v58, $0xF;
	v26, _, _ =	vpop (xrf2)  }
0x194: {  	v19 =	vadd.s32 $0xFFFF94F4, v19;
	v12 =	vmul.f32 v12, v61;
	v18 =	vadd.f32 v26, v22;
	v22 =	vld.idx.msk [tilespmem:v27+s14+$0x0], $0xffff  }
0x195: {  	vm9 =	veq.s32 v5, $0xBF800000;
	v21 =	vimm.s32 $0xF;
	v5 =	vcvt.s32.f32 v35;
	(xrf2) =	vadd.scan.msk.f32 $0xffff, v24  }
0x196: {  	v28 =	vsel vm11, $0x0, v28;
	v17 =	vld.idx.msk [tilespmem:v17+s10+$0x0], $0xffff;
	v12 =	vadd.f32 v12, v13;
	v21 =	vperm.xlane v18, v21  }
0x197: {  	vm10 =	veq.s32 v4, $0xBF800000;
	v16 =	vadd.f32 v16, v28;
	v25 =	vld.idx.msk [tilespmem:v25+s14+$0x0], $0xffff;
	v5 =	vmul.f32 v5, v33;
	v26, _, _ =	vpop (xrf2)  }
0x198: {  	v34 =	vld [tilespmem:$0x1FEE0];
	v12 =	vsel vm9, $0x0, v12;
	v21 =	vadd.f32 v26, v21;
	v26 =	vshra.s32 v20, $0xF  }
0x199: {  	v12 =	vadd.f32 v12, v15;
	v15 =	vld.idx.msk [tilespmem:v19+s12+$0x0], $0xffff;
	v36 =	vadd.s32 $0xFFFF94F4, v26;
	v26 =	vimm.s32 $0xF;
	(xrf2) =	vadd.scan.msk.f32 $0xffff, v22  }
0x19a: {  	v11 =	vand.u32 $0x7FFF, v58;
	v23 =	vand.u32 $0xFFFFFF00, v23;
	v22 =	vperm.xlane v21, v26  }
0x19b: {  	v11 =	vcvt.s32.f32 v11;
	vm0 =	vne.s32 v23, $0x7F800000;
	v5 =	vadd.f32 v5, v17;
	v19 =	vld.idx.msk [tilespmem:v19+s10+$0x0], $0xffff;
	v17, _, _ =	vpop (xrf2)  }
0x19c: {  	v25 =	vnsel vm0, $0x0, v25;
	v17 =	vadd.f32 v17, v22;
	v22 =	vshra.s32 v18, $0xF  }
0x19d: {  	v2 =	vand.u32 $0xFFFFFF00, v2;
	v13 =	vsel vm12, $0x0, v34;
	(xrf2) =	vadd.scan.msk.f32 $0xffff, v25;
	v39 =	vadd.s32 $0xFFFF94F4, v22  }
0x19e: {  	v13 =	vadd.f32 v16, v13;
	v38 =	vmul.f32 v11, v15;
	v16 =	vperm.xlane v17, v26  }
0x19f: {  	v1 =	vand.u32 $0xFFFFFF00, v1;
	vm4 =	veq.s32 v2, $0xBF800000;
	v3 =	vand.u32 $0xFFFFFF00, v3;
	v15 =	vld.idx.msk [tilespmem:v36+s12+$0x0], $0xffff;
	v22, _, _ =	vpop (xrf2)  }
0x1a0: {  	v4 =	vadd.f32 v38, v19;
	v19 =	vshra.s32 v21, $0xF;
	v16 =	vadd.f32 v22, v16  }
0x1a1: {  	vm11 =	veq.s32 v1, $0xBF800000;
	v40 =	vand.u32 $0x7FFF, v20;
	v14 =	vld.idx.msk [tilespmem:v36+s10+$0x0], $0xffff;
	v41 =	vadd.s32 $0xFFFF94F4, v19  }
0x1a2: {  	v1 =	vcvt.s32.f32 v40;
	v20 =	vshra.s32 v17, $0xF;
	v19 =	vld.idx.msk [tilespmem:v39+s12+$0x0], $0xffff;
	v22 =	vperm.xlane v16, v26  }
0x1a3: {  	vm5 =	veq.s32 v3, $0xBF800000;
	v0 =	vand.u32 $0xFFFFFF00, v0;
	v42 =	vadd.s32 $0xFFFF94F4, v20;
	v25, _, _ =	vpop (xrf2)  }
0x1a4: {  	v1 =	vmul.f32 v1, v15;
	v15 =	vand.u32 $0x7FFF, v18;
	v18 =	vadd.f32 v25, v22  }
0x1a5: {  	v6 =	vand.u32 $0xFFFFFF00, v52;
	v43 =	vcvt.s32.f32 v15;
	v15 =	vshra.s32 v16, $0xF  }
0x1a6: {  	v5 =	vsel vm10, $0x0, v5;
	v2 =	vld.idx.msk [tilespmem:v41+s12+$0x0], $0xffff;
	v15 =	vadd.s32 $0xFFFF94F4, v15;
	v20 =	vperm.xlane v18, v26  }
0x1a7: {  	v5 =	vadd.f32 v5, v12;
	v11 =	vld.idx.msk [tilespmem:v39+s10+$0x0], $0xffff;
	v1 =	vadd.f32 v1, v14;
	v14 =	vmul.f32 v43, v19;
	v19, _, _ =	vpop (xrf2)  }
0x1a8: {  	v21 =	vand.u32 $0x7FFF, v21;
	v22 =	vld.idx.msk [tilespmem:v42+s12+$0x0], $0xffff;
	v19 =	vadd.f32 v19, v20;
	v20 =	vshra.s32 v18, $0xF  }
0x1a9: {  	v3 =	vcvt.s32.f32 v21;
	v4 =	vsel vm11, $0x0, v4;
	v12 =	vld.idx.msk [tilespmem:v41+s10+$0x0], $0xffff;
	v20 =	vadd.s32 $0xFFFF94F4, v20  }
0x1aa: {  	v44 =	vand.u32 $0x7FFF, v17;
	v4 =	vadd.f32 v4, v5;
	v5 =	vld.idx.msk [tilespmem:v42+s10+$0x0], $0xffff;
	v17 =	vshra.s32 v19, $0xF  }
0x1ab: {  	v2 =	vmul.f32 v3, v2;
	v3 =	vcvt.s32.f32 v44;
	v46 =	vld.idx.msk [tilespmem:v15+s12+$0x0], $0xffff;
	v17 =	vadd.s32 $0xFFFF94F4, v17  }
0x1ac: {  	vm6 =	veq.s32 v0, $0xBF800000;
	v1 =	vsel vm4, $0x0, v1;
	v11 =	vadd.f32 v14, v11  }
0x1ad: {  	v49 =	vand.u32 $0x7FFF, v16;
	v1 =	vadd.f32 v1, v4;
	v50 =	vld.idx.msk [tilespmem:v15+s10+$0x0], $0xffff;
	v3 =	vmul.f32 v3, v22  }
0x1ae: {  	v0 =	vcvt.s32.f32 v49;
	v48 =	vsel vm5, $0x0, v11;
	v2 =	vadd.f32 v2, v12;
	v51 =	vld.idx.msk [tilespmem:v20+s12+$0x0], $0xffff  }
0x1af: {  	vm7 =	veq.s32 v6, $0xBF800000;
	v1 =	vadd.f32 v48, v1;
	v3 =	vadd.f32 v3, v5;
	v52 =	vld.idx.msk [tilespmem:v20+s10+$0x0], $0xffff  }
0x1b0: {  	v53 =	vand.u32 $0x7FFF, v18;
	v2 =	vsel vm6, $0x0, v2;
	v0 =	vmul.f32 v0, v46;
	v54 =	vld.idx.msk [tilespmem:v17+s12+$0x0], $0xffff  }
0x1b1: {  	v1 =	vadd.f32 v2, v1;
	v2 =	vsel vm7, $0x0, v3;
	v3 =	vcvt.s32.f32 v53  }
0x1b2: {  	v55 =	vand.u32 $0xFFFFFF00, v55;
	v56 =	vand.u32 $0x7FFF, v19;
	v57 =	vld.idx.msk [tilespmem:v17+s10+$0x0], $0xffff  }
0x1b3: {  	v24 =	vld [tilespmem:$0x1FEF0];
	v58 =	vcvt.s32.f32 v56;
	v0 =	vadd.f32 v0, v50;
	v3 =	vmul.f32 v3, v51  }
0x1b4: {  	v37 =	vld [tilespmem:$0x1FF60];
	vm8 =	veq.s32 v55, $0xBF800000;
	v1 =	vadd.f32 v2, v1;
	v2 =	vand.u32 $0xFFFFFF00, v60  }
0x1b5: {  	v60 =	vld [tilespmem:$0x1FF00];
	v0 =	vsel vm8, $0x0, v0;
	v3 =	vadd.f32 v3, v52;
	v4 =	vmul.f32 v58, v54  }
0x1b6: {  	v63 =	vld [tilespmem:$0x1FF20];
	vm9 =	veq.s32 v2, $0xBF800000;
	v0 =	vadd.f32 v0, v1  }
0x1b7: {  	v61 =	vld [tilespmem:$0x1FF10];
	vm10 =	vne.s32 v23, $0xBF800000;
	v1 =	vsel vm9, $0x0, v3;
	v2 =	vadd.f32 v4, v57  }
0x1b8: {  	v29 =	vld [tilespmem:$0x1FFD0];
	v24 =	vsel vm13, $0x0, v24;
	vm0 =	vmand vm10, vm0;
	v0 =	vadd.f32 v1, v0  }
0x1b9: {  	v62 =	vld [tilespmem:$0x1FF70];
	v7 =	vadd.f32 v59, v30;
	v59 =	vadd.f32 v13, v24;
	v2 =	vnsel vm0, $0x0, v2  }
0x1ba: {  	v5 =	vsel vm14, $0x0, v60;
	v0 =	vadd.f32 v2, v0;
	v2 =	vld [tilespmem:$0x1FF30]  }
0x1bb: {  	s19 =	sadd.s32 $0x2, s19;
	v31 =	vld [tilespmem:$0x1FFE0];
	vm11 =	vnez.u8 v63;
	v3 =	vadd.f32 v59, v5  }
0x1bc: {  	p0 =	slt.u32 s19, $0x3E;
	v30 =	vld [tilespmem:$0x1FF50];
	v4 =	vsel vm11, $0x0, v61  }
.Ltmp0:
0x1bd: {  	v28 =	vld [tilespmem:$0x1FFC0];
	v1 =	vsub.f32 v9, v7;
	v3 =	vadd.f32 v3, v4;
	(pc) =	sbr.rel @p0 .LBB2_3-.Ltmp0, $4  }
0x1be: {  	v24 =	vld [tilespmem:$0x1FFA0]  }
0x1bf: {  	v25 =	vld [tilespmem:$0x1FFB0];
	v0 =	vsub.f32 v0, v3;
	v1 =	vadd.f32 v1, v2  }
0x1c0: {  	v19 =	vld [tilespmem:$0x1FF90]  }
0x1c1: {  	s20 =	sadd.s32 $0x100, s20;
	s18 =	sadd.s32 $0x200, s18;
	v22 =	vlaneseq.u32;
	v17 =	vld [tilespmem:$0x1FF80];
	v0 =	vadd.f32 v0, v1  }
0x1c2: {  	s17 =	sadd.s32 $0x1, s17  }
0x1c3: {  	p0 =	sne.s32 s17, $0x8  }
.Ltmp1:
0x1c4: {  	_ = 	snop;
	(pc) =	sbr.rel @p0 .LBB2_2-.Ltmp1, $1  }
0x1c5: {  	_ =	sdelay $0x3  }
0x1c6: {  	s16 =	sadd.s32 $0x1, s16  }
0x1c7: {  	p0 =	sne.s32 s16, s9  }
.Ltmp2:
0x1c8: {  	[tilespmem:$0xB900] =	vst v0;
	(pc) =	sbr.rel @p0 .LBB2_1-.Ltmp2, $4  }
0x1c9: {  	[hbm4b:s8+s1] =	stream.linear.scatter [tilespmem:s15], [sflag:$0x1], $0x10, $0x38;
	[tilespmem:$0xB980] =	vst v63  }
0x1ca: {  	_ =	swait.ge [sflag:s11], $0x10  }
0x1cb: {  	[sflag:s11] =	ssyncset.done $0x0  }
0x1cc: {  	[sflag:s11] =	ssyncadd.s32 $0xFFFFFFF0  }
0x1cd: {  	_ =	sfence.sel $0x180000  }
0x1ce: {  	[bflag:$0x0] =	sbarrier.arrive $0xFFFF  }
0x1cf: {  	p0 =	sne.s32 s2, $0x0;
	_ =	strace $0x90000047  }
0x1d0: {  	s0 =	sadd.s32 @!p0 $0x100000, s0;
	[bflag:$0x2] =	sbarrier.arrive $0xFFFF  }
0x1d1: {  	[sflag:s0] =	ssyncadd.tile.s32 @!p0 $0x1;
	_ =	shalt  }
.Lfunc_end2:
_tile_overlayer_lowered:
.L_overlay_start_2:
0x1d2: {  	(tag) =	ssettag $0x2  }
0x1d3: {  	s0 =	rddreg [dreg:$0x0];
	s2 =	stileid.u32  }
0x1d4: {  	s1 =	rddreg [dreg:$0x1];
	p0 =	sne.s32 s2, $0x0  }
0x1d5: {  	s3 =	rddreg [dreg:$0x2];
	[bflag:$0x3] =	sbarrier.arrive $0xFFFF;
	s2 =	simm.s32 @!p0 $0x1C01  }
0x1d6: {  	[timem:s3], [sflag:s2] =	dma.local @!p0 [hbm:s0], s1  }
0x1d7: {  	s0 =	simm.s32 @!p0 $0x1  }
0x1d8: {  	_ =	swait.ge @!p0 [sflag:s0], s1  }
0x1d9: {  	s1 =	ssub.s32 @!p0 $0x0, s1;
	[sflag:s0] =	ssyncset.done @!p0 $0x0  }
0x1da: {  	[sflag:s0] =	ssyncadd.s32 @!p0 s1  }
0x1db: {  	[bflag:$0x3] =	sbarrier.arrive $0xFFFF  }
0x1dc: {  	_ =	shalt  }

</sc_bundles>
